<compile_context>
chip_gen: v7x
topology: tpu7x:2x2x1
jax: 0.10.2.dev20260603
libtpu: 0.0.44.dev20260713+nightly
codegen_flags: <defaults>
</compile_context>

<pallas_src>
import functools

import jax
import jax.numpy as jnp
from jax import lax
from jax.experimental import pallas as pl
from jax.experimental.pallas import tpu as pltpu
from jax.experimental.pallas import tpu_sc as plsc

NC = 2
NS = 16
NW = NC * NS
L = 16

GS = 128
CH = 8
SY = GS
SZ = GS * GS

BLK = 512
NSUB = BLK // 128
GPC = 128 // L


def _scale(v):
    return ((v + 1.0) * 0.5) * (GS - 1.0)


def _sc_body(xs, ys, zs, table, out,
             cx, cy, cz, i00, i01, i10, i11, g00, g01, g10, g11,
             ostg, sem_g, sem_o, *, pts_per_tile, nblk):
    cid = lax.axis_index("c")
    sid = lax.axis_index("s")
    tile_base = (cid * NS + sid) * pts_per_tile
    iota = lax.iota(jnp.int32, L)

    def block_body(b, carry):
        base = tile_base + b * BLK
        pltpu.sync_copy(xs.at[pl.ds(base, BLK)], cx)
        pltpu.sync_copy(ys.at[pl.ds(base, BLK)], cy)
        pltpu.sync_copy(zs.at[pl.ds(base, BLK)], cz)

        gcopies = []
        for s in range(NSUB):
            @pl.loop(0, GPC)
            def _p1(j2, s=s):
                off = s * 128 + j2 * L
                xv = cx[pl.ds(off, L)]
                yv = cy[pl.ds(off, L)]
                zv = cz[pl.ds(off, L)]
                xi = _scale(xv).astype(jnp.int32)
                yi = _scale(yv).astype(jnp.int32)
                zi = _scale(zv).astype(jnp.int32)
                b00 = zi * SZ + yi * SY + xi
                sl = pl.ds(j2 * L, L)
                i00[s, sl] = b00
                i01[s, sl] = b00 + SY
                i10[s, sl] = b00 + SZ
                i11[s, sl] = b00 + SZ + SY

            for iref, gref in ((i00, g00), (i01, g01), (i10, g10), (i11, g11)):
                gcopies.append(
                    pltpu.async_copy(table.at[iref.at[s]],
                                     gref.at[pl.ds(s * 128, 128)], sem_g))

        @pl.when(b > 0)
        def _():
            for c in range(CH):
                pltpu.make_async_copy(
                    ostg.at[c], out.at[c, pl.ds(base - BLK, BLK)], sem_o
                ).wait()

        for cp in gcopies:
            cp.wait()

        for s in range(NSUB):
            @pl.loop(0, GPC)
            def _p2(j2, s=s):
                off = s * 128 + j2 * L
                xv = cx[pl.ds(off, L)]
                yv = cy[pl.ds(off, L)]
                zv = cz[pl.ds(off, L)]
                fx = _scale(xv)
                fy = _scale(yv)
                fz = _scale(zv)
                tx = fx - fx.astype(jnp.int32).astype(jnp.float32)
                ty = fy - fy.astype(jnp.int32).astype(jnp.float32)
                tz = fz - fz.astype(jnp.int32).astype(jnp.float32)
                wx0 = 1.0 - tx
                wy0 = 1.0 - ty
                wz0 = 1.0 - tz
                w00 = wz0 * wy0
                w01 = wz0 * ty
                w10 = tz * wy0
                w11 = tz * ty
                pv = off + iota
                osl = pl.ds(off, L)
                for c in range(CH):
                    clo = jnp.full((L,), c, jnp.int32)
                    chi = jnp.full((L,), c + CH, jnp.int32)
                    a0 = plsc.load_gather(g00, [pv, clo])
                    a1 = plsc.load_gather(g01, [pv, clo])
                    a2 = plsc.load_gather(g10, [pv, clo])
                    a3 = plsc.load_gather(g11, [pv, clo])
                    h0 = plsc.load_gather(g00, [pv, chi])
                    h1 = plsc.load_gather(g01, [pv, chi])
                    h2 = plsc.load_gather(g10, [pv, chi])
                    h3 = plsc.load_gather(g11, [pv, chi])
                    lo = (a0 * w00 + a1 * w01 + a2 * w10 + a3 * w11) * wx0
                    hi = (h0 * w00 + h1 * w01 + h2 * w10 + h3 * w11) * tx
                    ostg[c, osl] = lo + hi

        for c in range(CH):
            pltpu.async_copy(ostg.at[c], out.at[c, pl.ds(base, BLK)], sem_o)
        return carry

    lax.fori_loop(0, nblk, block_body, 0)

    last = tile_base + (nblk - 1) * BLK
    for c in range(CH):
        pltpu.make_async_copy(
            ostg.at[c], out.at[c, pl.ds(last, BLK)], sem_o).wait()


@functools.partial(jax.jit, static_argnames=("npad",))
def _run(xs, ys, zs, table, npad):
    pts_per_tile = npad // NW
    nblk = pts_per_tile // BLK
    mesh = plsc.VectorSubcoreMesh(core_axis_name="c", subcore_axis_name="s")
    body = functools.partial(_sc_body, pts_per_tile=pts_per_tile, nblk=nblk)
    return pl.kernel(
        body,
        out_type=jax.ShapeDtypeStruct((CH, npad), jnp.float32),
        mesh=mesh,
        compiler_params=pltpu.CompilerParams(
            needs_layout_passes=False, use_tc_tiling_on_sc=False),
        scratch_types=[
            pltpu.VMEM((BLK,), jnp.float32),
            pltpu.VMEM((BLK,), jnp.float32),
            pltpu.VMEM((BLK,), jnp.float32),
            pltpu.VMEM((NSUB, 128), jnp.int32),
            pltpu.VMEM((NSUB, 128), jnp.int32),
            pltpu.VMEM((NSUB, 128), jnp.int32),
            pltpu.VMEM((NSUB, 128), jnp.int32),
            pltpu.VMEM((BLK, L), jnp.float32),
            pltpu.VMEM((BLK, L), jnp.float32),
            pltpu.VMEM((BLK, L), jnp.float32),
            pltpu.VMEM((BLK, L), jnp.float32),
            pltpu.VMEM((CH, BLK), jnp.float32),
            pltpu.SemaphoreType.DMA,
            pltpu.SemaphoreType.DMA,
        ],
    )(xs, ys, zs, table)


def kernel(coords, grid):
    n = coords.shape[0]
    step = NW * BLK
    npad = ((n + step - 1) // step) * step

    flat = jnp.transpose(grid[0], (1, 2, 3, 0)).reshape(-1, CH)
    nxt = jnp.concatenate([flat[1:], flat[:1]], axis=0)
    table = jnp.concatenate([flat, nxt], axis=1)

    cpad = jnp.pad(coords, ((0, npad - n), (0, 0)))
    res = _run(cpad[:, 0], cpad[:, 1], cpad[:, 2], table, npad)
    return res[:, None, :n]

# --- scband reference (transcript-rebuilt; emitter-appended) ---
"""Pipeline reference for scband-grid-30743375905190 (READ-ONLY COPY).

The authoritative reference and input builder live on the scoring server;
editing this copy changes nothing except your own understanding.
"""

import jax, jax.numpy as jnp
import numpy as np

GRID_SIZE = 128
N_OUT = 8
N_PTS = 1000000


def grid_sample_3d(volume, points):
    N, C, ID, IH, IW = volume.shape
    _, D, H, W, _ = points.shape
    ix = points[..., 0]
    iy = points[..., 1]
    iz = points[..., 2]
    ix = (ix + 1) / 2 * (IW - 1)
    iy = (iy + 1) / 2 * (IH - 1)
    iz = (iz + 1) / 2 * (ID - 1)
    ix0 = jnp.floor(ix)
    iy0 = jnp.floor(iy)
    iz0 = jnp.floor(iz)
    ix1 = ix0 + 1
    iy1 = iy0 + 1
    iz1 = iz0 + 1
    # trilinear weights (computed with pre-clamp corner coords, as in torch ref)
    tnw = (ix1 - ix) * (iy1 - iy) * (iz1 - iz)
    tne = (ix - ix0) * (iy1 - iy) * (iz1 - iz)
    tsw = (ix1 - ix) * (iy - iy0) * (iz1 - iz)
    tse = (ix - ix0) * (iy - iy0) * (iz1 - iz)
    bnw = (ix1 - ix) * (iy1 - iy) * (iz - iz0)
    bne = (ix - ix0) * (iy1 - iy) * (iz - iz0)
    bsw = (ix1 - ix) * (iy - iy0) * (iz - iz0)
    bse = (ix - ix0) * (iy - iy0) * (iz - iz0)
    # clamp corner coordinates into range
    cx0 = jnp.clip(ix0, 0, IW - 1).astype(jnp.int32)
    cy0 = jnp.clip(iy0, 0, IH - 1).astype(jnp.int32)
    cz0 = jnp.clip(iz0, 0, ID - 1).astype(jnp.int32)
    cx1 = jnp.clip(ix1, 0, IW - 1).astype(jnp.int32)
    cy1 = jnp.clip(iy1, 0, IH - 1).astype(jnp.int32)
    cz1 = jnp.clip(iz1, 0, ID - 1).astype(jnp.int32)
    vol = volume.reshape(N, C, ID * IH * IW)

    def gather(czi, cyi, cxi):
        idx = (czi * IW * IH + cyi * IW + cxi).reshape(N, 1, D * H * W)
        idx = jnp.broadcast_to(idx, (N, C, D * H * W))
        return jnp.take_along_axis(vol, idx, axis=2).reshape(N, C, D, H, W)

    tnw_val = gather(cz0, cy0, cx0)
    tne_val = gather(cz0, cy0, cx1)
    tsw_val = gather(cz0, cy1, cx0)
    tse_val = gather(cz0, cy1, cx1)
    bnw_val = gather(cz1, cy0, cx0)
    bne_val = gather(cz1, cy0, cx1)
    bsw_val = gather(cz1, cy1, cx0)
    bse_val = gather(cz1, cy1, cx1)

    def w(a):
        return a.reshape(N, 1, D, H, W)

    out_val = (tnw_val * w(tnw) + tne_val * w(tne) + tsw_val * w(tsw)
               + tse_val * w(tse) + bnw_val * w(bnw) + bne_val * w(bne)
               + bsw_val * w(bsw) + bse_val * w(bse))
    return out_val


def setup_inputs(seed: int = 0) -> dict:
    key = jax.random.key(seed)
    k1, k2 = jax.random.split(key)
    coords = jax.random.uniform(k1, (N_PTS, 3), dtype=jnp.float32)  # in [0,1) subset of [-1,1]
    grid = jax.random.uniform(k2, (1, N_OUT, GRID_SIZE, GRID_SIZE, GRID_SIZE),
                              minval=-1.0, maxval=1.0, dtype=jnp.float32)
    return {"coords": coords, "grid": grid}


def reference(coords, grid):
    # coords.unsqueeze(1).unsqueeze(1).unsqueeze(0) -> [1, 1, 1, Npts, 3]
    points = coords[None, None, None, :, :]
    out = grid_sample_3d(grid, points)  # [1, C, 1, 1, Npts]
    out = jnp.squeeze(out)              # [C, Npts]
    out = out[:, None, :]               # [C, 1, Npts]
    return out

if __name__ == "__main__":
    import jax
    _d = setup_inputs()
    print(jax.jit(kernel)(*tuple(_d.values())))

</pallas_src>

<mosaic_0001>
#map = affine_map<(d0, d1) -> (0)>
#map1 = affine_map<(d0, d1) -> (0, 0)>
module attributes {stable_mosaic.version = 14 : i64} {
  func.func @_sc_body(%arg0: i32, %arg1: i32, %arg2: memref<1015808xf32, #tpu.memory_space<hbm>>, %arg3: memref<1015808xf32, #tpu.memory_space<hbm>>, %arg4: memref<1015808xf32, #tpu.memory_space<hbm>>, %arg5: memref<2097152x16xf32, #tpu.memory_space<hbm>>, %arg6: memref<8x1015808xf32, #tpu.memory_space<hbm>>, %arg7: memref<512xf32, #tpu.memory_space<vmem>>, %arg8: memref<512xf32, #tpu.memory_space<vmem>>, %arg9: memref<512xf32, #tpu.memory_space<vmem>>, %arg10: memref<4x128xi32, #tpu.memory_space<vmem>>, %arg11: memref<4x128xi32, #tpu.memory_space<vmem>>, %arg12: memref<4x128xi32, #tpu.memory_space<vmem>>, %arg13: memref<4x128xi32, #tpu.memory_space<vmem>>, %arg14: memref<512x16xf32, #tpu.memory_space<vmem>>, %arg15: memref<512x16xf32, #tpu.memory_space<vmem>>, %arg16: memref<512x16xf32, #tpu.memory_space<vmem>>, %arg17: memref<512x16xf32, #tpu.memory_space<vmem>>, %arg18: memref<8x512xf32, #tpu.memory_space<vmem>>, %arg19: memref<!tpu.dma_semaphore, #tpu.memory_space<semaphore_mem>>, %arg20: memref<!tpu.dma_semaphore, #tpu.memory_space<semaphore_mem>>) attributes {dimension_semantics = [#tpu.dimension_semantics<core_parallel>, #tpu.dimension_semantics<subcore_parallel>], iteration_bounds = array<i64: 2, 16>, scalar_prefetch = 0 : i64, scratch_operands = 14 : i64, tpu.core_type = #tpu.core_type<sc_vector_subcore>, window_params = [{transform_indices = #map}, {transform_indices = #map}, {transform_indices = #map}, {transform_indices = #map1}, {transform_indices = #map1}]} {
    %mul3A = arith.constant 16 : i32
    %mul3A_0 = arith.muli %arg0, %mul3A : i32
    %add3A = arith.addi %mul3A_0, %arg1 : i32
    %mul3A_1 = arith.constant 31744 : i32
    %mul3A_2 = arith.muli %add3A, %mul3A_1 : i32
    %iota3A = tpu.iota {dimensions = array<i32: 0>} : vector<16xi32>
    %scan3A = arith.constant 0 : i32
    %scan3A_3 = arith.constant 0 : i32
    %scan3A_4 = arith.constant 62 : i32
    %scan3A_5 = arith.addi %scan3A_3, %scan3A_4 : i32
    %scan3A_6 = arith.constant 1 : i32
    scf.for %scan3A_105 = %scan3A_3 to %scan3A_5 step %scan3A_6  : i32 {
      %mul3A_106 = arith.constant 512 : i32
      %mul3A_107 = arith.muli %scan3A_105, %mul3A_106 : i32
      %add3A_108 = arith.addi %mul3A_2, %mul3A_107 : i32
      "tpu.region"() ({
        %run_scoped3A = tpu.sem_alloc : memref<!tpu.dma_semaphore, #tpu.memory_space<semaphore_mem>>
        %dma_start3A_566 = tpu.memref_slice %arg2[%add3A_108] : memref<1015808xf32, #tpu.memory_space<hbm>> -> memref<512xf32, #tpu.memory_space<hbm>>
        %dma_start3A_567 = tpu.memref_slice %arg2[%add3A_108] : memref<1015808xf32, #tpu.memory_space<hbm>> -> memref<512xf32, #tpu.memory_space<hbm>>
        tpu.enqueue_dma source(%dma_start3A_567 : memref<512xf32, #tpu.memory_space<hbm>>) target(%arg7 : memref<512xf32, #tpu.memory_space<vmem>>) target_semaphore(%run_scoped3A : memref<!tpu.dma_semaphore, #tpu.memory_space<semaphore_mem>>)
        %dma_wait3A_568 = tpu.memref_slice %arg2[%add3A_108] : memref<1015808xf32, #tpu.memory_space<hbm>> -> memref<512xf32, #tpu.memory_space<hbm>>
        %dma_wait3A_569 = tpu.memref_slice %arg2[%add3A_108] : memref<1015808xf32, #tpu.memory_space<hbm>> -> memref<512xf32, #tpu.memory_space<hbm>>
        tpu.wait_dma2 semaphore(%run_scoped3A : memref<!tpu.dma_semaphore, #tpu.memory_space<semaphore_mem>>) src(%dma_wait3A_569 : memref<512xf32, #tpu.memory_space<hbm>>) dst(%arg7 : memref<512xf32, #tpu.memory_space<vmem>>)
        tpu.yield
      }) : () -> ()
      "tpu.region"() ({
        %run_scoped3A = tpu.sem_alloc : memref<!tpu.dma_semaphore, #tpu.memory_space<semaphore_mem>>
        %dma_start3A_566 = tpu.memref_slice %arg3[%add3A_108] : memref<1015808xf32, #tpu.memory_space<hbm>> -> memref<512xf32, #tpu.memory_space<hbm>>
        %dma_start3A_567 = tpu.memref_slice %arg3[%add3A_108] : memref<1015808xf32, #tpu.memory_space<hbm>> -> memref<512xf32, #tpu.memory_space<hbm>>
        tpu.enqueue_dma source(%dma_start3A_567 : memref<512xf32, #tpu.memory_space<hbm>>) target(%arg8 : memref<512xf32, #tpu.memory_space<vmem>>) target_semaphore(%run_scoped3A : memref<!tpu.dma_semaphore, #tpu.memory_space<semaphore_mem>>)
        %dma_wait3A_568 = tpu.memref_slice %arg3[%add3A_108] : memref<1015808xf32, #tpu.memory_space<hbm>> -> memref<512xf32, #tpu.memory_space<hbm>>
        %dma_wait3A_569 = tpu.memref_slice %arg3[%add3A_108] : memref<1015808xf32, #tpu.memory_space<hbm>> -> memref<512xf32, #tpu.memory_space<hbm>>
        tpu.wait_dma2 semaphore(%run_scoped3A : memref<!tpu.dma_semaphore, #tpu.memory_space<semaphore_mem>>) src(%dma_wait3A_569 : memref<512xf32, #tpu.memory_space<hbm>>) dst(%arg8 : memref<512xf32, #tpu.memory_space<vmem>>)
        tpu.yield
      }) : () -> ()
      "tpu.region"() ({
        %run_scoped3A = tpu.sem_alloc : memref<!tpu.dma_semaphore, #tpu.memory_space<semaphore_mem>>
        %dma_start3A_566 = tpu.memref_slice %arg4[%add3A_108] : memref<1015808xf32, #tpu.memory_space<hbm>> -> memref<512xf32, #tpu.memory_space<hbm>>
        %dma_start3A_567 = tpu.memref_slice %arg4[%add3A_108] : memref<1015808xf32, #tpu.memory_space<hbm>> -> memref<512xf32, #tpu.memory_space<hbm>>
        tpu.enqueue_dma source(%dma_start3A_567 : memref<512xf32, #tpu.memory_space<hbm>>) target(%arg9 : memref<512xf32, #tpu.memory_space<vmem>>) target_semaphore(%run_scoped3A : memref<!tpu.dma_semaphore, #tpu.memory_space<semaphore_mem>>)
        %dma_wait3A_568 = tpu.memref_slice %arg4[%add3A_108] : memref<1015808xf32, #tpu.memory_space<hbm>> -> memref<512xf32, #tpu.memory_space<hbm>>
        %dma_wait3A_569 = tpu.memref_slice %arg4[%add3A_108] : memref<1015808xf32, #tpu.memory_space<hbm>> -> memref<512xf32, #tpu.memory_space<hbm>>
        tpu.wait_dma2 semaphore(%run_scoped3A : memref<!tpu.dma_semaphore, #tpu.memory_space<semaphore_mem>>) src(%dma_wait3A_569 : memref<512xf32, #tpu.memory_space<hbm>>) dst(%arg9 : memref<512xf32, #tpu.memory_space<vmem>>)
        tpu.yield
      }) : () -> ()
      %scan3A_109 = arith.constant 0 : i32
      %scan3A_110 = arith.constant 8 : i32
      %scan3A_111 = arith.addi %scan3A_109, %scan3A_110 : i32
      %scan3A_112 = arith.constant 1 : i32
      scf.for %scan3A_566 = %scan3A_109 to %scan3A_111 step %scan3A_112  : i32 {
        %mul3A_567 = arith.constant 1 : i32
        %mul3A_568 = arith.muli %scan3A_566, %mul3A_567 : i32
        %add3A_569 = arith.constant 0 : i32
        %add3A_570 = arith.addi %add3A_569, %mul3A_568 : i32
        %mul3A_571 = arith.constant 16 : i32
        %mul3A_572 = arith.muli %add3A_570, %mul3A_571 : i32
        %add3A_573 = arith.constant 0 : i32
        %add3A_574 = arith.addi %add3A_573, %mul3A_572 : i32
        %get3A = arith.index_cast %add3A_574 : i32 to index
        %get3A_575 = tpu.vector_load %arg7[%get3A] {strides = array<i32>} : memref<512xf32, #tpu.memory_space<vmem>>, vector<16xf32>,
        %get3A_576 = arith.index_cast %add3A_574 : i32 to index
        %get3A_577 = tpu.vector_load %arg8[%get3A_576] {strides = array<i32>} : memref<512xf32, #tpu.memory_space<vmem>>, vector<16xf32>,
        %get3A_578 = arith.index_cast %add3A_574 : i32 to index
        %get3A_579 = tpu.vector_load %arg9[%get3A_578] {strides = array<i32>} : memref<512xf32, #tpu.memory_space<vmem>>, vector<16xf32>,
        %add3A_580 = arith.constant 1.000000e+00 : f32
        %add3A_581 = vector.broadcast %add3A_580 : f32 to vector<16xf32>
        %add3A_582 = arith.addf %get3A_575, %add3A_581 : vector<16xf32>
        %mul3A_583 = arith.constant 5.000000e-01 : f32
        %mul3A_584 = vector.broadcast %mul3A_583 : f32 to vector<16xf32>
        %mul3A_585 = arith.mulf %add3A_582, %mul3A_584 : vector<16xf32>
        %mul3A_586 = arith.constant 1.270000e+02 : f32
        %mul3A_587 = vector.broadcast %mul3A_586 : f32 to vector<16xf32>
        %mul3A_588 = arith.mulf %mul3A_585, %mul3A_587 : vector<16xf32>
        %convert_element_type3A_589 = arith.fptosi %mul3A_588 : vector<16xf32> to vector<16xi32>
        %add3A_590 = arith.constant 1.000000e+00 : f32
        %add3A_591 = vector.broadcast %add3A_590 : f32 to vector<16xf32>
        %add3A_592 = arith.addf %get3A_577, %add3A_591 : vector<16xf32>
        %mul3A_593 = arith.constant 5.000000e-01 : f32
        %mul3A_594 = vector.broadcast %mul3A_593 : f32 to vector<16xf32>
        %mul3A_595 = arith.mulf %add3A_592, %mul3A_594 : vector<16xf32>
        %mul3A_596 = arith.constant 1.270000e+02 : f32
        %mul3A_597 = vector.broadcast %mul3A_596 : f32 to vector<16xf32>
        %mul3A_598 = arith.mulf %mul3A_595, %mul3A_597 : vector<16xf32>
        %convert_element_type3A_599 = arith.fptosi %mul3A_598 : vector<16xf32> to vector<16xi32>
        %add3A_600 = arith.constant 1.000000e+00 : f32
        %add3A_601 = vector.broadcast %add3A_600 : f32 to vector<16xf32>
        %add3A_602 = arith.addf %get3A_579, %add3A_601 : vector<16xf32>
        %mul3A_603 = arith.constant 5.000000e-01 : f32
        %mul3A_604 = vector.broadcast %mul3A_603 : f32 to vector<16xf32>
        %mul3A_605 = arith.mulf %add3A_602, %mul3A_604 : vector<16xf32>
        %mul3A_606 = arith.constant 1.270000e+02 : f32
        %mul3A_607 = vector.broadcast %mul3A_606 : f32 to vector<16xf32>
        %mul3A_608 = arith.mulf %mul3A_605, %mul3A_607 : vector<16xf32>
        %convert_element_type3A_609 = arith.fptosi %mul3A_608 : vector<16xf32> to vector<16xi32>
        %mul3A_610 = arith.constant 16384 : i32
        %mul3A_611 = vector.broadcast %mul3A_610 : i32 to vector<16xi32>
        %mul3A_612 = arith.muli %convert_element_type3A_609, %mul3A_611 : vector<16xi32>
        %mul3A_613 = arith.constant 128 : i32
        %mul3A_614 = vector.broadcast %mul3A_613 : i32 to vector<16xi32>
        %mul3A_615 = arith.muli %convert_element_type3A_599, %mul3A_614 : vector<16xi32>
        %add3A_616 = arith.addi %mul3A_612, %mul3A_615 : vector<16xi32>
        %add3A_617 = arith.addi %add3A_616, %convert_element_type3A_589 : vector<16xi32>
        %mul3A_618 = arith.constant 16 : i32
        %mul3A_619 = arith.muli %add3A_570, %mul3A_618 : i32
        %swap3A = arith.constant 0 : i32
        %swap3A_620 = arith.index_cast %swap3A : i32 to index
        %swap3A_621 = arith.index_cast %mul3A_619 : i32 to index
        %swap3A_622 = tpu.vector_load %arg10[%swap3A_620, %swap3A_621] {strides = array<i32>} : memref<4x128xi32, #tpu.memory_space<vmem>>, vector<16xi32>,
        tpu.vector_store %arg10[%swap3A_620, %swap3A_621], %add3A_617 {strides = array<i32>} : memref<4x128xi32, #tpu.memory_space<vmem>>, vector<16xi32>,
        %add3A_623 = arith.constant 128 : i32
        %add3A_624 = vector.broadcast %add3A_623 : i32 to vector<16xi32>
        %add3A_625 = arith.addi %add3A_617, %add3A_624 : vector<16xi32>
        %swap3A_626 = arith.constant 0 : i32
        %swap3A_627 = arith.index_cast %swap3A_626 : i32 to index
        %swap3A_628 = arith.index_cast %mul3A_619 : i32 to index
        %swap3A_629 = tpu.vector_load %arg11[%swap3A_627, %swap3A_628] {strides = array<i32>} : memref<4x128xi32, #tpu.memory_space<vmem>>, vector<16xi32>,
        tpu.vector_store %arg11[%swap3A_627, %swap3A_628], %add3A_625 {strides = array<i32>} : memref<4x128xi32, #tpu.memory_space<vmem>>, vector<16xi32>,
        %add3A_630 = arith.constant 16384 : i32
        %add3A_631 = vector.broadcast %add3A_630 : i32 to vector<16xi32>
        %add3A_632 = arith.addi %add3A_617, %add3A_631 : vector<16xi32>
        %swap3A_633 = arith.constant 0 : i32
        %swap3A_634 = arith.index_cast %swap3A_633 : i32 to index
        %swap3A_635 = arith.index_cast %mul3A_619 : i32 to index
        %swap3A_636 = tpu.vector_load %arg12[%swap3A_634, %swap3A_635] {strides = array<i32>} : memref<4x128xi32, #tpu.memory_space<vmem>>, vector<16xi32>,
        tpu.vector_store %arg12[%swap3A_634, %swap3A_635], %add3A_632 {strides = array<i32>} : memref<4x128xi32, #tpu.memory_space<vmem>>, vector<16xi32>,
        %add3A_637 = arith.constant 16384 : i32
        %add3A_638 = vector.broadcast %add3A_637 : i32 to vector<16xi32>
        %add3A_639 = arith.addi %add3A_617, %add3A_638 : vector<16xi32>
        %add3A_640 = arith.constant 128 : i32
        %add3A_641 = vector.broadcast %add3A_640 : i32 to vector<16xi32>
        %add3A_642 = arith.addi %add3A_639, %add3A_641 : vector<16xi32>
        %swap3A_643 = arith.constant 0 : i32
        %swap3A_644 = arith.index_cast %swap3A_643 : i32 to index
        %swap3A_645 = arith.index_cast %mul3A_619 : i32 to index
        %swap3A_646 = tpu.vector_load %arg13[%swap3A_644, %swap3A_645] {strides = array<i32>} : memref<4x128xi32, #tpu.memory_space<vmem>>, vector<16xi32>,
        tpu.vector_store %arg13[%swap3A_644, %swap3A_645], %add3A_642 {strides = array<i32>} : memref<4x128xi32, #tpu.memory_space<vmem>>, vector<16xi32>,
      }
      %scan3A_113 = arith.constant 8 : i32
      %dma_start3A = arith.constant 0 : i32
      %dma_start3A_114 = arith.constant 0 : i32
      %dma_start3A_115 = arith.constant 0 : i32
      %dma_start3A_116 = tpu.memref_slice %arg14[%dma_start3A_114, %dma_start3A_115] : memref<512x16xf32, #tpu.memory_space<vmem>> -> memref<128x16xf32, #tpu.memory_space<vmem>>
      %dma_start3A_117 = arith.constant 0 : i32
      %dma_start3A_118 = tpu.memref_slice %arg10[%dma_start3A, %dma_start3A_117] : memref<4x128xi32, #tpu.memory_space<vmem>> -> memref<1x128xi32, #tpu.memory_space<vmem>>
      %dma_start3A_119 = tpu.memref_squeeze %dma_start3A_118 : memref<1x128xi32, #tpu.memory_space<vmem>> -> memref<128xi32, #tpu.memory_space<vmem>>
      %dma_start3A_120 = arith.constant 0 : i32
      %dma_start3A_121 = arith.constant 0 : i32
      %dma_start3A_122 = tpu.memref_slice %arg5[%dma_start3A_120, %dma_start3A_121] : memref<2097152x16xf32, #tpu.memory_space<hbm>> -> memref<2097152x16xf32, #tpu.memory_space<hbm>>
      tpu.enqueue_indirect_dma source(%dma_start3A_122 : memref<2097152x16xf32, #tpu.memory_space<hbm>>) target(%dma_start3A_116 : memref<128x16xf32, #tpu.memory_space<vmem>>) offsets(%dma_start3A_119 : memref<128xi32, #tpu.memory_space<vmem>>) semaphore(%arg19 : memref<!tpu.dma_semaphore, #tpu.memory_space<semaphore_mem>>)
      %dma_start3A_123 = arith.constant 0 : i32
      %dma_start3A_124 = arith.constant 0 : i32
      %dma_start3A_125 = arith.constant 0 : i32
      %dma_start3A_126 = tpu.memref_slice %arg15[%dma_start3A_124, %dma_start3A_125] : memref<512x16xf32, #tpu.memory_space<vmem>> -> memref<128x16xf32, #tpu.memory_space<vmem>>
      %dma_start3A_127 = arith.constant 0 : i32
      %dma_start3A_128 = tpu.memref_slice %arg11[%dma_start3A_123, %dma_start3A_127] : memref<4x128xi32, #tpu.memory_space<vmem>> -> memref<1x128xi32, #tpu.memory_space<vmem>>
      %dma_start3A_129 = tpu.memref_squeeze %dma_start3A_128 : memref<1x128xi32, #tpu.memory_space<vmem>> -> memref<128xi32, #tpu.memory_space<vmem>>
      %dma_start3A_130 = arith.constant 0 : i32
      %dma_start3A_131 = arith.constant 0 : i32
      %dma_start3A_132 = tpu.memref_slice %arg5[%dma_start3A_130, %dma_start3A_131] : memref<2097152x16xf32, #tpu.memory_space<hbm>> -> memref<2097152x16xf32, #tpu.memory_space<hbm>>
      tpu.enqueue_indirect_dma source(%dma_start3A_132 : memref<2097152x16xf32, #tpu.memory_space<hbm>>) target(%dma_start3A_126 : memref<128x16xf32, #tpu.memory_space<vmem>>) offsets(%dma_start3A_129 : memref<128xi32, #tpu.memory_space<vmem>>) semaphore(%arg19 : memref<!tpu.dma_semaphore, #tpu.memory_space<semaphore_mem>>)
      %dma_start3A_133 = arith.constant 0 : i32
      %dma_start3A_134 = arith.constant 0 : i32
      %dma_start3A_135 = arith.constant 0 : i32
      %dma_start3A_136 = tpu.memref_slice %arg16[%dma_start3A_134, %dma_start3A_135] : memref<512x16xf32, #tpu.memory_space<vmem>> -> memref<128x16xf32, #tpu.memory_space<vmem>>
      %dma_start3A_137 = arith.constant 0 : i32
      %dma_start3A_138 = tpu.memref_slice %arg12[%dma_start3A_133, %dma_start3A_137] : memref<4x128xi32, #tpu.memory_space<vmem>> -> memref<1x128xi32, #tpu.memory_space<vmem>>
      %dma_start3A_139 = tpu.memref_squeeze %dma_start3A_138 : memref<1x128xi32, #tpu.memory_space<vmem>> -> memref<128xi32, #tpu.memory_space<vmem>>
      %dma_start3A_140 = arith.constant 0 : i32
      %dma_start3A_141 = arith.constant 0 : i32
      %dma_start3A_142 = tpu.memref_slice %arg5[%dma_start3A_140, %dma_start3A_141] : memref<2097152x16xf32, #tpu.memory_space<hbm>> -> memref<2097152x16xf32, #tpu.memory_space<hbm>>
      tpu.enqueue_indirect_dma source(%dma_start3A_142 : memref<2097152x16xf32, #tpu.memory_space<hbm>>) target(%dma_start3A_136 : memref<128x16xf32, #tpu.memory_space<vmem>>) offsets(%dma_start3A_139 : memref<128xi32, #tpu.memory_space<vmem>>) semaphore(%arg19 : memref<!tpu.dma_semaphore, #tpu.memory_space<semaphore_mem>>)
      %dma_start3A_143 = arith.constant 0 : i32
      %dma_start3A_144 = arith.constant 0 : i32
      %dma_start3A_145 = arith.constant 0 : i32
      %dma_start3A_146 = tpu.memref_slice %arg17[%dma_start3A_144, %dma_start3A_145] : memref<512x16xf32, #tpu.memory_space<vmem>> -> memref<128x16xf32, #tpu.memory_space<vmem>>
      %dma_start3A_147 = arith.constant 0 : i32
      %dma_start3A_148 = tpu.memref_slice %arg13[%dma_start3A_143, %dma_start3A_147] : memref<4x128xi32, #tpu.memory_space<vmem>> -> memref<1x128xi32, #tpu.memory_space<vmem>>
      %dma_start3A_149 = tpu.memref_squeeze %dma_start3A_148 : memref<1x128xi32, #tpu.memory_space<vmem>> -> memref<128xi32, #tpu.memory_space<vmem>>
      %dma_start3A_150 = arith.constant 0 : i32
      %dma_start3A_151 = arith.constant 0 : i32
      %dma_start3A_152 = tpu.memref_slice %arg5[%dma_start3A_150, %dma_start3A_151] : memref<2097152x16xf32, #tpu.memory_space<hbm>> -> memref<2097152x16xf32, #tpu.memory_space<hbm>>
      tpu.enqueue_indirect_dma source(%dma_start3A_152 : memref<2097152x16xf32, #tpu.memory_space<hbm>>) target(%dma_start3A_146 : memref<128x16xf32, #tpu.memory_space<vmem>>) offsets(%dma_start3A_149 : memref<128xi32, #tpu.memory_space<vmem>>) semaphore(%arg19 : memref<!tpu.dma_semaphore, #tpu.memory_space<semaphore_mem>>)
      %scan3A_153 = arith.constant 0 : i32
      %scan3A_154 = arith.constant 8 : i32
      %scan3A_155 = arith.addi %scan3A_153, %scan3A_154 : i32
      %scan3A_156 = arith.constant 1 : i32
      scf.for %scan3A_566 = %scan3A_153 to %scan3A_155 step %scan3A_156  : i32 {
        %mul3A_567 = arith.constant 1 : i32
        %mul3A_568 = arith.muli %scan3A_566, %mul3A_567 : i32
        %add3A_569 = arith.constant 0 : i32
        %add3A_570 = arith.addi %add3A_569, %mul3A_568 : i32
        %mul3A_571 = arith.constant 16 : i32
        %mul3A_572 = arith.muli %add3A_570, %mul3A_571 : i32
        %add3A_573 = arith.constant 128 : i32
        %add3A_574 = arith.addi %add3A_573, %mul3A_572 : i32
        %get3A = arith.index_cast %add3A_574 : i32 to index
        %get3A_575 = tpu.vector_load %arg7[%get3A] {strides = array<i32>} : memref<512xf32, #tpu.memory_space<vmem>>, vector<16xf32>,
        %get3A_576 = arith.index_cast %add3A_574 : i32 to index
        %get3A_577 = tpu.vector_load %arg8[%get3A_576] {strides = array<i32>} : memref<512xf32, #tpu.memory_space<vmem>>, vector<16xf32>,
        %get3A_578 = arith.index_cast %add3A_574 : i32 to index
        %get3A_579 = tpu.vector_load %arg9[%get3A_578] {strides = array<i32>} : memref<512xf32, #tpu.memory_space<vmem>>, vector<16xf32>,
        %add3A_580 = arith.constant 1.000000e+00 : f32
        %add3A_581 = vector.broadcast %add3A_580 : f32 to vector<16xf32>
        %add3A_582 = arith.addf %get3A_575, %add3A_581 : vector<16xf32>
        %mul3A_583 = arith.constant 5.000000e-01 : f32
        %mul3A_584 = vector.broadcast %mul3A_583 : f32 to vector<16xf32>
        %mul3A_585 = arith.mulf %add3A_582, %mul3A_584 : vector<16xf32>
        %mul3A_586 = arith.constant 1.270000e+02 : f32
        %mul3A_587 = vector.broadcast %mul3A_586 : f32 to vector<16xf32>
        %mul3A_588 = arith.mulf %mul3A_585, %mul3A_587 : vector<16xf32>
        %convert_element_type3A_589 = arith.fptosi %mul3A_588 : vector<16xf32> to vector<16xi32>
        %add3A_590 = arith.constant 1.000000e+00 : f32
        %add3A_591 = vector.broadcast %add3A_590 : f32 to vector<16xf32>
        %add3A_592 = arith.addf %get3A_577, %add3A_591 : vector<16xf32>
        %mul3A_593 = arith.constant 5.000000e-01 : f32
        %mul3A_594 = vector.broadcast %mul3A_593 : f32 to vector<16xf32>
        %mul3A_595 = arith.mulf %add3A_592, %mul3A_594 : vector<16xf32>
        %mul3A_596 = arith.constant 1.270000e+02 : f32
        %mul3A_597 = vector.broadcast %mul3A_596 : f32 to vector<16xf32>
        %mul3A_598 = arith.mulf %mul3A_595, %mul3A_597 : vector<16xf32>
        %convert_element_type3A_599 = arith.fptosi %mul3A_598 : vector<16xf32> to vector<16xi32>
        %add3A_600 = arith.constant 1.000000e+00 : f32
        %add3A_601 = vector.broadcast %add3A_600 : f32 to vector<16xf32>
        %add3A_602 = arith.addf %get3A_579, %add3A_601 : vector<16xf32>
        %mul3A_603 = arith.constant 5.000000e-01 : f32
        %mul3A_604 = vector.broadcast %mul3A_603 : f32 to vector<16xf32>
        %mul3A_605 = arith.mulf %add3A_602, %mul3A_604 : vector<16xf32>
        %mul3A_606 = arith.constant 1.270000e+02 : f32
        %mul3A_607 = vector.broadcast %mul3A_606 : f32 to vector<16xf32>
        %mul3A_608 = arith.mulf %mul3A_605, %mul3A_607 : vector<16xf32>
        %convert_element_type3A_609 = arith.fptosi %mul3A_608 : vector<16xf32> to vector<16xi32>
        %mul3A_610 = arith.constant 16384 : i32
        %mul3A_611 = vector.broadcast %mul3A_610 : i32 to vector<16xi32>
        %mul3A_612 = arith.muli %convert_element_type3A_609, %mul3A_611 : vector<16xi32>
        %mul3A_613 = arith.constant 128 : i32
        %mul3A_614 = vector.broadcast %mul3A_613 : i32 to vector<16xi32>
        %mul3A_615 = arith.muli %convert_element_type3A_599, %mul3A_614 : vector<16xi32>
        %add3A_616 = arith.addi %mul3A_612, %mul3A_615 : vector<16xi32>
        %add3A_617 = arith.addi %add3A_616, %convert_element_type3A_589 : vector<16xi32>
        %mul3A_618 = arith.constant 16 : i32
        %mul3A_619 = arith.muli %add3A_570, %mul3A_618 : i32
        %swap3A = arith.constant 1 : i32
        %swap3A_620 = arith.index_cast %swap3A : i32 to index
        %swap3A_621 = arith.index_cast %mul3A_619 : i32 to index
        %swap3A_622 = tpu.vector_load %arg10[%swap3A_620, %swap3A_621] {strides = array<i32>} : memref<4x128xi32, #tpu.memory_space<vmem>>, vector<16xi32>,
        tpu.vector_store %arg10[%swap3A_620, %swap3A_621], %add3A_617 {strides = array<i32>} : memref<4x128xi32, #tpu.memory_space<vmem>>, vector<16xi32>,
        %add3A_623 = arith.constant 128 : i32
        %add3A_624 = vector.broadcast %add3A_623 : i32 to vector<16xi32>
        %add3A_625 = arith.addi %add3A_617, %add3A_624 : vector<16xi32>
        %swap3A_626 = arith.constant 1 : i32
        %swap3A_627 = arith.index_cast %swap3A_626 : i32 to index
        %swap3A_628 = arith.index_cast %mul3A_619 : i32 to index
        %swap3A_629 = tpu.vector_load %arg11[%swap3A_627, %swap3A_628] {strides = array<i32>} : memref<4x128xi32, #tpu.memory_space<vmem>>, vector<16xi32>,
        tpu.vector_store %arg11[%swap3A_627, %swap3A_628], %add3A_625 {strides = array<i32>} : memref<4x128xi32, #tpu.memory_space<vmem>>, vector<16xi32>,
        %add3A_630 = arith.constant 16384 : i32
        %add3A_631 = vector.broadcast %add3A_630 : i32 to vector<16xi32>
        %add3A_632 = arith.addi %add3A_617, %add3A_631 : vector<16xi32>
        %swap3A_633 = arith.constant 1 : i32
        %swap3A_634 = arith.index_cast %swap3A_633 : i32 to index
        %swap3A_635 = arith.index_cast %mul3A_619 : i32 to index
        %swap3A_636 = tpu.vector_load %arg12[%swap3A_634, %swap3A_635] {strides = array<i32>} : memref<4x128xi32, #tpu.memory_space<vmem>>, vector<16xi32>,
        tpu.vector_store %arg12[%swap3A_634, %swap3A_635], %add3A_632 {strides = array<i32>} : memref<4x128xi32, #tpu.memory_space<vmem>>, vector<16xi32>,
        %add3A_637 = arith.constant 16384 : i32
        %add3A_638 = vector.broadcast %add3A_637 : i32 to vector<16xi32>
        %add3A_639 = arith.addi %add3A_617, %add3A_638 : vector<16xi32>
        %add3A_640 = arith.constant 128 : i32
        %add3A_641 = vector.broadcast %add3A_640 : i32 to vector<16xi32>
        %add3A_642 = arith.addi %add3A_639, %add3A_641 : vector<16xi32>
        %swap3A_643 = arith.constant 1 : i32
        %swap3A_644 = arith.index_cast %swap3A_643 : i32 to index
        %swap3A_645 = arith.index_cast %mul3A_619 : i32 to index
        %swap3A_646 = tpu.vector_load %arg13[%swap3A_644, %swap3A_645] {strides = array<i32>} : memref<4x128xi32, #tpu.memory_space<vmem>>, vector<16xi32>,
        tpu.vector_store %arg13[%swap3A_644, %swap3A_645], %add3A_642 {strides = array<i32>} : memref<4x128xi32, #tpu.memory_space<vmem>>, vector<16xi32>,
      }
      %scan3A_157 = arith.constant 8 : i32
      %dma_start3A_158 = arith.constant 1 : i32
      %dma_start3A_159 = arith.constant 128 : i32
      %dma_start3A_160 = arith.constant 0 : i32
      %dma_start3A_161 = tpu.memref_slice %arg14[%dma_start3A_159, %dma_start3A_160] : memref<512x16xf32, #tpu.memory_space<vmem>> -> memref<128x16xf32, #tpu.memory_space<vmem>>
      %dma_start3A_162 = arith.constant 0 : i32
      %dma_start3A_163 = tpu.memref_slice %arg10[%dma_start3A_158, %dma_start3A_162] : memref<4x128xi32, #tpu.memory_space<vmem>> -> memref<1x128xi32, #tpu.memory_space<vmem>>
      %dma_start3A_164 = tpu.memref_squeeze %dma_start3A_163 : memref<1x128xi32, #tpu.memory_space<vmem>> -> memref<128xi32, #tpu.memory_space<vmem>>
      %dma_start3A_165 = arith.constant 0 : i32
      %dma_start3A_166 = arith.constant 0 : i32
      %dma_start3A_167 = tpu.memref_slice %arg5[%dma_start3A_165, %dma_start3A_166] : memref<2097152x16xf32, #tpu.memory_space<hbm>> -> memref<2097152x16xf32, #tpu.memory_space<hbm>>
      tpu.enqueue_indirect_dma source(%dma_start3A_167 : memref<2097152x16xf32, #tpu.memory_space<hbm>>) target(%dma_start3A_161 : memref<128x16xf32, #tpu.memory_space<vmem>>) offsets(%dma_start3A_164 : memref<128xi32, #tpu.memory_space<vmem>>) semaphore(%arg19 : memref<!tpu.dma_semaphore, #tpu.memory_space<semaphore_mem>>)
      %dma_start3A_168 = arith.constant 1 : i32
      %dma_start3A_169 = arith.constant 128 : i32
      %dma_start3A_170 = arith.constant 0 : i32
      %dma_start3A_171 = tpu.memref_slice %arg15[%dma_start3A_169, %dma_start3A_170] : memref<512x16xf32, #tpu.memory_space<vmem>> -> memref<128x16xf32, #tpu.memory_space<vmem>>
      %dma_start3A_172 = arith.constant 0 : i32
      %dma_start3A_173 = tpu.memref_slice %arg11[%dma_start3A_168, %dma_start3A_172] : memref<4x128xi32, #tpu.memory_space<vmem>> -> memref<1x128xi32, #tpu.memory_space<vmem>>
      %dma_start3A_174 = tpu.memref_squeeze %dma_start3A_173 : memref<1x128xi32, #tpu.memory_space<vmem>> -> memref<128xi32, #tpu.memory_space<vmem>>
      %dma_start3A_175 = arith.constant 0 : i32
      %dma_start3A_176 = arith.constant 0 : i32
      %dma_start3A_177 = tpu.memref_slice %arg5[%dma_start3A_175, %dma_start3A_176] : memref<2097152x16xf32, #tpu.memory_space<hbm>> -> memref<2097152x16xf32, #tpu.memory_space<hbm>>
      tpu.enqueue_indirect_dma source(%dma_start3A_177 : memref<2097152x16xf32, #tpu.memory_space<hbm>>) target(%dma_start3A_171 : memref<128x16xf32, #tpu.memory_space<vmem>>) offsets(%dma_start3A_174 : memref<128xi32, #tpu.memory_space<vmem>>) semaphore(%arg19 : memref<!tpu.dma_semaphore, #tpu.memory_space<semaphore_mem>>)
      %dma_start3A_178 = arith.constant 1 : i32
      %dma_start3A_179 = arith.constant 128 : i32
      %dma_start3A_180 = arith.constant 0 : i32
      %dma_start3A_181 = tpu.memref_slice %arg16[%dma_start3A_179, %dma_start3A_180] : memref<512x16xf32, #tpu.memory_space<vmem>> -> memref<128x16xf32, #tpu.memory_space<vmem>>
      %dma_start3A_182 = arith.constant 0 : i32
      %dma_start3A_183 = tpu.memref_slice %arg12[%dma_start3A_178, %dma_start3A_182] : memref<4x128xi32, #tpu.memory_space<vmem>> -> memref<1x128xi32, #tpu.memory_space<vmem>>
      %dma_start3A_184 = tpu.memref_squeeze %dma_start3A_183 : memref<1x128xi32, #tpu.memory_space<vmem>> -> memref<128xi32, #tpu.memory_space<vmem>>
      %dma_start3A_185 = arith.constant 0 : i32
      %dma_start3A_186 = arith.constant 0 : i32
      %dma_start3A_187 = tpu.memref_slice %arg5[%dma_start3A_185, %dma_start3A_186] : memref<2097152x16xf32, #tpu.memory_space<hbm>> -> memref<2097152x16xf32, #tpu.memory_space<hbm>>
      tpu.enqueue_indirect_dma source(%dma_start3A_187 : memref<2097152x16xf32, #tpu.memory_space<hbm>>) target(%dma_start3A_181 : memref<128x16xf32, #tpu.memory_space<vmem>>) offsets(%dma_start3A_184 : memref<128xi32, #tpu.memory_space<vmem>>) semaphore(%arg19 : memref<!tpu.dma_semaphore, #tpu.memory_space<semaphore_mem>>)
      %dma_start3A_188 = arith.constant 1 : i32
      %dma_start3A_189 = arith.constant 128 : i32
      %dma_start3A_190 = arith.constant 0 : i32
      %dma_start3A_191 = tpu.memref_slice %arg17[%dma_start3A_189, %dma_start3A_190] : memref<512x16xf32, #tpu.memory_space<vmem>> -> memref<128x16xf32, #tpu.memory_space<vmem>>
      %dma_start3A_192 = arith.constant 0 : i32
      %dma_start3A_193 = tpu.memref_slice %arg13[%dma_start3A_188, %dma_start3A_192] : memref<4x128xi32, #tpu.memory_space<vmem>> -> memref<1x128xi32, #tpu.memory_space<vmem>>
      %dma_start3A_194 = tpu.memref_squeeze %dma_start3A_193 : memref<1x128xi32, #tpu.memory_space<vmem>> -> memref<128xi32, #tpu.memory_space<vmem>>
      %dma_start3A_195 = arith.constant 0 : i32
      %dma_start3A_196 = arith.constant 0 : i32
      %dma_start3A_197 = tpu.memref_slice %arg5[%dma_start3A_195, %dma_start3A_196] : memref<2097152x16xf32, #tpu.memory_space<hbm>> -> memref<2097152x16xf32, #tpu.memory_space<hbm>>
      tpu.enqueue_indirect_dma source(%dma_start3A_197 : memref<2097152x16xf32, #tpu.memory_space<hbm>>) target(%dma_start3A_191 : memref<128x16xf32, #tpu.memory_space<vmem>>) offsets(%dma_start3A_194 : memref<128xi32, #tpu.memory_space<vmem>>) semaphore(%arg19 : memref<!tpu.dma_semaphore, #tpu.memory_space<semaphore_mem>>)
      %scan3A_198 = arith.constant 0 : i32
      %scan3A_199 = arith.constant 8 : i32
      %scan3A_200 = arith.addi %scan3A_198, %scan3A_199 : i32
      %scan3A_201 = arith.constant 1 : i32
      scf.for %scan3A_566 = %scan3A_198 to %scan3A_200 step %scan3A_201  : i32 {
        %mul3A_567 = arith.constant 1 : i32
        %mul3A_568 = arith.muli %scan3A_566, %mul3A_567 : i32
        %add3A_569 = arith.constant 0 : i32
        %add3A_570 = arith.addi %add3A_569, %mul3A_568 : i32
        %mul3A_571 = arith.constant 16 : i32
        %mul3A_572 = arith.muli %add3A_570, %mul3A_571 : i32
        %add3A_573 = arith.constant 256 : i32
        %add3A_574 = arith.addi %add3A_573, %mul3A_572 : i32
        %get3A = arith.index_cast %add3A_574 : i32 to index
        %get3A_575 = tpu.vector_load %arg7[%get3A] {strides = array<i32>} : memref<512xf32, #tpu.memory_space<vmem>>, vector<16xf32>,
        %get3A_576 = arith.index_cast %add3A_574 : i32 to index
        %get3A_577 = tpu.vector_load %arg8[%get3A_576] {strides = array<i32>} : memref<512xf32, #tpu.memory_space<vmem>>, vector<16xf32>,
        %get3A_578 = arith.index_cast %add3A_574 : i32 to index
        %get3A_579 = tpu.vector_load %arg9[%get3A_578] {strides = array<i32>} : memref<512xf32, #tpu.memory_space<vmem>>, vector<16xf32>,
        %add3A_580 = arith.constant 1.000000e+00 : f32
        %add3A_581 = vector.broadcast %add3A_580 : f32 to vector<16xf32>
        %add3A_582 = arith.addf %get3A_575, %add3A_581 : vector<16xf32>
        %mul3A_583 = arith.constant 5.000000e-01 : f32
        %mul3A_584 = vector.broadcast %mul3A_583 : f32 to vector<16xf32>
        %mul3A_585 = arith.mulf %add3A_582, %mul3A_584 : vector<16xf32>
        %mul3A_586 = arith.constant 1.270000e+02 : f32
        %mul3A_587 = vector.broadcast %mul3A_586 : f32 to vector<16xf32>
        %mul3A_588 = arith.mulf %mul3A_585, %mul3A_587 : vector<16xf32>
        %convert_element_type3A_589 = arith.fptosi %mul3A_588 : vector<16xf32> to vector<16xi32>
        %add3A_590 = arith.constant 1.000000e+00 : f32
        %add3A_591 = vector.broadcast %add3A_590 : f32 to vector<16xf32>
        %add3A_592 = arith.addf %get3A_577, %add3A_591 : vector<16xf32>
        %mul3A_593 = arith.constant 5.000000e-01 : f32
        %mul3A_594 = vector.broadcast %mul3A_593 : f32 to vector<16xf32>
        %mul3A_595 = arith.mulf %add3A_592, %mul3A_594 : vector<16xf32>
        %mul3A_596 = arith.constant 1.270000e+02 : f32
        %mul3A_597 = vector.broadcast %mul3A_596 : f32 to vector<16xf32>
        %mul3A_598 = arith.mulf %mul3A_595, %mul3A_597 : vector<16xf32>
        %convert_element_type3A_599 = arith.fptosi %mul3A_598 : vector<16xf32> to vector<16xi32>
        %add3A_600 = arith.constant 1.000000e+00 : f32
        %add3A_601 = vector.broadcast %add3A_600 : f32 to vector<16xf32>
        %add3A_602 = arith.addf %get3A_579, %add3A_601 : vector<16xf32>
        %mul3A_603 = arith.constant 5.000000e-01 : f32
        %mul3A_604 = vector.broadcast %mul3A_603 : f32 to vector<16xf32>
        %mul3A_605 = arith.mulf %add3A_602, %mul3A_604 : vector<16xf32>
        %mul3A_606 = arith.constant 1.270000e+02 : f32
        %mul3A_607 = vector.broadcast %mul3A_606 : f32 to vector<16xf32>
        %mul3A_608 = arith.mulf %mul3A_605, %mul3A_607 : vector<16xf32>
        %convert_element_type3A_609 = arith.fptosi %mul3A_608 : vector<16xf32> to vector<16xi32>
        %mul3A_610 = arith.constant 16384 : i32
        %mul3A_611 = vector.broadcast %mul3A_610 : i32 to vector<16xi32>
        %mul3A_612 = arith.muli %convert_element_type3A_609, %mul3A_611 : vector<16xi32>
        %mul3A_613 = arith.constant 128 : i32
        %mul3A_614 = vector.broadcast %mul3A_613 : i32 to vector<16xi32>
        %mul3A_615 = arith.muli %convert_element_type3A_599, %mul3A_614 : vector<16xi32>
        %add3A_616 = arith.addi %mul3A_612, %mul3A_615 : vector<16xi32>
        %add3A_617 = arith.addi %add3A_616, %convert_element_type3A_589 : vector<16xi32>
        %mul3A_618 = arith.constant 16 : i32
        %mul3A_619 = arith.muli %add3A_570, %mul3A_618 : i32
        %swap3A = arith.constant 2 : i32
        %swap3A_620 = arith.index_cast %swap3A : i32 to index
        %swap3A_621 = arith.index_cast %mul3A_619 : i32 to index
        %swap3A_622 = tpu.vector_load %arg10[%swap3A_620, %swap3A_621] {strides = array<i32>} : memref<4x128xi32, #tpu.memory_space<vmem>>, vector<16xi32>,
        tpu.vector_store %arg10[%swap3A_620, %swap3A_621], %add3A_617 {strides = array<i32>} : memref<4x128xi32, #tpu.memory_space<vmem>>, vector<16xi32>,
        %add3A_623 = arith.constant 128 : i32
        %add3A_624 = vector.broadcast %add3A_623 : i32 to vector<16xi32>
        %add3A_625 = arith.addi %add3A_617, %add3A_624 : vector<16xi32>
        %swap3A_626 = arith.constant 2 : i32
        %swap3A_627 = arith.index_cast %swap3A_626 : i32 to index
        %swap3A_628 = arith.index_cast %mul3A_619 : i32 to index
        %swap3A_629 = tpu.vector_load %arg11[%swap3A_627, %swap3A_628] {strides = array<i32>} : memref<4x128xi32, #tpu.memory_space<vmem>>, vector<16xi32>,
        tpu.vector_store %arg11[%swap3A_627, %swap3A_628], %add3A_625 {strides = array<i32>} : memref<4x128xi32, #tpu.memory_space<vmem>>, vector<16xi32>,
        %add3A_630 = arith.constant 16384 : i32
        %add3A_631 = vector.broadcast %add3A_630 : i32 to vector<16xi32>
        %add3A_632 = arith.addi %add3A_617, %add3A_631 : vector<16xi32>
        %swap3A_633 = arith.constant 2 : i32
        %swap3A_634 = arith.index_cast %swap3A_633 : i32 to index
        %swap3A_635 = arith.index_cast %mul3A_619 : i32 to index
        %swap3A_636 = tpu.vector_load %arg12[%swap3A_634, %swap3A_635] {strides = array<i32>} : memref<4x128xi32, #tpu.memory_space<vmem>>, vector<16xi32>,
        tpu.vector_store %arg12[%swap3A_634, %swap3A_635], %add3A_632 {strides = array<i32>} : memref<4x128xi32, #tpu.memory_space<vmem>>, vector<16xi32>,
        %add3A_637 = arith.constant 16384 : i32
        %add3A_638 = vector.broadcast %add3A_637 : i32 to vector<16xi32>
        %add3A_639 = arith.addi %add3A_617, %add3A_638 : vector<16xi32>
        %add3A_640 = arith.constant 128 : i32
        %add3A_641 = vector.broadcast %add3A_640 : i32 to vector<16xi32>
        %add3A_642 = arith.addi %add3A_639, %add3A_641 : vector<16xi32>
        %swap3A_643 = arith.constant 2 : i32
        %swap3A_644 = arith.index_cast %swap3A_643 : i32 to index
        %swap3A_645 = arith.index_cast %mul3A_619 : i32 to index
        %swap3A_646 = tpu.vector_load %arg13[%swap3A_644, %swap3A_645] {strides = array<i32>} : memref<4x128xi32, #tpu.memory_space<vmem>>, vector<16xi32>,
        tpu.vector_store %arg13[%swap3A_644, %swap3A_645], %add3A_642 {strides = array<i32>} : memref<4x128xi32, #tpu.memory_space<vmem>>, vector<16xi32>,
      }
      %scan3A_202 = arith.constant 8 : i32
      %dma_start3A_203 = arith.constant 2 : i32
      %dma_start3A_204 = arith.constant 256 : i32
      %dma_start3A_205 = arith.constant 0 : i32
      %dma_start3A_206 = tpu.memref_slice %arg14[%dma_start3A_204, %dma_start3A_205] : memref<512x16xf32, #tpu.memory_space<vmem>> -> memref<128x16xf32, #tpu.memory_space<vmem>>
      %dma_start3A_207 = arith.constant 0 : i32
      %dma_start3A_208 = tpu.memref_slice %arg10[%dma_start3A_203, %dma_start3A_207] : memref<4x128xi32, #tpu.memory_space<vmem>> -> memref<1x128xi32, #tpu.memory_space<vmem>>
      %dma_start3A_209 = tpu.memref_squeeze %dma_start3A_208 : memref<1x128xi32, #tpu.memory_space<vmem>> -> memref<128xi32, #tpu.memory_space<vmem>>
      %dma_start3A_210 = arith.constant 0 : i32
      %dma_start3A_211 = arith.constant 0 : i32
      %dma_start3A_212 = tpu.memref_slice %arg5[%dma_start3A_210, %dma_start3A_211] : memref<2097152x16xf32, #tpu.memory_space<hbm>> -> memref<2097152x16xf32, #tpu.memory_space<hbm>>
      tpu.enqueue_indirect_dma source(%dma_start3A_212 : memref<2097152x16xf32, #tpu.memory_space<hbm>>) target(%dma_start3A_206 : memref<128x16xf32, #tpu.memory_space<vmem>>) offsets(%dma_start3A_209 : memref<128xi32, #tpu.memory_space<vmem>>) semaphore(%arg19 : memref<!tpu.dma_semaphore, #tpu.memory_space<semaphore_mem>>)
      %dma_start3A_213 = arith.constant 2 : i32
      %dma_start3A_214 = arith.constant 256 : i32
      %dma_start3A_215 = arith.constant 0 : i32
      %dma_start3A_216 = tpu.memref_slice %arg15[%dma_start3A_214, %dma_start3A_215] : memref<512x16xf32, #tpu.memory_space<vmem>> -> memref<128x16xf32, #tpu.memory_space<vmem>>
      %dma_start3A_217 = arith.constant 0 : i32
      %dma_start3A_218 = tpu.memref_slice %arg11[%dma_start3A_213, %dma_start3A_217] : memref<4x128xi32, #tpu.memory_space<vmem>> -> memref<1x128xi32, #tpu.memory_space<vmem>>
      %dma_start3A_219 = tpu.memref_squeeze %dma_start3A_218 : memref<1x128xi32, #tpu.memory_space<vmem>> -> memref<128xi32, #tpu.memory_space<vmem>>
      %dma_start3A_220 = arith.constant 0 : i32
      %dma_start3A_221 = arith.constant 0 : i32
      %dma_start3A_222 = tpu.memref_slice %arg5[%dma_start3A_220, %dma_start3A_221] : memref<2097152x16xf32, #tpu.memory_space<hbm>> -> memref<2097152x16xf32, #tpu.memory_space<hbm>>
      tpu.enqueue_indirect_dma source(%dma_start3A_222 : memref<2097152x16xf32, #tpu.memory_space<hbm>>) target(%dma_start3A_216 : memref<128x16xf32, #tpu.memory_space<vmem>>) offsets(%dma_start3A_219 : memref<128xi32, #tpu.memory_space<vmem>>) semaphore(%arg19 : memref<!tpu.dma_semaphore, #tpu.memory_space<semaphore_mem>>)
      %dma_start3A_223 = arith.constant 2 : i32
      %dma_start3A_224 = arith.constant 256 : i32
      %dma_start3A_225 = arith.constant 0 : i32
      %dma_start3A_226 = tpu.memref_slice %arg16[%dma_start3A_224, %dma_start3A_225] : memref<512x16xf32, #tpu.memory_space<vmem>> -> memref<128x16xf32, #tpu.memory_space<vmem>>
      %dma_start3A_227 = arith.constant 0 : i32
      %dma_start3A_228 = tpu.memref_slice %arg12[%dma_start3A_223, %dma_start3A_227] : memref<4x128xi32, #tpu.memory_space<vmem>> -> memref<1x128xi32, #tpu.memory_space<vmem>>
      %dma_start3A_229 = tpu.memref_squeeze %dma_start3A_228 : memref<1x128xi32, #tpu.memory_space<vmem>> -> memref<128xi32, #tpu.memory_space<vmem>>
      %dma_start3A_230 = arith.constant 0 : i32
      %dma_start3A_231 = arith.constant 0 : i32
      %dma_start3A_232 = tpu.memref_slice %arg5[%dma_start3A_230, %dma_start3A_231] : memref<2097152x16xf32, #tpu.memory_space<hbm>> -> memref<2097152x16xf32, #tpu.memory_space<hbm>>
      tpu.enqueue_indirect_dma source(%dma_start3A_232 : memref<2097152x16xf32, #tpu.memory_space<hbm>>) target(%dma_start3A_226 : memref<128x16xf32, #tpu.memory_space<vmem>>) offsets(%dma_start3A_229 : memref<128xi32, #tpu.memory_space<vmem>>) semaphore(%arg19 : memref<!tpu.dma_semaphore, #tpu.memory_space<semaphore_mem>>)
      %dma_start3A_233 = arith.constant 2 : i32
      %dma_start3A_234 = arith.constant 256 : i32
      %dma_start3A_235 = arith.constant 0 : i32
      %dma_start3A_236 = tpu.memref_slice %arg17[%dma_start3A_234, %dma_start3A_235] : memref<512x16xf32, #tpu.memory_space<vmem>> -> memref<128x16xf32, #tpu.memory_space<vmem>>
      %dma_start3A_237 = arith.constant 0 : i32
      %dma_start3A_238 = tpu.memref_slice %arg13[%dma_start3A_233, %dma_start3A_237] : memref<4x128xi32, #tpu.memory_space<vmem>> -> memref<1x128xi32, #tpu.memory_space<vmem>>
      %dma_start3A_239 = tpu.memref_squeeze %dma_start3A_238 : memref<1x128xi32, #tpu.memory_space<vmem>> -> memref<128xi32, #tpu.memory_space<vmem>>
      %dma_start3A_240 = arith.constant 0 : i32
      %dma_start3A_241 = arith.constant 0 : i32
      %dma_start3A_242 = tpu.memref_slice %arg5[%dma_start3A_240, %dma_start3A_241] : memref<2097152x16xf32, #tpu.memory_space<hbm>> -> memref<2097152x16xf32, #tpu.memory_space<hbm>>
      tpu.enqueue_indirect_dma source(%dma_start3A_242 : memref<2097152x16xf32, #tpu.memory_space<hbm>>) target(%dma_start3A_236 : memref<128x16xf32, #tpu.memory_space<vmem>>) offsets(%dma_start3A_239 : memref<128xi32, #tpu.memory_space<vmem>>) semaphore(%arg19 : memref<!tpu.dma_semaphore, #tpu.memory_space<semaphore_mem>>)
      %scan3A_243 = arith.constant 0 : i32
      %scan3A_244 = arith.constant 8 : i32
      %scan3A_245 = arith.addi %scan3A_243, %scan3A_244 : i32
      %scan3A_246 = arith.constant 1 : i32
      scf.for %scan3A_566 = %scan3A_243 to %scan3A_245 step %scan3A_246  : i32 {
        %mul3A_567 = arith.constant 1 : i32
        %mul3A_568 = arith.muli %scan3A_566, %mul3A_567 : i32
        %add3A_569 = arith.constant 0 : i32
        %add3A_570 = arith.addi %add3A_569, %mul3A_568 : i32
        %mul3A_571 = arith.constant 16 : i32
        %mul3A_572 = arith.muli %add3A_570, %mul3A_571 : i32
        %add3A_573 = arith.constant 384 : i32
        %add3A_574 = arith.addi %add3A_573, %mul3A_572 : i32
        %get3A = arith.index_cast %add3A_574 : i32 to index
        %get3A_575 = tpu.vector_load %arg7[%get3A] {strides = array<i32>} : memref<512xf32, #tpu.memory_space<vmem>>, vector<16xf32>,
        %get3A_576 = arith.index_cast %add3A_574 : i32 to index
        %get3A_577 = tpu.vector_load %arg8[%get3A_576] {strides = array<i32>} : memref<512xf32, #tpu.memory_space<vmem>>, vector<16xf32>,
        %get3A_578 = arith.index_cast %add3A_574 : i32 to index
        %get3A_579 = tpu.vector_load %arg9[%get3A_578] {strides = array<i32>} : memref<512xf32, #tpu.memory_space<vmem>>, vector<16xf32>,
        %add3A_580 = arith.constant 1.000000e+00 : f32
        %add3A_581 = vector.broadcast %add3A_580 : f32 to vector<16xf32>
        %add3A_582 = arith.addf %get3A_575, %add3A_581 : vector<16xf32>
        %mul3A_583 = arith.constant 5.000000e-01 : f32
        %mul3A_584 = vector.broadcast %mul3A_583 : f32 to vector<16xf32>
        %mul3A_585 = arith.mulf %add3A_582, %mul3A_584 : vector<16xf32>
        %mul3A_586 = arith.constant 1.270000e+02 : f32
        %mul3A_587 = vector.broadcast %mul3A_586 : f32 to vector<16xf32>
        %mul3A_588 = arith.mulf %mul3A_585, %mul3A_587 : vector<16xf32>
        %convert_element_type3A_589 = arith.fptosi %mul3A_588 : vector<16xf32> to vector<16xi32>
        %add3A_590 = arith.constant 1.000000e+00 : f32
        %add3A_591 = vector.broadcast %add3A_590 : f32 to vector<16xf32>
        %add3A_592 = arith.addf %get3A_577, %add3A_591 : vector<16xf32>
        %mul3A_593 = arith.constant 5.000000e-01 : f32
        %mul3A_594 = vector.broadcast %mul3A_593 : f32 to vector<16xf32>
        %mul3A_595 = arith.mulf %add3A_592, %mul3A_594 : vector<16xf32>
        %mul3A_596 = arith.constant 1.270000e+02 : f32
        %mul3A_597 = vector.broadcast %mul3A_596 : f32 to vector<16xf32>
        %mul3A_598 = arith.mulf %mul3A_595, %mul3A_597 : vector<16xf32>
        %convert_element_type3A_599 = arith.fptosi %mul3A_598 : vector<16xf32> to vector<16xi32>
        %add3A_600 = arith.constant 1.000000e+00 : f32
        %add3A_601 = vector.broadcast %add3A_600 : f32 to vector<16xf32>
        %add3A_602 = arith.addf %get3A_579, %add3A_601 : vector<16xf32>
        %mul3A_603 = arith.constant 5.000000e-01 : f32
        %mul3A_604 = vector.broadcast %mul3A_603 : f32 to vector<16xf32>
        %mul3A_605 = arith.mulf %add3A_602, %mul3A_604 : vector<16xf32>
        %mul3A_606 = arith.constant 1.270000e+02 : f32
        %mul3A_607 = vector.broadcast %mul3A_606 : f32 to vector<16xf32>
        %mul3A_608 = arith.mulf %mul3A_605, %mul3A_607 : vector<16xf32>
        %convert_element_type3A_609 = arith.fptosi %mul3A_608 : vector<16xf32> to vector<16xi32>
        %mul3A_610 = arith.constant 16384 : i32
        %mul3A_611 = vector.broadcast %mul3A_610 : i32 to vector<16xi32>
        %mul3A_612 = arith.muli %convert_element_type3A_609, %mul3A_611 : vector<16xi32>
        %mul3A_613 = arith.constant 128 : i32
        %mul3A_614 = vector.broadcast %mul3A_613 : i32 to vector<16xi32>
        %mul3A_615 = arith.muli %convert_element_type3A_599, %mul3A_614 : vector<16xi32>
        %add3A_616 = arith.addi %mul3A_612, %mul3A_615 : vector<16xi32>
        %add3A_617 = arith.addi %add3A_616, %convert_element_type3A_589 : vector<16xi32>
        %mul3A_618 = arith.constant 16 : i32
        %mul3A_619 = arith.muli %add3A_570, %mul3A_618 : i32
        %swap3A = arith.constant 3 : i32
        %swap3A_620 = arith.index_cast %swap3A : i32 to index
        %swap3A_621 = arith.index_cast %mul3A_619 : i32 to index
        %swap3A_622 = tpu.vector_load %arg10[%swap3A_620, %swap3A_621] {strides = array<i32>} : memref<4x128xi32, #tpu.memory_space<vmem>>, vector<16xi32>,
        tpu.vector_store %arg10[%swap3A_620, %swap3A_621], %add3A_617 {strides = array<i32>} : memref<4x128xi32, #tpu.memory_space<vmem>>, vector<16xi32>,
        %add3A_623 = arith.constant 128 : i32
        %add3A_624 = vector.broadcast %add3A_623 : i32 to vector<16xi32>
        %add3A_625 = arith.addi %add3A_617, %add3A_624 : vector<16xi32>
        %swap3A_626 = arith.constant 3 : i32
        %swap3A_627 = arith.index_cast %swap3A_626 : i32 to index
        %swap3A_628 = arith.index_cast %mul3A_619 : i32 to index
        %swap3A_629 = tpu.vector_load %arg11[%swap3A_627, %swap3A_628] {strides = array<i32>} : memref<4x128xi32, #tpu.memory_space<vmem>>, vector<16xi32>,
        tpu.vector_store %arg11[%swap3A_627, %swap3A_628], %add3A_625 {strides = array<i32>} : memref<4x128xi32, #tpu.memory_space<vmem>>, vector<16xi32>,
        %add3A_630 = arith.constant 16384 : i32
        %add3A_631 = vector.broadcast %add3A_630 : i32 to vector<16xi32>
        %add3A_632 = arith.addi %add3A_617, %add3A_631 : vector<16xi32>
        %swap3A_633 = arith.constant 3 : i32
        %swap3A_634 = arith.index_cast %swap3A_633 : i32 to index
        %swap3A_635 = arith.index_cast %mul3A_619 : i32 to index
        %swap3A_636 = tpu.vector_load %arg12[%swap3A_634, %swap3A_635] {strides = array<i32>} : memref<4x128xi32, #tpu.memory_space<vmem>>, vector<16xi32>,
        tpu.vector_store %arg12[%swap3A_634, %swap3A_635], %add3A_632 {strides = array<i32>} : memref<4x128xi32, #tpu.memory_space<vmem>>, vector<16xi32>,
        %add3A_637 = arith.constant 16384 : i32
        %add3A_638 = vector.broadcast %add3A_637 : i32 to vector<16xi32>
        %add3A_639 = arith.addi %add3A_617, %add3A_638 : vector<16xi32>
        %add3A_640 = arith.constant 128 : i32
        %add3A_641 = vector.broadcast %add3A_640 : i32 to vector<16xi32>
        %add3A_642 = arith.addi %add3A_639, %add3A_641 : vector<16xi32>
        %swap3A_643 = arith.constant 3 : i32
        %swap3A_644 = arith.index_cast %swap3A_643 : i32 to index
        %swap3A_645 = arith.index_cast %mul3A_619 : i32 to index
        %swap3A_646 = tpu.vector_load %arg13[%swap3A_644, %swap3A_645] {strides = array<i32>} : memref<4x128xi32, #tpu.memory_space<vmem>>, vector<16xi32>,
        tpu.vector_store %arg13[%swap3A_644, %swap3A_645], %add3A_642 {strides = array<i32>} : memref<4x128xi32, #tpu.memory_space<vmem>>, vector<16xi32>,
      }
      %scan3A_247 = arith.constant 8 : i32
      %dma_start3A_248 = arith.constant 3 : i32
      %dma_start3A_249 = arith.constant 384 : i32
      %dma_start3A_250 = arith.constant 0 : i32
      %dma_start3A_251 = tpu.memref_slice %arg14[%dma_start3A_249, %dma_start3A_250] : memref<512x16xf32, #tpu.memory_space<vmem>> -> memref<128x16xf32, #tpu.memory_space<vmem>>
      %dma_start3A_252 = arith.constant 0 : i32
      %dma_start3A_253 = tpu.memref_slice %arg10[%dma_start3A_248, %dma_start3A_252] : memref<4x128xi32, #tpu.memory_space<vmem>> -> memref<1x128xi32, #tpu.memory_space<vmem>>
      %dma_start3A_254 = tpu.memref_squeeze %dma_start3A_253 : memref<1x128xi32, #tpu.memory_space<vmem>> -> memref<128xi32, #tpu.memory_space<vmem>>
      %dma_start3A_255 = arith.constant 0 : i32
      %dma_start3A_256 = arith.constant 0 : i32
      %dma_start3A_257 = tpu.memref_slice %arg5[%dma_start3A_255, %dma_start3A_256] : memref<2097152x16xf32, #tpu.memory_space<hbm>> -> memref<2097152x16xf32, #tpu.memory_space<hbm>>
      tpu.enqueue_indirect_dma source(%dma_start3A_257 : memref<2097152x16xf32, #tpu.memory_space<hbm>>) target(%dma_start3A_251 : memref<128x16xf32, #tpu.memory_space<vmem>>) offsets(%dma_start3A_254 : memref<128xi32, #tpu.memory_space<vmem>>) semaphore(%arg19 : memref<!tpu.dma_semaphore, #tpu.memory_space<semaphore_mem>>)
      %dma_start3A_258 = arith.constant 3 : i32
      %dma_start3A_259 = arith.constant 384 : i32
      %dma_start3A_260 = arith.constant 0 : i32
      %dma_start3A_261 = tpu.memref_slice %arg15[%dma_start3A_259, %dma_start3A_260] : memref<512x16xf32, #tpu.memory_space<vmem>> -> memref<128x16xf32, #tpu.memory_space<vmem>>
      %dma_start3A_262 = arith.constant 0 : i32
      %dma_start3A_263 = tpu.memref_slice %arg11[%dma_start3A_258, %dma_start3A_262] : memref<4x128xi32, #tpu.memory_space<vmem>> -> memref<1x128xi32, #tpu.memory_space<vmem>>
      %dma_start3A_264 = tpu.memref_squeeze %dma_start3A_263 : memref<1x128xi32, #tpu.memory_space<vmem>> -> memref<128xi32, #tpu.memory_space<vmem>>
      %dma_start3A_265 = arith.constant 0 : i32
      %dma_start3A_266 = arith.constant 0 : i32
      %dma_start3A_267 = tpu.memref_slice %arg5[%dma_start3A_265, %dma_start3A_266] : memref<2097152x16xf32, #tpu.memory_space<hbm>> -> memref<2097152x16xf32, #tpu.memory_space<hbm>>
      tpu.enqueue_indirect_dma source(%dma_start3A_267 : memref<2097152x16xf32, #tpu.memory_space<hbm>>) target(%dma_start3A_261 : memref<128x16xf32, #tpu.memory_space<vmem>>) offsets(%dma_start3A_264 : memref<128xi32, #tpu.memory_space<vmem>>) semaphore(%arg19 : memref<!tpu.dma_semaphore, #tpu.memory_space<semaphore_mem>>)
      %dma_start3A_268 = arith.constant 3 : i32
      %dma_start3A_269 = arith.constant 384 : i32
      %dma_start3A_270 = arith.constant 0 : i32
      %dma_start3A_271 = tpu.memref_slice %arg16[%dma_start3A_269, %dma_start3A_270] : memref<512x16xf32, #tpu.memory_space<vmem>> -> memref<128x16xf32, #tpu.memory_space<vmem>>
      %dma_start3A_272 = arith.constant 0 : i32
      %dma_start3A_273 = tpu.memref_slice %arg12[%dma_start3A_268, %dma_start3A_272] : memref<4x128xi32, #tpu.memory_space<vmem>> -> memref<1x128xi32, #tpu.memory_space<vmem>>
      %dma_start3A_274 = tpu.memref_squeeze %dma_start3A_273 : memref<1x128xi32, #tpu.memory_space<vmem>> -> memref<128xi32, #tpu.memory_space<vmem>>
      %dma_start3A_275 = arith.constant 0 : i32
      %dma_start3A_276 = arith.constant 0 : i32
      %dma_start3A_277 = tpu.memref_slice %arg5[%dma_start3A_275, %dma_start3A_276] : memref<2097152x16xf32, #tpu.memory_space<hbm>> -> memref<2097152x16xf32, #tpu.memory_space<hbm>>
      tpu.enqueue_indirect_dma source(%dma_start3A_277 : memref<2097152x16xf32, #tpu.memory_space<hbm>>) target(%dma_start3A_271 : memref<128x16xf32, #tpu.memory_space<vmem>>) offsets(%dma_start3A_274 : memref<128xi32, #tpu.memory_space<vmem>>) semaphore(%arg19 : memref<!tpu.dma_semaphore, #tpu.memory_space<semaphore_mem>>)
      %dma_start3A_278 = arith.constant 3 : i32
      %dma_start3A_279 = arith.constant 384 : i32
      %dma_start3A_280 = arith.constant 0 : i32
      %dma_start3A_281 = tpu.memref_slice %arg17[%dma_start3A_279, %dma_start3A_280] : memref<512x16xf32, #tpu.memory_space<vmem>> -> memref<128x16xf32, #tpu.memory_space<vmem>>
      %dma_start3A_282 = arith.constant 0 : i32
      %dma_start3A_283 = tpu.memref_slice %arg13[%dma_start3A_278, %dma_start3A_282] : memref<4x128xi32, #tpu.memory_space<vmem>> -> memref<1x128xi32, #tpu.memory_space<vmem>>
      %dma_start3A_284 = tpu.memref_squeeze %dma_start3A_283 : memref<1x128xi32, #tpu.memory_space<vmem>> -> memref<128xi32, #tpu.memory_space<vmem>>
      %dma_start3A_285 = arith.constant 0 : i32
      %dma_start3A_286 = arith.constant 0 : i32
      %dma_start3A_287 = tpu.memref_slice %arg5[%dma_start3A_285, %dma_start3A_286] : memref<2097152x16xf32, #tpu.memory_space<hbm>> -> memref<2097152x16xf32, #tpu.memory_space<hbm>>
      tpu.enqueue_indirect_dma source(%dma_start3A_287 : memref<2097152x16xf32, #tpu.memory_space<hbm>>) target(%dma_start3A_281 : memref<128x16xf32, #tpu.memory_space<vmem>>) offsets(%dma_start3A_284 : memref<128xi32, #tpu.memory_space<vmem>>) semaphore(%arg19 : memref<!tpu.dma_semaphore, #tpu.memory_space<semaphore_mem>>)
      %gt3A = arith.constant 0 : i32
      %gt3A_288 = arith.cmpi sgt, %scan3A_105, %gt3A : i32
      %convert_element_type3A = arith.extui %gt3A_288 : i1 to i32
      %cond3A = arith.constant 0 : i32
      %cond3A_289 = arith.cmpi ne, %convert_element_type3A, %cond3A : i32
      scf.if %cond3A_289 {
        %sub3A = arith.constant 512 : i32
        %sub3A_566 = arith.subi %add3A_108, %sub3A : i32
        %dma_wait3A_567 = arith.constant 0 : i32
        %dma_wait3A_568 = arith.constant 0 : i32
        %dma_wait3A_569 = arith.constant 0 : i32
        %dma_wait3A_570 = tpu.memref_slice %arg18[%dma_wait3A_567, %dma_wait3A_569] : memref<8x512xf32, #tpu.memory_space<vmem>> -> memref<1x512xf32, #tpu.memory_space<vmem>>
        %dma_wait3A_571 = tpu.memref_squeeze %dma_wait3A_570 : memref<1x512xf32, #tpu.memory_space<vmem>> -> memref<512xf32, #tpu.memory_space<vmem>>
        %dma_wait3A_572 = tpu.memref_slice %arg6[%dma_wait3A_568, %sub3A_566] : memref<8x1015808xf32, #tpu.memory_space<hbm>> -> memref<1x512xf32, #tpu.memory_space<hbm>>
        %dma_wait3A_573 = tpu.memref_squeeze %dma_wait3A_572 : memref<1x512xf32, #tpu.memory_space<hbm>> -> memref<512xf32, #tpu.memory_space<hbm>>
        %dma_wait3A_574 = tpu.memref_slice %arg6[%dma_wait3A_568, %sub3A_566] : memref<8x1015808xf32, #tpu.memory_space<hbm>> -> memref<1x512xf32, #tpu.memory_space<hbm>>
        %dma_wait3A_575 = tpu.memref_squeeze %dma_wait3A_574 : memref<1x512xf32, #tpu.memory_space<hbm>> -> memref<512xf32, #tpu.memory_space<hbm>>
        %dma_wait3A_576 = arith.constant 0 : i32
        %dma_wait3A_577 = tpu.memref_slice %arg18[%dma_wait3A_567, %dma_wait3A_576] : memref<8x512xf32, #tpu.memory_space<vmem>> -> memref<1x512xf32, #tpu.memory_space<vmem>>
        %dma_wait3A_578 = tpu.memref_squeeze %dma_wait3A_577 : memref<1x512xf32, #tpu.memory_space<vmem>> -> memref<512xf32, #tpu.memory_space<vmem>>
        tpu.wait_dma2 semaphore(%arg20 : memref<!tpu.dma_semaphore, #tpu.memory_space<semaphore_mem>>) src(%dma_wait3A_578 : memref<512xf32, #tpu.memory_space<vmem>>) dst(%dma_wait3A_575 : memref<512xf32, #tpu.memory_space<hbm>>)
        %sub3A_579 = arith.constant 512 : i32
        %sub3A_580 = arith.subi %add3A_108, %sub3A_579 : i32
        %dma_wait3A_581 = arith.constant 1 : i32
        %dma_wait3A_582 = arith.constant 1 : i32
        %dma_wait3A_583 = arith.constant 0 : i32
        %dma_wait3A_584 = tpu.memref_slice %arg18[%dma_wait3A_581, %dma_wait3A_583] : memref<8x512xf32, #tpu.memory_space<vmem>> -> memref<1x512xf32, #tpu.memory_space<vmem>>
        %dma_wait3A_585 = tpu.memref_squeeze %dma_wait3A_584 : memref<1x512xf32, #tpu.memory_space<vmem>> -> memref<512xf32, #tpu.memory_space<vmem>>
        %dma_wait3A_586 = tpu.memref_slice %arg6[%dma_wait3A_582, %sub3A_580] : memref<8x1015808xf32, #tpu.memory_space<hbm>> -> memref<1x512xf32, #tpu.memory_space<hbm>>
        %dma_wait3A_587 = tpu.memref_squeeze %dma_wait3A_586 : memref<1x512xf32, #tpu.memory_space<hbm>> -> memref<512xf32, #tpu.memory_space<hbm>>
        %dma_wait3A_588 = tpu.memref_slice %arg6[%dma_wait3A_582, %sub3A_580] : memref<8x1015808xf32, #tpu.memory_space<hbm>> -> memref<1x512xf32, #tpu.memory_space<hbm>>
        %dma_wait3A_589 = tpu.memref_squeeze %dma_wait3A_588 : memref<1x512xf32, #tpu.memory_space<hbm>> -> memref<512xf32, #tpu.memory_space<hbm>>
        %dma_wait3A_590 = arith.constant 0 : i32
        %dma_wait3A_591 = tpu.memref_slice %arg18[%dma_wait3A_581, %dma_wait3A_590] : memref<8x512xf32, #tpu.memory_space<vmem>> -> memref<1x512xf32, #tpu.memory_space<vmem>>
        %dma_wait3A_592 = tpu.memref_squeeze %dma_wait3A_591 : memref<1x512xf32, #tpu.memory_space<vmem>> -> memref<512xf32, #tpu.memory_space<vmem>>
        tpu.wait_dma2 semaphore(%arg20 : memref<!tpu.dma_semaphore, #tpu.memory_space<semaphore_mem>>) src(%dma_wait3A_592 : memref<512xf32, #tpu.memory_space<vmem>>) dst(%dma_wait3A_589 : memref<512xf32, #tpu.memory_space<hbm>>)
        %sub3A_593 = arith.constant 512 : i32
        %sub3A_594 = arith.subi %add3A_108, %sub3A_593 : i32
        %dma_wait3A_595 = arith.constant 2 : i32
        %dma_wait3A_596 = arith.constant 2 : i32
        %dma_wait3A_597 = arith.constant 0 : i32
        %dma_wait3A_598 = tpu.memref_slice %arg18[%dma_wait3A_595, %dma_wait3A_597] : memref<8x512xf32, #tpu.memory_space<vmem>> -> memref<1x512xf32, #tpu.memory_space<vmem>>
        %dma_wait3A_599 = tpu.memref_squeeze %dma_wait3A_598 : memref<1x512xf32, #tpu.memory_space<vmem>> -> memref<512xf32, #tpu.memory_space<vmem>>
        %dma_wait3A_600 = tpu.memref_slice %arg6[%dma_wait3A_596, %sub3A_594] : memref<8x1015808xf32, #tpu.memory_space<hbm>> -> memref<1x512xf32, #tpu.memory_space<hbm>>
        %dma_wait3A_601 = tpu.memref_squeeze %dma_wait3A_600 : memref<1x512xf32, #tpu.memory_space<hbm>> -> memref<512xf32, #tpu.memory_space<hbm>>
        %dma_wait3A_602 = tpu.memref_slice %arg6[%dma_wait3A_596, %sub3A_594] : memref<8x1015808xf32, #tpu.memory_space<hbm>> -> memref<1x512xf32, #tpu.memory_space<hbm>>
        %dma_wait3A_603 = tpu.memref_squeeze %dma_wait3A_602 : memref<1x512xf32, #tpu.memory_space<hbm>> -> memref<512xf32, #tpu.memory_space<hbm>>
        %dma_wait3A_604 = arith.constant 0 : i32
        %dma_wait3A_605 = tpu.memref_slice %arg18[%dma_wait3A_595, %dma_wait3A_604] : memref<8x512xf32, #tpu.memory_space<vmem>> -> memref<1x512xf32, #tpu.memory_space<vmem>>
        %dma_wait3A_606 = tpu.memref_squeeze %dma_wait3A_605 : memref<1x512xf32, #tpu.memory_space<vmem>> -> memref<512xf32, #tpu.memory_space<vmem>>
        tpu.wait_dma2 semaphore(%arg20 : memref<!tpu.dma_semaphore, #tpu.memory_space<semaphore_mem>>) src(%dma_wait3A_606 : memref<512xf32, #tpu.memory_space<vmem>>) dst(%dma_wait3A_603 : memref<512xf32, #tpu.memory_space<hbm>>)
        %sub3A_607 = arith.constant 512 : i32
        %sub3A_608 = arith.subi %add3A_108, %sub3A_607 : i32
        %dma_wait3A_609 = arith.constant 3 : i32
        %dma_wait3A_610 = arith.constant 3 : i32
        %dma_wait3A_611 = arith.constant 0 : i32
        %dma_wait3A_612 = tpu.memref_slice %arg18[%dma_wait3A_609, %dma_wait3A_611] : memref<8x512xf32, #tpu.memory_space<vmem>> -> memref<1x512xf32, #tpu.memory_space<vmem>>
        %dma_wait3A_613 = tpu.memref_squeeze %dma_wait3A_612 : memref<1x512xf32, #tpu.memory_space<vmem>> -> memref<512xf32, #tpu.memory_space<vmem>>
        %dma_wait3A_614 = tpu.memref_slice %arg6[%dma_wait3A_610, %sub3A_608] : memref<8x1015808xf32, #tpu.memory_space<hbm>> -> memref<1x512xf32, #tpu.memory_space<hbm>>
        %dma_wait3A_615 = tpu.memref_squeeze %dma_wait3A_614 : memref<1x512xf32, #tpu.memory_space<hbm>> -> memref<512xf32, #tpu.memory_space<hbm>>
        %dma_wait3A_616 = tpu.memref_slice %arg6[%dma_wait3A_610, %sub3A_608] : memref<8x1015808xf32, #tpu.memory_space<hbm>> -> memref<1x512xf32, #tpu.memory_space<hbm>>
        %dma_wait3A_617 = tpu.memref_squeeze %dma_wait3A_616 : memref<1x512xf32, #tpu.memory_space<hbm>> -> memref<512xf32, #tpu.memory_space<hbm>>
        %dma_wait3A_618 = arith.constant 0 : i32
        %dma_wait3A_619 = tpu.memref_slice %arg18[%dma_wait3A_609, %dma_wait3A_618] : memref<8x512xf32, #tpu.memory_space<vmem>> -> memref<1x512xf32, #tpu.memory_space<vmem>>
        %dma_wait3A_620 = tpu.memref_squeeze %dma_wait3A_619 : memref<1x512xf32, #tpu.memory_space<vmem>> -> memref<512xf32, #tpu.memory_space<vmem>>
        tpu.wait_dma2 semaphore(%arg20 : memref<!tpu.dma_semaphore, #tpu.memory_space<semaphore_mem>>) src(%dma_wait3A_620 : memref<512xf32, #tpu.memory_space<vmem>>) dst(%dma_wait3A_617 : memref<512xf32, #tpu.memory_space<hbm>>)
        %sub3A_621 = arith.constant 512 : i32
        %sub3A_622 = arith.subi %add3A_108, %sub3A_621 : i32
        %dma_wait3A_623 = arith.constant 4 : i32
        %dma_wait3A_624 = arith.constant 4 : i32
        %dma_wait3A_625 = arith.constant 0 : i32
        %dma_wait3A_626 = tpu.memref_slice %arg18[%dma_wait3A_623, %dma_wait3A_625] : memref<8x512xf32, #tpu.memory_space<vmem>> -> memref<1x512xf32, #tpu.memory_space<vmem>>
        %dma_wait3A_627 = tpu.memref_squeeze %dma_wait3A_626 : memref<1x512xf32, #tpu.memory_space<vmem>> -> memref<512xf32, #tpu.memory_space<vmem>>
        %dma_wait3A_628 = tpu.memref_slice %arg6[%dma_wait3A_624, %sub3A_622] : memref<8x1015808xf32, #tpu.memory_space<hbm>> -> memref<1x512xf32, #tpu.memory_space<hbm>>
        %dma_wait3A_629 = tpu.memref_squeeze %dma_wait3A_628 : memref<1x512xf32, #tpu.memory_space<hbm>> -> memref<512xf32, #tpu.memory_space<hbm>>
        %dma_wait3A_630 = tpu.memref_slice %arg6[%dma_wait3A_624, %sub3A_622] : memref<8x1015808xf32, #tpu.memory_space<hbm>> -> memref<1x512xf32, #tpu.memory_space<hbm>>
        %dma_wait3A_631 = tpu.memref_squeeze %dma_wait3A_630 : memref<1x512xf32, #tpu.memory_space<hbm>> -> memref<512xf32, #tpu.memory_space<hbm>>
        %dma_wait3A_632 = arith.constant 0 : i32
        %dma_wait3A_633 = tpu.memref_slice %arg18[%dma_wait3A_623, %dma_wait3A_632] : memref<8x512xf32, #tpu.memory_space<vmem>> -> memref<1x512xf32, #tpu.memory_space<vmem>>
        %dma_wait3A_634 = tpu.memref_squeeze %dma_wait3A_633 : memref<1x512xf32, #tpu.memory_space<vmem>> -> memref<512xf32, #tpu.memory_space<vmem>>
        tpu.wait_dma2 semaphore(%arg20 : memref<!tpu.dma_semaphore, #tpu.memory_space<semaphore_mem>>) src(%dma_wait3A_634 : memref<512xf32, #tpu.memory_space<vmem>>) dst(%dma_wait3A_631 : memref<512xf32, #tpu.memory_space<hbm>>)
        %sub3A_635 = arith.constant 512 : i32
        %sub3A_636 = arith.subi %add3A_108, %sub3A_635 : i32
        %dma_wait3A_637 = arith.constant 5 : i32
        %dma_wait3A_638 = arith.constant 5 : i32
        %dma_wait3A_639 = arith.constant 0 : i32
        %dma_wait3A_640 = tpu.memref_slice %arg18[%dma_wait3A_637, %dma_wait3A_639] : memref<8x512xf32, #tpu.memory_space<vmem>> -> memref<1x512xf32, #tpu.memory_space<vmem>>
        %dma_wait3A_641 = tpu.memref_squeeze %dma_wait3A_640 : memref<1x512xf32, #tpu.memory_space<vmem>> -> memref<512xf32, #tpu.memory_space<vmem>>
        %dma_wait3A_642 = tpu.memref_slice %arg6[%dma_wait3A_638, %sub3A_636] : memref<8x1015808xf32, #tpu.memory_space<hbm>> -> memref<1x512xf32, #tpu.memory_space<hbm>>
        %dma_wait3A_643 = tpu.memref_squeeze %dma_wait3A_642 : memref<1x512xf32, #tpu.memory_space<hbm>> -> memref<512xf32, #tpu.memory_space<hbm>>
        %dma_wait3A_644 = tpu.memref_slice %arg6[%dma_wait3A_638, %sub3A_636] : memref<8x1015808xf32, #tpu.memory_space<hbm>> -> memref<1x512xf32, #tpu.memory_space<hbm>>
        %dma_wait3A_645 = tpu.memref_squeeze %dma_wait3A_644 : memref<1x512xf32, #tpu.memory_space<hbm>> -> memref<512xf32, #tpu.memory_space<hbm>>
        %dma_wait3A_646 = arith.constant 0 : i32
        %dma_wait3A_647 = tpu.memref_slice %arg18[%dma_wait3A_637, %dma_wait3A_646] : memref<8x512xf32, #tpu.memory_space<vmem>> -> memref<1x512xf32, #tpu.memory_space<vmem>>
        %dma_wait3A_648 = tpu.memref_squeeze %dma_wait3A_647 : memref<1x512xf32, #tpu.memory_space<vmem>> -> memref<512xf32, #tpu.memory_space<vmem>>
        tpu.wait_dma2 semaphore(%arg20 : memref<!tpu.dma_semaphore, #tpu.memory_space<semaphore_mem>>) src(%dma_wait3A_648 : memref<512xf32, #tpu.memory_space<vmem>>) dst(%dma_wait3A_645 : memref<512xf32, #tpu.memory_space<hbm>>)
        %sub3A_649 = arith.constant 512 : i32
        %sub3A_650 = arith.subi %add3A_108, %sub3A_649 : i32
        %dma_wait3A_651 = arith.constant 6 : i32
        %dma_wait3A_652 = arith.constant 6 : i32
        %dma_wait3A_653 = arith.constant 0 : i32
        %dma_wait3A_654 = tpu.memref_slice %arg18[%dma_wait3A_651, %dma_wait3A_653] : memref<8x512xf32, #tpu.memory_space<vmem>> -> memref<1x512xf32, #tpu.memory_space<vmem>>
        %dma_wait3A_655 = tpu.memref_squeeze %dma_wait3A_654 : memref<1x512xf32, #tpu.memory_space<vmem>> -> memref<512xf32, #tpu.memory_space<vmem>>
        %dma_wait3A_656 = tpu.memref_slice %arg6[%dma_wait3A_652, %sub3A_650] : memref<8x1015808xf32, #tpu.memory_space<hbm>> -> memref<1x512xf32, #tpu.memory_space<hbm>>
        %dma_wait3A_657 = tpu.memref_squeeze %dma_wait3A_656 : memref<1x512xf32, #tpu.memory_space<hbm>> -> memref<512xf32, #tpu.memory_space<hbm>>
        %dma_wait3A_658 = tpu.memref_slice %arg6[%dma_wait3A_652, %sub3A_650] : memref<8x1015808xf32, #tpu.memory_space<hbm>> -> memref<1x512xf32, #tpu.memory_space<hbm>>
        %dma_wait3A_659 = tpu.memref_squeeze %dma_wait3A_658 : memref<1x512xf32, #tpu.memory_space<hbm>> -> memref<512xf32, #tpu.memory_space<hbm>>
        %dma_wait3A_660 = arith.constant 0 : i32
        %dma_wait3A_661 = tpu.memref_slice %arg18[%dma_wait3A_651, %dma_wait3A_660] : memref<8x512xf32, #tpu.memory_space<vmem>> -> memref<1x512xf32, #tpu.memory_space<vmem>>
        %dma_wait3A_662 = tpu.memref_squeeze %dma_wait3A_661 : memref<1x512xf32, #tpu.memory_space<vmem>> -> memref<512xf32, #tpu.memory_space<vmem>>
        tpu.wait_dma2 semaphore(%arg20 : memref<!tpu.dma_semaphore, #tpu.memory_space<semaphore_mem>>) src(%dma_wait3A_662 : memref<512xf32, #tpu.memory_space<vmem>>) dst(%dma_wait3A_659 : memref<512xf32, #tpu.memory_space<hbm>>)
        %sub3A_663 = arith.constant 512 : i32
        %sub3A_664 = arith.subi %add3A_108, %sub3A_663 : i32
        %dma_wait3A_665 = arith.constant 7 : i32
        %dma_wait3A_666 = arith.constant 7 : i32
        %dma_wait3A_667 = arith.constant 0 : i32
        %dma_wait3A_668 = tpu.memref_slice %arg18[%dma_wait3A_665, %dma_wait3A_667] : memref<8x512xf32, #tpu.memory_space<vmem>> -> memref<1x512xf32, #tpu.memory_space<vmem>>
        %dma_wait3A_669 = tpu.memref_squeeze %dma_wait3A_668 : memref<1x512xf32, #tpu.memory_space<vmem>> -> memref<512xf32, #tpu.memory_space<vmem>>
        %dma_wait3A_670 = tpu.memref_slice %arg6[%dma_wait3A_666, %sub3A_664] : memref<8x1015808xf32, #tpu.memory_space<hbm>> -> memref<1x512xf32, #tpu.memory_space<hbm>>
        %dma_wait3A_671 = tpu.memref_squeeze %dma_wait3A_670 : memref<1x512xf32, #tpu.memory_space<hbm>> -> memref<512xf32, #tpu.memory_space<hbm>>
        %dma_wait3A_672 = tpu.memref_slice %arg6[%dma_wait3A_666, %sub3A_664] : memref<8x1015808xf32, #tpu.memory_space<hbm>> -> memref<1x512xf32, #tpu.memory_space<hbm>>
        %dma_wait3A_673 = tpu.memref_squeeze %dma_wait3A_672 : memref<1x512xf32, #tpu.memory_space<hbm>> -> memref<512xf32, #tpu.memory_space<hbm>>
        %dma_wait3A_674 = arith.constant 0 : i32
        %dma_wait3A_675 = tpu.memref_slice %arg18[%dma_wait3A_665, %dma_wait3A_674] : memref<8x512xf32, #tpu.memory_space<vmem>> -> memref<1x512xf32, #tpu.memory_space<vmem>>
        %dma_wait3A_676 = tpu.memref_squeeze %dma_wait3A_675 : memref<1x512xf32, #tpu.memory_space<vmem>> -> memref<512xf32, #tpu.memory_space<vmem>>
        tpu.wait_dma2 semaphore(%arg20 : memref<!tpu.dma_semaphore, #tpu.memory_space<semaphore_mem>>) src(%dma_wait3A_676 : memref<512xf32, #tpu.memory_space<vmem>>) dst(%dma_wait3A_673 : memref<512xf32, #tpu.memory_space<hbm>>)
      } else {
      }
      %dma_wait3A_290 = arith.constant 0 : i32
      %dma_wait3A_291 = arith.constant 0 : i32
      %dma_wait3A_292 = arith.constant 0 : i32
      %dma_wait3A_293 = tpu.memref_slice %arg14[%dma_wait3A_291, %dma_wait3A_292] : memref<512x16xf32, #tpu.memory_space<vmem>> -> memref<128x16xf32, #tpu.memory_space<vmem>>
      %dma_wait3A_294 = arith.constant 0 : i32
      %dma_wait3A_295 = tpu.memref_slice %arg10[%dma_wait3A_290, %dma_wait3A_294] : memref<4x128xi32, #tpu.memory_space<vmem>> -> memref<1x128xi32, #tpu.memory_space<vmem>>
      %dma_wait3A_296 = tpu.memref_squeeze %dma_wait3A_295 : memref<1x128xi32, #tpu.memory_space<vmem>> -> memref<128xi32, #tpu.memory_space<vmem>>
      %dma_wait3A_297 = arith.constant 0 : i32
      %dma_wait3A_298 = arith.constant 0 : i32
      %dma_wait3A_299 = tpu.memref_slice %arg5[%dma_wait3A_297, %dma_wait3A_298] : memref<2097152x16xf32, #tpu.memory_space<hbm>> -> memref<2097152x16xf32, #tpu.memory_space<hbm>>
      tpu.wait_indirect_dma semaphore(%arg19 : memref<!tpu.dma_semaphore, #tpu.memory_space<semaphore_mem>>) src(%dma_wait3A_299 : memref<2097152x16xf32, #tpu.memory_space<hbm>>) dst(%dma_wait3A_293 : memref<128x16xf32, #tpu.memory_space<vmem>>)
      %dma_wait3A_300 = arith.constant 0 : i32
      %dma_wait3A_301 = arith.constant 0 : i32
      %dma_wait3A_302 = arith.constant 0 : i32
      %dma_wait3A_303 = tpu.memref_slice %arg15[%dma_wait3A_301, %dma_wait3A_302] : memref<512x16xf32, #tpu.memory_space<vmem>> -> memref<128x16xf32, #tpu.memory_space<vmem>>
      %dma_wait3A_304 = arith.constant 0 : i32
      %dma_wait3A_305 = tpu.memref_slice %arg11[%dma_wait3A_300, %dma_wait3A_304] : memref<4x128xi32, #tpu.memory_space<vmem>> -> memref<1x128xi32, #tpu.memory_space<vmem>>
      %dma_wait3A_306 = tpu.memref_squeeze %dma_wait3A_305 : memref<1x128xi32, #tpu.memory_space<vmem>> -> memref<128xi32, #tpu.memory_space<vmem>>
      %dma_wait3A_307 = arith.constant 0 : i32
      %dma_wait3A_308 = arith.constant 0 : i32
      %dma_wait3A_309 = tpu.memref_slice %arg5[%dma_wait3A_307, %dma_wait3A_308] : memref<2097152x16xf32, #tpu.memory_space<hbm>> -> memref<2097152x16xf32, #tpu.memory_space<hbm>>
      tpu.wait_indirect_dma semaphore(%arg19 : memref<!tpu.dma_semaphore, #tpu.memory_space<semaphore_mem>>) src(%dma_wait3A_309 : memref<2097152x16xf32, #tpu.memory_space<hbm>>) dst(%dma_wait3A_303 : memref<128x16xf32, #tpu.memory_space<vmem>>)
      %dma_wait3A_310 = arith.constant 0 : i32
      %dma_wait3A_311 = arith.constant 0 : i32
      %dma_wait3A_312 = arith.constant 0 : i32
      %dma_wait3A_313 = tpu.memref_slice %arg16[%dma_wait3A_311, %dma_wait3A_312] : memref<512x16xf32, #tpu.memory_space<vmem>> -> memref<128x16xf32, #tpu.memory_space<vmem>>
      %dma_wait3A_314 = arith.constant 0 : i32
      %dma_wait3A_315 = tpu.memref_slice %arg12[%dma_wait3A_310, %dma_wait3A_314] : memref<4x128xi32, #tpu.memory_space<vmem>> -> memref<1x128xi32, #tpu.memory_space<vmem>>
      %dma_wait3A_316 = tpu.memref_squeeze %dma_wait3A_315 : memref<1x128xi32, #tpu.memory_space<vmem>> -> memref<128xi32, #tpu.memory_space<vmem>>
      %dma_wait3A_317 = arith.constant 0 : i32
      %dma_wait3A_318 = arith.constant 0 : i32
      %dma_wait3A_319 = tpu.memref_slice %arg5[%dma_wait3A_317, %dma_wait3A_318] : memref<2097152x16xf32, #tpu.memory_space<hbm>> -> memref<2097152x16xf32, #tpu.memory_space<hbm>>
      tpu.wait_indirect_dma semaphore(%arg19 : memref<!tpu.dma_semaphore, #tpu.memory_space<semaphore_mem>>) src(%dma_wait3A_319 : memref<2097152x16xf32, #tpu.memory_space<hbm>>) dst(%dma_wait3A_313 : memref<128x16xf32, #tpu.memory_space<vmem>>)
      %dma_wait3A_320 = arith.constant 0 : i32
      %dma_wait3A_321 = arith.constant 0 : i32
      %dma_wait3A_322 = arith.constant 0 : i32
      %dma_wait3A_323 = tpu.memref_slice %arg17[%dma_wait3A_321, %dma_wait3A_322] : memref<512x16xf32, #tpu.memory_space<vmem>> -> memref<128x16xf32, #tpu.memory_space<vmem>>
      %dma_wait3A_324 = arith.constant 0 : i32
      %dma_wait3A_325 = tpu.memref_slice %arg13[%dma_wait3A_320, %dma_wait3A_324] : memref<4x128xi32, #tpu.memory_space<vmem>> -> memref<1x128xi32, #tpu.memory_space<vmem>>
      %dma_wait3A_326 = tpu.memref_squeeze %dma_wait3A_325 : memref<1x128xi32, #tpu.memory_space<vmem>> -> memref<128xi32, #tpu.memory_space<vmem>>
      %dma_wait3A_327 = arith.constant 0 : i32
      %dma_wait3A_328 = arith.constant 0 : i32
      %dma_wait3A_329 = tpu.memref_slice %arg5[%dma_wait3A_327, %dma_wait3A_328] : memref<2097152x16xf32, #tpu.memory_space<hbm>> -> memref<2097152x16xf32, #tpu.memory_space<hbm>>
      tpu.wait_indirect_dma semaphore(%arg19 : memref<!tpu.dma_semaphore, #tpu.memory_space<semaphore_mem>>) src(%dma_wait3A_329 : memref<2097152x16xf32, #tpu.memory_space<hbm>>) dst(%dma_wait3A_323 : memref<128x16xf32, #tpu.memory_space<vmem>>)
      %dma_wait3A_330 = arith.constant 1 : i32
      %dma_wait3A_331 = arith.constant 128 : i32
      %dma_wait3A_332 = arith.constant 0 : i32
      %dma_wait3A_333 = tpu.memref_slice %arg14[%dma_wait3A_331, %dma_wait3A_332] : memref<512x16xf32, #tpu.memory_space<vmem>> -> memref<128x16xf32, #tpu.memory_space<vmem>>
      %dma_wait3A_334 = arith.constant 0 : i32
      %dma_wait3A_335 = tpu.memref_slice %arg10[%dma_wait3A_330, %dma_wait3A_334] : memref<4x128xi32, #tpu.memory_space<vmem>> -> memref<1x128xi32, #tpu.memory_space<vmem>>
      %dma_wait3A_336 = tpu.memref_squeeze %dma_wait3A_335 : memref<1x128xi32, #tpu.memory_space<vmem>> -> memref<128xi32, #tpu.memory_space<vmem>>
      %dma_wait3A_337 = arith.constant 0 : i32
      %dma_wait3A_338 = arith.constant 0 : i32
      %dma_wait3A_339 = tpu.memref_slice %arg5[%dma_wait3A_337, %dma_wait3A_338] : memref<2097152x16xf32, #tpu.memory_space<hbm>> -> memref<2097152x16xf32, #tpu.memory_space<hbm>>
      tpu.wait_indirect_dma semaphore(%arg19 : memref<!tpu.dma_semaphore, #tpu.memory_space<semaphore_mem>>) src(%dma_wait3A_339 : memref<2097152x16xf32, #tpu.memory_space<hbm>>) dst(%dma_wait3A_333 : memref<128x16xf32, #tpu.memory_space<vmem>>)
      %dma_wait3A_340 = arith.constant 1 : i32
      %dma_wait3A_341 = arith.constant 128 : i32
      %dma_wait3A_342 = arith.constant 0 : i32
      %dma_wait3A_343 = tpu.memref_slice %arg15[%dma_wait3A_341, %dma_wait3A_342] : memref<512x16xf32, #tpu.memory_space<vmem>> -> memref<128x16xf32, #tpu.memory_space<vmem>>
      %dma_wait3A_344 = arith.constant 0 : i32
      %dma_wait3A_345 = tpu.memref_slice %arg11[%dma_wait3A_340, %dma_wait3A_344] : memref<4x128xi32, #tpu.memory_space<vmem>> -> memref<1x128xi32, #tpu.memory_space<vmem>>
      %dma_wait3A_346 = tpu.memref_squeeze %dma_wait3A_345 : memref<1x128xi32, #tpu.memory_space<vmem>> -> memref<128xi32, #tpu.memory_space<vmem>>
      %dma_wait3A_347 = arith.constant 0 : i32
      %dma_wait3A_348 = arith.constant 0 : i32
      %dma_wait3A_349 = tpu.memref_slice %arg5[%dma_wait3A_347, %dma_wait3A_348] : memref<2097152x16xf32, #tpu.memory_space<hbm>> -> memref<2097152x16xf32, #tpu.memory_space<hbm>>
      tpu.wait_indirect_dma semaphore(%arg19 : memref<!tpu.dma_semaphore, #tpu.memory_space<semaphore_mem>>) src(%dma_wait3A_349 : memref<2097152x16xf32, #tpu.memory_space<hbm>>) dst(%dma_wait3A_343 : memref<128x16xf32, #tpu.memory_space<vmem>>)
      %dma_wait3A_350 = arith.constant 1 : i32
      %dma_wait3A_351 = arith.constant 128 : i32
      %dma_wait3A_352 = arith.constant 0 : i32
      %dma_wait3A_353 = tpu.memref_slice %arg16[%dma_wait3A_351, %dma_wait3A_352] : memref<512x16xf32, #tpu.memory_space<vmem>> -> memref<128x16xf32, #tpu.memory_space<vmem>>
      %dma_wait3A_354 = arith.constant 0 : i32
      %dma_wait3A_355 = tpu.memref_slice %arg12[%dma_wait3A_350, %dma_wait3A_354] : memref<4x128xi32, #tpu.memory_space<vmem>> -> memref<1x128xi32, #tpu.memory_space<vmem>>
      %dma_wait3A_356 = tpu.memref_squeeze %dma_wait3A_355 : memref<1x128xi32, #tpu.memory_space<vmem>> -> memref<128xi32, #tpu.memory_space<vmem>>
      %dma_wait3A_357 = arith.constant 0 : i32
      %dma_wait3A_358 = arith.constant 0 : i32
      %dma_wait3A_359 = tpu.memref_slice %arg5[%dma_wait3A_357, %dma_wait3A_358] : memref<2097152x16xf32, #tpu.memory_space<hbm>> -> memref<2097152x16xf32, #tpu.memory_space<hbm>>
      tpu.wait_indirect_dma semaphore(%arg19 : memref<!tpu.dma_semaphore, #tpu.memory_space<semaphore_mem>>) src(%dma_wait3A_359 : memref<2097152x16xf32, #tpu.memory_space<hbm>>) dst(%dma_wait3A_353 : memref<128x16xf32, #tpu.memory_space<vmem>>)
      %dma_wait3A_360 = arith.constant 1 : i32
      %dma_wait3A_361 = arith.constant 128 : i32
      %dma_wait3A_362 = arith.constant 0 : i32
      %dma_wait3A_363 = tpu.memref_slice %arg17[%dma_wait3A_361, %dma_wait3A_362] : memref<512x16xf32, #tpu.memory_space<vmem>> -> memref<128x16xf32, #tpu.memory_space<vmem>>
      %dma_wait3A_364 = arith.constant 0 : i32
      %dma_wait3A_365 = tpu.memref_slice %arg13[%dma_wait3A_360, %dma_wait3A_364] : memref<4x128xi32, #tpu.memory_space<vmem>> -> memref<1x128xi32, #tpu.memory_space<vmem>>
      %dma_wait3A_366 = tpu.memref_squeeze %dma_wait3A_365 : memref<1x128xi32, #tpu.memory_space<vmem>> -> memref<128xi32, #tpu.memory_space<vmem>>
      %dma_wait3A_367 = arith.constant 0 : i32
      %dma_wait3A_368 = arith.constant 0 : i32
      %dma_wait3A_369 = tpu.memref_slice %arg5[%dma_wait3A_367, %dma_wait3A_368] : memref<2097152x16xf32, #tpu.memory_space<hbm>> -> memref<2097152x16xf32, #tpu.memory_space<hbm>>
      tpu.wait_indirect_dma semaphore(%arg19 : memref<!tpu.dma_semaphore, #tpu.memory_space<semaphore_mem>>) src(%dma_wait3A_369 : memref<2097152x16xf32, #tpu.memory_space<hbm>>) dst(%dma_wait3A_363 : memref<128x16xf32, #tpu.memory_space<vmem>>)
      %dma_wait3A_370 = arith.constant 2 : i32
      %dma_wait3A_371 = arith.constant 256 : i32
      %dma_wait3A_372 = arith.constant 0 : i32
      %dma_wait3A_373 = tpu.memref_slice %arg14[%dma_wait3A_371, %dma_wait3A_372] : memref<512x16xf32, #tpu.memory_space<vmem>> -> memref<128x16xf32, #tpu.memory_space<vmem>>
      %dma_wait3A_374 = arith.constant 0 : i32
      %dma_wait3A_375 = tpu.memref_slice %arg10[%dma_wait3A_370, %dma_wait3A_374] : memref<4x128xi32, #tpu.memory_space<vmem>> -> memref<1x128xi32, #tpu.memory_space<vmem>>
      %dma_wait3A_376 = tpu.memref_squeeze %dma_wait3A_375 : memref<1x128xi32, #tpu.memory_space<vmem>> -> memref<128xi32, #tpu.memory_space<vmem>>
      %dma_wait3A_377 = arith.constant 0 : i32
      %dma_wait3A_378 = arith.constant 0 : i32
      %dma_wait3A_379 = tpu.memref_slice %arg5[%dma_wait3A_377, %dma_wait3A_378] : memref<2097152x16xf32, #tpu.memory_space<hbm>> -> memref<2097152x16xf32, #tpu.memory_space<hbm>>
      tpu.wait_indirect_dma semaphore(%arg19 : memref<!tpu.dma_semaphore, #tpu.memory_space<semaphore_mem>>) src(%dma_wait3A_379 : memref<2097152x16xf32, #tpu.memory_space<hbm>>) dst(%dma_wait3A_373 : memref<128x16xf32, #tpu.memory_space<vmem>>)
      %dma_wait3A_380 = arith.constant 2 : i32
      %dma_wait3A_381 = arith.constant 256 : i32
      %dma_wait3A_382 = arith.constant 0 : i32
      %dma_wait3A_383 = tpu.memref_slice %arg15[%dma_wait3A_381, %dma_wait3A_382] : memref<512x16xf32, #tpu.memory_space<vmem>> -> memref<128x16xf32, #tpu.memory_space<vmem>>
      %dma_wait3A_384 = arith.constant 0 : i32
      %dma_wait3A_385 = tpu.memref_slice %arg11[%dma_wait3A_380, %dma_wait3A_384] : memref<4x128xi32, #tpu.memory_space<vmem>> -> memref<1x128xi32, #tpu.memory_space<vmem>>
      %dma_wait3A_386 = tpu.memref_squeeze %dma_wait3A_385 : memref<1x128xi32, #tpu.memory_space<vmem>> -> memref<128xi32, #tpu.memory_space<vmem>>
      %dma_wait3A_387 = arith.constant 0 : i32
      %dma_wait3A_388 = arith.constant 0 : i32
      %dma_wait3A_389 = tpu.memref_slice %arg5[%dma_wait3A_387, %dma_wait3A_388] : memref<2097152x16xf32, #tpu.memory_space<hbm>> -> memref<2097152x16xf32, #tpu.memory_space<hbm>>
      tpu.wait_indirect_dma semaphore(%arg19 : memref<!tpu.dma_semaphore, #tpu.memory_space<semaphore_mem>>) src(%dma_wait3A_389 : memref<2097152x16xf32, #tpu.memory_space<hbm>>) dst(%dma_wait3A_383 : memref<128x16xf32, #tpu.memory_space<vmem>>)
      %dma_wait3A_390 = arith.constant 2 : i32
      %dma_wait3A_391 = arith.constant 256 : i32
      %dma_wait3A_392 = arith.constant 0 : i32
      %dma_wait3A_393 = tpu.memref_slice %arg16[%dma_wait3A_391, %dma_wait3A_392] : memref<512x16xf32, #tpu.memory_space<vmem>> -> memref<128x16xf32, #tpu.memory_space<vmem>>
      %dma_wait3A_394 = arith.constant 0 : i32
      %dma_wait3A_395 = tpu.memref_slice %arg12[%dma_wait3A_390, %dma_wait3A_394] : memref<4x128xi32, #tpu.memory_space<vmem>> -> memref<1x128xi32, #tpu.memory_space<vmem>>
      %dma_wait3A_396 = tpu.memref_squeeze %dma_wait3A_395 : memref<1x128xi32, #tpu.memory_space<vmem>> -> memref<128xi32, #tpu.memory_space<vmem>>
      %dma_wait3A_397 = arith.constant 0 : i32
      %dma_wait3A_398 = arith.constant 0 : i32
      %dma_wait3A_399 = tpu.memref_slice %arg5[%dma_wait3A_397, %dma_wait3A_398] : memref<2097152x16xf32, #tpu.memory_space<hbm>> -> memref<2097152x16xf32, #tpu.memory_space<hbm>>
      tpu.wait_indirect_dma semaphore(%arg19 : memref<!tpu.dma_semaphore, #tpu.memory_space<semaphore_mem>>) src(%dma_wait3A_399 : memref<2097152x16xf32, #tpu.memory_space<hbm>>) dst(%dma_wait3A_393 : memref<128x16xf32, #tpu.memory_space<vmem>>)
      %dma_wait3A_400 = arith.constant 2 : i32
      %dma_wait3A_401 = arith.constant 256 : i32
      %dma_wait3A_402 = arith.constant 0 : i32
      %dma_wait3A_403 = tpu.memref_slice %arg17[%dma_wait3A_401, %dma_wait3A_402] : memref<512x16xf32, #tpu.memory_space<vmem>> -> memref<128x16xf32, #tpu.memory_space<vmem>>
      %dma_wait3A_404 = arith.constant 0 : i32
      %dma_wait3A_405 = tpu.memref_slice %arg13[%dma_wait3A_400, %dma_wait3A_404] : memref<4x128xi32, #tpu.memory_space<vmem>> -> memref<1x128xi32, #tpu.memory_space<vmem>>
      %dma_wait3A_406 = tpu.memref_squeeze %dma_wait3A_405 : memref<1x128xi32, #tpu.memory_space<vmem>> -> memref<128xi32, #tpu.memory_space<vmem>>
      %dma_wait3A_407 = arith.constant 0 : i32
      %dma_wait3A_408 = arith.constant 0 : i32
      %dma_wait3A_409 = tpu.memref_slice %arg5[%dma_wait3A_407, %dma_wait3A_408] : memref<2097152x16xf32, #tpu.memory_space<hbm>> -> memref<2097152x16xf32, #tpu.memory_space<hbm>>
      tpu.wait_indirect_dma semaphore(%arg19 : memref<!tpu.dma_semaphore, #tpu.memory_space<semaphore_mem>>) src(%dma_wait3A_409 : memref<2097152x16xf32, #tpu.memory_space<hbm>>) dst(%dma_wait3A_403 : memref<128x16xf32, #tpu.memory_space<vmem>>)
      %dma_wait3A_410 = arith.constant 3 : i32
      %dma_wait3A_411 = arith.constant 384 : i32
      %dma_wait3A_412 = arith.constant 0 : i32
      %dma_wait3A_413 = tpu.memref_slice %arg14[%dma_wait3A_411, %dma_wait3A_412] : memref<512x16xf32, #tpu.memory_space<vmem>> -> memref<128x16xf32, #tpu.memory_space<vmem>>
      %dma_wait3A_414 = arith.constant 0 : i32
      %dma_wait3A_415 = tpu.memref_slice %arg10[%dma_wait3A_410, %dma_wait3A_414] : memref<4x128xi32, #tpu.memory_space<vmem>> -> memref<1x128xi32, #tpu.memory_space<vmem>>
      %dma_wait3A_416 = tpu.memref_squeeze %dma_wait3A_415 : memref<1x128xi32, #tpu.memory_space<vmem>> -> memref<128xi32, #tpu.memory_space<vmem>>
      %dma_wait3A_417 = arith.constant 0 : i32
      %dma_wait3A_418 = arith.constant 0 : i32
      %dma_wait3A_419 = tpu.memref_slice %arg5[%dma_wait3A_417, %dma_wait3A_418] : memref<2097152x16xf32, #tpu.memory_space<hbm>> -> memref<2097152x16xf32, #tpu.memory_space<hbm>>
      tpu.wait_indirect_dma semaphore(%arg19 : memref<!tpu.dma_semaphore, #tpu.memory_space<semaphore_mem>>) src(%dma_wait3A_419 : memref<2097152x16xf32, #tpu.memory_space<hbm>>) dst(%dma_wait3A_413 : memref<128x16xf32, #tpu.memory_space<vmem>>)
      %dma_wait3A_420 = arith.constant 3 : i32
      %dma_wait3A_421 = arith.constant 384 : i32
      %dma_wait3A_422 = arith.constant 0 : i32
      %dma_wait3A_423 = tpu.memref_slice %arg15[%dma_wait3A_421, %dma_wait3A_422] : memref<512x16xf32, #tpu.memory_space<vmem>> -> memref<128x16xf32, #tpu.memory_space<vmem>>
      %dma_wait3A_424 = arith.constant 0 : i32
      %dma_wait3A_425 = tpu.memref_slice %arg11[%dma_wait3A_420, %dma_wait3A_424] : memref<4x128xi32, #tpu.memory_space<vmem>> -> memref<1x128xi32, #tpu.memory_space<vmem>>
      %dma_wait3A_426 = tpu.memref_squeeze %dma_wait3A_425 : memref<1x128xi32, #tpu.memory_space<vmem>> -> memref<128xi32, #tpu.memory_space<vmem>>
      %dma_wait3A_427 = arith.constant 0 : i32
      %dma_wait3A_428 = arith.constant 0 : i32
      %dma_wait3A_429 = tpu.memref_slice %arg5[%dma_wait3A_427, %dma_wait3A_428] : memref<2097152x16xf32, #tpu.memory_space<hbm>> -> memref<2097152x16xf32, #tpu.memory_space<hbm>>
      tpu.wait_indirect_dma semaphore(%arg19 : memref<!tpu.dma_semaphore, #tpu.memory_space<semaphore_mem>>) src(%dma_wait3A_429 : memref<2097152x16xf32, #tpu.memory_space<hbm>>) dst(%dma_wait3A_423 : memref<128x16xf32, #tpu.memory_space<vmem>>)
      %dma_wait3A_430 = arith.constant 3 : i32
      %dma_wait3A_431 = arith.constant 384 : i32
      %dma_wait3A_432 = arith.constant 0 : i32
      %dma_wait3A_433 = tpu.memref_slice %arg16[%dma_wait3A_431, %dma_wait3A_432] : memref<512x16xf32, #tpu.memory_space<vmem>> -> memref<128x16xf32, #tpu.memory_space<vmem>>
      %dma_wait3A_434 = arith.constant 0 : i32
      %dma_wait3A_435 = tpu.memref_slice %arg12[%dma_wait3A_430, %dma_wait3A_434] : memref<4x128xi32, #tpu.memory_space<vmem>> -> memref<1x128xi32, #tpu.memory_space<vmem>>
      %dma_wait3A_436 = tpu.memref_squeeze %dma_wait3A_435 : memref<1x128xi32, #tpu.memory_space<vmem>> -> memref<128xi32, #tpu.memory_space<vmem>>
      %dma_wait3A_437 = arith.constant 0 : i32
      %dma_wait3A_438 = arith.constant 0 : i32
      %dma_wait3A_439 = tpu.memref_slice %arg5[%dma_wait3A_437, %dma_wait3A_438] : memref<2097152x16xf32, #tpu.memory_space<hbm>> -> memref<2097152x16xf32, #tpu.memory_space<hbm>>
      tpu.wait_indirect_dma semaphore(%arg19 : memref<!tpu.dma_semaphore, #tpu.memory_space<semaphore_mem>>) src(%dma_wait3A_439 : memref<2097152x16xf32, #tpu.memory_space<hbm>>) dst(%dma_wait3A_433 : memref<128x16xf32, #tpu.memory_space<vmem>>)
      %dma_wait3A_440 = arith.constant 3 : i32
      %dma_wait3A_441 = arith.constant 384 : i32
      %dma_wait3A_442 = arith.constant 0 : i32
      %dma_wait3A_443 = tpu.memref_slice %arg17[%dma_wait3A_441, %dma_wait3A_442] : memref<512x16xf32, #tpu.memory_space<vmem>> -> memref<128x16xf32, #tpu.memory_space<vmem>>
      %dma_wait3A_444 = arith.constant 0 : i32
      %dma_wait3A_445 = tpu.memref_slice %arg13[%dma_wait3A_440, %dma_wait3A_444] : memref<4x128xi32, #tpu.memory_space<vmem>> -> memref<1x128xi32, #tpu.memory_space<vmem>>
      %dma_wait3A_446 = tpu.memref_squeeze %dma_wait3A_445 : memref<1x128xi32, #tpu.memory_space<vmem>> -> memref<128xi32, #tpu.memory_space<vmem>>
      %dma_wait3A_447 = arith.constant 0 : i32
      %dma_wait3A_448 = arith.constant 0 : i32
      %dma_wait3A_449 = tpu.memref_slice %arg5[%dma_wait3A_447, %dma_wait3A_448] : memref<2097152x16xf32, #tpu.memory_space<hbm>> -> memref<2097152x16xf32, #tpu.memory_space<hbm>>
      tpu.wait_indirect_dma semaphore(%arg19 : memref<!tpu.dma_semaphore, #tpu.memory_space<semaphore_mem>>) src(%dma_wait3A_449 : memref<2097152x16xf32, #tpu.memory_space<hbm>>) dst(%dma_wait3A_443 : memref<128x16xf32, #tpu.memory_space<vmem>>)
      %scan3A_450 = arith.constant 0 : i32
      %scan3A_451 = arith.constant 8 : i32
      %scan3A_452 = arith.addi %scan3A_450, %scan3A_451 : i32
      %scan3A_453 = arith.constant 1 : i32
      scf.for %scan3A_566 = %scan3A_450 to %scan3A_452 step %scan3A_453  : i32 {
        %mul3A_567 = arith.constant 1 : i32
        %mul3A_568 = arith.muli %scan3A_566, %mul3A_567 : i32
        %add3A_569 = arith.constant 0 : i32
        %add3A_570 = arith.addi %add3A_569, %mul3A_568 : i32
        %mul3A_571 = arith.constant 16 : i32
        %mul3A_572 = arith.muli %add3A_570, %mul3A_571 : i32
        %add3A_573 = arith.constant 0 : i32
        %add3A_574 = arith.addi %add3A_573, %mul3A_572 : i32
        %get3A = arith.index_cast %add3A_574 : i32 to index
        %get3A_575 = tpu.vector_load %arg7[%get3A] {strides = array<i32>} : memref<512xf32, #tpu.memory_space<vmem>>, vector<16xf32>,
        %get3A_576 = arith.index_cast %add3A_574 : i32 to index
        %get3A_577 = tpu.vector_load %arg8[%get3A_576] {strides = array<i32>} : memref<512xf32, #tpu.memory_space<vmem>>, vector<16xf32>,
        %get3A_578 = arith.index_cast %add3A_574 : i32 to index
        %get3A_579 = tpu.vector_load %arg9[%get3A_578] {strides = array<i32>} : memref<512xf32, #tpu.memory_space<vmem>>, vector<16xf32>,
        %add3A_580 = arith.constant 1.000000e+00 : f32
        %add3A_581 = vector.broadcast %add3A_580 : f32 to vector<16xf32>
        %add3A_582 = arith.addf %get3A_575, %add3A_581 : vector<16xf32>
        %mul3A_583 = arith.constant 5.000000e-01 : f32
        %mul3A_584 = vector.broadcast %mul3A_583 : f32 to vector<16xf32>
        %mul3A_585 = arith.mulf %add3A_582, %mul3A_584 : vector<16xf32>
        %mul3A_586 = arith.constant 1.270000e+02 : f32
        %mul3A_587 = vector.broadcast %mul3A_586 : f32 to vector<16xf32>
        %mul3A_588 = arith.mulf %mul3A_585, %mul3A_587 : vector<16xf32>
        %add3A_589 = arith.constant 1.000000e+00 : f32
        %add3A_590 = vector.broadcast %add3A_589 : f32 to vector<16xf32>
        %add3A_591 = arith.addf %get3A_577, %add3A_590 : vector<16xf32>
        %mul3A_592 = arith.constant 5.000000e-01 : f32
        %mul3A_593 = vector.broadcast %mul3A_592 : f32 to vector<16xf32>
        %mul3A_594 = arith.mulf %add3A_591, %mul3A_593 : vector<16xf32>
        %mul3A_595 = arith.constant 1.270000e+02 : f32
        %mul3A_596 = vector.broadcast %mul3A_595 : f32 to vector<16xf32>
        %mul3A_597 = arith.mulf %mul3A_594, %mul3A_596 : vector<16xf32>
        %add3A_598 = arith.constant 1.000000e+00 : f32
        %add3A_599 = vector.broadcast %add3A_598 : f32 to vector<16xf32>
        %add3A_600 = arith.addf %get3A_579, %add3A_599 : vector<16xf32>
        %mul3A_601 = arith.constant 5.000000e-01 : f32
        %mul3A_602 = vector.broadcast %mul3A_601 : f32 to vector<16xf32>
        %mul3A_603 = arith.mulf %add3A_600, %mul3A_602 : vector<16xf32>
        %mul3A_604 = arith.constant 1.270000e+02 : f32
        %mul3A_605 = vector.broadcast %mul3A_604 : f32 to vector<16xf32>
        %mul3A_606 = arith.mulf %mul3A_603, %mul3A_605 : vector<16xf32>
        %convert_element_type3A_607 = arith.fptosi %mul3A_588 : vector<16xf32> to vector<16xi32>
        %convert_element_type3A_608 = arith.sitofp %convert_element_type3A_607 : vector<16xi32> to vector<16xf32>
        %sub3A = arith.subf %mul3A_588, %convert_element_type3A_608 : vector<16xf32>
        %convert_element_type3A_609 = arith.fptosi %mul3A_597 : vector<16xf32> to vector<16xi32>
        %convert_element_type3A_610 = arith.sitofp %convert_element_type3A_609 : vector<16xi32> to vector<16xf32>
        %sub3A_611 = arith.subf %mul3A_597, %convert_element_type3A_610 : vector<16xf32>
        %convert_element_type3A_612 = arith.fptosi %mul3A_606 : vector<16xf32> to vector<16xi32>
        %convert_element_type3A_613 = arith.sitofp %convert_element_type3A_612 : vector<16xi32> to vector<16xf32>
        %sub3A_614 = arith.subf %mul3A_606, %convert_element_type3A_613 : vector<16xf32>
        %sub3A_615 = arith.constant 1.000000e+00 : f32
        %sub3A_616 = vector.broadcast %sub3A_615 : f32 to vector<16xf32>
        %sub3A_617 = arith.subf %sub3A_616, %sub3A : vector<16xf32>
        %sub3A_618 = arith.constant 1.000000e+00 : f32
        %sub3A_619 = vector.broadcast %sub3A_618 : f32 to vector<16xf32>
        %sub3A_620 = arith.subf %sub3A_619, %sub3A_611 : vector<16xf32>
        %sub3A_621 = arith.constant 1.000000e+00 : f32
        %sub3A_622 = vector.broadcast %sub3A_621 : f32 to vector<16xf32>
        %sub3A_623 = arith.subf %sub3A_622, %sub3A_614 : vector<16xf32>
        %mul3A_624 = arith.mulf %sub3A_623, %sub3A_620 : vector<16xf32>
        %mul3A_625 = arith.mulf %sub3A_623, %sub3A_611 : vector<16xf32>
        %mul3A_626 = arith.mulf %sub3A_614, %sub3A_620 : vector<16xf32>
        %mul3A_627 = arith.mulf %sub3A_614, %sub3A_611 : vector<16xf32>
        %add3A_628 = vector.broadcast %add3A_574 : i32 to vector<16xi32>
        %add3A_629 = arith.addi %add3A_628, %iota3A : vector<16xi32>
        %broadcast_in_dim3A = arith.constant 0 : i32
        %broadcast_in_dim3A_630 = vector.broadcast %broadcast_in_dim3A : i32 to vector<16xi32>
        %broadcast_in_dim3A_631 = arith.constant 8 : i32
        %broadcast_in_dim3A_632 = vector.broadcast %broadcast_in_dim3A_631 : i32 to vector<16xi32>
        %gather3A = tpu.vector_load_idx %arg14[%add3A_629, %broadcast_in_dim3A_630] : memref<512x16xf32, #tpu.memory_space<vmem>>[vector<16xi32>, vector<16xi32>], vector<16xf32>,
        %gather3A_633 = tpu.vector_load_idx %arg15[%add3A_629, %broadcast_in_dim3A_630] : memref<512x16xf32, #tpu.memory_space<vmem>>[vector<16xi32>, vector<16xi32>], vector<16xf32>,
        %gather3A_634 = tpu.vector_load_idx %arg16[%add3A_629, %broadcast_in_dim3A_630] : memref<512x16xf32, #tpu.memory_space<vmem>>[vector<16xi32>, vector<16xi32>], vector<16xf32>,
        %gather3A_635 = tpu.vector_load_idx %arg17[%add3A_629, %broadcast_in_dim3A_630] : memref<512x16xf32, #tpu.memory_space<vmem>>[vector<16xi32>, vector<16xi32>], vector<16xf32>,
        %gather3A_636 = tpu.vector_load_idx %arg14[%add3A_629, %broadcast_in_dim3A_632] : memref<512x16xf32, #tpu.memory_space<vmem>>[vector<16xi32>, vector<16xi32>], vector<16xf32>,
        %gather3A_637 = tpu.vector_load_idx %arg15[%add3A_629, %broadcast_in_dim3A_632] : memref<512x16xf32, #tpu.memory_space<vmem>>[vector<16xi32>, vector<16xi32>], vector<16xf32>,
        %gather3A_638 = tpu.vector_load_idx %arg16[%add3A_629, %broadcast_in_dim3A_632] : memref<512x16xf32, #tpu.memory_space<vmem>>[vector<16xi32>, vector<16xi32>], vector<16xf32>,
        %gather3A_639 = tpu.vector_load_idx %arg17[%add3A_629, %broadcast_in_dim3A_632] : memref<512x16xf32, #tpu.memory_space<vmem>>[vector<16xi32>, vector<16xi32>], vector<16xf32>,
        %mul3A_640 = arith.mulf %gather3A, %mul3A_624 : vector<16xf32>
        %mul3A_641 = arith.mulf %gather3A_633, %mul3A_625 : vector<16xf32>
        %add3A_642 = arith.addf %mul3A_640, %mul3A_641 : vector<16xf32>
        %mul3A_643 = arith.mulf %gather3A_634, %mul3A_626 : vector<16xf32>
        %add3A_644 = arith.addf %add3A_642, %mul3A_643 : vector<16xf32>
        %mul3A_645 = arith.mulf %gather3A_635, %mul3A_627 : vector<16xf32>
        %add3A_646 = arith.addf %add3A_644, %mul3A_645 : vector<16xf32>
        %mul3A_647 = arith.mulf %add3A_646, %sub3A_617 : vector<16xf32>
        %mul3A_648 = arith.mulf %gather3A_636, %mul3A_624 : vector<16xf32>
        %mul3A_649 = arith.mulf %gather3A_637, %mul3A_625 : vector<16xf32>
        %add3A_650 = arith.addf %mul3A_648, %mul3A_649 : vector<16xf32>
        %mul3A_651 = arith.mulf %gather3A_638, %mul3A_626 : vector<16xf32>
        %add3A_652 = arith.addf %add3A_650, %mul3A_651 : vector<16xf32>
        %mul3A_653 = arith.mulf %gather3A_639, %mul3A_627 : vector<16xf32>
        %add3A_654 = arith.addf %add3A_652, %mul3A_653 : vector<16xf32>
        %mul3A_655 = arith.mulf %add3A_654, %sub3A : vector<16xf32>
        %add3A_656 = arith.addf %mul3A_647, %mul3A_655 : vector<16xf32>
        %swap3A = arith.constant 0 : i32
        %swap3A_657 = arith.index_cast %swap3A : i32 to index
        %swap3A_658 = arith.index_cast %add3A_574 : i32 to index
        %swap3A_659 = tpu.vector_load %arg18[%swap3A_657, %swap3A_658] {strides = array<i32>} : memref<8x512xf32, #tpu.memory_space<vmem>>, vector<16xf32>,
        tpu.vector_store %arg18[%swap3A_657, %swap3A_658], %add3A_656 {strides = array<i32>} : memref<8x512xf32, #tpu.memory_space<vmem>>, vector<16xf32>,
        %broadcast_in_dim3A_660 = arith.constant 1 : i32
        %broadcast_in_dim3A_661 = vector.broadcast %broadcast_in_dim3A_660 : i32 to vector<16xi32>
        %broadcast_in_dim3A_662 = arith.constant 9 : i32
        %broadcast_in_dim3A_663 = vector.broadcast %broadcast_in_dim3A_662 : i32 to vector<16xi32>
        %gather3A_664 = tpu.vector_load_idx %arg14[%add3A_629, %broadcast_in_dim3A_661] : memref<512x16xf32, #tpu.memory_space<vmem>>[vector<16xi32>, vector<16xi32>], vector<16xf32>,
        %gather3A_665 = tpu.vector_load_idx %arg15[%add3A_629, %broadcast_in_dim3A_661] : memref<512x16xf32, #tpu.memory_space<vmem>>[vector<16xi32>, vector<16xi32>], vector<16xf32>,
        %gather3A_666 = tpu.vector_load_idx %arg16[%add3A_629, %broadcast_in_dim3A_661] : memref<512x16xf32, #tpu.memory_space<vmem>>[vector<16xi32>, vector<16xi32>], vector<16xf32>,
        %gather3A_667 = tpu.vector_load_idx %arg17[%add3A_629, %broadcast_in_dim3A_661] : memref<512x16xf32, #tpu.memory_space<vmem>>[vector<16xi32>, vector<16xi32>], vector<16xf32>,
        %gather3A_668 = tpu.vector_load_idx %arg14[%add3A_629, %broadcast_in_dim3A_663] : memref<512x16xf32, #tpu.memory_space<vmem>>[vector<16xi32>, vector<16xi32>], vector<16xf32>,
        %gather3A_669 = tpu.vector_load_idx %arg15[%add3A_629, %broadcast_in_dim3A_663] : memref<512x16xf32, #tpu.memory_space<vmem>>[vector<16xi32>, vector<16xi32>], vector<16xf32>,
        %gather3A_670 = tpu.vector_load_idx %arg16[%add3A_629, %broadcast_in_dim3A_663] : memref<512x16xf32, #tpu.memory_space<vmem>>[vector<16xi32>, vector<16xi32>], vector<16xf32>,
        %gather3A_671 = tpu.vector_load_idx %arg17[%add3A_629, %broadcast_in_dim3A_663] : memref<512x16xf32, #tpu.memory_space<vmem>>[vector<16xi32>, vector<16xi32>], vector<16xf32>,
        %mul3A_672 = arith.mulf %gather3A_664, %mul3A_624 : vector<16xf32>
        %mul3A_673 = arith.mulf %gather3A_665, %mul3A_625 : vector<16xf32>
        %add3A_674 = arith.addf %mul3A_672, %mul3A_673 : vector<16xf32>
        %mul3A_675 = arith.mulf %gather3A_666, %mul3A_626 : vector<16xf32>
        %add3A_676 = arith.addf %add3A_674, %mul3A_675 : vector<16xf32>
        %mul3A_677 = arith.mulf %gather3A_667, %mul3A_627 : vector<16xf32>
        %add3A_678 = arith.addf %add3A_676, %mul3A_677 : vector<16xf32>
        %mul3A_679 = arith.mulf %add3A_678, %sub3A_617 : vector<16xf32>
        %mul3A_680 = arith.mulf %gather3A_668, %mul3A_624 : vector<16xf32>
        %mul3A_681 = arith.mulf %gather3A_669, %mul3A_625 : vector<16xf32>
        %add3A_682 = arith.addf %mul3A_680, %mul3A_681 : vector<16xf32>
        %mul3A_683 = arith.mulf %gather3A_670, %mul3A_626 : vector<16xf32>
        %add3A_684 = arith.addf %add3A_682, %mul3A_683 : vector<16xf32>
        %mul3A_685 = arith.mulf %gather3A_671, %mul3A_627 : vector<16xf32>
        %add3A_686 = arith.addf %add3A_684, %mul3A_685 : vector<16xf32>
        %mul3A_687 = arith.mulf %add3A_686, %sub3A : vector<16xf32>
        %add3A_688 = arith.addf %mul3A_679, %mul3A_687 : vector<16xf32>
        %swap3A_689 = arith.constant 1 : i32
        %swap3A_690 = arith.index_cast %swap3A_689 : i32 to index
        %swap3A_691 = arith.index_cast %add3A_574 : i32 to index
        %swap3A_692 = tpu.vector_load %arg18[%swap3A_690, %swap3A_691] {strides = array<i32>} : memref<8x512xf32, #tpu.memory_space<vmem>>, vector<16xf32>,
        tpu.vector_store %arg18[%swap3A_690, %swap3A_691], %add3A_688 {strides = array<i32>} : memref<8x512xf32, #tpu.memory_space<vmem>>, vector<16xf32>,
        %broadcast_in_dim3A_693 = arith.constant 2 : i32
        %broadcast_in_dim3A_694 = vector.broadcast %broadcast_in_dim3A_693 : i32 to vector<16xi32>
        %broadcast_in_dim3A_695 = arith.constant 10 : i32
        %broadcast_in_dim3A_696 = vector.broadcast %broadcast_in_dim3A_695 : i32 to vector<16xi32>
        %gather3A_697 = tpu.vector_load_idx %arg14[%add3A_629, %broadcast_in_dim3A_694] : memref<512x16xf32, #tpu.memory_space<vmem>>[vector<16xi32>, vector<16xi32>], vector<16xf32>,
        %gather3A_698 = tpu.vector_load_idx %arg15[%add3A_629, %broadcast_in_dim3A_694] : memref<512x16xf32, #tpu.memory_space<vmem>>[vector<16xi32>, vector<16xi32>], vector<16xf32>,
        %gather3A_699 = tpu.vector_load_idx %arg16[%add3A_629, %broadcast_in_dim3A_694] : memref<512x16xf32, #tpu.memory_space<vmem>>[vector<16xi32>, vector<16xi32>], vector<16xf32>,
        %gather3A_700 = tpu.vector_load_idx %arg17[%add3A_629, %broadcast_in_dim3A_694] : memref<512x16xf32, #tpu.memory_space<vmem>>[vector<16xi32>, vector<16xi32>], vector<16xf32>,
        %gather3A_701 = tpu.vector_load_idx %arg14[%add3A_629, %broadcast_in_dim3A_696] : memref<512x16xf32, #tpu.memory_space<vmem>>[vector<16xi32>, vector<16xi32>], vector<16xf32>,
        %gather3A_702 = tpu.vector_load_idx %arg15[%add3A_629, %broadcast_in_dim3A_696] : memref<512x16xf32, #tpu.memory_space<vmem>>[vector<16xi32>, vector<16xi32>], vector<16xf32>,
        %gather3A_703 = tpu.vector_load_idx %arg16[%add3A_629, %broadcast_in_dim3A_696] : memref<512x16xf32, #tpu.memory_space<vmem>>[vector<16xi32>, vector<16xi32>], vector<16xf32>,
        %gather3A_704 = tpu.vector_load_idx %arg17[%add3A_629, %broadcast_in_dim3A_696] : memref<512x16xf32, #tpu.memory_space<vmem>>[vector<16xi32>, vector<16xi32>], vector<16xf32>,
        %mul3A_705 = arith.mulf %gather3A_697, %mul3A_624 : vector<16xf32>
        %mul3A_706 = arith.mulf %gather3A_698, %mul3A_625 : vector<16xf32>
        %add3A_707 = arith.addf %mul3A_705, %mul3A_706 : vector<16xf32>
        %mul3A_708 = arith.mulf %gather3A_699, %mul3A_626 : vector<16xf32>
        %add3A_709 = arith.addf %add3A_707, %mul3A_708 : vector<16xf32>
        %mul3A_710 = arith.mulf %gather3A_700, %mul3A_627 : vector<16xf32>
        %add3A_711 = arith.addf %add3A_709, %mul3A_710 : vector<16xf32>
        %mul3A_712 = arith.mulf %add3A_711, %sub3A_617 : vector<16xf32>
        %mul3A_713 = arith.mulf %gather3A_701, %mul3A_624 : vector<16xf32>
        %mul3A_714 = arith.mulf %gather3A_702, %mul3A_625 : vector<16xf32>
        %add3A_715 = arith.addf %mul3A_713, %mul3A_714 : vector<16xf32>
        %mul3A_716 = arith.mulf %gather3A_703, %mul3A_626 : vector<16xf32>
        %add3A_717 = arith.addf %add3A_715, %mul3A_716 : vector<16xf32>
        %mul3A_718 = arith.mulf %gather3A_704, %mul3A_627 : vector<16xf32>
        %add3A_719 = arith.addf %add3A_717, %mul3A_718 : vector<16xf32>
        %mul3A_720 = arith.mulf %add3A_719, %sub3A : vector<16xf32>
        %add3A_721 = arith.addf %mul3A_712, %mul3A_720 : vector<16xf32>
        %swap3A_722 = arith.constant 2 : i32
        %swap3A_723 = arith.index_cast %swap3A_722 : i32 to index
        %swap3A_724 = arith.index_cast %add3A_574 : i32 to index
        %swap3A_725 = tpu.vector_load %arg18[%swap3A_723, %swap3A_724] {strides = array<i32>} : memref<8x512xf32, #tpu.memory_space<vmem>>, vector<16xf32>,
        tpu.vector_store %arg18[%swap3A_723, %swap3A_724], %add3A_721 {strides = array<i32>} : memref<8x512xf32, #tpu.memory_space<vmem>>, vector<16xf32>,
        %broadcast_in_dim3A_726 = arith.constant 3 : i32
        %broadcast_in_dim3A_727 = vector.broadcast %broadcast_in_dim3A_726 : i32 to vector<16xi32>
        %broadcast_in_dim3A_728 = arith.constant 11 : i32
        %broadcast_in_dim3A_729 = vector.broadcast %broadcast_in_dim3A_728 : i32 to vector<16xi32>
        %gather3A_730 = tpu.vector_load_idx %arg14[%add3A_629, %broadcast_in_dim3A_727] : memref<512x16xf32, #tpu.memory_space<vmem>>[vector<16xi32>, vector<16xi32>], vector<16xf32>,
        %gather3A_731 = tpu.vector_load_idx %arg15[%add3A_629, %broadcast_in_dim3A_727] : memref<512x16xf32, #tpu.memory_space<vmem>>[vector<16xi32>, vector<16xi32>], vector<16xf32>,
        %gather3A_732 = tpu.vector_load_idx %arg16[%add3A_629, %broadcast_in_dim3A_727] : memref<512x16xf32, #tpu.memory_space<vmem>>[vector<16xi32>, vector<16xi32>], vector<16xf32>,
        %gather3A_733 = tpu.vector_load_idx %arg17[%add3A_629, %broadcast_in_dim3A_727] : memref<512x16xf32, #tpu.memory_space<vmem>>[vector<16xi32>, vector<16xi32>], vector<16xf32>,
        %gather3A_734 = tpu.vector_load_idx %arg14[%add3A_629, %broadcast_in_dim3A_729] : memref<512x16xf32, #tpu.memory_space<vmem>>[vector<16xi32>, vector<16xi32>], vector<16xf32>,
        %gather3A_735 = tpu.vector_load_idx %arg15[%add3A_629, %broadcast_in_dim3A_729] : memref<512x16xf32, #tpu.memory_space<vmem>>[vector<16xi32>, vector<16xi32>], vector<16xf32>,
        %gather3A_736 = tpu.vector_load_idx %arg16[%add3A_629, %broadcast_in_dim3A_729] : memref<512x16xf32, #tpu.memory_space<vmem>>[vector<16xi32>, vector<16xi32>], vector<16xf32>,
        %gather3A_737 = tpu.vector_load_idx %arg17[%add3A_629, %broadcast_in_dim3A_729] : memref<512x16xf32, #tpu.memory_space<vmem>>[vector<16xi32>, vector<16xi32>], vector<16xf32>,
        %mul3A_738 = arith.mulf %gather3A_730, %mul3A_624 : vector<16xf32>
        %mul3A_739 = arith.mulf %gather3A_731, %mul3A_625 : vector<16xf32>
        %add3A_740 = arith.addf %mul3A_738, %mul3A_739 : vector<16xf32>
        %mul3A_741 = arith.mulf %gather3A_732, %mul3A_626 : vector<16xf32>
        %add3A_742 = arith.addf %add3A_740, %mul3A_741 : vector<16xf32>
        %mul3A_743 = arith.mulf %gather3A_733, %mul3A_627 : vector<16xf32>
        %add3A_744 = arith.addf %add3A_742, %mul3A_743 : vector<16xf32>
        %mul3A_745 = arith.mulf %add3A_744, %sub3A_617 : vector<16xf32>
        %mul3A_746 = arith.mulf %gather3A_734, %mul3A_624 : vector<16xf32>
        %mul3A_747 = arith.mulf %gather3A_735, %mul3A_625 : vector<16xf32>
        %add3A_748 = arith.addf %mul3A_746, %mul3A_747 : vector<16xf32>
        %mul3A_749 = arith.mulf %gather3A_736, %mul3A_626 : vector<16xf32>
        %add3A_750 = arith.addf %add3A_748, %mul3A_749 : vector<16xf32>
        %mul3A_751 = arith.mulf %gather3A_737, %mul3A_627 : vector<16xf32>
        %add3A_752 = arith.addf %add3A_750, %mul3A_751 : vector<16xf32>
        %mul3A_753 = arith.mulf %add3A_752, %sub3A : vector<16xf32>
        %add3A_754 = arith.addf %mul3A_745, %mul3A_753 : vector<16xf32>
        %swap3A_755 = arith.constant 3 : i32
        %swap3A_756 = arith.index_cast %swap3A_755 : i32 to index
        %swap3A_757 = arith.index_cast %add3A_574 : i32 to index
        %swap3A_758 = tpu.vector_load %arg18[%swap3A_756, %swap3A_757] {strides = array<i32>} : memref<8x512xf32, #tpu.memory_space<vmem>>, vector<16xf32>,
        tpu.vector_store %arg18[%swap3A_756, %swap3A_757], %add3A_754 {strides = array<i32>} : memref<8x512xf32, #tpu.memory_space<vmem>>, vector<16xf32>,
        %broadcast_in_dim3A_759 = arith.constant 4 : i32
        %broadcast_in_dim3A_760 = vector.broadcast %broadcast_in_dim3A_759 : i32 to vector<16xi32>
        %broadcast_in_dim3A_761 = arith.constant 12 : i32
        %broadcast_in_dim3A_762 = vector.broadcast %broadcast_in_dim3A_761 : i32 to vector<16xi32>
        %gather3A_763 = tpu.vector_load_idx %arg14[%add3A_629, %broadcast_in_dim3A_760] : memref<512x16xf32, #tpu.memory_space<vmem>>[vector<16xi32>, vector<16xi32>], vector<16xf32>,
        %gather3A_764 = tpu.vector_load_idx %arg15[%add3A_629, %broadcast_in_dim3A_760] : memref<512x16xf32, #tpu.memory_space<vmem>>[vector<16xi32>, vector<16xi32>], vector<16xf32>,
        %gather3A_765 = tpu.vector_load_idx %arg16[%add3A_629, %broadcast_in_dim3A_760] : memref<512x16xf32, #tpu.memory_space<vmem>>[vector<16xi32>, vector<16xi32>], vector<16xf32>,
        %gather3A_766 = tpu.vector_load_idx %arg17[%add3A_629, %broadcast_in_dim3A_760] : memref<512x16xf32, #tpu.memory_space<vmem>>[vector<16xi32>, vector<16xi32>], vector<16xf32>,
        %gather3A_767 = tpu.vector_load_idx %arg14[%add3A_629, %broadcast_in_dim3A_762] : memref<512x16xf32, #tpu.memory_space<vmem>>[vector<16xi32>, vector<16xi32>], vector<16xf32>,
        %gather3A_768 = tpu.vector_load_idx %arg15[%add3A_629, %broadcast_in_dim3A_762] : memref<512x16xf32, #tpu.memory_space<vmem>>[vector<16xi32>, vector<16xi32>], vector<16xf32>,
        %gather3A_769 = tpu.vector_load_idx %arg16[%add3A_629, %broadcast_in_dim3A_762] : memref<512x16xf32, #tpu.memory_space<vmem>>[vector<16xi32>, vector<16xi32>], vector<16xf32>,
        %gather3A_770 = tpu.vector_load_idx %arg17[%add3A_629, %broadcast_in_dim3A_762] : memref<512x16xf32, #tpu.memory_space<vmem>>[vector<16xi32>, vector<16xi32>], vector<16xf32>,
        %mul3A_771 = arith.mulf %gather3A_763, %mul3A_624 : vector<16xf32>
        %mul3A_772 = arith.mulf %gather3A_764, %mul3A_625 : vector<16xf32>
        %add3A_773 = arith.addf %mul3A_771, %mul3A_772 : vector<16xf32>
        %mul3A_774 = arith.mulf %gather3A_765, %mul3A_626 : vector<16xf32>
        %add3A_775 = arith.addf %add3A_773, %mul3A_774 : vector<16xf32>
        %mul3A_776 = arith.mulf %gather3A_766, %mul3A_627 : vector<16xf32>
        %add3A_777 = arith.addf %add3A_775, %mul3A_776 : vector<16xf32>
        %mul3A_778 = arith.mulf %add3A_777, %sub3A_617 : vector<16xf32>
        %mul3A_779 = arith.mulf %gather3A_767, %mul3A_624 : vector<16xf32>
        %mul3A_780 = arith.mulf %gather3A_768, %mul3A_625 : vector<16xf32>
        %add3A_781 = arith.addf %mul3A_779, %mul3A_780 : vector<16xf32>
        %mul3A_782 = arith.mulf %gather3A_769, %mul3A_626 : vector<16xf32>
        %add3A_783 = arith.addf %add3A_781, %mul3A_782 : vector<16xf32>
        %mul3A_784 = arith.mulf %gather3A_770, %mul3A_627 : vector<16xf32>
        %add3A_785 = arith.addf %add3A_783, %mul3A_784 : vector<16xf32>
        %mul3A_786 = arith.mulf %add3A_785, %sub3A : vector<16xf32>
        %add3A_787 = arith.addf %mul3A_778, %mul3A_786 : vector<16xf32>
        %swap3A_788 = arith.constant 4 : i32
        %swap3A_789 = arith.index_cast %swap3A_788 : i32 to index
        %swap3A_790 = arith.index_cast %add3A_574 : i32 to index
        %swap3A_791 = tpu.vector_load %arg18[%swap3A_789, %swap3A_790] {strides = array<i32>} : memref<8x512xf32, #tpu.memory_space<vmem>>, vector<16xf32>,
        tpu.vector_store %arg18[%swap3A_789, %swap3A_790], %add3A_787 {strides = array<i32>} : memref<8x512xf32, #tpu.memory_space<vmem>>, vector<16xf32>,
        %broadcast_in_dim3A_792 = arith.constant 5 : i32
        %broadcast_in_dim3A_793 = vector.broadcast %broadcast_in_dim3A_792 : i32 to vector<16xi32>
        %broadcast_in_dim3A_794 = arith.constant 13 : i32
        %broadcast_in_dim3A_795 = vector.broadcast %broadcast_in_dim3A_794 : i32 to vector<16xi32>
        %gather3A_796 = tpu.vector_load_idx %arg14[%add3A_629, %broadcast_in_dim3A_793] : memref<512x16xf32, #tpu.memory_space<vmem>>[vector<16xi32>, vector<16xi32>], vector<16xf32>,
        %gather3A_797 = tpu.vector_load_idx %arg15[%add3A_629, %broadcast_in_dim3A_793] : memref<512x16xf32, #tpu.memory_space<vmem>>[vector<16xi32>, vector<16xi32>], vector<16xf32>,
        %gather3A_798 = tpu.vector_load_idx %arg16[%add3A_629, %broadcast_in_dim3A_793] : memref<512x16xf32, #tpu.memory_space<vmem>>[vector<16xi32>, vector<16xi32>], vector<16xf32>,
        %gather3A_799 = tpu.vector_load_idx %arg17[%add3A_629, %broadcast_in_dim3A_793] : memref<512x16xf32, #tpu.memory_space<vmem>>[vector<16xi32>, vector<16xi32>], vector<16xf32>,
        %gather3A_800 = tpu.vector_load_idx %arg14[%add3A_629, %broadcast_in_dim3A_795] : memref<512x16xf32, #tpu.memory_space<vmem>>[vector<16xi32>, vector<16xi32>], vector<16xf32>,
        %gather3A_801 = tpu.vector_load_idx %arg15[%add3A_629, %broadcast_in_dim3A_795] : memref<512x16xf32, #tpu.memory_space<vmem>>[vector<16xi32>, vector<16xi32>], vector<16xf32>,
        %gather3A_802 = tpu.vector_load_idx %arg16[%add3A_629, %broadcast_in_dim3A_795] : memref<512x16xf32, #tpu.memory_space<vmem>>[vector<16xi32>, vector<16xi32>], vector<16xf32>,
        %gather3A_803 = tpu.vector_load_idx %arg17[%add3A_629, %broadcast_in_dim3A_795] : memref<512x16xf32, #tpu.memory_space<vmem>>[vector<16xi32>, vector<16xi32>], vector<16xf32>,
        %mul3A_804 = arith.mulf %gather3A_796, %mul3A_624 : vector<16xf32>
        %mul3A_805 = arith.mulf %gather3A_797, %mul3A_625 : vector<16xf32>
        %add3A_806 = arith.addf %mul3A_804, %mul3A_805 : vector<16xf32>
        %mul3A_807 = arith.mulf %gather3A_798, %mul3A_626 : vector<16xf32>
        %add3A_808 = arith.addf %add3A_806, %mul3A_807 : vector<16xf32>
        %mul3A_809 = arith.mulf %gather3A_799, %mul3A_627 : vector<16xf32>
        %add3A_810 = arith.addf %add3A_808, %mul3A_809 : vector<16xf32>
        %mul3A_811 = arith.mulf %add3A_810, %sub3A_617 : vector<16xf32>
        %mul3A_812 = arith.mulf %gather3A_800, %mul3A_624 : vector<16xf32>
        %mul3A_813 = arith.mulf %gather3A_801, %mul3A_625 : vector<16xf32>
        %add3A_814 = arith.addf %mul3A_812, %mul3A_813 : vector<16xf32>
        %mul3A_815 = arith.mulf %gather3A_802, %mul3A_626 : vector<16xf32>
        %add3A_816 = arith.addf %add3A_814, %mul3A_815 : vector<16xf32>
        %mul3A_817 = arith.mulf %gather3A_803, %mul3A_627 : vector<16xf32>
        %add3A_818 = arith.addf %add3A_816, %mul3A_817 : vector<16xf32>
        %mul3A_819 = arith.mulf %add3A_818, %sub3A : vector<16xf32>
        %add3A_820 = arith.addf %mul3A_811, %mul3A_819 : vector<16xf32>
        %swap3A_821 = arith.constant 5 : i32
        %swap3A_822 = arith.index_cast %swap3A_821 : i32 to index
        %swap3A_823 = arith.index_cast %add3A_574 : i32 to index
        %swap3A_824 = tpu.vector_load %arg18[%swap3A_822, %swap3A_823] {strides = array<i32>} : memref<8x512xf32, #tpu.memory_space<vmem>>, vector<16xf32>,
        tpu.vector_store %arg18[%swap3A_822, %swap3A_823], %add3A_820 {strides = array<i32>} : memref<8x512xf32, #tpu.memory_space<vmem>>, vector<16xf32>,
        %broadcast_in_dim3A_825 = arith.constant 6 : i32
        %broadcast_in_dim3A_826 = vector.broadcast %broadcast_in_dim3A_825 : i32 to vector<16xi32>
        %broadcast_in_dim3A_827 = arith.constant 14 : i32
        %broadcast_in_dim3A_828 = vector.broadcast %broadcast_in_dim3A_827 : i32 to vector<16xi32>
        %gather3A_829 = tpu.vector_load_idx %arg14[%add3A_629, %broadcast_in_dim3A_826] : memref<512x16xf32, #tpu.memory_space<vmem>>[vector<16xi32>, vector<16xi32>], vector<16xf32>,
        %gather3A_830 = tpu.vector_load_idx %arg15[%add3A_629, %broadcast_in_dim3A_826] : memref<512x16xf32, #tpu.memory_space<vmem>>[vector<16xi32>, vector<16xi32>], vector<16xf32>,
        %gather3A_831 = tpu.vector_load_idx %arg16[%add3A_629, %broadcast_in_dim3A_826] : memref<512x16xf32, #tpu.memory_space<vmem>>[vector<16xi32>, vector<16xi32>], vector<16xf32>,
        %gather3A_832 = tpu.vector_load_idx %arg17[%add3A_629, %broadcast_in_dim3A_826] : memref<512x16xf32, #tpu.memory_space<vmem>>[vector<16xi32>, vector<16xi32>], vector<16xf32>,
        %gather3A_833 = tpu.vector_load_idx %arg14[%add3A_629, %broadcast_in_dim3A_828] : memref<512x16xf32, #tpu.memory_space<vmem>>[vector<16xi32>, vector<16xi32>], vector<16xf32>,
        %gather3A_834 = tpu.vector_load_idx %arg15[%add3A_629, %broadcast_in_dim3A_828] : memref<512x16xf32, #tpu.memory_space<vmem>>[vector<16xi32>, vector<16xi32>], vector<16xf32>,
        %gather3A_835 = tpu.vector_load_idx %arg16[%add3A_629, %broadcast_in_dim3A_828] : memref<512x16xf32, #tpu.memory_space<vmem>>[vector<16xi32>, vector<16xi32>], vector<16xf32>,
        %gather3A_836 = tpu.vector_load_idx %arg17[%add3A_629, %broadcast_in_dim3A_828] : memref<512x16xf32, #tpu.memory_space<vmem>>[vector<16xi32>, vector<16xi32>], vector<16xf32>,
        %mul3A_837 = arith.mulf %gather3A_829, %mul3A_624 : vector<16xf32>
        %mul3A_838 = arith.mulf %gather3A_830, %mul3A_625 : vector<16xf32>
        %add3A_839 = arith.addf %mul3A_837, %mul3A_838 : vector<16xf32>
        %mul3A_840 = arith.mulf %gather3A_831, %mul3A_626 : vector<16xf32>
        %add3A_841 = arith.addf %add3A_839, %mul3A_840 : vector<16xf32>
        %mul3A_842 = arith.mulf %gather3A_832, %mul3A_627 : vector<16xf32>
        %add3A_843 = arith.addf %add3A_841, %mul3A_842 : vector<16xf32>
        %mul3A_844 = arith.mulf %add3A_843, %sub3A_617 : vector<16xf32>
        %mul3A_845 = arith.mulf %gather3A_833, %mul3A_624 : vector<16xf32>
        %mul3A_846 = arith.mulf %gather3A_834, %mul3A_625 : vector<16xf32>
        %add3A_847 = arith.addf %mul3A_845, %mul3A_846 : vector<16xf32>
        %mul3A_848 = arith.mulf %gather3A_835, %mul3A_626 : vector<16xf32>
        %add3A_849 = arith.addf %add3A_847, %mul3A_848 : vector<16xf32>
        %mul3A_850 = arith.mulf %gather3A_836, %mul3A_627 : vector<16xf32>
        %add3A_851 = arith.addf %add3A_849, %mul3A_850 : vector<16xf32>
        %mul3A_852 = arith.mulf %add3A_851, %sub3A : vector<16xf32>
        %add3A_853 = arith.addf %mul3A_844, %mul3A_852 : vector<16xf32>
        %swap3A_854 = arith.constant 6 : i32
        %swap3A_855 = arith.index_cast %swap3A_854 : i32 to index
        %swap3A_856 = arith.index_cast %add3A_574 : i32 to index
        %swap3A_857 = tpu.vector_load %arg18[%swap3A_855, %swap3A_856] {strides = array<i32>} : memref<8x512xf32, #tpu.memory_space<vmem>>, vector<16xf32>,
        tpu.vector_store %arg18[%swap3A_855, %swap3A_856], %add3A_853 {strides = array<i32>} : memref<8x512xf32, #tpu.memory_space<vmem>>, vector<16xf32>,
        %broadcast_in_dim3A_858 = arith.constant 7 : i32
        %broadcast_in_dim3A_859 = vector.broadcast %broadcast_in_dim3A_858 : i32 to vector<16xi32>
        %broadcast_in_dim3A_860 = arith.constant 15 : i32
        %broadcast_in_dim3A_861 = vector.broadcast %broadcast_in_dim3A_860 : i32 to vector<16xi32>
        %gather3A_862 = tpu.vector_load_idx %arg14[%add3A_629, %broadcast_in_dim3A_859] : memref<512x16xf32, #tpu.memory_space<vmem>>[vector<16xi32>, vector<16xi32>], vector<16xf32>,
        %gather3A_863 = tpu.vector_load_idx %arg15[%add3A_629, %broadcast_in_dim3A_859] : memref<512x16xf32, #tpu.memory_space<vmem>>[vector<16xi32>, vector<16xi32>], vector<16xf32>,
        %gather3A_864 = tpu.vector_load_idx %arg16[%add3A_629, %broadcast_in_dim3A_859] : memref<512x16xf32, #tpu.memory_space<vmem>>[vector<16xi32>, vector<16xi32>], vector<16xf32>,
        %gather3A_865 = tpu.vector_load_idx %arg17[%add3A_629, %broadcast_in_dim3A_859] : memref<512x16xf32, #tpu.memory_space<vmem>>[vector<16xi32>, vector<16xi32>], vector<16xf32>,
        %gather3A_866 = tpu.vector_load_idx %arg14[%add3A_629, %broadcast_in_dim3A_861] : memref<512x16xf32, #tpu.memory_space<vmem>>[vector<16xi32>, vector<16xi32>], vector<16xf32>,
        %gather3A_867 = tpu.vector_load_idx %arg15[%add3A_629, %broadcast_in_dim3A_861] : memref<512x16xf32, #tpu.memory_space<vmem>>[vector<16xi32>, vector<16xi32>], vector<16xf32>,
        %gather3A_868 = tpu.vector_load_idx %arg16[%add3A_629, %broadcast_in_dim3A_861] : memref<512x16xf32, #tpu.memory_space<vmem>>[vector<16xi32>, vector<16xi32>], vector<16xf32>,
        %gather3A_869 = tpu.vector_load_idx %arg17[%add3A_629, %broadcast_in_dim3A_861] : memref<512x16xf32, #tpu.memory_space<vmem>>[vector<16xi32>, vector<16xi32>], vector<16xf32>,
        %mul3A_870 = arith.mulf %gather3A_862, %mul3A_624 : vector<16xf32>
        %mul3A_871 = arith.mulf %gather3A_863, %mul3A_625 : vector<16xf32>
        %add3A_872 = arith.addf %mul3A_870, %mul3A_871 : vector<16xf32>
        %mul3A_873 = arith.mulf %gather3A_864, %mul3A_626 : vector<16xf32>
        %add3A_874 = arith.addf %add3A_872, %mul3A_873 : vector<16xf32>
        %mul3A_875 = arith.mulf %gather3A_865, %mul3A_627 : vector<16xf32>
        %add3A_876 = arith.addf %add3A_874, %mul3A_875 : vector<16xf32>
        %mul3A_877 = arith.mulf %add3A_876, %sub3A_617 : vector<16xf32>
        %mul3A_878 = arith.mulf %gather3A_866, %mul3A_624 : vector<16xf32>
        %mul3A_879 = arith.mulf %gather3A_867, %mul3A_625 : vector<16xf32>
        %add3A_880 = arith.addf %mul3A_878, %mul3A_879 : vector<16xf32>
        %mul3A_881 = arith.mulf %gather3A_868, %mul3A_626 : vector<16xf32>
        %add3A_882 = arith.addf %add3A_880, %mul3A_881 : vector<16xf32>
        %mul3A_883 = arith.mulf %gather3A_869, %mul3A_627 : vector<16xf32>
        %add3A_884 = arith.addf %add3A_882, %mul3A_883 : vector<16xf32>
        %mul3A_885 = arith.mulf %add3A_884, %sub3A : vector<16xf32>
        %add3A_886 = arith.addf %mul3A_877, %mul3A_885 : vector<16xf32>
        %swap3A_887 = arith.constant 7 : i32
        %swap3A_888 = arith.index_cast %swap3A_887 : i32 to index
        %swap3A_889 = arith.index_cast %add3A_574 : i32 to index
        %swap3A_890 = tpu.vector_load %arg18[%swap3A_888, %swap3A_889] {strides = array<i32>} : memref<8x512xf32, #tpu.memory_space<vmem>>, vector<16xf32>,
        tpu.vector_store %arg18[%swap3A_888, %swap3A_889], %add3A_886 {strides = array<i32>} : memref<8x512xf32, #tpu.memory_space<vmem>>, vector<16xf32>,
      }
      %scan3A_454 = arith.constant 8 : i32
      %scan3A_455 = arith.constant 0 : i32
      %scan3A_456 = arith.constant 8 : i32
      %scan3A_457 = arith.addi %scan3A_455, %scan3A_456 : i32
      %scan3A_458 = arith.constant 1 : i32
      scf.for %scan3A_566 = %scan3A_455 to %scan3A_457 step %scan3A_458  : i32 {
        %mul3A_567 = arith.constant 1 : i32
        %mul3A_568 = arith.muli %scan3A_566, %mul3A_567 : i32
        %add3A_569 = arith.constant 0 : i32
        %add3A_570 = arith.addi %add3A_569, %mul3A_568 : i32
        %mul3A_571 = arith.constant 16 : i32
        %mul3A_572 = arith.muli %add3A_570, %mul3A_571 : i32
        %add3A_573 = arith.constant 128 : i32
        %add3A_574 = arith.addi %add3A_573, %mul3A_572 : i32
        %get3A = arith.index_cast %add3A_574 : i32 to index
        %get3A_575 = tpu.vector_load %arg7[%get3A] {strides = array<i32>} : memref<512xf32, #tpu.memory_space<vmem>>, vector<16xf32>,
        %get3A_576 = arith.index_cast %add3A_574 : i32 to index
        %get3A_577 = tpu.vector_load %arg8[%get3A_576] {strides = array<i32>} : memref<512xf32, #tpu.memory_space<vmem>>, vector<16xf32>,
        %get3A_578 = arith.index_cast %add3A_574 : i32 to index
        %get3A_579 = tpu.vector_load %arg9[%get3A_578] {strides = array<i32>} : memref<512xf32, #tpu.memory_space<vmem>>, vector<16xf32>,
        %add3A_580 = arith.constant 1.000000e+00 : f32
        %add3A_581 = vector.broadcast %add3A_580 : f32 to vector<16xf32>
        %add3A_582 = arith.addf %get3A_575, %add3A_581 : vector<16xf32>
        %mul3A_583 = arith.constant 5.000000e-01 : f32
        %mul3A_584 = vector.broadcast %mul3A_583 : f32 to vector<16xf32>
        %mul3A_585 = arith.mulf %add3A_582, %mul3A_584 : vector<16xf32>
        %mul3A_586 = arith.constant 1.270000e+02 : f32
        %mul3A_587 = vector.broadcast %mul3A_586 : f32 to vector<16xf32>
        %mul3A_588 = arith.mulf %mul3A_585, %mul3A_587 : vector<16xf32>
        %add3A_589 = arith.constant 1.000000e+00 : f32
        %add3A_590 = vector.broadcast %add3A_589 : f32 to vector<16xf32>
        %add3A_591 = arith.addf %get3A_577, %add3A_590 : vector<16xf32>
        %mul3A_592 = arith.constant 5.000000e-01 : f32
        %mul3A_593 = vector.broadcast %mul3A_592 : f32 to vector<16xf32>
        %mul3A_594 = arith.mulf %add3A_591, %mul3A_593 : vector<16xf32>
        %mul3A_595 = arith.constant 1.270000e+02 : f32
        %mul3A_596 = vector.broadcast %mul3A_595 : f32 to vector<16xf32>
        %mul3A_597 = arith.mulf %mul3A_594, %mul3A_596 : vector<16xf32>
        %add3A_598 = arith.constant 1.000000e+00 : f32
        %add3A_599 = vector.broadcast %add3A_598 : f32 to vector<16xf32>
        %add3A_600 = arith.addf %get3A_579, %add3A_599 : vector<16xf32>
        %mul3A_601 = arith.constant 5.000000e-01 : f32
        %mul3A_602 = vector.broadcast %mul3A_601 : f32 to vector<16xf32>
        %mul3A_603 = arith.mulf %add3A_600, %mul3A_602 : vector<16xf32>
        %mul3A_604 = arith.constant 1.270000e+02 : f32
        %mul3A_605 = vector.broadcast %mul3A_604 : f32 to vector<16xf32>
        %mul3A_606 = arith.mulf %mul3A_603, %mul3A_605 : vector<16xf32>
        %convert_element_type3A_607 = arith.fptosi %mul3A_588 : vector<16xf32> to vector<16xi32>
        %convert_element_type3A_608 = arith.sitofp %convert_element_type3A_607 : vector<16xi32> to vector<16xf32>
        %sub3A = arith.subf %mul3A_588, %convert_element_type3A_608 : vector<16xf32>
        %convert_element_type3A_609 = arith.fptosi %mul3A_597 : vector<16xf32> to vector<16xi32>
        %convert_element_type3A_610 = arith.sitofp %convert_element_type3A_609 : vector<16xi32> to vector<16xf32>
        %sub3A_611 = arith.subf %mul3A_597, %convert_element_type3A_610 : vector<16xf32>
        %convert_element_type3A_612 = arith.fptosi %mul3A_606 : vector<16xf32> to vector<16xi32>
        %convert_element_type3A_613 = arith.sitofp %convert_element_type3A_612 : vector<16xi32> to vector<16xf32>
        %sub3A_614 = arith.subf %mul3A_606, %convert_element_type3A_613 : vector<16xf32>
        %sub3A_615 = arith.constant 1.000000e+00 : f32
        %sub3A_616 = vector.broadcast %sub3A_615 : f32 to vector<16xf32>
        %sub3A_617 = arith.subf %sub3A_616, %sub3A : vector<16xf32>
        %sub3A_618 = arith.constant 1.000000e+00 : f32
        %sub3A_619 = vector.broadcast %sub3A_618 : f32 to vector<16xf32>
        %sub3A_620 = arith.subf %sub3A_619, %sub3A_611 : vector<16xf32>
        %sub3A_621 = arith.constant 1.000000e+00 : f32
        %sub3A_622 = vector.broadcast %sub3A_621 : f32 to vector<16xf32>
        %sub3A_623 = arith.subf %sub3A_622, %sub3A_614 : vector<16xf32>
        %mul3A_624 = arith.mulf %sub3A_623, %sub3A_620 : vector<16xf32>
        %mul3A_625 = arith.mulf %sub3A_623, %sub3A_611 : vector<16xf32>
        %mul3A_626 = arith.mulf %sub3A_614, %sub3A_620 : vector<16xf32>
        %mul3A_627 = arith.mulf %sub3A_614, %sub3A_611 : vector<16xf32>
        %add3A_628 = vector.broadcast %add3A_574 : i32 to vector<16xi32>
        %add3A_629 = arith.addi %add3A_628, %iota3A : vector<16xi32>
        %broadcast_in_dim3A = arith.constant 0 : i32
        %broadcast_in_dim3A_630 = vector.broadcast %broadcast_in_dim3A : i32 to vector<16xi32>
        %broadcast_in_dim3A_631 = arith.constant 8 : i32
        %broadcast_in_dim3A_632 = vector.broadcast %broadcast_in_dim3A_631 : i32 to vector<16xi32>
        %gather3A = tpu.vector_load_idx %arg14[%add3A_629, %broadcast_in_dim3A_630] : memref<512x16xf32, #tpu.memory_space<vmem>>[vector<16xi32>, vector<16xi32>], vector<16xf32>,
        %gather3A_633 = tpu.vector_load_idx %arg15[%add3A_629, %broadcast_in_dim3A_630] : memref<512x16xf32, #tpu.memory_space<vmem>>[vector<16xi32>, vector<16xi32>], vector<16xf32>,
        %gather3A_634 = tpu.vector_load_idx %arg16[%add3A_629, %broadcast_in_dim3A_630] : memref<512x16xf32, #tpu.memory_space<vmem>>[vector<16xi32>, vector<16xi32>], vector<16xf32>,
        %gather3A_635 = tpu.vector_load_idx %arg17[%add3A_629, %broadcast_in_dim3A_630] : memref<512x16xf32, #tpu.memory_space<vmem>>[vector<16xi32>, vector<16xi32>], vector<16xf32>,
        %gather3A_636 = tpu.vector_load_idx %arg14[%add3A_629, %broadcast_in_dim3A_632] : memref<512x16xf32, #tpu.memory_space<vmem>>[vector<16xi32>, vector<16xi32>], vector<16xf32>,
        %gather3A_637 = tpu.vector_load_idx %arg15[%add3A_629, %broadcast_in_dim3A_632] : memref<512x16xf32, #tpu.memory_space<vmem>>[vector<16xi32>, vector<16xi32>], vector<16xf32>,
        %gather3A_638 = tpu.vector_load_idx %arg16[%add3A_629, %broadcast_in_dim3A_632] : memref<512x16xf32, #tpu.memory_space<vmem>>[vector<16xi32>, vector<16xi32>], vector<16xf32>,
        %gather3A_639 = tpu.vector_load_idx %arg17[%add3A_629, %broadcast_in_dim3A_632] : memref<512x16xf32, #tpu.memory_space<vmem>>[vector<16xi32>, vector<16xi32>], vector<16xf32>,
        %mul3A_640 = arith.mulf %gather3A, %mul3A_624 : vector<16xf32>
        %mul3A_641 = arith.mulf %gather3A_633, %mul3A_625 : vector<16xf32>
        %add3A_642 = arith.addf %mul3A_640, %mul3A_641 : vector<16xf32>
        %mul3A_643 = arith.mulf %gather3A_634, %mul3A_626 : vector<16xf32>
        %add3A_644 = arith.addf %add3A_642, %mul3A_643 : vector<16xf32>
        %mul3A_645 = arith.mulf %gather3A_635, %mul3A_627 : vector<16xf32>
        %add3A_646 = arith.addf %add3A_644, %mul3A_645 : vector<16xf32>
        %mul3A_647 = arith.mulf %add3A_646, %sub3A_617 : vector<16xf32>
        %mul3A_648 = arith.mulf %gather3A_636, %mul3A_624 : vector<16xf32>
        %mul3A_649 = arith.mulf %gather3A_637, %mul3A_625 : vector<16xf32>
        %add3A_650 = arith.addf %mul3A_648, %mul3A_649 : vector<16xf32>
        %mul3A_651 = arith.mulf %gather3A_638, %mul3A_626 : vector<16xf32>
        %add3A_652 = arith.addf %add3A_650, %mul3A_651 : vector<16xf32>
        %mul3A_653 = arith.mulf %gather3A_639, %mul3A_627 : vector<16xf32>
        %add3A_654 = arith.addf %add3A_652, %mul3A_653 : vector<16xf32>
        %mul3A_655 = arith.mulf %add3A_654, %sub3A : vector<16xf32>
        %add3A_656 = arith.addf %mul3A_647, %mul3A_655 : vector<16xf32>
        %swap3A = arith.constant 0 : i32
        %swap3A_657 = arith.index_cast %swap3A : i32 to index
        %swap3A_658 = arith.index_cast %add3A_574 : i32 to index
        %swap3A_659 = tpu.vector_load %arg18[%swap3A_657, %swap3A_658] {strides = array<i32>} : memref<8x512xf32, #tpu.memory_space<vmem>>, vector<16xf32>,
        tpu.vector_store %arg18[%swap3A_657, %swap3A_658], %add3A_656 {strides = array<i32>} : memref<8x512xf32, #tpu.memory_space<vmem>>, vector<16xf32>,
        %broadcast_in_dim3A_660 = arith.constant 1 : i32
        %broadcast_in_dim3A_661 = vector.broadcast %broadcast_in_dim3A_660 : i32 to vector<16xi32>
        %broadcast_in_dim3A_662 = arith.constant 9 : i32
        %broadcast_in_dim3A_663 = vector.broadcast %broadcast_in_dim3A_662 : i32 to vector<16xi32>
        %gather3A_664 = tpu.vector_load_idx %arg14[%add3A_629, %broadcast_in_dim3A_661] : memref<512x16xf32, #tpu.memory_space<vmem>>[vector<16xi32>, vector<16xi32>], vector<16xf32>,
        %gather3A_665 = tpu.vector_load_idx %arg15[%add3A_629, %broadcast_in_dim3A_661] : memref<512x16xf32, #tpu.memory_space<vmem>>[vector<16xi32>, vector<16xi32>], vector<16xf32>,
        %gather3A_666 = tpu.vector_load_idx %arg16[%add3A_629, %broadcast_in_dim3A_661] : memref<512x16xf32, #tpu.memory_space<vmem>>[vector<16xi32>, vector<16xi32>], vector<16xf32>,
        %gather3A_667 = tpu.vector_load_idx %arg17[%add3A_629, %broadcast_in_dim3A_661] : memref<512x16xf32, #tpu.memory_space<vmem>>[vector<16xi32>, vector<16xi32>], vector<16xf32>,
        %gather3A_668 = tpu.vector_load_idx %arg14[%add3A_629, %broadcast_in_dim3A_663] : memref<512x16xf32, #tpu.memory_space<vmem>>[vector<16xi32>, vector<16xi32>], vector<16xf32>,
        %gather3A_669 = tpu.vector_load_idx %arg15[%add3A_629, %broadcast_in_dim3A_663] : memref<512x16xf32, #tpu.memory_space<vmem>>[vector<16xi32>, vector<16xi32>], vector<16xf32>,
        %gather3A_670 = tpu.vector_load_idx %arg16[%add3A_629, %broadcast_in_dim3A_663] : memref<512x16xf32, #tpu.memory_space<vmem>>[vector<16xi32>, vector<16xi32>], vector<16xf32>,
        %gather3A_671 = tpu.vector_load_idx %arg17[%add3A_629, %broadcast_in_dim3A_663] : memref<512x16xf32, #tpu.memory_space<vmem>>[vector<16xi32>, vector<16xi32>], vector<16xf32>,
        %mul3A_672 = arith.mulf %gather3A_664, %mul3A_624 : vector<16xf32>
        %mul3A_673 = arith.mulf %gather3A_665, %mul3A_625 : vector<16xf32>
        %add3A_674 = arith.addf %mul3A_672, %mul3A_673 : vector<16xf32>
        %mul3A_675 = arith.mulf %gather3A_666, %mul3A_626 : vector<16xf32>
        %add3A_676 = arith.addf %add3A_674, %mul3A_675 : vector<16xf32>
        %mul3A_677 = arith.mulf %gather3A_667, %mul3A_627 : vector<16xf32>
        %add3A_678 = arith.addf %add3A_676, %mul3A_677 : vector<16xf32>
        %mul3A_679 = arith.mulf %add3A_678, %sub3A_617 : vector<16xf32>
        %mul3A_680 = arith.mulf %gather3A_668, %mul3A_624 : vector<16xf32>
        %mul3A_681 = arith.mulf %gather3A_669, %mul3A_625 : vector<16xf32>
        %add3A_682 = arith.addf %mul3A_680, %mul3A_681 : vector<16xf32>
        %mul3A_683 = arith.mulf %gather3A_670, %mul3A_626 : vector<16xf32>
        %add3A_684 = arith.addf %add3A_682, %mul3A_683 : vector<16xf32>
        %mul3A_685 = arith.mulf %gather3A_671, %mul3A_627 : vector<16xf32>
        %add3A_686 = arith.addf %add3A_684, %mul3A_685 : vector<16xf32>
        %mul3A_687 = arith.mulf %add3A_686, %sub3A : vector<16xf32>
        %add3A_688 = arith.addf %mul3A_679, %mul3A_687 : vector<16xf32>
        %swap3A_689 = arith.constant 1 : i32
        %swap3A_690 = arith.index_cast %swap3A_689 : i32 to index
        %swap3A_691 = arith.index_cast %add3A_574 : i32 to index
        %swap3A_692 = tpu.vector_load %arg18[%swap3A_690, %swap3A_691] {strides = array<i32>} : memref<8x512xf32, #tpu.memory_space<vmem>>, vector<16xf32>,
        tpu.vector_store %arg18[%swap3A_690, %swap3A_691], %add3A_688 {strides = array<i32>} : memref<8x512xf32, #tpu.memory_space<vmem>>, vector<16xf32>,
        %broadcast_in_dim3A_693 = arith.constant 2 : i32
        %broadcast_in_dim3A_694 = vector.broadcast %broadcast_in_dim3A_693 : i32 to vector<16xi32>
        %broadcast_in_dim3A_695 = arith.constant 10 : i32
        %broadcast_in_dim3A_696 = vector.broadcast %broadcast_in_dim3A_695 : i32 to vector<16xi32>
        %gather3A_697 = tpu.vector_load_idx %arg14[%add3A_629, %broadcast_in_dim3A_694] : memref<512x16xf32, #tpu.memory_space<vmem>>[vector<16xi32>, vector<16xi32>], vector<16xf32>,
        %gather3A_698 = tpu.vector_load_idx %arg15[%add3A_629, %broadcast_in_dim3A_694] : memref<512x16xf32, #tpu.memory_space<vmem>>[vector<16xi32>, vector<16xi32>], vector<16xf32>,
        %gather3A_699 = tpu.vector_load_idx %arg16[%add3A_629, %broadcast_in_dim3A_694] : memref<512x16xf32, #tpu.memory_space<vmem>>[vector<16xi32>, vector<16xi32>], vector<16xf32>,
        %gather3A_700 = tpu.vector_load_idx %arg17[%add3A_629, %broadcast_in_dim3A_694] : memref<512x16xf32, #tpu.memory_space<vmem>>[vector<16xi32>, vector<16xi32>], vector<16xf32>,
        %gather3A_701 = tpu.vector_load_idx %arg14[%add3A_629, %broadcast_in_dim3A_696] : memref<512x16xf32, #tpu.memory_space<vmem>>[vector<16xi32>, vector<16xi32>], vector<16xf32>,
        %gather3A_702 = tpu.vector_load_idx %arg15[%add3A_629, %broadcast_in_dim3A_696] : memref<512x16xf32, #tpu.memory_space<vmem>>[vector<16xi32>, vector<16xi32>], vector<16xf32>,
        %gather3A_703 = tpu.vector_load_idx %arg16[%add3A_629, %broadcast_in_dim3A_696] : memref<512x16xf32, #tpu.memory_space<vmem>>[vector<16xi32>, vector<16xi32>], vector<16xf32>,
        %gather3A_704 = tpu.vector_load_idx %arg17[%add3A_629, %broadcast_in_dim3A_696] : memref<512x16xf32, #tpu.memory_space<vmem>>[vector<16xi32>, vector<16xi32>], vector<16xf32>,
        %mul3A_705 = arith.mulf %gather3A_697, %mul3A_624 : vector<16xf32>
        %mul3A_706 = arith.mulf %gather3A_698, %mul3A_625 : vector<16xf32>
        %add3A_707 = arith.addf %mul3A_705, %mul3A_706 : vector<16xf32>
        %mul3A_708 = arith.mulf %gather3A_699, %mul3A_626 : vector<16xf32>
        %add3A_709 = arith.addf %add3A_707, %mul3A_708 : vector<16xf32>
        %mul3A_710 = arith.mulf %gather3A_700, %mul3A_627 : vector<16xf32>
        %add3A_711 = arith.addf %add3A_709, %mul3A_710 : vector<16xf32>
        %mul3A_712 = arith.mulf %add3A_711, %sub3A_617 : vector<16xf32>
        %mul3A_713 = arith.mulf %gather3A_701, %mul3A_624 : vector<16xf32>
        %mul3A_714 = arith.mulf %gather3A_702, %mul3A_625 : vector<16xf32>
        %add3A_715 = arith.addf %mul3A_713, %mul3A_714 : vector<16xf32>
        %mul3A_716 = arith.mulf %gather3A_703, %mul3A_626 : vector<16xf32>
        %add3A_717 = arith.addf %add3A_715, %mul3A_716 : vector<16xf32>
        %mul3A_718 = arith.mulf %gather3A_704, %mul3A_627 : vector<16xf32>
        %add3A_719 = arith.addf %add3A_717, %mul3A_718 : vector<16xf32>
        %mul3A_720 = arith.mulf %add3A_719, %sub3A : vector<16xf32>
        %add3A_721 = arith.addf %mul3A_712, %mul3A_720 : vector<16xf32>
        %swap3A_722 = arith.constant 2 : i32
        %swap3A_723 = arith.index_cast %swap3A_722 : i32 to index
        %swap3A_724 = arith.index_cast %add3A_574 : i32 to index
        %swap3A_725 = tpu.vector_load %arg18[%swap3A_723, %swap3A_724] {strides = array<i32>} : memref<8x512xf32, #tpu.memory_space<vmem>>, vector<16xf32>,
        tpu.vector_store %arg18[%swap3A_723, %swap3A_724], %add3A_721 {strides = array<i32>} : memref<8x512xf32, #tpu.memory_space<vmem>>, vector<16xf32>,
        %broadcast_in_dim3A_726 = arith.constant 3 : i32
        %broadcast_in_dim3A_727 = vector.broadcast %broadcast_in_dim3A_726 : i32 to vector<16xi32>
        %broadcast_in_dim3A_728 = arith.constant 11 : i32
        %broadcast_in_dim3A_729 = vector.broadcast %broadcast_in_dim3A_728 : i32 to vector<16xi32>
        %gather3A_730 = tpu.vector_load_idx %arg14[%add3A_629, %broadcast_in_dim3A_727] : memref<512x16xf32, #tpu.memory_space<vmem>>[vector<16xi32>, vector<16xi32>], vector<16xf32>,
        %gather3A_731 = tpu.vector_load_idx %arg15[%add3A_629, %broadcast_in_dim3A_727] : memref<512x16xf32, #tpu.memory_space<vmem>>[vector<16xi32>, vector<16xi32>], vector<16xf32>,
        %gather3A_732 = tpu.vector_load_idx %arg16[%add3A_629, %broadcast_in_dim3A_727] : memref<512x16xf32, #tpu.memory_space<vmem>>[vector<16xi32>, vector<16xi32>], vector<16xf32>,
        %gather3A_733 = tpu.vector_load_idx %arg17[%add3A_629, %broadcast_in_dim3A_727] : memref<512x16xf32, #tpu.memory_space<vmem>>[vector<16xi32>, vector<16xi32>], vector<16xf32>,
        %gather3A_734 = tpu.vector_load_idx %arg14[%add3A_629, %broadcast_in_dim3A_729] : memref<512x16xf32, #tpu.memory_space<vmem>>[vector<16xi32>, vector<16xi32>], vector<16xf32>,
        %gather3A_735 = tpu.vector_load_idx %arg15[%add3A_629, %broadcast_in_dim3A_729] : memref<512x16xf32, #tpu.memory_space<vmem>>[vector<16xi32>, vector<16xi32>], vector<16xf32>,
        %gather3A_736 = tpu.vector_load_idx %arg16[%add3A_629, %broadcast_in_dim3A_729] : memref<512x16xf32, #tpu.memory_space<vmem>>[vector<16xi32>, vector<16xi32>], vector<16xf32>,
        %gather3A_737 = tpu.vector_load_idx %arg17[%add3A_629, %broadcast_in_dim3A_729] : memref<512x16xf32, #tpu.memory_space<vmem>>[vector<16xi32>, vector<16xi32>], vector<16xf32>,
        %mul3A_738 = arith.mulf %gather3A_730, %mul3A_624 : vector<16xf32>
        %mul3A_739 = arith.mulf %gather3A_731, %mul3A_625 : vector<16xf32>
        %add3A_740 = arith.addf %mul3A_738, %mul3A_739 : vector<16xf32>
        %mul3A_741 = arith.mulf %gather3A_732, %mul3A_626 : vector<16xf32>
        %add3A_742 = arith.addf %add3A_740, %mul3A_741 : vector<16xf32>
        %mul3A_743 = arith.mulf %gather3A_733, %mul3A_627 : vector<16xf32>
        %add3A_744 = arith.addf %add3A_742, %mul3A_743 : vector<16xf32>
        %mul3A_745 = arith.mulf %add3A_744, %sub3A_617 : vector<16xf32>
        %mul3A_746 = arith.mulf %gather3A_734, %mul3A_624 : vector<16xf32>
        %mul3A_747 = arith.mulf %gather3A_735, %mul3A_625 : vector<16xf32>
        %add3A_748 = arith.addf %mul3A_746, %mul3A_747 : vector<16xf32>
        %mul3A_749 = arith.mulf %gather3A_736, %mul3A_626 : vector<16xf32>
        %add3A_750 = arith.addf %add3A_748, %mul3A_749 : vector<16xf32>
        %mul3A_751 = arith.mulf %gather3A_737, %mul3A_627 : vector<16xf32>
        %add3A_752 = arith.addf %add3A_750, %mul3A_751 : vector<16xf32>
        %mul3A_753 = arith.mulf %add3A_752, %sub3A : vector<16xf32>
        %add3A_754 = arith.addf %mul3A_745, %mul3A_753 : vector<16xf32>
        %swap3A_755 = arith.constant 3 : i32
        %swap3A_756 = arith.index_cast %swap3A_755 : i32 to index
        %swap3A_757 = arith.index_cast %add3A_574 : i32 to index
        %swap3A_758 = tpu.vector_load %arg18[%swap3A_756, %swap3A_757] {strides = array<i32>} : memref<8x512xf32, #tpu.memory_space<vmem>>, vector<16xf32>,
        tpu.vector_store %arg18[%swap3A_756, %swap3A_757], %add3A_754 {strides = array<i32>} : memref<8x512xf32, #tpu.memory_space<vmem>>, vector<16xf32>,
        %broadcast_in_dim3A_759 = arith.constant 4 : i32
        %broadcast_in_dim3A_760 = vector.broadcast %broadcast_in_dim3A_759 : i32 to vector<16xi32>
        %broadcast_in_dim3A_761 = arith.constant 12 : i32
        %broadcast_in_dim3A_762 = vector.broadcast %broadcast_in_dim3A_761 : i32 to vector<16xi32>
        %gather3A_763 = tpu.vector_load_idx %arg14[%add3A_629, %broadcast_in_dim3A_760] : memref<512x16xf32, #tpu.memory_space<vmem>>[vector<16xi32>, vector<16xi32>], vector<16xf32>,
        %gather3A_764 = tpu.vector_load_idx %arg15[%add3A_629, %broadcast_in_dim3A_760] : memref<512x16xf32, #tpu.memory_space<vmem>>[vector<16xi32>, vector<16xi32>], vector<16xf32>,
        %gather3A_765 = tpu.vector_load_idx %arg16[%add3A_629, %broadcast_in_dim3A_760] : memref<512x16xf32, #tpu.memory_space<vmem>>[vector<16xi32>, vector<16xi32>], vector<16xf32>,
        %gather3A_766 = tpu.vector_load_idx %arg17[%add3A_629, %broadcast_in_dim3A_760] : memref<512x16xf32, #tpu.memory_space<vmem>>[vector<16xi32>, vector<16xi32>], vector<16xf32>,
        %gather3A_767 = tpu.vector_load_idx %arg14[%add3A_629, %broadcast_in_dim3A_762] : memref<512x16xf32, #tpu.memory_space<vmem>>[vector<16xi32>, vector<16xi32>], vector<16xf32>,
        %gather3A_768 = tpu.vector_load_idx %arg15[%add3A_629, %broadcast_in_dim3A_762] : memref<512x16xf32, #tpu.memory_space<vmem>>[vector<16xi32>, vector<16xi32>], vector<16xf32>,
        %gather3A_769 = tpu.vector_load_idx %arg16[%add3A_629, %broadcast_in_dim3A_762] : memref<512x16xf32, #tpu.memory_space<vmem>>[vector<16xi32>, vector<16xi32>], vector<16xf32>,
        %gather3A_770 = tpu.vector_load_idx %arg17[%add3A_629, %broadcast_in_dim3A_762] : memref<512x16xf32, #tpu.memory_space<vmem>>[vector<16xi32>, vector<16xi32>], vector<16xf32>,
        %mul3A_771 = arith.mulf %gather3A_763, %mul3A_624 : vector<16xf32>
        %mul3A_772 = arith.mulf %gather3A_764, %mul3A_625 : vector<16xf32>
        %add3A_773 = arith.addf %mul3A_771, %mul3A_772 : vector<16xf32>
        %mul3A_774 = arith.mulf %gather3A_765, %mul3A_626 : vector<16xf32>
        %add3A_775 = arith.addf %add3A_773, %mul3A_774 : vector<16xf32>
        %mul3A_776 = arith.mulf %gather3A_766, %mul3A_627 : vector<16xf32>
        %add3A_777 = arith.addf %add3A_775, %mul3A_776 : vector<16xf32>
        %mul3A_778 = arith.mulf %add3A_777, %sub3A_617 : vector<16xf32>
        %mul3A_779 = arith.mulf %gather3A_767, %mul3A_624 : vector<16xf32>
        %mul3A_780 = arith.mulf %gather3A_768, %mul3A_625 : vector<16xf32>
        %add3A_781 = arith.addf %mul3A_779, %mul3A_780 : vector<16xf32>
        %mul3A_782 = arith.mulf %gather3A_769, %mul3A_626 : vector<16xf32>
        %add3A_783 = arith.addf %add3A_781, %mul3A_782 : vector<16xf32>
        %mul3A_784 = arith.mulf %gather3A_770, %mul3A_627 : vector<16xf32>
        %add3A_785 = arith.addf %add3A_783, %mul3A_784 : vector<16xf32>
        %mul3A_786 = arith.mulf %add3A_785, %sub3A : vector<16xf32>
        %add3A_787 = arith.addf %mul3A_778, %mul3A_786 : vector<16xf32>
        %swap3A_788 = arith.constant 4 : i32
        %swap3A_789 = arith.index_cast %swap3A_788 : i32 to index
        %swap3A_790 = arith.index_cast %add3A_574 : i32 to index
        %swap3A_791 = tpu.vector_load %arg18[%swap3A_789, %swap3A_790] {strides = array<i32>} : memref<8x512xf32, #tpu.memory_space<vmem>>, vector<16xf32>,
        tpu.vector_store %arg18[%swap3A_789, %swap3A_790], %add3A_787 {strides = array<i32>} : memref<8x512xf32, #tpu.memory_space<vmem>>, vector<16xf32>,
        %broadcast_in_dim3A_792 = arith.constant 5 : i32
        %broadcast_in_dim3A_793 = vector.broadcast %broadcast_in_dim3A_792 : i32 to vector<16xi32>
        %broadcast_in_dim3A_794 = arith.constant 13 : i32
        %broadcast_in_dim3A_795 = vector.broadcast %broadcast_in_dim3A_794 : i32 to vector<16xi32>
        %gather3A_796 = tpu.vector_load_idx %arg14[%add3A_629, %broadcast_in_dim3A_793] : memref<512x16xf32, #tpu.memory_space<vmem>>[vector<16xi32>, vector<16xi32>], vector<16xf32>,
        %gather3A_797 = tpu.vector_load_idx %arg15[%add3A_629, %broadcast_in_dim3A_793] : memref<512x16xf32, #tpu.memory_space<vmem>>[vector<16xi32>, vector<16xi32>], vector<16xf32>,
        %gather3A_798 = tpu.vector_load_idx %arg16[%add3A_629, %broadcast_in_dim3A_793] : memref<512x16xf32, #tpu.memory_space<vmem>>[vector<16xi32>, vector<16xi32>], vector<16xf32>,
        %gather3A_799 = tpu.vector_load_idx %arg17[%add3A_629, %broadcast_in_dim3A_793] : memref<512x16xf32, #tpu.memory_space<vmem>>[vector<16xi32>, vector<16xi32>], vector<16xf32>,
        %gather3A_800 = tpu.vector_load_idx %arg14[%add3A_629, %broadcast_in_dim3A_795] : memref<512x16xf32, #tpu.memory_space<vmem>>[vector<16xi32>, vector<16xi32>], vector<16xf32>,
        %gather3A_801 = tpu.vector_load_idx %arg15[%add3A_629, %broadcast_in_dim3A_795] : memref<512x16xf32, #tpu.memory_space<vmem>>[vector<16xi32>, vector<16xi32>], vector<16xf32>,
        %gather3A_802 = tpu.vector_load_idx %arg16[%add3A_629, %broadcast_in_dim3A_795] : memref<512x16xf32, #tpu.memory_space<vmem>>[vector<16xi32>, vector<16xi32>], vector<16xf32>,
        %gather3A_803 = tpu.vector_load_idx %arg17[%add3A_629, %broadcast_in_dim3A_795] : memref<512x16xf32, #tpu.memory_space<vmem>>[vector<16xi32>, vector<16xi32>], vector<16xf32>,
        %mul3A_804 = arith.mulf %gather3A_796, %mul3A_624 : vector<16xf32>
        %mul3A_805 = arith.mulf %gather3A_797, %mul3A_625 : vector<16xf32>
        %add3A_806 = arith.addf %mul3A_804, %mul3A_805 : vector<16xf32>
        %mul3A_807 = arith.mulf %gather3A_798, %mul3A_626 : vector<16xf32>
        %add3A_808 = arith.addf %add3A_806, %mul3A_807 : vector<16xf32>
        %mul3A_809 = arith.mulf %gather3A_799, %mul3A_627 : vector<16xf32>
        %add3A_810 = arith.addf %add3A_808, %mul3A_809 : vector<16xf32>
        %mul3A_811 = arith.mulf %add3A_810, %sub3A_617 : vector<16xf32>
        %mul3A_812 = arith.mulf %gather3A_800, %mul3A_624 : vector<16xf32>
        %mul3A_813 = arith.mulf %gather3A_801, %mul3A_625 : vector<16xf32>
        %add3A_814 = arith.addf %mul3A_812, %mul3A_813 : vector<16xf32>
        %mul3A_815 = arith.mulf %gather3A_802, %mul3A_626 : vector<16xf32>
        %add3A_816 = arith.addf %add3A_814, %mul3A_815 : vector<16xf32>
        %mul3A_817 = arith.mulf %gather3A_803, %mul3A_627 : vector<16xf32>
        %add3A_818 = arith.addf %add3A_816, %mul3A_817 : vector<16xf32>
        %mul3A_819 = arith.mulf %add3A_818, %sub3A : vector<16xf32>
        %add3A_820 = arith.addf %mul3A_811, %mul3A_819 : vector<16xf32>
        %swap3A_821 = arith.constant 5 : i32
        %swap3A_822 = arith.index_cast %swap3A_821 : i32 to index
        %swap3A_823 = arith.index_cast %add3A_574 : i32 to index
        %swap3A_824 = tpu.vector_load %arg18[%swap3A_822, %swap3A_823] {strides = array<i32>} : memref<8x512xf32, #tpu.memory_space<vmem>>, vector<16xf32>,
        tpu.vector_store %arg18[%swap3A_822, %swap3A_823], %add3A_820 {strides = array<i32>} : memref<8x512xf32, #tpu.memory_space<vmem>>, vector<16xf32>,
        %broadcast_in_dim3A_825 = arith.constant 6 : i32
        %broadcast_in_dim3A_826 = vector.broadcast %broadcast_in_dim3A_825 : i32 to vector<16xi32>
        %broadcast_in_dim3A_827 = arith.constant 14 : i32
        %broadcast_in_dim3A_828 = vector.broadcast %broadcast_in_dim3A_827 : i32 to vector<16xi32>
        %gather3A_829 = tpu.vector_load_idx %arg14[%add3A_629, %broadcast_in_dim3A_826] : memref<512x16xf32, #tpu.memory_space<vmem>>[vector<16xi32>, vector<16xi32>], vector<16xf32>,
        %gather3A_830 = tpu.vector_load_idx %arg15[%add3A_629, %broadcast_in_dim3A_826] : memref<512x16xf32, #tpu.memory_space<vmem>>[vector<16xi32>, vector<16xi32>], vector<16xf32>,
        %gather3A_831 = tpu.vector_load_idx %arg16[%add3A_629, %broadcast_in_dim3A_826] : memref<512x16xf32, #tpu.memory_space<vmem>>[vector<16xi32>, vector<16xi32>], vector<16xf32>,
        %gather3A_832 = tpu.vector_load_idx %arg17[%add3A_629, %broadcast_in_dim3A_826] : memref<512x16xf32, #tpu.memory_space<vmem>>[vector<16xi32>, vector<16xi32>], vector<16xf32>,
        %gather3A_833 = tpu.vector_load_idx %arg14[%add3A_629, %broadcast_in_dim3A_828] : memref<512x16xf32, #tpu.memory_space<vmem>>[vector<16xi32>, vector<16xi32>], vector<16xf32>,
        %gather3A_834 = tpu.vector_load_idx %arg15[%add3A_629, %broadcast_in_dim3A_828] : memref<512x16xf32, #tpu.memory_space<vmem>>[vector<16xi32>, vector<16xi32>], vector<16xf32>,
        %gather3A_835 = tpu.vector_load_idx %arg16[%add3A_629, %broadcast_in_dim3A_828] : memref<512x16xf32, #tpu.memory_space<vmem>>[vector<16xi32>, vector<16xi32>], vector<16xf32>,
        %gather3A_836 = tpu.vector_load_idx %arg17[%add3A_629, %broadcast_in_dim3A_828] : memref<512x16xf32, #tpu.memory_space<vmem>>[vector<16xi32>, vector<16xi32>], vector<16xf32>,
        %mul3A_837 = arith.mulf %gather3A_829, %mul3A_624 : vector<16xf32>
        %mul3A_838 = arith.mulf %gather3A_830, %mul3A_625 : vector<16xf32>
        %add3A_839 = arith.addf %mul3A_837, %mul3A_838 : vector<16xf32>
        %mul3A_840 = arith.mulf %gather3A_831, %mul3A_626 : vector<16xf32>
        %add3A_841 = arith.addf %add3A_839, %mul3A_840 : vector<16xf32>
        %mul3A_842 = arith.mulf %gather3A_832, %mul3A_627 : vector<16xf32>
        %add3A_843 = arith.addf %add3A_841, %mul3A_842 : vector<16xf32>
        %mul3A_844 = arith.mulf %add3A_843, %sub3A_617 : vector<16xf32>
        %mul3A_845 = arith.mulf %gather3A_833, %mul3A_624 : vector<16xf32>
        %mul3A_846 = arith.mulf %gather3A_834, %mul3A_625 : vector<16xf32>
        %add3A_847 = arith.addf %mul3A_845, %mul3A_846 : vector<16xf32>
        %mul3A_848 = arith.mulf %gather3A_835, %mul3A_626 : vector<16xf32>
        %add3A_849 = arith.addf %add3A_847, %mul3A_848 : vector<16xf32>
        %mul3A_850 = arith.mulf %gather3A_836, %mul3A_627 : vector<16xf32>
        %add3A_851 = arith.addf %add3A_849, %mul3A_850 : vector<16xf32>
        %mul3A_852 = arith.mulf %add3A_851, %sub3A : vector<16xf32>
        %add3A_853 = arith.addf %mul3A_844, %mul3A_852 : vector<16xf32>
        %swap3A_854 = arith.constant 6 : i32
        %swap3A_855 = arith.index_cast %swap3A_854 : i32 to index
        %swap3A_856 = arith.index_cast %add3A_574 : i32 to index
        %swap3A_857 = tpu.vector_load %arg18[%swap3A_855, %swap3A_856] {strides = array<i32>} : memref<8x512xf32, #tpu.memory_space<vmem>>, vector<16xf32>,
        tpu.vector_store %arg18[%swap3A_855, %swap3A_856], %add3A_853 {strides = array<i32>} : memref<8x512xf32, #tpu.memory_space<vmem>>, vector<16xf32>,
        %broadcast_in_dim3A_858 = arith.constant 7 : i32
        %broadcast_in_dim3A_859 = vector.broadcast %broadcast_in_dim3A_858 : i32 to vector<16xi32>
        %broadcast_in_dim3A_860 = arith.constant 15 : i32
        %broadcast_in_dim3A_861 = vector.broadcast %broadcast_in_dim3A_860 : i32 to vector<16xi32>
        %gather3A_862 = tpu.vector_load_idx %arg14[%add3A_629, %broadcast_in_dim3A_859] : memref<512x16xf32, #tpu.memory_space<vmem>>[vector<16xi32>, vector<16xi32>], vector<16xf32>,
        %gather3A_863 = tpu.vector_load_idx %arg15[%add3A_629, %broadcast_in_dim3A_859] : memref<512x16xf32, #tpu.memory_space<vmem>>[vector<16xi32>, vector<16xi32>], vector<16xf32>,
        %gather3A_864 = tpu.vector_load_idx %arg16[%add3A_629, %broadcast_in_dim3A_859] : memref<512x16xf32, #tpu.memory_space<vmem>>[vector<16xi32>, vector<16xi32>], vector<16xf32>,
        %gather3A_865 = tpu.vector_load_idx %arg17[%add3A_629, %broadcast_in_dim3A_859] : memref<512x16xf32, #tpu.memory_space<vmem>>[vector<16xi32>, vector<16xi32>], vector<16xf32>,
        %gather3A_866 = tpu.vector_load_idx %arg14[%add3A_629, %broadcast_in_dim3A_861] : memref<512x16xf32, #tpu.memory_space<vmem>>[vector<16xi32>, vector<16xi32>], vector<16xf32>,
        %gather3A_867 = tpu.vector_load_idx %arg15[%add3A_629, %broadcast_in_dim3A_861] : memref<512x16xf32, #tpu.memory_space<vmem>>[vector<16xi32>, vector<16xi32>], vector<16xf32>,
        %gather3A_868 = tpu.vector_load_idx %arg16[%add3A_629, %broadcast_in_dim3A_861] : memref<512x16xf32, #tpu.memory_space<vmem>>[vector<16xi32>, vector<16xi32>], vector<16xf32>,
        %gather3A_869 = tpu.vector_load_idx %arg17[%add3A_629, %broadcast_in_dim3A_861] : memref<512x16xf32, #tpu.memory_space<vmem>>[vector<16xi32>, vector<16xi32>], vector<16xf32>,
        %mul3A_870 = arith.mulf %gather3A_862, %mul3A_624 : vector<16xf32>
        %mul3A_871 = arith.mulf %gather3A_863, %mul3A_625 : vector<16xf32>
        %add3A_872 = arith.addf %mul3A_870, %mul3A_871 : vector<16xf32>
        %mul3A_873 = arith.mulf %gather3A_864, %mul3A_626 : vector<16xf32>
        %add3A_874 = arith.addf %add3A_872, %mul3A_873 : vector<16xf32>
        %mul3A_875 = arith.mulf %gather3A_865, %mul3A_627 : vector<16xf32>
        %add3A_876 = arith.addf %add3A_874, %mul3A_875 : vector<16xf32>
        %mul3A_877 = arith.mulf %add3A_876, %sub3A_617 : vector<16xf32>
        %mul3A_878 = arith.mulf %gather3A_866, %mul3A_624 : vector<16xf32>
        %mul3A_879 = arith.mulf %gather3A_867, %mul3A_625 : vector<16xf32>
        %add3A_880 = arith.addf %mul3A_878, %mul3A_879 : vector<16xf32>
        %mul3A_881 = arith.mulf %gather3A_868, %mul3A_626 : vector<16xf32>
        %add3A_882 = arith.addf %add3A_880, %mul3A_881 : vector<16xf32>
        %mul3A_883 = arith.mulf %gather3A_869, %mul3A_627 : vector<16xf32>
        %add3A_884 = arith.addf %add3A_882, %mul3A_883 : vector<16xf32>
        %mul3A_885 = arith.mulf %add3A_884, %sub3A : vector<16xf32>
        %add3A_886 = arith.addf %mul3A_877, %mul3A_885 : vector<16xf32>
        %swap3A_887 = arith.constant 7 : i32
        %swap3A_888 = arith.index_cast %swap3A_887 : i32 to index
        %swap3A_889 = arith.index_cast %add3A_574 : i32 to index
        %swap3A_890 = tpu.vector_load %arg18[%swap3A_888, %swap3A_889] {strides = array<i32>} : memref<8x512xf32, #tpu.memory_space<vmem>>, vector<16xf32>,
        tpu.vector_store %arg18[%swap3A_888, %swap3A_889], %add3A_886 {strides = array<i32>} : memref<8x512xf32, #tpu.memory_space<vmem>>, vector<16xf32>,
      }
      %scan3A_459 = arith.constant 8 : i32
      %scan3A_460 = arith.constant 0 : i32
      %scan3A_461 = arith.constant 8 : i32
      %scan3A_462 = arith.addi %scan3A_460, %scan3A_461 : i32
      %scan3A_463 = arith.constant 1 : i32
      scf.for %scan3A_566 = %scan3A_460 to %scan3A_462 step %scan3A_463  : i32 {
        %mul3A_567 = arith.constant 1 : i32
        %mul3A_568 = arith.muli %scan3A_566, %mul3A_567 : i32
        %add3A_569 = arith.constant 0 : i32
        %add3A_570 = arith.addi %add3A_569, %mul3A_568 : i32
        %mul3A_571 = arith.constant 16 : i32
        %mul3A_572 = arith.muli %add3A_570, %mul3A_571 : i32
        %add3A_573 = arith.constant 256 : i32
        %add3A_574 = arith.addi %add3A_573, %mul3A_572 : i32
        %get3A = arith.index_cast %add3A_574 : i32 to index
        %get3A_575 = tpu.vector_load %arg7[%get3A] {strides = array<i32>} : memref<512xf32, #tpu.memory_space<vmem>>, vector<16xf32>,
        %get3A_576 = arith.index_cast %add3A_574 : i32 to index
        %get3A_577 = tpu.vector_load %arg8[%get3A_576] {strides = array<i32>} : memref<512xf32, #tpu.memory_space<vmem>>, vector<16xf32>,
        %get3A_578 = arith.index_cast %add3A_574 : i32 to index
        %get3A_579 = tpu.vector_load %arg9[%get3A_578] {strides = array<i32>} : memref<512xf32, #tpu.memory_space<vmem>>, vector<16xf32>,
        %add3A_580 = arith.constant 1.000000e+00 : f32
        %add3A_581 = vector.broadcast %add3A_580 : f32 to vector<16xf32>
        %add3A_582 = arith.addf %get3A_575, %add3A_581 : vector<16xf32>
        %mul3A_583 = arith.constant 5.000000e-01 : f32
        %mul3A_584 = vector.broadcast %mul3A_583 : f32 to vector<16xf32>
        %mul3A_585 = arith.mulf %add3A_582, %mul3A_584 : vector<16xf32>
        %mul3A_586 = arith.constant 1.270000e+02 : f32
        %mul3A_587 = vector.broadcast %mul3A_586 : f32 to vector<16xf32>
        %mul3A_588 = arith.mulf %mul3A_585, %mul3A_587 : vector<16xf32>
        %add3A_589 = arith.constant 1.000000e+00 : f32
        %add3A_590 = vector.broadcast %add3A_589 : f32 to vector<16xf32>
        %add3A_591 = arith.addf %get3A_577, %add3A_590 : vector<16xf32>
        %mul3A_592 = arith.constant 5.000000e-01 : f32
        %mul3A_593 = vector.broadcast %mul3A_592 : f32 to vector<16xf32>
        %mul3A_594 = arith.mulf %add3A_591, %mul3A_593 : vector<16xf32>
        %mul3A_595 = arith.constant 1.270000e+02 : f32
        %mul3A_596 = vector.broadcast %mul3A_595 : f32 to vector<16xf32>
        %mul3A_597 = arith.mulf %mul3A_594, %mul3A_596 : vector<16xf32>
        %add3A_598 = arith.constant 1.000000e+00 : f32
        %add3A_599 = vector.broadcast %add3A_598 : f32 to vector<16xf32>
        %add3A_600 = arith.addf %get3A_579, %add3A_599 : vector<16xf32>
        %mul3A_601 = arith.constant 5.000000e-01 : f32
        %mul3A_602 = vector.broadcast %mul3A_601 : f32 to vector<16xf32>
        %mul3A_603 = arith.mulf %add3A_600, %mul3A_602 : vector<16xf32>
        %mul3A_604 = arith.constant 1.270000e+02 : f32
        %mul3A_605 = vector.broadcast %mul3A_604 : f32 to vector<16xf32>
        %mul3A_606 = arith.mulf %mul3A_603, %mul3A_605 : vector<16xf32>
        %convert_element_type3A_607 = arith.fptosi %mul3A_588 : vector<16xf32> to vector<16xi32>
        %convert_element_type3A_608 = arith.sitofp %convert_element_type3A_607 : vector<16xi32> to vector<16xf32>
        %sub3A = arith.subf %mul3A_588, %convert_element_type3A_608 : vector<16xf32>
        %convert_element_type3A_609 = arith.fptosi %mul3A_597 : vector<16xf32> to vector<16xi32>
        %convert_element_type3A_610 = arith.sitofp %convert_element_type3A_609 : vector<16xi32> to vector<16xf32>
        %sub3A_611 = arith.subf %mul3A_597, %convert_element_type3A_610 : vector<16xf32>
        %convert_element_type3A_612 = arith.fptosi %mul3A_606 : vector<16xf32> to vector<16xi32>
        %convert_element_type3A_613 = arith.sitofp %convert_element_type3A_612 : vector<16xi32> to vector<16xf32>
        %sub3A_614 = arith.subf %mul3A_606, %convert_element_type3A_613 : vector<16xf32>
        %sub3A_615 = arith.constant 1.000000e+00 : f32
        %sub3A_616 = vector.broadcast %sub3A_615 : f32 to vector<16xf32>
        %sub3A_617 = arith.subf %sub3A_616, %sub3A : vector<16xf32>
        %sub3A_618 = arith.constant 1.000000e+00 : f32
        %sub3A_619 = vector.broadcast %sub3A_618 : f32 to vector<16xf32>
        %sub3A_620 = arith.subf %sub3A_619, %sub3A_611 : vector<16xf32>
        %sub3A_621 = arith.constant 1.000000e+00 : f32
        %sub3A_622 = vector.broadcast %sub3A_621 : f32 to vector<16xf32>
        %sub3A_623 = arith.subf %sub3A_622, %sub3A_614 : vector<16xf32>
        %mul3A_624 = arith.mulf %sub3A_623, %sub3A_620 : vector<16xf32>
        %mul3A_625 = arith.mulf %sub3A_623, %sub3A_611 : vector<16xf32>
        %mul3A_626 = arith.mulf %sub3A_614, %sub3A_620 : vector<16xf32>
        %mul3A_627 = arith.mulf %sub3A_614, %sub3A_611 : vector<16xf32>
        %add3A_628 = vector.broadcast %add3A_574 : i32 to vector<16xi32>
        %add3A_629 = arith.addi %add3A_628, %iota3A : vector<16xi32>
        %broadcast_in_dim3A = arith.constant 0 : i32
        %broadcast_in_dim3A_630 = vector.broadcast %broadcast_in_dim3A : i32 to vector<16xi32>
        %broadcast_in_dim3A_631 = arith.constant 8 : i32
        %broadcast_in_dim3A_632 = vector.broadcast %broadcast_in_dim3A_631 : i32 to vector<16xi32>
        %gather3A = tpu.vector_load_idx %arg14[%add3A_629, %broadcast_in_dim3A_630] : memref<512x16xf32, #tpu.memory_space<vmem>>[vector<16xi32>, vector<16xi32>], vector<16xf32>,
        %gather3A_633 = tpu.vector_load_idx %arg15[%add3A_629, %broadcast_in_dim3A_630] : memref<512x16xf32, #tpu.memory_space<vmem>>[vector<16xi32>, vector<16xi32>], vector<16xf32>,
        %gather3A_634 = tpu.vector_load_idx %arg16[%add3A_629, %broadcast_in_dim3A_630] : memref<512x16xf32, #tpu.memory_space<vmem>>[vector<16xi32>, vector<16xi32>], vector<16xf32>,
        %gather3A_635 = tpu.vector_load_idx %arg17[%add3A_629, %broadcast_in_dim3A_630] : memref<512x16xf32, #tpu.memory_space<vmem>>[vector<16xi32>, vector<16xi32>], vector<16xf32>,
        %gather3A_636 = tpu.vector_load_idx %arg14[%add3A_629, %broadcast_in_dim3A_632] : memref<512x16xf32, #tpu.memory_space<vmem>>[vector<16xi32>, vector<16xi32>], vector<16xf32>,
        %gather3A_637 = tpu.vector_load_idx %arg15[%add3A_629, %broadcast_in_dim3A_632] : memref<512x16xf32, #tpu.memory_space<vmem>>[vector<16xi32>, vector<16xi32>], vector<16xf32>,
        %gather3A_638 = tpu.vector_load_idx %arg16[%add3A_629, %broadcast_in_dim3A_632] : memref<512x16xf32, #tpu.memory_space<vmem>>[vector<16xi32>, vector<16xi32>], vector<16xf32>,
        %gather3A_639 = tpu.vector_load_idx %arg17[%add3A_629, %broadcast_in_dim3A_632] : memref<512x16xf32, #tpu.memory_space<vmem>>[vector<16xi32>, vector<16xi32>], vector<16xf32>,
        %mul3A_640 = arith.mulf %gather3A, %mul3A_624 : vector<16xf32>
        %mul3A_641 = arith.mulf %gather3A_633, %mul3A_625 : vector<16xf32>
        %add3A_642 = arith.addf %mul3A_640, %mul3A_641 : vector<16xf32>
        %mul3A_643 = arith.mulf %gather3A_634, %mul3A_626 : vector<16xf32>
        %add3A_644 = arith.addf %add3A_642, %mul3A_643 : vector<16xf32>
        %mul3A_645 = arith.mulf %gather3A_635, %mul3A_627 : vector<16xf32>
        %add3A_646 = arith.addf %add3A_644, %mul3A_645 : vector<16xf32>
        %mul3A_647 = arith.mulf %add3A_646, %sub3A_617 : vector<16xf32>
        %mul3A_648 = arith.mulf %gather3A_636, %mul3A_624 : vector<16xf32>
        %mul3A_649 = arith.mulf %gather3A_637, %mul3A_625 : vector<16xf32>
        %add3A_650 = arith.addf %mul3A_648, %mul3A_649 : vector<16xf32>
        %mul3A_651 = arith.mulf %gather3A_638, %mul3A_626 : vector<16xf32>
        %add3A_652 = arith.addf %add3A_650, %mul3A_651 : vector<16xf32>
        %mul3A_653 = arith.mulf %gather3A_639, %mul3A_627 : vector<16xf32>
        %add3A_654 = arith.addf %add3A_652, %mul3A_653 : vector<16xf32>
        %mul3A_655 = arith.mulf %add3A_654, %sub3A : vector<16xf32>
        %add3A_656 = arith.addf %mul3A_647, %mul3A_655 : vector<16xf32>
        %swap3A = arith.constant 0 : i32
        %swap3A_657 = arith.index_cast %swap3A : i32 to index
        %swap3A_658 = arith.index_cast %add3A_574 : i32 to index
        %swap3A_659 = tpu.vector_load %arg18[%swap3A_657, %swap3A_658] {strides = array<i32>} : memref<8x512xf32, #tpu.memory_space<vmem>>, vector<16xf32>,
        tpu.vector_store %arg18[%swap3A_657, %swap3A_658], %add3A_656 {strides = array<i32>} : memref<8x512xf32, #tpu.memory_space<vmem>>, vector<16xf32>,
        %broadcast_in_dim3A_660 = arith.constant 1 : i32
        %broadcast_in_dim3A_661 = vector.broadcast %broadcast_in_dim3A_660 : i32 to vector<16xi32>
        %broadcast_in_dim3A_662 = arith.constant 9 : i32
        %broadcast_in_dim3A_663 = vector.broadcast %broadcast_in_dim3A_662 : i32 to vector<16xi32>
        %gather3A_664 = tpu.vector_load_idx %arg14[%add3A_629, %broadcast_in_dim3A_661] : memref<512x16xf32, #tpu.memory_space<vmem>>[vector<16xi32>, vector<16xi32>], vector<16xf32>,
        %gather3A_665 = tpu.vector_load_idx %arg15[%add3A_629, %broadcast_in_dim3A_661] : memref<512x16xf32, #tpu.memory_space<vmem>>[vector<16xi32>, vector<16xi32>], vector<16xf32>,
        %gather3A_666 = tpu.vector_load_idx %arg16[%add3A_629, %broadcast_in_dim3A_661] : memref<512x16xf32, #tpu.memory_space<vmem>>[vector<16xi32>, vector<16xi32>], vector<16xf32>,
        %gather3A_667 = tpu.vector_load_idx %arg17[%add3A_629, %broadcast_in_dim3A_661] : memref<512x16xf32, #tpu.memory_space<vmem>>[vector<16xi32>, vector<16xi32>], vector<16xf32>,
        %gather3A_668 = tpu.vector_load_idx %arg14[%add3A_629, %broadcast_in_dim3A_663] : memref<512x16xf32, #tpu.memory_space<vmem>>[vector<16xi32>, vector<16xi32>], vector<16xf32>,
        %gather3A_669 = tpu.vector_load_idx %arg15[%add3A_629, %broadcast_in_dim3A_663] : memref<512x16xf32, #tpu.memory_space<vmem>>[vector<16xi32>, vector<16xi32>], vector<16xf32>,
        %gather3A_670 = tpu.vector_load_idx %arg16[%add3A_629, %broadcast_in_dim3A_663] : memref<512x16xf32, #tpu.memory_space<vmem>>[vector<16xi32>, vector<16xi32>], vector<16xf32>,
        %gather3A_671 = tpu.vector_load_idx %arg17[%add3A_629, %broadcast_in_dim3A_663] : memref<512x16xf32, #tpu.memory_space<vmem>>[vector<16xi32>, vector<16xi32>], vector<16xf32>,
        %mul3A_672 = arith.mulf %gather3A_664, %mul3A_624 : vector<16xf32>
        %mul3A_673 = arith.mulf %gather3A_665, %mul3A_625 : vector<16xf32>
        %add3A_674 = arith.addf %mul3A_672, %mul3A_673 : vector<16xf32>
        %mul3A_675 = arith.mulf %gather3A_666, %mul3A_626 : vector<16xf32>
        %add3A_676 = arith.addf %add3A_674, %mul3A_675 : vector<16xf32>
        %mul3A_677 = arith.mulf %gather3A_667, %mul3A_627 : vector<16xf32>
        %add3A_678 = arith.addf %add3A_676, %mul3A_677 : vector<16xf32>
        %mul3A_679 = arith.mulf %add3A_678, %sub3A_617 : vector<16xf32>
        %mul3A_680 = arith.mulf %gather3A_668, %mul3A_624 : vector<16xf32>
        %mul3A_681 = arith.mulf %gather3A_669, %mul3A_625 : vector<16xf32>
        %add3A_682 = arith.addf %mul3A_680, %mul3A_681 : vector<16xf32>
        %mul3A_683 = arith.mulf %gather3A_670, %mul3A_626 : vector<16xf32>
        %add3A_684 = arith.addf %add3A_682, %mul3A_683 : vector<16xf32>
        %mul3A_685 = arith.mulf %gather3A_671, %mul3A_627 : vector<16xf32>
        %add3A_686 = arith.addf %add3A_684, %mul3A_685 : vector<16xf32>
        %mul3A_687 = arith.mulf %add3A_686, %sub3A : vector<16xf32>
        %add3A_688 = arith.addf %mul3A_679, %mul3A_687 : vector<16xf32>
        %swap3A_689 = arith.constant 1 : i32
        %swap3A_690 = arith.index_cast %swap3A_689 : i32 to index
        %swap3A_691 = arith.index_cast %add3A_574 : i32 to index
        %swap3A_692 = tpu.vector_load %arg18[%swap3A_690, %swap3A_691] {strides = array<i32>} : memref<8x512xf32, #tpu.memory_space<vmem>>, vector<16xf32>,
        tpu.vector_store %arg18[%swap3A_690, %swap3A_691], %add3A_688 {strides = array<i32>} : memref<8x512xf32, #tpu.memory_space<vmem>>, vector<16xf32>,
        %broadcast_in_dim3A_693 = arith.constant 2 : i32
        %broadcast_in_dim3A_694 = vector.broadcast %broadcast_in_dim3A_693 : i32 to vector<16xi32>
        %broadcast_in_dim3A_695 = arith.constant 10 : i32
        %broadcast_in_dim3A_696 = vector.broadcast %broadcast_in_dim3A_695 : i32 to vector<16xi32>
        %gather3A_697 = tpu.vector_load_idx %arg14[%add3A_629, %broadcast_in_dim3A_694] : memref<512x16xf32, #tpu.memory_space<vmem>>[vector<16xi32>, vector<16xi32>], vector<16xf32>,
        %gather3A_698 = tpu.vector_load_idx %arg15[%add3A_629, %broadcast_in_dim3A_694] : memref<512x16xf32, #tpu.memory_space<vmem>>[vector<16xi32>, vector<16xi32>], vector<16xf32>,
        %gather3A_699 = tpu.vector_load_idx %arg16[%add3A_629, %broadcast_in_dim3A_694] : memref<512x16xf32, #tpu.memory_space<vmem>>[vector<16xi32>, vector<16xi32>], vector<16xf32>,
        %gather3A_700 = tpu.vector_load_idx %arg17[%add3A_629, %broadcast_in_dim3A_694] : memref<512x16xf32, #tpu.memory_space<vmem>>[vector<16xi32>, vector<16xi32>], vector<16xf32>,
        %gather3A_701 = tpu.vector_load_idx %arg14[%add3A_629, %broadcast_in_dim3A_696] : memref<512x16xf32, #tpu.memory_space<vmem>>[vector<16xi32>, vector<16xi32>], vector<16xf32>,
        %gather3A_702 = tpu.vector_load_idx %arg15[%add3A_629, %broadcast_in_dim3A_696] : memref<512x16xf32, #tpu.memory_space<vmem>>[vector<16xi32>, vector<16xi32>], vector<16xf32>,
        %gather3A_703 = tpu.vector_load_idx %arg16[%add3A_629, %broadcast_in_dim3A_696] : memref<512x16xf32, #tpu.memory_space<vmem>>[vector<16xi32>, vector<16xi32>], vector<16xf32>,
        %gather3A_704 = tpu.vector_load_idx %arg17[%add3A_629, %broadcast_in_dim3A_696] : memref<512x16xf32, #tpu.memory_space<vmem>>[vector<16xi32>, vector<16xi32>], vector<16xf32>,
        %mul3A_705 = arith.mulf %gather3A_697, %mul3A_624 : vector<16xf32>
        %mul3A_706 = arith.mulf %gather3A_698, %mul3A_625 : vector<16xf32>
        %add3A_707 = arith.addf %mul3A_705, %mul3A_706 : vector<16xf32>
        %mul3A_708 = arith.mulf %gather3A_699, %mul3A_626 : vector<16xf32>
        %add3A_709 = arith.addf %add3A_707, %mul3A_708 : vector<16xf32>
        %mul3A_710 = arith.mulf %gather3A_700, %mul3A_627 : vector<16xf32>
        %add3A_711 = arith.addf %add3A_709, %mul3A_710 : vector<16xf32>
        %mul3A_712 = arith.mulf %add3A_711, %sub3A_617 : vector<16xf32>
        %mul3A_713 = arith.mulf %gather3A_701, %mul3A_624 : vector<16xf32>
        %mul3A_714 = arith.mulf %gather3A_702, %mul3A_625 : vector<16xf32>
        %add3A_715 = arith.addf %mul3A_713, %mul3A_714 : vector<16xf32>
        %mul3A_716 = arith.mulf %gather3A_703, %mul3A_626 : vector<16xf32>
        %add3A_717 = arith.addf %add3A_715, %mul3A_716 : vector<16xf32>
        %mul3A_718 = arith.mulf %gather3A_704, %mul3A_627 : vector<16xf32>
        %add3A_719 = arith.addf %add3A_717, %mul3A_718 : vector<16xf32>
        %mul3A_720 = arith.mulf %add3A_719, %sub3A : vector<16xf32>
        %add3A_721 = arith.addf %mul3A_712, %mul3A_720 : vector<16xf32>
        %swap3A_722 = arith.constant 2 : i32
        %swap3A_723 = arith.index_cast %swap3A_722 : i32 to index
        %swap3A_724 = arith.index_cast %add3A_574 : i32 to index
        %swap3A_725 = tpu.vector_load %arg18[%swap3A_723, %swap3A_724] {strides = array<i32>} : memref<8x512xf32, #tpu.memory_space<vmem>>, vector<16xf32>,
        tpu.vector_store %arg18[%swap3A_723, %swap3A_724], %add3A_721 {strides = array<i32>} : memref<8x512xf32, #tpu.memory_space<vmem>>, vector<16xf32>,
        %broadcast_in_dim3A_726 = arith.constant 3 : i32
        %broadcast_in_dim3A_727 = vector.broadcast %broadcast_in_dim3A_726 : i32 to vector<16xi32>
        %broadcast_in_dim3A_728 = arith.constant 11 : i32
        %broadcast_in_dim3A_729 = vector.broadcast %broadcast_in_dim3A_728 : i32 to vector<16xi32>
        %gather3A_730 = tpu.vector_load_idx %arg14[%add3A_629, %broadcast_in_dim3A_727] : memref<512x16xf32, #tpu.memory_space<vmem>>[vector<16xi32>, vector<16xi32>], vector<16xf32>,
        %gather3A_731 = tpu.vector_load_idx %arg15[%add3A_629, %broadcast_in_dim3A_727] : memref<512x16xf32, #tpu.memory_space<vmem>>[vector<16xi32>, vector<16xi32>], vector<16xf32>,
        %gather3A_732 = tpu.vector_load_idx %arg16[%add3A_629, %broadcast_in_dim3A_727] : memref<512x16xf32, #tpu.memory_space<vmem>>[vector<16xi32>, vector<16xi32>], vector<16xf32>,
        %gather3A_733 = tpu.vector_load_idx %arg17[%add3A_629, %broadcast_in_dim3A_727] : memref<512x16xf32, #tpu.memory_space<vmem>>[vector<16xi32>, vector<16xi32>], vector<16xf32>,
        %gather3A_734 = tpu.vector_load_idx %arg14[%add3A_629, %broadcast_in_dim3A_729] : memref<512x16xf32, #tpu.memory_space<vmem>>[vector<16xi32>, vector<16xi32>], vector<16xf32>,
        %gather3A_735 = tpu.vector_load_idx %arg15[%add3A_629, %broadcast_in_dim3A_729] : memref<512x16xf32, #tpu.memory_space<vmem>>[vector<16xi32>, vector<16xi32>], vector<16xf32>,
        %gather3A_736 = tpu.vector_load_idx %arg16[%add3A_629, %broadcast_in_dim3A_729] : memref<512x16xf32, #tpu.memory_space<vmem>>[vector<16xi32>, vector<16xi32>], vector<16xf32>,
        %gather3A_737 = tpu.vector_load_idx %arg17[%add3A_629, %broadcast_in_dim3A_729] : memref<512x16xf32, #tpu.memory_space<vmem>>[vector<16xi32>, vector<16xi32>], vector<16xf32>,
        %mul3A_738 = arith.mulf %gather3A_730, %mul3A_624 : vector<16xf32>
        %mul3A_739 = arith.mulf %gather3A_731, %mul3A_625 : vector<16xf32>
        %add3A_740 = arith.addf %mul3A_738, %mul3A_739 : vector<16xf32>
        %mul3A_741 = arith.mulf %gather3A_732, %mul3A_626 : vector<16xf32>
        %add3A_742 = arith.addf %add3A_740, %mul3A_741 : vector<16xf32>
        %mul3A_743 = arith.mulf %gather3A_733, %mul3A_627 : vector<16xf32>
        %add3A_744 = arith.addf %add3A_742, %mul3A_743 : vector<16xf32>
        %mul3A_745 = arith.mulf %add3A_744, %sub3A_617 : vector<16xf32>
        %mul3A_746 = arith.mulf %gather3A_734, %mul3A_624 : vector<16xf32>
        %mul3A_747 = arith.mulf %gather3A_735, %mul3A_625 : vector<16xf32>
        %add3A_748 = arith.addf %mul3A_746, %mul3A_747 : vector<16xf32>
        %mul3A_749 = arith.mulf %gather3A_736, %mul3A_626 : vector<16xf32>
        %add3A_750 = arith.addf %add3A_748, %mul3A_749 : vector<16xf32>
        %mul3A_751 = arith.mulf %gather3A_737, %mul3A_627 : vector<16xf32>
        %add3A_752 = arith.addf %add3A_750, %mul3A_751 : vector<16xf32>
        %mul3A_753 = arith.mulf %add3A_752, %sub3A : vector<16xf32>
        %add3A_754 = arith.addf %mul3A_745, %mul3A_753 : vector<16xf32>
        %swap3A_755 = arith.constant 3 : i32
        %swap3A_756 = arith.index_cast %swap3A_755 : i32 to index
        %swap3A_757 = arith.index_cast %add3A_574 : i32 to index
        %swap3A_758 = tpu.vector_load %arg18[%swap3A_756, %swap3A_757] {strides = array<i32>} : memref<8x512xf32, #tpu.memory_space<vmem>>, vector<16xf32>,
        tpu.vector_store %arg18[%swap3A_756, %swap3A_757], %add3A_754 {strides = array<i32>} : memref<8x512xf32, #tpu.memory_space<vmem>>, vector<16xf32>,
        %broadcast_in_dim3A_759 = arith.constant 4 : i32
        %broadcast_in_dim3A_760 = vector.broadcast %broadcast_in_dim3A_759 : i32 to vector<16xi32>
        %broadcast_in_dim3A_761 = arith.constant 12 : i32
        %broadcast_in_dim3A_762 = vector.broadcast %broadcast_in_dim3A_761 : i32 to vector<16xi32>
        %gather3A_763 = tpu.vector_load_idx %arg14[%add3A_629, %broadcast_in_dim3A_760] : memref<512x16xf32, #tpu.memory_space<vmem>>[vector<16xi32>, vector<16xi32>], vector<16xf32>,
        %gather3A_764 = tpu.vector_load_idx %arg15[%add3A_629, %broadcast_in_dim3A_760] : memref<512x16xf32, #tpu.memory_space<vmem>>[vector<16xi32>, vector<16xi32>], vector<16xf32>,
        %gather3A_765 = tpu.vector_load_idx %arg16[%add3A_629, %broadcast_in_dim3A_760] : memref<512x16xf32, #tpu.memory_space<vmem>>[vector<16xi32>, vector<16xi32>], vector<16xf32>,
        %gather3A_766 = tpu.vector_load_idx %arg17[%add3A_629, %broadcast_in_dim3A_760] : memref<512x16xf32, #tpu.memory_space<vmem>>[vector<16xi32>, vector<16xi32>], vector<16xf32>,
        %gather3A_767 = tpu.vector_load_idx %arg14[%add3A_629, %broadcast_in_dim3A_762] : memref<512x16xf32, #tpu.memory_space<vmem>>[vector<16xi32>, vector<16xi32>], vector<16xf32>,
        %gather3A_768 = tpu.vector_load_idx %arg15[%add3A_629, %broadcast_in_dim3A_762] : memref<512x16xf32, #tpu.memory_space<vmem>>[vector<16xi32>, vector<16xi32>], vector<16xf32>,
        %gather3A_769 = tpu.vector_load_idx %arg16[%add3A_629, %broadcast_in_dim3A_762] : memref<512x16xf32, #tpu.memory_space<vmem>>[vector<16xi32>, vector<16xi32>], vector<16xf32>,
        %gather3A_770 = tpu.vector_load_idx %arg17[%add3A_629, %broadcast_in_dim3A_762] : memref<512x16xf32, #tpu.memory_space<vmem>>[vector<16xi32>, vector<16xi32>], vector<16xf32>,
        %mul3A_771 = arith.mulf %gather3A_763, %mul3A_624 : vector<16xf32>
        %mul3A_772 = arith.mulf %gather3A_764, %mul3A_625 : vector<16xf32>
        %add3A_773 = arith.addf %mul3A_771, %mul3A_772 : vector<16xf32>
        %mul3A_774 = arith.mulf %gather3A_765, %mul3A_626 : vector<16xf32>
        %add3A_775 = arith.addf %add3A_773, %mul3A_774 : vector<16xf32>
        %mul3A_776 = arith.mulf %gather3A_766, %mul3A_627 : vector<16xf32>
        %add3A_777 = arith.addf %add3A_775, %mul3A_776 : vector<16xf32>
        %mul3A_778 = arith.mulf %add3A_777, %sub3A_617 : vector<16xf32>
        %mul3A_779 = arith.mulf %gather3A_767, %mul3A_624 : vector<16xf32>
        %mul3A_780 = arith.mulf %gather3A_768, %mul3A_625 : vector<16xf32>
        %add3A_781 = arith.addf %mul3A_779, %mul3A_780 : vector<16xf32>
        %mul3A_782 = arith.mulf %gather3A_769, %mul3A_626 : vector<16xf32>
        %add3A_783 = arith.addf %add3A_781, %mul3A_782 : vector<16xf32>
        %mul3A_784 = arith.mulf %gather3A_770, %mul3A_627 : vector<16xf32>
        %add3A_785 = arith.addf %add3A_783, %mul3A_784 : vector<16xf32>
        %mul3A_786 = arith.mulf %add3A_785, %sub3A : vector<16xf32>
        %add3A_787 = arith.addf %mul3A_778, %mul3A_786 : vector<16xf32>
        %swap3A_788 = arith.constant 4 : i32
        %swap3A_789 = arith.index_cast %swap3A_788 : i32 to index
        %swap3A_790 = arith.index_cast %add3A_574 : i32 to index
        %swap3A_791 = tpu.vector_load %arg18[%swap3A_789, %swap3A_790] {strides = array<i32>} : memref<8x512xf32, #tpu.memory_space<vmem>>, vector<16xf32>,
        tpu.vector_store %arg18[%swap3A_789, %swap3A_790], %add3A_787 {strides = array<i32>} : memref<8x512xf32, #tpu.memory_space<vmem>>, vector<16xf32>,
        %broadcast_in_dim3A_792 = arith.constant 5 : i32
        %broadcast_in_dim3A_793 = vector.broadcast %broadcast_in_dim3A_792 : i32 to vector<16xi32>
        %broadcast_in_dim3A_794 = arith.constant 13 : i32
        %broadcast_in_dim3A_795 = vector.broadcast %broadcast_in_dim3A_794 : i32 to vector<16xi32>
        %gather3A_796 = tpu.vector_load_idx %arg14[%add3A_629, %broadcast_in_dim3A_793] : memref<512x16xf32, #tpu.memory_space<vmem>>[vector<16xi32>, vector<16xi32>], vector<16xf32>,
        %gather3A_797 = tpu.vector_load_idx %arg15[%add3A_629, %broadcast_in_dim3A_793] : memref<512x16xf32, #tpu.memory_space<vmem>>[vector<16xi32>, vector<16xi32>], vector<16xf32>,
        %gather3A_798 = tpu.vector_load_idx %arg16[%add3A_629, %broadcast_in_dim3A_793] : memref<512x16xf32, #tpu.memory_space<vmem>>[vector<16xi32>, vector<16xi32>], vector<16xf32>,
        %gather3A_799 = tpu.vector_load_idx %arg17[%add3A_629, %broadcast_in_dim3A_793] : memref<512x16xf32, #tpu.memory_space<vmem>>[vector<16xi32>, vector<16xi32>], vector<16xf32>,
        %gather3A_800 = tpu.vector_load_idx %arg14[%add3A_629, %broadcast_in_dim3A_795] : memref<512x16xf32, #tpu.memory_space<vmem>>[vector<16xi32>, vector<16xi32>], vector<16xf32>,
        %gather3A_801 = tpu.vector_load_idx %arg15[%add3A_629, %broadcast_in_dim3A_795] : memref<512x16xf32, #tpu.memory_space<vmem>>[vector<16xi32>, vector<16xi32>], vector<16xf32>,
        %gather3A_802 = tpu.vector_load_idx %arg16[%add3A_629, %broadcast_in_dim3A_795] : memref<512x16xf32, #tpu.memory_space<vmem>>[vector<16xi32>, vector<16xi32>], vector<16xf32>,
        %gather3A_803 = tpu.vector_load_idx %arg17[%add3A_629, %broadcast_in_dim3A_795] : memref<512x16xf32, #tpu.memory_space<vmem>>[vector<16xi32>, vector<16xi32>], vector<16xf32>,
        %mul3A_804 = arith.mulf %gather3A_796, %mul3A_624 : vector<16xf32>
        %mul3A_805 = arith.mulf %gather3A_797, %mul3A_625 : vector<16xf32>
        %add3A_806 = arith.addf %mul3A_804, %mul3A_805 : vector<16xf32>
        %mul3A_807 = arith.mulf %gather3A_798, %mul3A_626 : vector<16xf32>
        %add3A_808 = arith.addf %add3A_806, %mul3A_807 : vector<16xf32>
        %mul3A_809 = arith.mulf %gather3A_799, %mul3A_627 : vector<16xf32>
        %add3A_810 = arith.addf %add3A_808, %mul3A_809 : vector<16xf32>
        %mul3A_811 = arith.mulf %add3A_810, %sub3A_617 : vector<16xf32>
        %mul3A_812 = arith.mulf %gather3A_800, %mul3A_624 : vector<16xf32>
        %mul3A_813 = arith.mulf %gather3A_801, %mul3A_625 : vector<16xf32>
        %add3A_814 = arith.addf %mul3A_812, %mul3A_813 : vector<16xf32>
        %mul3A_815 = arith.mulf %gather3A_802, %mul3A_626 : vector<16xf32>
        %add3A_816 = arith.addf %add3A_814, %mul3A_815 : vector<16xf32>
        %mul3A_817 = arith.mulf %gather3A_803, %mul3A_627 : vector<16xf32>
        %add3A_818 = arith.addf %add3A_816, %mul3A_817 : vector<16xf32>
        %mul3A_819 = arith.mulf %add3A_818, %sub3A : vector<16xf32>
        %add3A_820 = arith.addf %mul3A_811, %mul3A_819 : vector<16xf32>
        %swap3A_821 = arith.constant 5 : i32
        %swap3A_822 = arith.index_cast %swap3A_821 : i32 to index
        %swap3A_823 = arith.index_cast %add3A_574 : i32 to index
        %swap3A_824 = tpu.vector_load %arg18[%swap3A_822, %swap3A_823] {strides = array<i32>} : memref<8x512xf32, #tpu.memory_space<vmem>>, vector<16xf32>,
        tpu.vector_store %arg18[%swap3A_822, %swap3A_823], %add3A_820 {strides = array<i32>} : memref<8x512xf32, #tpu.memory_space<vmem>>, vector<16xf32>,
        %broadcast_in_dim3A_825 = arith.constant 6 : i32
        %broadcast_in_dim3A_826 = vector.broadcast %broadcast_in_dim3A_825 : i32 to vector<16xi32>
        %broadcast_in_dim3A_827 = arith.constant 14 : i32
        %broadcast_in_dim3A_828 = vector.broadcast %broadcast_in_dim3A_827 : i32 to vector<16xi32>
        %gather3A_829 = tpu.vector_load_idx %arg14[%add3A_629, %broadcast_in_dim3A_826] : memref<512x16xf32, #tpu.memory_space<vmem>>[vector<16xi32>, vector<16xi32>], vector<16xf32>,
        %gather3A_830 = tpu.vector_load_idx %arg15[%add3A_629, %broadcast_in_dim3A_826] : memref<512x16xf32, #tpu.memory_space<vmem>>[vector<16xi32>, vector<16xi32>], vector<16xf32>,
        %gather3A_831 = tpu.vector_load_idx %arg16[%add3A_629, %broadcast_in_dim3A_826] : memref<512x16xf32, #tpu.memory_space<vmem>>[vector<16xi32>, vector<16xi32>], vector<16xf32>,
        %gather3A_832 = tpu.vector_load_idx %arg17[%add3A_629, %broadcast_in_dim3A_826] : memref<512x16xf32, #tpu.memory_space<vmem>>[vector<16xi32>, vector<16xi32>], vector<16xf32>,
        %gather3A_833 = tpu.vector_load_idx %arg14[%add3A_629, %broadcast_in_dim3A_828] : memref<512x16xf32, #tpu.memory_space<vmem>>[vector<16xi32>, vector<16xi32>], vector<16xf32>,
        %gather3A_834 = tpu.vector_load_idx %arg15[%add3A_629, %broadcast_in_dim3A_828] : memref<512x16xf32, #tpu.memory_space<vmem>>[vector<16xi32>, vector<16xi32>], vector<16xf32>,
        %gather3A_835 = tpu.vector_load_idx %arg16[%add3A_629, %broadcast_in_dim3A_828] : memref<512x16xf32, #tpu.memory_space<vmem>>[vector<16xi32>, vector<16xi32>], vector<16xf32>,
        %gather3A_836 = tpu.vector_load_idx %arg17[%add3A_629, %broadcast_in_dim3A_828] : memref<512x16xf32, #tpu.memory_space<vmem>>[vector<16xi32>, vector<16xi32>], vector<16xf32>,
        %mul3A_837 = arith.mulf %gather3A_829, %mul3A_624 : vector<16xf32>
        %mul3A_838 = arith.mulf %gather3A_830, %mul3A_625 : vector<16xf32>
        %add3A_839 = arith.addf %mul3A_837, %mul3A_838 : vector<16xf32>
        %mul3A_840 = arith.mulf %gather3A_831, %mul3A_626 : vector<16xf32>
        %add3A_841 = arith.addf %add3A_839, %mul3A_840 : vector<16xf32>
        %mul3A_842 = arith.mulf %gather3A_832, %mul3A_627 : vector<16xf32>
        %add3A_843 = arith.addf %add3A_841, %mul3A_842 : vector<16xf32>
        %mul3A_844 = arith.mulf %add3A_843, %sub3A_617 : vector<16xf32>
        %mul3A_845 = arith.mulf %gather3A_833, %mul3A_624 : vector<16xf32>
        %mul3A_846 = arith.mulf %gather3A_834, %mul3A_625 : vector<16xf32>
        %add3A_847 = arith.addf %mul3A_845, %mul3A_846 : vector<16xf32>
        %mul3A_848 = arith.mulf %gather3A_835, %mul3A_626 : vector<16xf32>
        %add3A_849 = arith.addf %add3A_847, %mul3A_848 : vector<16xf32>
        %mul3A_850 = arith.mulf %gather3A_836, %mul3A_627 : vector<16xf32>
        %add3A_851 = arith.addf %add3A_849, %mul3A_850 : vector<16xf32>
        %mul3A_852 = arith.mulf %add3A_851, %sub3A : vector<16xf32>
        %add3A_853 = arith.addf %mul3A_844, %mul3A_852 : vector<16xf32>
        %swap3A_854 = arith.constant 6 : i32
        %swap3A_855 = arith.index_cast %swap3A_854 : i32 to index
        %swap3A_856 = arith.index_cast %add3A_574 : i32 to index
        %swap3A_857 = tpu.vector_load %arg18[%swap3A_855, %swap3A_856] {strides = array<i32>} : memref<8x512xf32, #tpu.memory_space<vmem>>, vector<16xf32>,
        tpu.vector_store %arg18[%swap3A_855, %swap3A_856], %add3A_853 {strides = array<i32>} : memref<8x512xf32, #tpu.memory_space<vmem>>, vector<16xf32>,
        %broadcast_in_dim3A_858 = arith.constant 7 : i32
        %broadcast_in_dim3A_859 = vector.broadcast %broadcast_in_dim3A_858 : i32 to vector<16xi32>
        %broadcast_in_dim3A_860 = arith.constant 15 : i32
        %broadcast_in_dim3A_861 = vector.broadcast %broadcast_in_dim3A_860 : i32 to vector<16xi32>
        %gather3A_862 = tpu.vector_load_idx %arg14[%add3A_629, %broadcast_in_dim3A_859] : memref<512x16xf32, #tpu.memory_space<vmem>>[vector<16xi32>, vector<16xi32>], vector<16xf32>,
        %gather3A_863 = tpu.vector_load_idx %arg15[%add3A_629, %broadcast_in_dim3A_859] : memref<512x16xf32, #tpu.memory_space<vmem>>[vector<16xi32>, vector<16xi32>], vector<16xf32>,
        %gather3A_864 = tpu.vector_load_idx %arg16[%add3A_629, %broadcast_in_dim3A_859] : memref<512x16xf32, #tpu.memory_space<vmem>>[vector<16xi32>, vector<16xi32>], vector<16xf32>,
        %gather3A_865 = tpu.vector_load_idx %arg17[%add3A_629, %broadcast_in_dim3A_859] : memref<512x16xf32, #tpu.memory_space<vmem>>[vector<16xi32>, vector<16xi32>], vector<16xf32>,
        %gather3A_866 = tpu.vector_load_idx %arg14[%add3A_629, %broadcast_in_dim3A_861] : memref<512x16xf32, #tpu.memory_space<vmem>>[vector<16xi32>, vector<16xi32>], vector<16xf32>,
        %gather3A_867 = tpu.vector_load_idx %arg15[%add3A_629, %broadcast_in_dim3A_861] : memref<512x16xf32, #tpu.memory_space<vmem>>[vector<16xi32>, vector<16xi32>], vector<16xf32>,
        %gather3A_868 = tpu.vector_load_idx %arg16[%add3A_629, %broadcast_in_dim3A_861] : memref<512x16xf32, #tpu.memory_space<vmem>>[vector<16xi32>, vector<16xi32>], vector<16xf32>,
        %gather3A_869 = tpu.vector_load_idx %arg17[%add3A_629, %broadcast_in_dim3A_861] : memref<512x16xf32, #tpu.memory_space<vmem>>[vector<16xi32>, vector<16xi32>], vector<16xf32>,
        %mul3A_870 = arith.mulf %gather3A_862, %mul3A_624 : vector<16xf32>
        %mul3A_871 = arith.mulf %gather3A_863, %mul3A_625 : vector<16xf32>
        %add3A_872 = arith.addf %mul3A_870, %mul3A_871 : vector<16xf32>
        %mul3A_873 = arith.mulf %gather3A_864, %mul3A_626 : vector<16xf32>
        %add3A_874 = arith.addf %add3A_872, %mul3A_873 : vector<16xf32>
        %mul3A_875 = arith.mulf %gather3A_865, %mul3A_627 : vector<16xf32>
        %add3A_876 = arith.addf %add3A_874, %mul3A_875 : vector<16xf32>
        %mul3A_877 = arith.mulf %add3A_876, %sub3A_617 : vector<16xf32>
        %mul3A_878 = arith.mulf %gather3A_866, %mul3A_624 : vector<16xf32>
        %mul3A_879 = arith.mulf %gather3A_867, %mul3A_625 : vector<16xf32>
        %add3A_880 = arith.addf %mul3A_878, %mul3A_879 : vector<16xf32>
        %mul3A_881 = arith.mulf %gather3A_868, %mul3A_626 : vector<16xf32>
        %add3A_882 = arith.addf %add3A_880, %mul3A_881 : vector<16xf32>
        %mul3A_883 = arith.mulf %gather3A_869, %mul3A_627 : vector<16xf32>
        %add3A_884 = arith.addf %add3A_882, %mul3A_883 : vector<16xf32>
        %mul3A_885 = arith.mulf %add3A_884, %sub3A : vector<16xf32>
        %add3A_886 = arith.addf %mul3A_877, %mul3A_885 : vector<16xf32>
        %swap3A_887 = arith.constant 7 : i32
        %swap3A_888 = arith.index_cast %swap3A_887 : i32 to index
        %swap3A_889 = arith.index_cast %add3A_574 : i32 to index
        %swap3A_890 = tpu.vector_load %arg18[%swap3A_888, %swap3A_889] {strides = array<i32>} : memref<8x512xf32, #tpu.memory_space<vmem>>, vector<16xf32>,
        tpu.vector_store %arg18[%swap3A_888, %swap3A_889], %add3A_886 {strides = array<i32>} : memref<8x512xf32, #tpu.memory_space<vmem>>, vector<16xf32>,
      }
      %scan3A_464 = arith.constant 8 : i32
      %scan3A_465 = arith.constant 0 : i32
      %scan3A_466 = arith.constant 8 : i32
      %scan3A_467 = arith.addi %scan3A_465, %scan3A_466 : i32
      %scan3A_468 = arith.constant 1 : i32
      scf.for %scan3A_566 = %scan3A_465 to %scan3A_467 step %scan3A_468  : i32 {
        %mul3A_567 = arith.constant 1 : i32
        %mul3A_568 = arith.muli %scan3A_566, %mul3A_567 : i32
        %add3A_569 = arith.constant 0 : i32
        %add3A_570 = arith.addi %add3A_569, %mul3A_568 : i32
        %mul3A_571 = arith.constant 16 : i32
        %mul3A_572 = arith.muli %add3A_570, %mul3A_571 : i32
        %add3A_573 = arith.constant 384 : i32
        %add3A_574 = arith.addi %add3A_573, %mul3A_572 : i32
        %get3A = arith.index_cast %add3A_574 : i32 to index
        %get3A_575 = tpu.vector_load %arg7[%get3A] {strides = array<i32>} : memref<512xf32, #tpu.memory_space<vmem>>, vector<16xf32>,
        %get3A_576 = arith.index_cast %add3A_574 : i32 to index
        %get3A_577 = tpu.vector_load %arg8[%get3A_576] {strides = array<i32>} : memref<512xf32, #tpu.memory_space<vmem>>, vector<16xf32>,
        %get3A_578 = arith.index_cast %add3A_574 : i32 to index
        %get3A_579 = tpu.vector_load %arg9[%get3A_578] {strides = array<i32>} : memref<512xf32, #tpu.memory_space<vmem>>, vector<16xf32>,
        %add3A_580 = arith.constant 1.000000e+00 : f32
        %add3A_581 = vector.broadcast %add3A_580 : f32 to vector<16xf32>
        %add3A_582 = arith.addf %get3A_575, %add3A_581 : vector<16xf32>
        %mul3A_583 = arith.constant 5.000000e-01 : f32
        %mul3A_584 = vector.broadcast %mul3A_583 : f32 to vector<16xf32>
        %mul3A_585 = arith.mulf %add3A_582, %mul3A_584 : vector<16xf32>
        %mul3A_586 = arith.constant 1.270000e+02 : f32
        %mul3A_587 = vector.broadcast %mul3A_586 : f32 to vector<16xf32>
        %mul3A_588 = arith.mulf %mul3A_585, %mul3A_587 : vector<16xf32>
        %add3A_589 = arith.constant 1.000000e+00 : f32
        %add3A_590 = vector.broadcast %add3A_589 : f32 to vector<16xf32>
        %add3A_591 = arith.addf %get3A_577, %add3A_590 : vector<16xf32>
        %mul3A_592 = arith.constant 5.000000e-01 : f32
        %mul3A_593 = vector.broadcast %mul3A_592 : f32 to vector<16xf32>
        %mul3A_594 = arith.mulf %add3A_591, %mul3A_593 : vector<16xf32>
        %mul3A_595 = arith.constant 1.270000e+02 : f32
        %mul3A_596 = vector.broadcast %mul3A_595 : f32 to vector<16xf32>
        %mul3A_597 = arith.mulf %mul3A_594, %mul3A_596 : vector<16xf32>
        %add3A_598 = arith.constant 1.000000e+00 : f32
        %add3A_599 = vector.broadcast %add3A_598 : f32 to vector<16xf32>
        %add3A_600 = arith.addf %get3A_579, %add3A_599 : vector<16xf32>
        %mul3A_601 = arith.constant 5.000000e-01 : f32
        %mul3A_602 = vector.broadcast %mul3A_601 : f32 to vector<16xf32>
        %mul3A_603 = arith.mulf %add3A_600, %mul3A_602 : vector<16xf32>
        %mul3A_604 = arith.constant 1.270000e+02 : f32
        %mul3A_605 = vector.broadcast %mul3A_604 : f32 to vector<16xf32>
        %mul3A_606 = arith.mulf %mul3A_603, %mul3A_605 : vector<16xf32>
        %convert_element_type3A_607 = arith.fptosi %mul3A_588 : vector<16xf32> to vector<16xi32>
        %convert_element_type3A_608 = arith.sitofp %convert_element_type3A_607 : vector<16xi32> to vector<16xf32>
        %sub3A = arith.subf %mul3A_588, %convert_element_type3A_608 : vector<16xf32>
        %convert_element_type3A_609 = arith.fptosi %mul3A_597 : vector<16xf32> to vector<16xi32>
        %convert_element_type3A_610 = arith.sitofp %convert_element_type3A_609 : vector<16xi32> to vector<16xf32>
        %sub3A_611 = arith.subf %mul3A_597, %convert_element_type3A_610 : vector<16xf32>
        %convert_element_type3A_612 = arith.fptosi %mul3A_606 : vector<16xf32> to vector<16xi32>
        %convert_element_type3A_613 = arith.sitofp %convert_element_type3A_612 : vector<16xi32> to vector<16xf32>
        %sub3A_614 = arith.subf %mul3A_606, %convert_element_type3A_613 : vector<16xf32>
        %sub3A_615 = arith.constant 1.000000e+00 : f32
        %sub3A_616 = vector.broadcast %sub3A_615 : f32 to vector<16xf32>
        %sub3A_617 = arith.subf %sub3A_616, %sub3A : vector<16xf32>
        %sub3A_618 = arith.constant 1.000000e+00 : f32
        %sub3A_619 = vector.broadcast %sub3A_618 : f32 to vector<16xf32>
        %sub3A_620 = arith.subf %sub3A_619, %sub3A_611 : vector<16xf32>
        %sub3A_621 = arith.constant 1.000000e+00 : f32
        %sub3A_622 = vector.broadcast %sub3A_621 : f32 to vector<16xf32>
        %sub3A_623 = arith.subf %sub3A_622, %sub3A_614 : vector<16xf32>
        %mul3A_624 = arith.mulf %sub3A_623, %sub3A_620 : vector<16xf32>
        %mul3A_625 = arith.mulf %sub3A_623, %sub3A_611 : vector<16xf32>
        %mul3A_626 = arith.mulf %sub3A_614, %sub3A_620 : vector<16xf32>
        %mul3A_627 = arith.mulf %sub3A_614, %sub3A_611 : vector<16xf32>
        %add3A_628 = vector.broadcast %add3A_574 : i32 to vector<16xi32>
        %add3A_629 = arith.addi %add3A_628, %iota3A : vector<16xi32>
        %broadcast_in_dim3A = arith.constant 0 : i32
        %broadcast_in_dim3A_630 = vector.broadcast %broadcast_in_dim3A : i32 to vector<16xi32>
        %broadcast_in_dim3A_631 = arith.constant 8 : i32
        %broadcast_in_dim3A_632 = vector.broadcast %broadcast_in_dim3A_631 : i32 to vector<16xi32>
        %gather3A = tpu.vector_load_idx %arg14[%add3A_629, %broadcast_in_dim3A_630] : memref<512x16xf32, #tpu.memory_space<vmem>>[vector<16xi32>, vector<16xi32>], vector<16xf32>,
        %gather3A_633 = tpu.vector_load_idx %arg15[%add3A_629, %broadcast_in_dim3A_630] : memref<512x16xf32, #tpu.memory_space<vmem>>[vector<16xi32>, vector<16xi32>], vector<16xf32>,
        %gather3A_634 = tpu.vector_load_idx %arg16[%add3A_629, %broadcast_in_dim3A_630] : memref<512x16xf32, #tpu.memory_space<vmem>>[vector<16xi32>, vector<16xi32>], vector<16xf32>,
        %gather3A_635 = tpu.vector_load_idx %arg17[%add3A_629, %broadcast_in_dim3A_630] : memref<512x16xf32, #tpu.memory_space<vmem>>[vector<16xi32>, vector<16xi32>], vector<16xf32>,
        %gather3A_636 = tpu.vector_load_idx %arg14[%add3A_629, %broadcast_in_dim3A_632] : memref<512x16xf32, #tpu.memory_space<vmem>>[vector<16xi32>, vector<16xi32>], vector<16xf32>,
        %gather3A_637 = tpu.vector_load_idx %arg15[%add3A_629, %broadcast_in_dim3A_632] : memref<512x16xf32, #tpu.memory_space<vmem>>[vector<16xi32>, vector<16xi32>], vector<16xf32>,
        %gather3A_638 = tpu.vector_load_idx %arg16[%add3A_629, %broadcast_in_dim3A_632] : memref<512x16xf32, #tpu.memory_space<vmem>>[vector<16xi32>, vector<16xi32>], vector<16xf32>,
        %gather3A_639 = tpu.vector_load_idx %arg17[%add3A_629, %broadcast_in_dim3A_632] : memref<512x16xf32, #tpu.memory_space<vmem>>[vector<16xi32>, vector<16xi32>], vector<16xf32>,
        %mul3A_640 = arith.mulf %gather3A, %mul3A_624 : vector<16xf32>
        %mul3A_641 = arith.mulf %gather3A_633, %mul3A_625 : vector<16xf32>
        %add3A_642 = arith.addf %mul3A_640, %mul3A_641 : vector<16xf32>
        %mul3A_643 = arith.mulf %gather3A_634, %mul3A_626 : vector<16xf32>
        %add3A_644 = arith.addf %add3A_642, %mul3A_643 : vector<16xf32>
        %mul3A_645 = arith.mulf %gather3A_635, %mul3A_627 : vector<16xf32>
        %add3A_646 = arith.addf %add3A_644, %mul3A_645 : vector<16xf32>
        %mul3A_647 = arith.mulf %add3A_646, %sub3A_617 : vector<16xf32>
        %mul3A_648 = arith.mulf %gather3A_636, %mul3A_624 : vector<16xf32>
        %mul3A_649 = arith.mulf %gather3A_637, %mul3A_625 : vector<16xf32>
        %add3A_650 = arith.addf %mul3A_648, %mul3A_649 : vector<16xf32>
        %mul3A_651 = arith.mulf %gather3A_638, %mul3A_626 : vector<16xf32>
        %add3A_652 = arith.addf %add3A_650, %mul3A_651 : vector<16xf32>
        %mul3A_653 = arith.mulf %gather3A_639, %mul3A_627 : vector<16xf32>
        %add3A_654 = arith.addf %add3A_652, %mul3A_653 : vector<16xf32>
        %mul3A_655 = arith.mulf %add3A_654, %sub3A : vector<16xf32>
        %add3A_656 = arith.addf %mul3A_647, %mul3A_655 : vector<16xf32>
        %swap3A = arith.constant 0 : i32
        %swap3A_657 = arith.index_cast %swap3A : i32 to index
        %swap3A_658 = arith.index_cast %add3A_574 : i32 to index
        %swap3A_659 = tpu.vector_load %arg18[%swap3A_657, %swap3A_658] {strides = array<i32>} : memref<8x512xf32, #tpu.memory_space<vmem>>, vector<16xf32>,
        tpu.vector_store %arg18[%swap3A_657, %swap3A_658], %add3A_656 {strides = array<i32>} : memref<8x512xf32, #tpu.memory_space<vmem>>, vector<16xf32>,
        %broadcast_in_dim3A_660 = arith.constant 1 : i32
        %broadcast_in_dim3A_661 = vector.broadcast %broadcast_in_dim3A_660 : i32 to vector<16xi32>
        %broadcast_in_dim3A_662 = arith.constant 9 : i32
        %broadcast_in_dim3A_663 = vector.broadcast %broadcast_in_dim3A_662 : i32 to vector<16xi32>
        %gather3A_664 = tpu.vector_load_idx %arg14[%add3A_629, %broadcast_in_dim3A_661] : memref<512x16xf32, #tpu.memory_space<vmem>>[vector<16xi32>, vector<16xi32>], vector<16xf32>,
        %gather3A_665 = tpu.vector_load_idx %arg15[%add3A_629, %broadcast_in_dim3A_661] : memref<512x16xf32, #tpu.memory_space<vmem>>[vector<16xi32>, vector<16xi32>], vector<16xf32>,
        %gather3A_666 = tpu.vector_load_idx %arg16[%add3A_629, %broadcast_in_dim3A_661] : memref<512x16xf32, #tpu.memory_space<vmem>>[vector<16xi32>, vector<16xi32>], vector<16xf32>,
        %gather3A_667 = tpu.vector_load_idx %arg17[%add3A_629, %broadcast_in_dim3A_661] : memref<512x16xf32, #tpu.memory_space<vmem>>[vector<16xi32>, vector<16xi32>], vector<16xf32>,
        %gather3A_668 = tpu.vector_load_idx %arg14[%add3A_629, %broadcast_in_dim3A_663] : memref<512x16xf32, #tpu.memory_space<vmem>>[vector<16xi32>, vector<16xi32>], vector<16xf32>,
        %gather3A_669 = tpu.vector_load_idx %arg15[%add3A_629, %broadcast_in_dim3A_663] : memref<512x16xf32, #tpu.memory_space<vmem>>[vector<16xi32>, vector<16xi32>], vector<16xf32>,
        %gather3A_670 = tpu.vector_load_idx %arg16[%add3A_629, %broadcast_in_dim3A_663] : memref<512x16xf32, #tpu.memory_space<vmem>>[vector<16xi32>, vector<16xi32>], vector<16xf32>,
        %gather3A_671 = tpu.vector_load_idx %arg17[%add3A_629, %broadcast_in_dim3A_663] : memref<512x16xf32, #tpu.memory_space<vmem>>[vector<16xi32>, vector<16xi32>], vector<16xf32>,
        %mul3A_672 = arith.mulf %gather3A_664, %mul3A_624 : vector<16xf32>
        %mul3A_673 = arith.mulf %gather3A_665, %mul3A_625 : vector<16xf32>
        %add3A_674 = arith.addf %mul3A_672, %mul3A_673 : vector<16xf32>
        %mul3A_675 = arith.mulf %gather3A_666, %mul3A_626 : vector<16xf32>
        %add3A_676 = arith.addf %add3A_674, %mul3A_675 : vector<16xf32>
        %mul3A_677 = arith.mulf %gather3A_667, %mul3A_627 : vector<16xf32>
        %add3A_678 = arith.addf %add3A_676, %mul3A_677 : vector<16xf32>
        %mul3A_679 = arith.mulf %add3A_678, %sub3A_617 : vector<16xf32>
        %mul3A_680 = arith.mulf %gather3A_668, %mul3A_624 : vector<16xf32>
        %mul3A_681 = arith.mulf %gather3A_669, %mul3A_625 : vector<16xf32>
        %add3A_682 = arith.addf %mul3A_680, %mul3A_681 : vector<16xf32>
        %mul3A_683 = arith.mulf %gather3A_670, %mul3A_626 : vector<16xf32>
        %add3A_684 = arith.addf %add3A_682, %mul3A_683 : vector<16xf32>
        %mul3A_685 = arith.mulf %gather3A_671, %mul3A_627 : vector<16xf32>
        %add3A_686 = arith.addf %add3A_684, %mul3A_685 : vector<16xf32>
        %mul3A_687 = arith.mulf %add3A_686, %sub3A : vector<16xf32>
        %add3A_688 = arith.addf %mul3A_679, %mul3A_687 : vector<16xf32>
        %swap3A_689 = arith.constant 1 : i32
        %swap3A_690 = arith.index_cast %swap3A_689 : i32 to index
        %swap3A_691 = arith.index_cast %add3A_574 : i32 to index
        %swap3A_692 = tpu.vector_load %arg18[%swap3A_690, %swap3A_691] {strides = array<i32>} : memref<8x512xf32, #tpu.memory_space<vmem>>, vector<16xf32>,
        tpu.vector_store %arg18[%swap3A_690, %swap3A_691], %add3A_688 {strides = array<i32>} : memref<8x512xf32, #tpu.memory_space<vmem>>, vector<16xf32>,
        %broadcast_in_dim3A_693 = arith.constant 2 : i32
        %broadcast_in_dim3A_694 = vector.broadcast %broadcast_in_dim3A_693 : i32 to vector<16xi32>
        %broadcast_in_dim3A_695 = arith.constant 10 : i32
        %broadcast_in_dim3A_696 = vector.broadcast %broadcast_in_dim3A_695 : i32 to vector<16xi32>
        %gather3A_697 = tpu.vector_load_idx %arg14[%add3A_629, %broadcast_in_dim3A_694] : memref<512x16xf32, #tpu.memory_space<vmem>>[vector<16xi32>, vector<16xi32>], vector<16xf32>,
        %gather3A_698 = tpu.vector_load_idx %arg15[%add3A_629, %broadcast_in_dim3A_694] : memref<512x16xf32, #tpu.memory_space<vmem>>[vector<16xi32>, vector<16xi32>], vector<16xf32>,
        %gather3A_699 = tpu.vector_load_idx %arg16[%add3A_629, %broadcast_in_dim3A_694] : memref<512x16xf32, #tpu.memory_space<vmem>>[vector<16xi32>, vector<16xi32>], vector<16xf32>,
        %gather3A_700 = tpu.vector_load_idx %arg17[%add3A_629, %broadcast_in_dim3A_694] : memref<512x16xf32, #tpu.memory_space<vmem>>[vector<16xi32>, vector<16xi32>], vector<16xf32>,
        %gather3A_701 = tpu.vector_load_idx %arg14[%add3A_629, %broadcast_in_dim3A_696] : memref<512x16xf32, #tpu.memory_space<vmem>>[vector<16xi32>, vector<16xi32>], vector<16xf32>,
        %gather3A_702 = tpu.vector_load_idx %arg15[%add3A_629, %broadcast_in_dim3A_696] : memref<512x16xf32, #tpu.memory_space<vmem>>[vector<16xi32>, vector<16xi32>], vector<16xf32>,
        %gather3A_703 = tpu.vector_load_idx %arg16[%add3A_629, %broadcast_in_dim3A_696] : memref<512x16xf32, #tpu.memory_space<vmem>>[vector<16xi32>, vector<16xi32>], vector<16xf32>,
        %gather3A_704 = tpu.vector_load_idx %arg17[%add3A_629, %broadcast_in_dim3A_696] : memref<512x16xf32, #tpu.memory_space<vmem>>[vector<16xi32>, vector<16xi32>], vector<16xf32>,
        %mul3A_705 = arith.mulf %gather3A_697, %mul3A_624 : vector<16xf32>
        %mul3A_706 = arith.mulf %gather3A_698, %mul3A_625 : vector<16xf32>
        %add3A_707 = arith.addf %mul3A_705, %mul3A_706 : vector<16xf32>
        %mul3A_708 = arith.mulf %gather3A_699, %mul3A_626 : vector<16xf32>
        %add3A_709 = arith.addf %add3A_707, %mul3A_708 : vector<16xf32>
        %mul3A_710 = arith.mulf %gather3A_700, %mul3A_627 : vector<16xf32>
        %add3A_711 = arith.addf %add3A_709, %mul3A_710 : vector<16xf32>
        %mul3A_712 = arith.mulf %add3A_711, %sub3A_617 : vector<16xf32>
        %mul3A_713 = arith.mulf %gather3A_701, %mul3A_624 : vector<16xf32>
        %mul3A_714 = arith.mulf %gather3A_702, %mul3A_625 : vector<16xf32>
        %add3A_715 = arith.addf %mul3A_713, %mul3A_714 : vector<16xf32>
        %mul3A_716 = arith.mulf %gather3A_703, %mul3A_626 : vector<16xf32>
        %add3A_717 = arith.addf %add3A_715, %mul3A_716 : vector<16xf32>
        %mul3A_718 = arith.mulf %gather3A_704, %mul3A_627 : vector<16xf32>
        %add3A_719 = arith.addf %add3A_717, %mul3A_718 : vector<16xf32>
        %mul3A_720 = arith.mulf %add3A_719, %sub3A : vector<16xf32>
        %add3A_721 = arith.addf %mul3A_712, %mul3A_720 : vector<16xf32>
        %swap3A_722 = arith.constant 2 : i32
        %swap3A_723 = arith.index_cast %swap3A_722 : i32 to index
        %swap3A_724 = arith.index_cast %add3A_574 : i32 to index
        %swap3A_725 = tpu.vector_load %arg18[%swap3A_723, %swap3A_724] {strides = array<i32>} : memref<8x512xf32, #tpu.memory_space<vmem>>, vector<16xf32>,
        tpu.vector_store %arg18[%swap3A_723, %swap3A_724], %add3A_721 {strides = array<i32>} : memref<8x512xf32, #tpu.memory_space<vmem>>, vector<16xf32>,
        %broadcast_in_dim3A_726 = arith.constant 3 : i32
        %broadcast_in_dim3A_727 = vector.broadcast %broadcast_in_dim3A_726 : i32 to vector<16xi32>
        %broadcast_in_dim3A_728 = arith.constant 11 : i32
        %broadcast_in_dim3A_729 = vector.broadcast %broadcast_in_dim3A_728 : i32 to vector<16xi32>
        %gather3A_730 = tpu.vector_load_idx %arg14[%add3A_629, %broadcast_in_dim3A_727] : memref<512x16xf32, #tpu.memory_space<vmem>>[vector<16xi32>, vector<16xi32>], vector<16xf32>,
        %gather3A_731 = tpu.vector_load_idx %arg15[%add3A_629, %broadcast_in_dim3A_727] : memref<512x16xf32, #tpu.memory_space<vmem>>[vector<16xi32>, vector<16xi32>], vector<16xf32>,
        %gather3A_732 = tpu.vector_load_idx %arg16[%add3A_629, %broadcast_in_dim3A_727] : memref<512x16xf32, #tpu.memory_space<vmem>>[vector<16xi32>, vector<16xi32>], vector<16xf32>,
        %gather3A_733 = tpu.vector_load_idx %arg17[%add3A_629, %broadcast_in_dim3A_727] : memref<512x16xf32, #tpu.memory_space<vmem>>[vector<16xi32>, vector<16xi32>], vector<16xf32>,
        %gather3A_734 = tpu.vector_load_idx %arg14[%add3A_629, %broadcast_in_dim3A_729] : memref<512x16xf32, #tpu.memory_space<vmem>>[vector<16xi32>, vector<16xi32>], vector<16xf32>,
        %gather3A_735 = tpu.vector_load_idx %arg15[%add3A_629, %broadcast_in_dim3A_729] : memref<512x16xf32, #tpu.memory_space<vmem>>[vector<16xi32>, vector<16xi32>], vector<16xf32>,
        %gather3A_736 = tpu.vector_load_idx %arg16[%add3A_629, %broadcast_in_dim3A_729] : memref<512x16xf32, #tpu.memory_space<vmem>>[vector<16xi32>, vector<16xi32>], vector<16xf32>,
        %gather3A_737 = tpu.vector_load_idx %arg17[%add3A_629, %broadcast_in_dim3A_729] : memref<512x16xf32, #tpu.memory_space<vmem>>[vector<16xi32>, vector<16xi32>], vector<16xf32>,
        %mul3A_738 = arith.mulf %gather3A_730, %mul3A_624 : vector<16xf32>
        %mul3A_739 = arith.mulf %gather3A_731, %mul3A_625 : vector<16xf32>
        %add3A_740 = arith.addf %mul3A_738, %mul3A_739 : vector<16xf32>
        %mul3A_741 = arith.mulf %gather3A_732, %mul3A_626 : vector<16xf32>
        %add3A_742 = arith.addf %add3A_740, %mul3A_741 : vector<16xf32>
        %mul3A_743 = arith.mulf %gather3A_733, %mul3A_627 : vector<16xf32>
        %add3A_744 = arith.addf %add3A_742, %mul3A_743 : vector<16xf32>
        %mul3A_745 = arith.mulf %add3A_744, %sub3A_617 : vector<16xf32>
        %mul3A_746 = arith.mulf %gather3A_734, %mul3A_624 : vector<16xf32>
        %mul3A_747 = arith.mulf %gather3A_735, %mul3A_625 : vector<16xf32>
        %add3A_748 = arith.addf %mul3A_746, %mul3A_747 : vector<16xf32>
        %mul3A_749 = arith.mulf %gather3A_736, %mul3A_626 : vector<16xf32>
        %add3A_750 = arith.addf %add3A_748, %mul3A_749 : vector<16xf32>
        %mul3A_751 = arith.mulf %gather3A_737, %mul3A_627 : vector<16xf32>
        %add3A_752 = arith.addf %add3A_750, %mul3A_751 : vector<16xf32>
        %mul3A_753 = arith.mulf %add3A_752, %sub3A : vector<16xf32>
        %add3A_754 = arith.addf %mul3A_745, %mul3A_753 : vector<16xf32>
        %swap3A_755 = arith.constant 3 : i32
        %swap3A_756 = arith.index_cast %swap3A_755 : i32 to index
        %swap3A_757 = arith.index_cast %add3A_574 : i32 to index
        %swap3A_758 = tpu.vector_load %arg18[%swap3A_756, %swap3A_757] {strides = array<i32>} : memref<8x512xf32, #tpu.memory_space<vmem>>, vector<16xf32>,
        tpu.vector_store %arg18[%swap3A_756, %swap3A_757], %add3A_754 {strides = array<i32>} : memref<8x512xf32, #tpu.memory_space<vmem>>, vector<16xf32>,
        %broadcast_in_dim3A_759 = arith.constant 4 : i32
        %broadcast_in_dim3A_760 = vector.broadcast %broadcast_in_dim3A_759 : i32 to vector<16xi32>
        %broadcast_in_dim3A_761 = arith.constant 12 : i32
        %broadcast_in_dim3A_762 = vector.broadcast %broadcast_in_dim3A_761 : i32 to vector<16xi32>
        %gather3A_763 = tpu.vector_load_idx %arg14[%add3A_629, %broadcast_in_dim3A_760] : memref<512x16xf32, #tpu.memory_space<vmem>>[vector<16xi32>, vector<16xi32>], vector<16xf32>,
        %gather3A_764 = tpu.vector_load_idx %arg15[%add3A_629, %broadcast_in_dim3A_760] : memref<512x16xf32, #tpu.memory_space<vmem>>[vector<16xi32>, vector<16xi32>], vector<16xf32>,
        %gather3A_765 = tpu.vector_load_idx %arg16[%add3A_629, %broadcast_in_dim3A_760] : memref<512x16xf32, #tpu.memory_space<vmem>>[vector<16xi32>, vector<16xi32>], vector<16xf32>,
        %gather3A_766 = tpu.vector_load_idx %arg17[%add3A_629, %broadcast_in_dim3A_760] : memref<512x16xf32, #tpu.memory_space<vmem>>[vector<16xi32>, vector<16xi32>], vector<16xf32>,
        %gather3A_767 = tpu.vector_load_idx %arg14[%add3A_629, %broadcast_in_dim3A_762] : memref<512x16xf32, #tpu.memory_space<vmem>>[vector<16xi32>, vector<16xi32>], vector<16xf32>,
        %gather3A_768 = tpu.vector_load_idx %arg15[%add3A_629, %broadcast_in_dim3A_762] : memref<512x16xf32, #tpu.memory_space<vmem>>[vector<16xi32>, vector<16xi32>], vector<16xf32>,
        %gather3A_769 = tpu.vector_load_idx %arg16[%add3A_629, %broadcast_in_dim3A_762] : memref<512x16xf32, #tpu.memory_space<vmem>>[vector<16xi32>, vector<16xi32>], vector<16xf32>,
        %gather3A_770 = tpu.vector_load_idx %arg17[%add3A_629, %broadcast_in_dim3A_762] : memref<512x16xf32, #tpu.memory_space<vmem>>[vector<16xi32>, vector<16xi32>], vector<16xf32>,
        %mul3A_771 = arith.mulf %gather3A_763, %mul3A_624 : vector<16xf32>
        %mul3A_772 = arith.mulf %gather3A_764, %mul3A_625 : vector<16xf32>
        %add3A_773 = arith.addf %mul3A_771, %mul3A_772 : vector<16xf32>
        %mul3A_774 = arith.mulf %gather3A_765, %mul3A_626 : vector<16xf32>
        %add3A_775 = arith.addf %add3A_773, %mul3A_774 : vector<16xf32>
        %mul3A_776 = arith.mulf %gather3A_766, %mul3A_627 : vector<16xf32>
        %add3A_777 = arith.addf %add3A_775, %mul3A_776 : vector<16xf32>
        %mul3A_778 = arith.mulf %add3A_777, %sub3A_617 : vector<16xf32>
        %mul3A_779 = arith.mulf %gather3A_767, %mul3A_624 : vector<16xf32>
        %mul3A_780 = arith.mulf %gather3A_768, %mul3A_625 : vector<16xf32>
        %add3A_781 = arith.addf %mul3A_779, %mul3A_780 : vector<16xf32>
        %mul3A_782 = arith.mulf %gather3A_769, %mul3A_626 : vector<16xf32>
        %add3A_783 = arith.addf %add3A_781, %mul3A_782 : vector<16xf32>
        %mul3A_784 = arith.mulf %gather3A_770, %mul3A_627 : vector<16xf32>
        %add3A_785 = arith.addf %add3A_783, %mul3A_784 : vector<16xf32>
        %mul3A_786 = arith.mulf %add3A_785, %sub3A : vector<16xf32>
        %add3A_787 = arith.addf %mul3A_778, %mul3A_786 : vector<16xf32>
        %swap3A_788 = arith.constant 4 : i32
        %swap3A_789 = arith.index_cast %swap3A_788 : i32 to index
        %swap3A_790 = arith.index_cast %add3A_574 : i32 to index
        %swap3A_791 = tpu.vector_load %arg18[%swap3A_789, %swap3A_790] {strides = array<i32>} : memref<8x512xf32, #tpu.memory_space<vmem>>, vector<16xf32>,
        tpu.vector_store %arg18[%swap3A_789, %swap3A_790], %add3A_787 {strides = array<i32>} : memref<8x512xf32, #tpu.memory_space<vmem>>, vector<16xf32>,
        %broadcast_in_dim3A_792 = arith.constant 5 : i32
        %broadcast_in_dim3A_793 = vector.broadcast %broadcast_in_dim3A_792 : i32 to vector<16xi32>
        %broadcast_in_dim3A_794 = arith.constant 13 : i32
        %broadcast_in_dim3A_795 = vector.broadcast %broadcast_in_dim3A_794 : i32 to vector<16xi32>
        %gather3A_796 = tpu.vector_load_idx %arg14[%add3A_629, %broadcast_in_dim3A_793] : memref<512x16xf32, #tpu.memory_space<vmem>>[vector<16xi32>, vector<16xi32>], vector<16xf32>,
        %gather3A_797 = tpu.vector_load_idx %arg15[%add3A_629, %broadcast_in_dim3A_793] : memref<512x16xf32, #tpu.memory_space<vmem>>[vector<16xi32>, vector<16xi32>], vector<16xf32>,
        %gather3A_798 = tpu.vector_load_idx %arg16[%add3A_629, %broadcast_in_dim3A_793] : memref<512x16xf32, #tpu.memory_space<vmem>>[vector<16xi32>, vector<16xi32>], vector<16xf32>,
        %gather3A_799 = tpu.vector_load_idx %arg17[%add3A_629, %broadcast_in_dim3A_793] : memref<512x16xf32, #tpu.memory_space<vmem>>[vector<16xi32>, vector<16xi32>], vector<16xf32>,
        %gather3A_800 = tpu.vector_load_idx %arg14[%add3A_629, %broadcast_in_dim3A_795] : memref<512x16xf32, #tpu.memory_space<vmem>>[vector<16xi32>, vector<16xi32>], vector<16xf32>,
        %gather3A_801 = tpu.vector_load_idx %arg15[%add3A_629, %broadcast_in_dim3A_795] : memref<512x16xf32, #tpu.memory_space<vmem>>[vector<16xi32>, vector<16xi32>], vector<16xf32>,
        %gather3A_802 = tpu.vector_load_idx %arg16[%add3A_629, %broadcast_in_dim3A_795] : memref<512x16xf32, #tpu.memory_space<vmem>>[vector<16xi32>, vector<16xi32>], vector<16xf32>,
        %gather3A_803 = tpu.vector_load_idx %arg17[%add3A_629, %broadcast_in_dim3A_795] : memref<512x16xf32, #tpu.memory_space<vmem>>[vector<16xi32>, vector<16xi32>], vector<16xf32>,
        %mul3A_804 = arith.mulf %gather3A_796, %mul3A_624 : vector<16xf32>
        %mul3A_805 = arith.mulf %gather3A_797, %mul3A_625 : vector<16xf32>
        %add3A_806 = arith.addf %mul3A_804, %mul3A_805 : vector<16xf32>
        %mul3A_807 = arith.mulf %gather3A_798, %mul3A_626 : vector<16xf32>
        %add3A_808 = arith.addf %add3A_806, %mul3A_807 : vector<16xf32>
        %mul3A_809 = arith.mulf %gather3A_799, %mul3A_627 : vector<16xf32>
        %add3A_810 = arith.addf %add3A_808, %mul3A_809 : vector<16xf32>
        %mul3A_811 = arith.mulf %add3A_810, %sub3A_617 : vector<16xf32>
        %mul3A_812 = arith.mulf %gather3A_800, %mul3A_624 : vector<16xf32>
        %mul3A_813 = arith.mulf %gather3A_801, %mul3A_625 : vector<16xf32>
        %add3A_814 = arith.addf %mul3A_812, %mul3A_813 : vector<16xf32>
        %mul3A_815 = arith.mulf %gather3A_802, %mul3A_626 : vector<16xf32>
        %add3A_816 = arith.addf %add3A_814, %mul3A_815 : vector<16xf32>
        %mul3A_817 = arith.mulf %gather3A_803, %mul3A_627 : vector<16xf32>
        %add3A_818 = arith.addf %add3A_816, %mul3A_817 : vector<16xf32>
        %mul3A_819 = arith.mulf %add3A_818, %sub3A : vector<16xf32>
        %add3A_820 = arith.addf %mul3A_811, %mul3A_819 : vector<16xf32>
        %swap3A_821 = arith.constant 5 : i32
        %swap3A_822 = arith.index_cast %swap3A_821 : i32 to index
        %swap3A_823 = arith.index_cast %add3A_574 : i32 to index
        %swap3A_824 = tpu.vector_load %arg18[%swap3A_822, %swap3A_823] {strides = array<i32>} : memref<8x512xf32, #tpu.memory_space<vmem>>, vector<16xf32>,
        tpu.vector_store %arg18[%swap3A_822, %swap3A_823], %add3A_820 {strides = array<i32>} : memref<8x512xf32, #tpu.memory_space<vmem>>, vector<16xf32>,
        %broadcast_in_dim3A_825 = arith.constant 6 : i32
        %broadcast_in_dim3A_826 = vector.broadcast %broadcast_in_dim3A_825 : i32 to vector<16xi32>
        %broadcast_in_dim3A_827 = arith.constant 14 : i32
        %broadcast_in_dim3A_828 = vector.broadcast %broadcast_in_dim3A_827 : i32 to vector<16xi32>
        %gather3A_829 = tpu.vector_load_idx %arg14[%add3A_629, %broadcast_in_dim3A_826] : memref<512x16xf32, #tpu.memory_space<vmem>>[vector<16xi32>, vector<16xi32>], vector<16xf32>,
        %gather3A_830 = tpu.vector_load_idx %arg15[%add3A_629, %broadcast_in_dim3A_826] : memref<512x16xf32, #tpu.memory_space<vmem>>[vector<16xi32>, vector<16xi32>], vector<16xf32>,
        %gather3A_831 = tpu.vector_load_idx %arg16[%add3A_629, %broadcast_in_dim3A_826] : memref<512x16xf32, #tpu.memory_space<vmem>>[vector<16xi32>, vector<16xi32>], vector<16xf32>,
        %gather3A_832 = tpu.vector_load_idx %arg17[%add3A_629, %broadcast_in_dim3A_826] : memref<512x16xf32, #tpu.memory_space<vmem>>[vector<16xi32>, vector<16xi32>], vector<16xf32>,
        %gather3A_833 = tpu.vector_load_idx %arg14[%add3A_629, %broadcast_in_dim3A_828] : memref<512x16xf32, #tpu.memory_space<vmem>>[vector<16xi32>, vector<16xi32>], vector<16xf32>,
        %gather3A_834 = tpu.vector_load_idx %arg15[%add3A_629, %broadcast_in_dim3A_828] : memref<512x16xf32, #tpu.memory_space<vmem>>[vector<16xi32>, vector<16xi32>], vector<16xf32>,
        %gather3A_835 = tpu.vector_load_idx %arg16[%add3A_629, %broadcast_in_dim3A_828] : memref<512x16xf32, #tpu.memory_space<vmem>>[vector<16xi32>, vector<16xi32>], vector<16xf32>,
        %gather3A_836 = tpu.vector_load_idx %arg17[%add3A_629, %broadcast_in_dim3A_828] : memref<512x16xf32, #tpu.memory_space<vmem>>[vector<16xi32>, vector<16xi32>], vector<16xf32>,
        %mul3A_837 = arith.mulf %gather3A_829, %mul3A_624 : vector<16xf32>
        %mul3A_838 = arith.mulf %gather3A_830, %mul3A_625 : vector<16xf32>
        %add3A_839 = arith.addf %mul3A_837, %mul3A_838 : vector<16xf32>
        %mul3A_840 = arith.mulf %gather3A_831, %mul3A_626 : vector<16xf32>
        %add3A_841 = arith.addf %add3A_839, %mul3A_840 : vector<16xf32>
        %mul3A_842 = arith.mulf %gather3A_832, %mul3A_627 : vector<16xf32>
        %add3A_843 = arith.addf %add3A_841, %mul3A_842 : vector<16xf32>
        %mul3A_844 = arith.mulf %add3A_843, %sub3A_617 : vector<16xf32>
        %mul3A_845 = arith.mulf %gather3A_833, %mul3A_624 : vector<16xf32>
        %mul3A_846 = arith.mulf %gather3A_834, %mul3A_625 : vector<16xf32>
        %add3A_847 = arith.addf %mul3A_845, %mul3A_846 : vector<16xf32>
        %mul3A_848 = arith.mulf %gather3A_835, %mul3A_626 : vector<16xf32>
        %add3A_849 = arith.addf %add3A_847, %mul3A_848 : vector<16xf32>
        %mul3A_850 = arith.mulf %gather3A_836, %mul3A_627 : vector<16xf32>
        %add3A_851 = arith.addf %add3A_849, %mul3A_850 : vector<16xf32>
        %mul3A_852 = arith.mulf %add3A_851, %sub3A : vector<16xf32>
        %add3A_853 = arith.addf %mul3A_844, %mul3A_852 : vector<16xf32>
        %swap3A_854 = arith.constant 6 : i32
        %swap3A_855 = arith.index_cast %swap3A_854 : i32 to index
        %swap3A_856 = arith.index_cast %add3A_574 : i32 to index
        %swap3A_857 = tpu.vector_load %arg18[%swap3A_855, %swap3A_856] {strides = array<i32>} : memref<8x512xf32, #tpu.memory_space<vmem>>, vector<16xf32>,
        tpu.vector_store %arg18[%swap3A_855, %swap3A_856], %add3A_853 {strides = array<i32>} : memref<8x512xf32, #tpu.memory_space<vmem>>, vector<16xf32>,
        %broadcast_in_dim3A_858 = arith.constant 7 : i32
        %broadcast_in_dim3A_859 = vector.broadcast %broadcast_in_dim3A_858 : i32 to vector<16xi32>
        %broadcast_in_dim3A_860 = arith.constant 15 : i32
        %broadcast_in_dim3A_861 = vector.broadcast %broadcast_in_dim3A_860 : i32 to vector<16xi32>
        %gather3A_862 = tpu.vector_load_idx %arg14[%add3A_629, %broadcast_in_dim3A_859] : memref<512x16xf32, #tpu.memory_space<vmem>>[vector<16xi32>, vector<16xi32>], vector<16xf32>,
        %gather3A_863 = tpu.vector_load_idx %arg15[%add3A_629, %broadcast_in_dim3A_859] : memref<512x16xf32, #tpu.memory_space<vmem>>[vector<16xi32>, vector<16xi32>], vector<16xf32>,
        %gather3A_864 = tpu.vector_load_idx %arg16[%add3A_629, %broadcast_in_dim3A_859] : memref<512x16xf32, #tpu.memory_space<vmem>>[vector<16xi32>, vector<16xi32>], vector<16xf32>,
        %gather3A_865 = tpu.vector_load_idx %arg17[%add3A_629, %broadcast_in_dim3A_859] : memref<512x16xf32, #tpu.memory_space<vmem>>[vector<16xi32>, vector<16xi32>], vector<16xf32>,
        %gather3A_866 = tpu.vector_load_idx %arg14[%add3A_629, %broadcast_in_dim3A_861] : memref<512x16xf32, #tpu.memory_space<vmem>>[vector<16xi32>, vector<16xi32>], vector<16xf32>,
        %gather3A_867 = tpu.vector_load_idx %arg15[%add3A_629, %broadcast_in_dim3A_861] : memref<512x16xf32, #tpu.memory_space<vmem>>[vector<16xi32>, vector<16xi32>], vector<16xf32>,
        %gather3A_868 = tpu.vector_load_idx %arg16[%add3A_629, %broadcast_in_dim3A_861] : memref<512x16xf32, #tpu.memory_space<vmem>>[vector<16xi32>, vector<16xi32>], vector<16xf32>,
        %gather3A_869 = tpu.vector_load_idx %arg17[%add3A_629, %broadcast_in_dim3A_861] : memref<512x16xf32, #tpu.memory_space<vmem>>[vector<16xi32>, vector<16xi32>], vector<16xf32>,
        %mul3A_870 = arith.mulf %gather3A_862, %mul3A_624 : vector<16xf32>
        %mul3A_871 = arith.mulf %gather3A_863, %mul3A_625 : vector<16xf32>
        %add3A_872 = arith.addf %mul3A_870, %mul3A_871 : vector<16xf32>
        %mul3A_873 = arith.mulf %gather3A_864, %mul3A_626 : vector<16xf32>
        %add3A_874 = arith.addf %add3A_872, %mul3A_873 : vector<16xf32>
        %mul3A_875 = arith.mulf %gather3A_865, %mul3A_627 : vector<16xf32>
        %add3A_876 = arith.addf %add3A_874, %mul3A_875 : vector<16xf32>
        %mul3A_877 = arith.mulf %add3A_876, %sub3A_617 : vector<16xf32>
        %mul3A_878 = arith.mulf %gather3A_866, %mul3A_624 : vector<16xf32>
        %mul3A_879 = arith.mulf %gather3A_867, %mul3A_625 : vector<16xf32>
        %add3A_880 = arith.addf %mul3A_878, %mul3A_879 : vector<16xf32>
        %mul3A_881 = arith.mulf %gather3A_868, %mul3A_626 : vector<16xf32>
        %add3A_882 = arith.addf %add3A_880, %mul3A_881 : vector<16xf32>
        %mul3A_883 = arith.mulf %gather3A_869, %mul3A_627 : vector<16xf32>
        %add3A_884 = arith.addf %add3A_882, %mul3A_883 : vector<16xf32>
        %mul3A_885 = arith.mulf %add3A_884, %sub3A : vector<16xf32>
        %add3A_886 = arith.addf %mul3A_877, %mul3A_885 : vector<16xf32>
        %swap3A_887 = arith.constant 7 : i32
        %swap3A_888 = arith.index_cast %swap3A_887 : i32 to index
        %swap3A_889 = arith.index_cast %add3A_574 : i32 to index
        %swap3A_890 = tpu.vector_load %arg18[%swap3A_888, %swap3A_889] {strides = array<i32>} : memref<8x512xf32, #tpu.memory_space<vmem>>, vector<16xf32>,
        tpu.vector_store %arg18[%swap3A_888, %swap3A_889], %add3A_886 {strides = array<i32>} : memref<8x512xf32, #tpu.memory_space<vmem>>, vector<16xf32>,
      }
      %scan3A_469 = arith.constant 8 : i32
      %dma_start3A_470 = arith.constant 0 : i32
      %dma_start3A_471 = arith.constant 0 : i32
      %dma_start3A_472 = arith.constant 0 : i32
      %dma_start3A_473 = tpu.memref_slice %arg18[%dma_start3A_470, %dma_start3A_472] : memref<8x512xf32, #tpu.memory_space<vmem>> -> memref<1x512xf32, #tpu.memory_space<vmem>>
      %dma_start3A_474 = tpu.memref_squeeze %dma_start3A_473 : memref<1x512xf32, #tpu.memory_space<vmem>> -> memref<512xf32, #tpu.memory_space<vmem>>
      %dma_start3A_475 = tpu.memref_slice %arg6[%dma_start3A_471, %add3A_108] : memref<8x1015808xf32, #tpu.memory_space<hbm>> -> memref<1x512xf32, #tpu.memory_space<hbm>>
      %dma_start3A_476 = tpu.memref_squeeze %dma_start3A_475 : memref<1x512xf32, #tpu.memory_space<hbm>> -> memref<512xf32, #tpu.memory_space<hbm>>
      %dma_start3A_477 = tpu.memref_slice %arg6[%dma_start3A_471, %add3A_108] : memref<8x1015808xf32, #tpu.memory_space<hbm>> -> memref<1x512xf32, #tpu.memory_space<hbm>>
      %dma_start3A_478 = tpu.memref_squeeze %dma_start3A_477 : memref<1x512xf32, #tpu.memory_space<hbm>> -> memref<512xf32, #tpu.memory_space<hbm>>
      %dma_start3A_479 = arith.constant 0 : i32
      %dma_start3A_480 = tpu.memref_slice %arg18[%dma_start3A_470, %dma_start3A_479] : memref<8x512xf32, #tpu.memory_space<vmem>> -> memref<1x512xf32, #tpu.memory_space<vmem>>
      %dma_start3A_481 = tpu.memref_squeeze %dma_start3A_480 : memref<1x512xf32, #tpu.memory_space<vmem>> -> memref<512xf32, #tpu.memory_space<vmem>>
      tpu.enqueue_dma source(%dma_start3A_481 : memref<512xf32, #tpu.memory_space<vmem>>) target(%dma_start3A_478 : memref<512xf32, #tpu.memory_space<hbm>>) target_semaphore(%arg20 : memref<!tpu.dma_semaphore, #tpu.memory_space<semaphore_mem>>)
      %dma_start3A_482 = arith.constant 1 : i32
      %dma_start3A_483 = arith.constant 1 : i32
      %dma_start3A_484 = arith.constant 0 : i32
      %dma_start3A_485 = tpu.memref_slice %arg18[%dma_start3A_482, %dma_start3A_484] : memref<8x512xf32, #tpu.memory_space<vmem>> -> memref<1x512xf32, #tpu.memory_space<vmem>>
      %dma_start3A_486 = tpu.memref_squeeze %dma_start3A_485 : memref<1x512xf32, #tpu.memory_space<vmem>> -> memref<512xf32, #tpu.memory_space<vmem>>
      %dma_start3A_487 = tpu.memref_slice %arg6[%dma_start3A_483, %add3A_108] : memref<8x1015808xf32, #tpu.memory_space<hbm>> -> memref<1x512xf32, #tpu.memory_space<hbm>>
      %dma_start3A_488 = tpu.memref_squeeze %dma_start3A_487 : memref<1x512xf32, #tpu.memory_space<hbm>> -> memref<512xf32, #tpu.memory_space<hbm>>
      %dma_start3A_489 = tpu.memref_slice %arg6[%dma_start3A_483, %add3A_108] : memref<8x1015808xf32, #tpu.memory_space<hbm>> -> memref<1x512xf32, #tpu.memory_space<hbm>>
      %dma_start3A_490 = tpu.memref_squeeze %dma_start3A_489 : memref<1x512xf32, #tpu.memory_space<hbm>> -> memref<512xf32, #tpu.memory_space<hbm>>
      %dma_start3A_491 = arith.constant 0 : i32
      %dma_start3A_492 = tpu.memref_slice %arg18[%dma_start3A_482, %dma_start3A_491] : memref<8x512xf32, #tpu.memory_space<vmem>> -> memref<1x512xf32, #tpu.memory_space<vmem>>
      %dma_start3A_493 = tpu.memref_squeeze %dma_start3A_492 : memref<1x512xf32, #tpu.memory_space<vmem>> -> memref<512xf32, #tpu.memory_space<vmem>>
      tpu.enqueue_dma source(%dma_start3A_493 : memref<512xf32, #tpu.memory_space<vmem>>) target(%dma_start3A_490 : memref<512xf32, #tpu.memory_space<hbm>>) target_semaphore(%arg20 : memref<!tpu.dma_semaphore, #tpu.memory_space<semaphore_mem>>)
      %dma_start3A_494 = arith.constant 2 : i32
      %dma_start3A_495 = arith.constant 2 : i32
      %dma_start3A_496 = arith.constant 0 : i32
      %dma_start3A_497 = tpu.memref_slice %arg18[%dma_start3A_494, %dma_start3A_496] : memref<8x512xf32, #tpu.memory_space<vmem>> -> memref<1x512xf32, #tpu.memory_space<vmem>>
      %dma_start3A_498 = tpu.memref_squeeze %dma_start3A_497 : memref<1x512xf32, #tpu.memory_space<vmem>> -> memref<512xf32, #tpu.memory_space<vmem>>
      %dma_start3A_499 = tpu.memref_slice %arg6[%dma_start3A_495, %add3A_108] : memref<8x1015808xf32, #tpu.memory_space<hbm>> -> memref<1x512xf32, #tpu.memory_space<hbm>>
      %dma_start3A_500 = tpu.memref_squeeze %dma_start3A_499 : memref<1x512xf32, #tpu.memory_space<hbm>> -> memref<512xf32, #tpu.memory_space<hbm>>
      %dma_start3A_501 = tpu.memref_slice %arg6[%dma_start3A_495, %add3A_108] : memref<8x1015808xf32, #tpu.memory_space<hbm>> -> memref<1x512xf32, #tpu.memory_space<hbm>>
      %dma_start3A_502 = tpu.memref_squeeze %dma_start3A_501 : memref<1x512xf32, #tpu.memory_space<hbm>> -> memref<512xf32, #tpu.memory_space<hbm>>
      %dma_start3A_503 = arith.constant 0 : i32
      %dma_start3A_504 = tpu.memref_slice %arg18[%dma_start3A_494, %dma_start3A_503] : memref<8x512xf32, #tpu.memory_space<vmem>> -> memref<1x512xf32, #tpu.memory_space<vmem>>
      %dma_start3A_505 = tpu.memref_squeeze %dma_start3A_504 : memref<1x512xf32, #tpu.memory_space<vmem>> -> memref<512xf32, #tpu.memory_space<vmem>>
      tpu.enqueue_dma source(%dma_start3A_505 : memref<512xf32, #tpu.memory_space<vmem>>) target(%dma_start3A_502 : memref<512xf32, #tpu.memory_space<hbm>>) target_semaphore(%arg20 : memref<!tpu.dma_semaphore, #tpu.memory_space<semaphore_mem>>)
      %dma_start3A_506 = arith.constant 3 : i32
      %dma_start3A_507 = arith.constant 3 : i32
      %dma_start3A_508 = arith.constant 0 : i32
      %dma_start3A_509 = tpu.memref_slice %arg18[%dma_start3A_506, %dma_start3A_508] : memref<8x512xf32, #tpu.memory_space<vmem>> -> memref<1x512xf32, #tpu.memory_space<vmem>>
      %dma_start3A_510 = tpu.memref_squeeze %dma_start3A_509 : memref<1x512xf32, #tpu.memory_space<vmem>> -> memref<512xf32, #tpu.memory_space<vmem>>
      %dma_start3A_511 = tpu.memref_slice %arg6[%dma_start3A_507, %add3A_108] : memref<8x1015808xf32, #tpu.memory_space<hbm>> -> memref<1x512xf32, #tpu.memory_space<hbm>>
      %dma_start3A_512 = tpu.memref_squeeze %dma_start3A_511 : memref<1x512xf32, #tpu.memory_space<hbm>> -> memref<512xf32, #tpu.memory_space<hbm>>
      %dma_start3A_513 = tpu.memref_slice %arg6[%dma_start3A_507, %add3A_108] : memref<8x1015808xf32, #tpu.memory_space<hbm>> -> memref<1x512xf32, #tpu.memory_space<hbm>>
      %dma_start3A_514 = tpu.memref_squeeze %dma_start3A_513 : memref<1x512xf32, #tpu.memory_space<hbm>> -> memref<512xf32, #tpu.memory_space<hbm>>
      %dma_start3A_515 = arith.constant 0 : i32
      %dma_start3A_516 = tpu.memref_slice %arg18[%dma_start3A_506, %dma_start3A_515] : memref<8x512xf32, #tpu.memory_space<vmem>> -> memref<1x512xf32, #tpu.memory_space<vmem>>
      %dma_start3A_517 = tpu.memref_squeeze %dma_start3A_516 : memref<1x512xf32, #tpu.memory_space<vmem>> -> memref<512xf32, #tpu.memory_space<vmem>>
      tpu.enqueue_dma source(%dma_start3A_517 : memref<512xf32, #tpu.memory_space<vmem>>) target(%dma_start3A_514 : memref<512xf32, #tpu.memory_space<hbm>>) target_semaphore(%arg20 : memref<!tpu.dma_semaphore, #tpu.memory_space<semaphore_mem>>)
      %dma_start3A_518 = arith.constant 4 : i32
      %dma_start3A_519 = arith.constant 4 : i32
      %dma_start3A_520 = arith.constant 0 : i32
      %dma_start3A_521 = tpu.memref_slice %arg18[%dma_start3A_518, %dma_start3A_520] : memref<8x512xf32, #tpu.memory_space<vmem>> -> memref<1x512xf32, #tpu.memory_space<vmem>>
      %dma_start3A_522 = tpu.memref_squeeze %dma_start3A_521 : memref<1x512xf32, #tpu.memory_space<vmem>> -> memref<512xf32, #tpu.memory_space<vmem>>
      %dma_start3A_523 = tpu.memref_slice %arg6[%dma_start3A_519, %add3A_108] : memref<8x1015808xf32, #tpu.memory_space<hbm>> -> memref<1x512xf32, #tpu.memory_space<hbm>>
      %dma_start3A_524 = tpu.memref_squeeze %dma_start3A_523 : memref<1x512xf32, #tpu.memory_space<hbm>> -> memref<512xf32, #tpu.memory_space<hbm>>
      %dma_start3A_525 = tpu.memref_slice %arg6[%dma_start3A_519, %add3A_108] : memref<8x1015808xf32, #tpu.memory_space<hbm>> -> memref<1x512xf32, #tpu.memory_space<hbm>>
      %dma_start3A_526 = tpu.memref_squeeze %dma_start3A_525 : memref<1x512xf32, #tpu.memory_space<hbm>> -> memref<512xf32, #tpu.memory_space<hbm>>
      %dma_start3A_527 = arith.constant 0 : i32
      %dma_start3A_528 = tpu.memref_slice %arg18[%dma_start3A_518, %dma_start3A_527] : memref<8x512xf32, #tpu.memory_space<vmem>> -> memref<1x512xf32, #tpu.memory_space<vmem>>
      %dma_start3A_529 = tpu.memref_squeeze %dma_start3A_528 : memref<1x512xf32, #tpu.memory_space<vmem>> -> memref<512xf32, #tpu.memory_space<vmem>>
      tpu.enqueue_dma source(%dma_start3A_529 : memref<512xf32, #tpu.memory_space<vmem>>) target(%dma_start3A_526 : memref<512xf32, #tpu.memory_space<hbm>>) target_semaphore(%arg20 : memref<!tpu.dma_semaphore, #tpu.memory_space<semaphore_mem>>)
      %dma_start3A_530 = arith.constant 5 : i32
      %dma_start3A_531 = arith.constant 5 : i32
      %dma_start3A_532 = arith.constant 0 : i32
      %dma_start3A_533 = tpu.memref_slice %arg18[%dma_start3A_530, %dma_start3A_532] : memref<8x512xf32, #tpu.memory_space<vmem>> -> memref<1x512xf32, #tpu.memory_space<vmem>>
      %dma_start3A_534 = tpu.memref_squeeze %dma_start3A_533 : memref<1x512xf32, #tpu.memory_space<vmem>> -> memref<512xf32, #tpu.memory_space<vmem>>
      %dma_start3A_535 = tpu.memref_slice %arg6[%dma_start3A_531, %add3A_108] : memref<8x1015808xf32, #tpu.memory_space<hbm>> -> memref<1x512xf32, #tpu.memory_space<hbm>>
      %dma_start3A_536 = tpu.memref_squeeze %dma_start3A_535 : memref<1x512xf32, #tpu.memory_space<hbm>> -> memref<512xf32, #tpu.memory_space<hbm>>
      %dma_start3A_537 = tpu.memref_slice %arg6[%dma_start3A_531, %add3A_108] : memref<8x1015808xf32, #tpu.memory_space<hbm>> -> memref<1x512xf32, #tpu.memory_space<hbm>>
      %dma_start3A_538 = tpu.memref_squeeze %dma_start3A_537 : memref<1x512xf32, #tpu.memory_space<hbm>> -> memref<512xf32, #tpu.memory_space<hbm>>
      %dma_start3A_539 = arith.constant 0 : i32
      %dma_start3A_540 = tpu.memref_slice %arg18[%dma_start3A_530, %dma_start3A_539] : memref<8x512xf32, #tpu.memory_space<vmem>> -> memref<1x512xf32, #tpu.memory_space<vmem>>
      %dma_start3A_541 = tpu.memref_squeeze %dma_start3A_540 : memref<1x512xf32, #tpu.memory_space<vmem>> -> memref<512xf32, #tpu.memory_space<vmem>>
      tpu.enqueue_dma source(%dma_start3A_541 : memref<512xf32, #tpu.memory_space<vmem>>) target(%dma_start3A_538 : memref<512xf32, #tpu.memory_space<hbm>>) target_semaphore(%arg20 : memref<!tpu.dma_semaphore, #tpu.memory_space<semaphore_mem>>)
      %dma_start3A_542 = arith.constant 6 : i32
      %dma_start3A_543 = arith.constant 6 : i32
      %dma_start3A_544 = arith.constant 0 : i32
      %dma_start3A_545 = tpu.memref_slice %arg18[%dma_start3A_542, %dma_start3A_544] : memref<8x512xf32, #tpu.memory_space<vmem>> -> memref<1x512xf32, #tpu.memory_space<vmem>>
      %dma_start3A_546 = tpu.memref_squeeze %dma_start3A_545 : memref<1x512xf32, #tpu.memory_space<vmem>> -> memref<512xf32, #tpu.memory_space<vmem>>
      %dma_start3A_547 = tpu.memref_slice %arg6[%dma_start3A_543, %add3A_108] : memref<8x1015808xf32, #tpu.memory_space<hbm>> -> memref<1x512xf32, #tpu.memory_space<hbm>>
      %dma_start3A_548 = tpu.memref_squeeze %dma_start3A_547 : memref<1x512xf32, #tpu.memory_space<hbm>> -> memref<512xf32, #tpu.memory_space<hbm>>
      %dma_start3A_549 = tpu.memref_slice %arg6[%dma_start3A_543, %add3A_108] : memref<8x1015808xf32, #tpu.memory_space<hbm>> -> memref<1x512xf32, #tpu.memory_space<hbm>>
      %dma_start3A_550 = tpu.memref_squeeze %dma_start3A_549 : memref<1x512xf32, #tpu.memory_space<hbm>> -> memref<512xf32, #tpu.memory_space<hbm>>
      %dma_start3A_551 = arith.constant 0 : i32
      %dma_start3A_552 = tpu.memref_slice %arg18[%dma_start3A_542, %dma_start3A_551] : memref<8x512xf32, #tpu.memory_space<vmem>> -> memref<1x512xf32, #tpu.memory_space<vmem>>
      %dma_start3A_553 = tpu.memref_squeeze %dma_start3A_552 : memref<1x512xf32, #tpu.memory_space<vmem>> -> memref<512xf32, #tpu.memory_space<vmem>>
      tpu.enqueue_dma source(%dma_start3A_553 : memref<512xf32, #tpu.memory_space<vmem>>) target(%dma_start3A_550 : memref<512xf32, #tpu.memory_space<hbm>>) target_semaphore(%arg20 : memref<!tpu.dma_semaphore, #tpu.memory_space<semaphore_mem>>)
      %dma_start3A_554 = arith.constant 7 : i32
      %dma_start3A_555 = arith.constant 7 : i32
      %dma_start3A_556 = arith.constant 0 : i32
      %dma_start3A_557 = tpu.memref_slice %arg18[%dma_start3A_554, %dma_start3A_556] : memref<8x512xf32, #tpu.memory_space<vmem>> -> memref<1x512xf32, #tpu.memory_space<vmem>>
      %dma_start3A_558 = tpu.memref_squeeze %dma_start3A_557 : memref<1x512xf32, #tpu.memory_space<vmem>> -> memref<512xf32, #tpu.memory_space<vmem>>
      %dma_start3A_559 = tpu.memref_slice %arg6[%dma_start3A_555, %add3A_108] : memref<8x1015808xf32, #tpu.memory_space<hbm>> -> memref<1x512xf32, #tpu.memory_space<hbm>>
      %dma_start3A_560 = tpu.memref_squeeze %dma_start3A_559 : memref<1x512xf32, #tpu.memory_space<hbm>> -> memref<512xf32, #tpu.memory_space<hbm>>
      %dma_start3A_561 = tpu.memref_slice %arg6[%dma_start3A_555, %add3A_108] : memref<8x1015808xf32, #tpu.memory_space<hbm>> -> memref<1x512xf32, #tpu.memory_space<hbm>>
      %dma_start3A_562 = tpu.memref_squeeze %dma_start3A_561 : memref<1x512xf32, #tpu.memory_space<hbm>> -> memref<512xf32, #tpu.memory_space<hbm>>
      %dma_start3A_563 = arith.constant 0 : i32
      %dma_start3A_564 = tpu.memref_slice %arg18[%dma_start3A_554, %dma_start3A_563] : memref<8x512xf32, #tpu.memory_space<vmem>> -> memref<1x512xf32, #tpu.memory_space<vmem>>
      %dma_start3A_565 = tpu.memref_squeeze %dma_start3A_564 : memref<1x512xf32, #tpu.memory_space<vmem>> -> memref<512xf32, #tpu.memory_space<vmem>>
      tpu.enqueue_dma source(%dma_start3A_565 : memref<512xf32, #tpu.memory_space<vmem>>) target(%dma_start3A_562 : memref<512xf32, #tpu.memory_space<hbm>>) target_semaphore(%arg20 : memref<!tpu.dma_semaphore, #tpu.memory_space<semaphore_mem>>)
    }
    %scan3A_7 = arith.constant 62 : i32
    %add3A_8 = arith.constant 31232 : i32
    %add3A_9 = arith.addi %mul3A_2, %add3A_8 : i32
    %dma_wait3A = arith.constant 0 : i32
    %dma_wait3A_10 = arith.constant 0 : i32
    %dma_wait3A_11 = arith.constant 0 : i32
    %dma_wait3A_12 = tpu.memref_slice %arg18[%dma_wait3A, %dma_wait3A_11] : memref<8x512xf32, #tpu.memory_space<vmem>> -> memref<1x512xf32, #tpu.memory_space<vmem>>
    %dma_wait3A_13 = tpu.memref_squeeze %dma_wait3A_12 : memref<1x512xf32, #tpu.memory_space<vmem>> -> memref<512xf32, #tpu.memory_space<vmem>>
    %dma_wait3A_14 = tpu.memref_slice %arg6[%dma_wait3A_10, %add3A_9] : memref<8x1015808xf32, #tpu.memory_space<hbm>> -> memref<1x512xf32, #tpu.memory_space<hbm>>
    %dma_wait3A_15 = tpu.memref_squeeze %dma_wait3A_14 : memref<1x512xf32, #tpu.memory_space<hbm>> -> memref<512xf32, #tpu.memory_space<hbm>>
    %dma_wait3A_16 = tpu.memref_slice %arg6[%dma_wait3A_10, %add3A_9] : memref<8x1015808xf32, #tpu.memory_space<hbm>> -> memref<1x512xf32, #tpu.memory_space<hbm>>
    %dma_wait3A_17 = tpu.memref_squeeze %dma_wait3A_16 : memref<1x512xf32, #tpu.memory_space<hbm>> -> memref<512xf32, #tpu.memory_space<hbm>>
    %dma_wait3A_18 = arith.constant 0 : i32
    %dma_wait3A_19 = tpu.memref_slice %arg18[%dma_wait3A, %dma_wait3A_18] : memref<8x512xf32, #tpu.memory_space<vmem>> -> memref<1x512xf32, #tpu.memory_space<vmem>>
    %dma_wait3A_20 = tpu.memref_squeeze %dma_wait3A_19 : memref<1x512xf32, #tpu.memory_space<vmem>> -> memref<512xf32, #tpu.memory_space<vmem>>
    tpu.wait_dma2 semaphore(%arg20 : memref<!tpu.dma_semaphore, #tpu.memory_space<semaphore_mem>>) src(%dma_wait3A_20 : memref<512xf32, #tpu.memory_space<vmem>>) dst(%dma_wait3A_17 : memref<512xf32, #tpu.memory_space<hbm>>)
    %dma_wait3A_21 = arith.constant 1 : i32
    %dma_wait3A_22 = arith.constant 1 : i32
    %dma_wait3A_23 = arith.constant 0 : i32
    %dma_wait3A_24 = tpu.memref_slice %arg18[%dma_wait3A_21, %dma_wait3A_23] : memref<8x512xf32, #tpu.memory_space<vmem>> -> memref<1x512xf32, #tpu.memory_space<vmem>>
    %dma_wait3A_25 = tpu.memref_squeeze %dma_wait3A_24 : memref<1x512xf32, #tpu.memory_space<vmem>> -> memref<512xf32, #tpu.memory_space<vmem>>
    %dma_wait3A_26 = tpu.memref_slice %arg6[%dma_wait3A_22, %add3A_9] : memref<8x1015808xf32, #tpu.memory_space<hbm>> -> memref<1x512xf32, #tpu.memory_space<hbm>>
    %dma_wait3A_27 = tpu.memref_squeeze %dma_wait3A_26 : memref<1x512xf32, #tpu.memory_space<hbm>> -> memref<512xf32, #tpu.memory_space<hbm>>
    %dma_wait3A_28 = tpu.memref_slice %arg6[%dma_wait3A_22, %add3A_9] : memref<8x1015808xf32, #tpu.memory_space<hbm>> -> memref<1x512xf32, #tpu.memory_space<hbm>>
    %dma_wait3A_29 = tpu.memref_squeeze %dma_wait3A_28 : memref<1x512xf32, #tpu.memory_space<hbm>> -> memref<512xf32, #tpu.memory_space<hbm>>
    %dma_wait3A_30 = arith.constant 0 : i32
    %dma_wait3A_31 = tpu.memref_slice %arg18[%dma_wait3A_21, %dma_wait3A_30] : memref<8x512xf32, #tpu.memory_space<vmem>> -> memref<1x512xf32, #tpu.memory_space<vmem>>
    %dma_wait3A_32 = tpu.memref_squeeze %dma_wait3A_31 : memref<1x512xf32, #tpu.memory_space<vmem>> -> memref<512xf32, #tpu.memory_space<vmem>>
    tpu.wait_dma2 semaphore(%arg20 : memref<!tpu.dma_semaphore, #tpu.memory_space<semaphore_mem>>) src(%dma_wait3A_32 : memref<512xf32, #tpu.memory_space<vmem>>) dst(%dma_wait3A_29 : memref<512xf32, #tpu.memory_space<hbm>>)
    %dma_wait3A_33 = arith.constant 2 : i32
    %dma_wait3A_34 = arith.constant 2 : i32
    %dma_wait3A_35 = arith.constant 0 : i32
    %dma_wait3A_36 = tpu.memref_slice %arg18[%dma_wait3A_33, %dma_wait3A_35] : memref<8x512xf32, #tpu.memory_space<vmem>> -> memref<1x512xf32, #tpu.memory_space<vmem>>
    %dma_wait3A_37 = tpu.memref_squeeze %dma_wait3A_36 : memref<1x512xf32, #tpu.memory_space<vmem>> -> memref<512xf32, #tpu.memory_space<vmem>>
    %dma_wait3A_38 = tpu.memref_slice %arg6[%dma_wait3A_34, %add3A_9] : memref<8x1015808xf32, #tpu.memory_space<hbm>> -> memref<1x512xf32, #tpu.memory_space<hbm>>
    %dma_wait3A_39 = tpu.memref_squeeze %dma_wait3A_38 : memref<1x512xf32, #tpu.memory_space<hbm>> -> memref<512xf32, #tpu.memory_space<hbm>>
    %dma_wait3A_40 = tpu.memref_slice %arg6[%dma_wait3A_34, %add3A_9] : memref<8x1015808xf32, #tpu.memory_space<hbm>> -> memref<1x512xf32, #tpu.memory_space<hbm>>
    %dma_wait3A_41 = tpu.memref_squeeze %dma_wait3A_40 : memref<1x512xf32, #tpu.memory_space<hbm>> -> memref<512xf32, #tpu.memory_space<hbm>>
    %dma_wait3A_42 = arith.constant 0 : i32
    %dma_wait3A_43 = tpu.memref_slice %arg18[%dma_wait3A_33, %dma_wait3A_42] : memref<8x512xf32, #tpu.memory_space<vmem>> -> memref<1x512xf32, #tpu.memory_space<vmem>>
    %dma_wait3A_44 = tpu.memref_squeeze %dma_wait3A_43 : memref<1x512xf32, #tpu.memory_space<vmem>> -> memref<512xf32, #tpu.memory_space<vmem>>
    tpu.wait_dma2 semaphore(%arg20 : memref<!tpu.dma_semaphore, #tpu.memory_space<semaphore_mem>>) src(%dma_wait3A_44 : memref<512xf32, #tpu.memory_space<vmem>>) dst(%dma_wait3A_41 : memref<512xf32, #tpu.memory_space<hbm>>)
    %dma_wait3A_45 = arith.constant 3 : i32
    %dma_wait3A_46 = arith.constant 3 : i32
    %dma_wait3A_47 = arith.constant 0 : i32
    %dma_wait3A_48 = tpu.memref_slice %arg18[%dma_wait3A_45, %dma_wait3A_47] : memref<8x512xf32, #tpu.memory_space<vmem>> -> memref<1x512xf32, #tpu.memory_space<vmem>>
    %dma_wait3A_49 = tpu.memref_squeeze %dma_wait3A_48 : memref<1x512xf32, #tpu.memory_space<vmem>> -> memref<512xf32, #tpu.memory_space<vmem>>
    %dma_wait3A_50 = tpu.memref_slice %arg6[%dma_wait3A_46, %add3A_9] : memref<8x1015808xf32, #tpu.memory_space<hbm>> -> memref<1x512xf32, #tpu.memory_space<hbm>>
    %dma_wait3A_51 = tpu.memref_squeeze %dma_wait3A_50 : memref<1x512xf32, #tpu.memory_space<hbm>> -> memref<512xf32, #tpu.memory_space<hbm>>
    %dma_wait3A_52 = tpu.memref_slice %arg6[%dma_wait3A_46, %add3A_9] : memref<8x1015808xf32, #tpu.memory_space<hbm>> -> memref<1x512xf32, #tpu.memory_space<hbm>>
    %dma_wait3A_53 = tpu.memref_squeeze %dma_wait3A_52 : memref<1x512xf32, #tpu.memory_space<hbm>> -> memref<512xf32, #tpu.memory_space<hbm>>
    %dma_wait3A_54 = arith.constant 0 : i32
    %dma_wait3A_55 = tpu.memref_slice %arg18[%dma_wait3A_45, %dma_wait3A_54] : memref<8x512xf32, #tpu.memory_space<vmem>> -> memref<1x512xf32, #tpu.memory_space<vmem>>
    %dma_wait3A_56 = tpu.memref_squeeze %dma_wait3A_55 : memref<1x512xf32, #tpu.memory_space<vmem>> -> memref<512xf32, #tpu.memory_space<vmem>>
    tpu.wait_dma2 semaphore(%arg20 : memref<!tpu.dma_semaphore, #tpu.memory_space<semaphore_mem>>) src(%dma_wait3A_56 : memref<512xf32, #tpu.memory_space<vmem>>) dst(%dma_wait3A_53 : memref<512xf32, #tpu.memory_space<hbm>>)
    %dma_wait3A_57 = arith.constant 4 : i32
    %dma_wait3A_58 = arith.constant 4 : i32
    %dma_wait3A_59 = arith.constant 0 : i32
    %dma_wait3A_60 = tpu.memref_slice %arg18[%dma_wait3A_57, %dma_wait3A_59] : memref<8x512xf32, #tpu.memory_space<vmem>> -> memref<1x512xf32, #tpu.memory_space<vmem>>
    %dma_wait3A_61 = tpu.memref_squeeze %dma_wait3A_60 : memref<1x512xf32, #tpu.memory_space<vmem>> -> memref<512xf32, #tpu.memory_space<vmem>>
    %dma_wait3A_62 = tpu.memref_slice %arg6[%dma_wait3A_58, %add3A_9] : memref<8x1015808xf32, #tpu.memory_space<hbm>> -> memref<1x512xf32, #tpu.memory_space<hbm>>
    %dma_wait3A_63 = tpu.memref_squeeze %dma_wait3A_62 : memref<1x512xf32, #tpu.memory_space<hbm>> -> memref<512xf32, #tpu.memory_space<hbm>>
    %dma_wait3A_64 = tpu.memref_slice %arg6[%dma_wait3A_58, %add3A_9] : memref<8x1015808xf32, #tpu.memory_space<hbm>> -> memref<1x512xf32, #tpu.memory_space<hbm>>
    %dma_wait3A_65 = tpu.memref_squeeze %dma_wait3A_64 : memref<1x512xf32, #tpu.memory_space<hbm>> -> memref<512xf32, #tpu.memory_space<hbm>>
    %dma_wait3A_66 = arith.constant 0 : i32
    %dma_wait3A_67 = tpu.memref_slice %arg18[%dma_wait3A_57, %dma_wait3A_66] : memref<8x512xf32, #tpu.memory_space<vmem>> -> memref<1x512xf32, #tpu.memory_space<vmem>>
    %dma_wait3A_68 = tpu.memref_squeeze %dma_wait3A_67 : memref<1x512xf32, #tpu.memory_space<vmem>> -> memref<512xf32, #tpu.memory_space<vmem>>
    tpu.wait_dma2 semaphore(%arg20 : memref<!tpu.dma_semaphore, #tpu.memory_space<semaphore_mem>>) src(%dma_wait3A_68 : memref<512xf32, #tpu.memory_space<vmem>>) dst(%dma_wait3A_65 : memref<512xf32, #tpu.memory_space<hbm>>)
    %dma_wait3A_69 = arith.constant 5 : i32
    %dma_wait3A_70 = arith.constant 5 : i32
    %dma_wait3A_71 = arith.constant 0 : i32
    %dma_wait3A_72 = tpu.memref_slice %arg18[%dma_wait3A_69, %dma_wait3A_71] : memref<8x512xf32, #tpu.memory_space<vmem>> -> memref<1x512xf32, #tpu.memory_space<vmem>>
    %dma_wait3A_73 = tpu.memref_squeeze %dma_wait3A_72 : memref<1x512xf32, #tpu.memory_space<vmem>> -> memref<512xf32, #tpu.memory_space<vmem>>
    %dma_wait3A_74 = tpu.memref_slice %arg6[%dma_wait3A_70, %add3A_9] : memref<8x1015808xf32, #tpu.memory_space<hbm>> -> memref<1x512xf32, #tpu.memory_space<hbm>>
    %dma_wait3A_75 = tpu.memref_squeeze %dma_wait3A_74 : memref<1x512xf32, #tpu.memory_space<hbm>> -> memref<512xf32, #tpu.memory_space<hbm>>
    %dma_wait3A_76 = tpu.memref_slice %arg6[%dma_wait3A_70, %add3A_9] : memref<8x1015808xf32, #tpu.memory_space<hbm>> -> memref<1x512xf32, #tpu.memory_space<hbm>>
    %dma_wait3A_77 = tpu.memref_squeeze %dma_wait3A_76 : memref<1x512xf32, #tpu.memory_space<hbm>> -> memref<512xf32, #tpu.memory_space<hbm>>
    %dma_wait3A_78 = arith.constant 0 : i32
    %dma_wait3A_79 = tpu.memref_slice %arg18[%dma_wait3A_69, %dma_wait3A_78] : memref<8x512xf32, #tpu.memory_space<vmem>> -> memref<1x512xf32, #tpu.memory_space<vmem>>
    %dma_wait3A_80 = tpu.memref_squeeze %dma_wait3A_79 : memref<1x512xf32, #tpu.memory_space<vmem>> -> memref<512xf32, #tpu.memory_space<vmem>>
    tpu.wait_dma2 semaphore(%arg20 : memref<!tpu.dma_semaphore, #tpu.memory_space<semaphore_mem>>) src(%dma_wait3A_80 : memref<512xf32, #tpu.memory_space<vmem>>) dst(%dma_wait3A_77 : memref<512xf32, #tpu.memory_space<hbm>>)
    %dma_wait3A_81 = arith.constant 6 : i32
    %dma_wait3A_82 = arith.constant 6 : i32
    %dma_wait3A_83 = arith.constant 0 : i32
    %dma_wait3A_84 = tpu.memref_slice %arg18[%dma_wait3A_81, %dma_wait3A_83] : memref<8x512xf32, #tpu.memory_space<vmem>> -> memref<1x512xf32, #tpu.memory_space<vmem>>
    %dma_wait3A_85 = tpu.memref_squeeze %dma_wait3A_84 : memref<1x512xf32, #tpu.memory_space<vmem>> -> memref<512xf32, #tpu.memory_space<vmem>>
    %dma_wait3A_86 = tpu.memref_slice %arg6[%dma_wait3A_82, %add3A_9] : memref<8x1015808xf32, #tpu.memory_space<hbm>> -> memref<1x512xf32, #tpu.memory_space<hbm>>
    %dma_wait3A_87 = tpu.memref_squeeze %dma_wait3A_86 : memref<1x512xf32, #tpu.memory_space<hbm>> -> memref<512xf32, #tpu.memory_space<hbm>>
    %dma_wait3A_88 = tpu.memref_slice %arg6[%dma_wait3A_82, %add3A_9] : memref<8x1015808xf32, #tpu.memory_space<hbm>> -> memref<1x512xf32, #tpu.memory_space<hbm>>
    %dma_wait3A_89 = tpu.memref_squeeze %dma_wait3A_88 : memref<1x512xf32, #tpu.memory_space<hbm>> -> memref<512xf32, #tpu.memory_space<hbm>>
    %dma_wait3A_90 = arith.constant 0 : i32
    %dma_wait3A_91 = tpu.memref_slice %arg18[%dma_wait3A_81, %dma_wait3A_90] : memref<8x512xf32, #tpu.memory_space<vmem>> -> memref<1x512xf32, #tpu.memory_space<vmem>>
    %dma_wait3A_92 = tpu.memref_squeeze %dma_wait3A_91 : memref<1x512xf32, #tpu.memory_space<vmem>> -> memref<512xf32, #tpu.memory_space<vmem>>
    tpu.wait_dma2 semaphore(%arg20 : memref<!tpu.dma_semaphore, #tpu.memory_space<semaphore_mem>>) src(%dma_wait3A_92 : memref<512xf32, #tpu.memory_space<vmem>>) dst(%dma_wait3A_89 : memref<512xf32, #tpu.memory_space<hbm>>)
    %dma_wait3A_93 = arith.constant 7 : i32
    %dma_wait3A_94 = arith.constant 7 : i32
    %dma_wait3A_95 = arith.constant 0 : i32
    %dma_wait3A_96 = tpu.memref_slice %arg18[%dma_wait3A_93, %dma_wait3A_95] : memref<8x512xf32, #tpu.memory_space<vmem>> -> memref<1x512xf32, #tpu.memory_space<vmem>>
    %dma_wait3A_97 = tpu.memref_squeeze %dma_wait3A_96 : memref<1x512xf32, #tpu.memory_space<vmem>> -> memref<512xf32, #tpu.memory_space<vmem>>
    %dma_wait3A_98 = tpu.memref_slice %arg6[%dma_wait3A_94, %add3A_9] : memref<8x1015808xf32, #tpu.memory_space<hbm>> -> memref<1x512xf32, #tpu.memory_space<hbm>>
    %dma_wait3A_99 = tpu.memref_squeeze %dma_wait3A_98 : memref<1x512xf32, #tpu.memory_space<hbm>> -> memref<512xf32, #tpu.memory_space<hbm>>
    %dma_wait3A_100 = tpu.memref_slice %arg6[%dma_wait3A_94, %add3A_9] : memref<8x1015808xf32, #tpu.memory_space<hbm>> -> memref<1x512xf32, #tpu.memory_space<hbm>>
    %dma_wait3A_101 = tpu.memref_squeeze %dma_wait3A_100 : memref<1x512xf32, #tpu.memory_space<hbm>> -> memref<512xf32, #tpu.memory_space<hbm>>
    %dma_wait3A_102 = arith.constant 0 : i32
    %dma_wait3A_103 = tpu.memref_slice %arg18[%dma_wait3A_93, %dma_wait3A_102] : memref<8x512xf32, #tpu.memory_space<vmem>> -> memref<1x512xf32, #tpu.memory_space<vmem>>
    %dma_wait3A_104 = tpu.memref_squeeze %dma_wait3A_103 : memref<1x512xf32, #tpu.memory_space<vmem>> -> memref<512xf32, #tpu.memory_space<vmem>>
    tpu.wait_dma2 semaphore(%arg20 : memref<!tpu.dma_semaphore, #tpu.memory_space<semaphore_mem>>) src(%dma_wait3A_104 : memref<512xf32, #tpu.memory_space<vmem>>) dst(%dma_wait3A_101 : memref<512xf32, #tpu.memory_space<hbm>>)
    return
  }
}

</mosaic_0001>

<sc_bundles>
// kernel: _run.3.cloned.1.call-start
scs
__scs_entry_jumppad:
0x0: {  	(pc) =	sbr.rel $0x88, $3  }
0x1: {  	(tag) =	ssettag $0x0;
	lr =	simm.s32 $0x1  }
0x2: {  	[smem:$0x3F9D] =	sst lr;
	_ =	strace $0xD0000000  }
0x3: {  	_ = 	snop  }
0x4: {  	_ = 	snop  }
0x5: {  	_ = 	snop  }
0x6: {  	_ = 	snop  }
0x7: {  	_ = 	snop  }
__scs_overlays_trampoline_lowered:
0x8: {  	[smem:$0x3FAC] =	sst s0  }
0x9: {  	[smem:$0x3FAD] =	sst s1  }
0xa: {  	[smem:$0x3FAE] =	sst s2  }
0xb: {  	[smem:$0x3FAF] =	sst s3  }
0xc: {  	[smem:$0x3FB0] =	sst s4  }
0xd: {  	[smem:$0x3FB1] =	sst s5  }
0xe: {  	[smem:$0x3FB2] =	sst s6  }
0xf: {  	[smem:$0x3FB3] =	sst s7  }
0x10: {  	[smem:$0x3FB4] =	sst s8  }
0x11: {  	[smem:$0x3FB5] =	sst s9;
	s0 =	simm.s32 @!p0 $0x0  }
0x12: {  	s1 =	sld [smem:$0x3F9B];
	s0 =	simm.s32 @p0 $0x1  }
0x13: {  	[smem:$0x3FB6] =	sst s0;
	s0 =	simm.s32 @!p1 $0x0  }
0x14: {  	s2 =	sld [smem:$0x3F9A];
	s0 =	simm.s32 @p1 $0x1  }
0x15: {  	[smem:$0x3FB7] =	sst s0;
	s0 =	simm.s32 @!p2 $0x0  }
0x16: {  	s3 =	sld [smem:$0x3FDB];
	s0 =	simm.s32 @p2 $0x1  }
0x17: {  	s4 =	simm.s32 $0x1BF5;
	[smem:$0x3FB9] =	sst s0  }
0x18: {  	s0 =	sld [smem:$0x3F9C];
	_ =	swait.ge [sflag:s4], $0x0  }
0x19: {  	s7 =	sld [smem:$0x3F9D]  }
0x1a: {  	s8 =	sadd.s32 $0xFFFFE003, lr  }
0x1b: {  	s9 =	sadd.s32 $0xFFFFFEF7, lr;
	s5 =	simm.s32 $0xFFFFFFFF;
	p2 =	slt.u32 s8, $0xFFFFF086  }
0x1c: {  	p1 =	slt.u32 s9, $0xF7A;
	s5 =	simm.s32 @!p2 $0x0  }
0x1d: {  	s5 =	simm.s32 @p1 $0x1;
	p0 =	seq.s32 s7, s2  }
0x1e: {  	s7 =	smul.u32 @!p0 $0xF7A, s2;
	p2 =	seq.s32 @!p0 s5, $0x0  }
0x1f: {  	s9 =	smul.u32 $0xF7A, s1;
	s8 =	simm.s32 @!p0 $0x1BF5;
	p2 =	por !p2, p0  }
0x20: {  	[sflag:s8] =	ssyncset.s32 @!p0 $0xFFFFF086;
	s6 =	sadd.s32 @!p0 s3, s7;
	s7 =	simm.s32 @!p0 $0x108  }
0x21: {  	s3 =	sadd.s32 s3, s9;
	s6 =	sadd.s32 @!p0 $0x88, s6;
	s7 =	simm.s32 @p2 $0x1082  }
0x22: {  	[simem:s7], [sflag:s8] =	dma.local @!p0 [hbm:s6], $0xF7A  }
0x23: {  	s9 =	sor.u32 $0xD0000000, s2;
	s6 =	simm.s32 $0x108;
	_ =	swait.ge @!p0 [sflag:s8], $0x0  }
0x24: {  	s3 =	sadd.s32 $0x88, s3;
	s6 =	simm.s32 @!p1 $0x1082;
	[sflag:s4] =	ssyncset.s32 $0xFFFFF086  }
0x25: {  	[simem:s6], [sflag:s4] =	dma.local [hbm:s3], $0xF7A  }
0x26: {  	[smem:$0x3F9D] =	sst s1;
	(tag) =	ssettag s2;
	_ =	strace s9  }
0x27: {  	s1 =	sld [smem:$0x3FAD]  }
0x28: {  	s2 =	sld [smem:$0x3FAE]  }
0x29: {  	s4 =	sld [smem:$0x3FB0]  }
0x2a: {  	p0 =	seq.s32 s5, $0x0;
	s5 =	sld [smem:$0x3FB1]  }
0x2b: {  	s6 =	sld [smem:$0x3FB2]  }
0x2c: {  	s7 =	sld [smem:$0x3FB3]  }
0x2d: {  	s3 =	simm.s32 $0x108;
	s8 =	sld [smem:$0x3FB4]  }
0x2e: {  	s3 =	simm.s32 @!p0 $0x1082;
	s9 =	sld [smem:$0x3FB5]  }
0x2f: {  	lr =	sadd.s32 s0, s3;
	s0 =	sld [smem:$0x3FAC]  }
0x30: {  	s3 =	sld [smem:$0x3FAF]  }
0x31: {  	[smem:$0x3FB8] =	sst s10  }
0x32: {  	s10 =	sld [smem:$0x3FB6];
	_ =	sdelay $0x3  }
0x33: {  	p0 =	seq.s32 s10, $0x1;
	s10 =	sld [smem:$0x3FB8];
	_ =	sdelay $0x3  }
0x34: {  	[smem:$0x3FB8] =	sst s10  }
0x35: {  	s10 =	sld [smem:$0x3FB7];
	_ =	sdelay $0x3  }
0x36: {  	p1 =	seq.s32 s10, $0x1;
	s10 =	sld [smem:$0x3FB8];
	_ =	sdelay $0x3  }
0x37: {  	[smem:$0x3FB8] =	sst s10  }
0x38: {  	s10 =	sld [smem:$0x3FB9]  }
0x39: {  	_ = 	snop;
	(pc) =	sbr.ind lr, $3  }
0x3a: {  	_ = 	snop  }
0x3b: {  	_ = 	snop  }
0x3c: {  	p2 =	seq.s32 s10, $0x1;
	s10 =	sld [smem:$0x3FB8]  }
0x3d: {  	_ =	shalt  }
0x3e: {  	_ =	shalt  }
0x3f: {  	_ =	shalt  }
0x40: {  	_ =	shalt  }
0x41: {  	_ =	shalt  }
0x42: {  	_ =	shalt  }
0x43: {  	_ =	shalt  }
0x44: {  	_ =	shalt  }
0x45: {  	_ =	shalt  }
0x46: {  	_ =	shalt  }
0x47: {  	_ =	shalt  }
0x48: {  	_ =	shalt  }
0x49: {  	_ =	shalt  }
0x4a: {  	_ =	shalt  }
0x4b: {  	_ =	shalt  }
0x4c: {  	_ =	shalt  }
0x4d: {  	_ =	shalt  }
0x4e: {  	_ =	shalt  }
0x4f: {  	_ =	shalt  }
0x50: {  	_ =	shalt  }
0x51: {  	_ =	shalt  }
0x52: {  	_ =	shalt  }
0x53: {  	_ =	shalt  }
0x54: {  	_ =	shalt  }
0x55: {  	_ =	shalt  }
0x56: {  	_ =	shalt  }
0x57: {  	_ =	shalt  }
0x58: {  	_ =	shalt  }
0x59: {  	_ =	shalt  }
0x5a: {  	_ =	shalt  }
0x5b: {  	_ =	shalt  }
0x5c: {  	_ =	shalt  }
0x5d: {  	_ =	shalt  }
0x5e: {  	_ =	shalt  }
0x5f: {  	_ =	shalt  }
0x60: {  	_ =	shalt  }
0x61: {  	_ =	shalt  }
0x62: {  	_ =	shalt  }
0x63: {  	_ =	shalt  }
0x64: {  	_ =	shalt  }
0x65: {  	_ =	shalt  }
0x66: {  	_ =	shalt  }
0x67: {  	_ =	shalt  }
0x68: {  	_ =	shalt  }
0x69: {  	_ =	shalt  }
0x6a: {  	_ =	shalt  }
0x6b: {  	_ =	shalt  }
0x6c: {  	_ =	shalt  }
0x6d: {  	_ =	shalt  }
0x6e: {  	_ =	shalt  }
0x6f: {  	_ =	shalt  }
0x70: {  	_ =	shalt  }
0x71: {  	_ =	shalt  }
0x72: {  	_ =	shalt  }
0x73: {  	_ =	shalt  }
0x74: {  	_ =	shalt  }
0x75: {  	_ =	shalt  }
0x76: {  	_ =	shalt  }
0x77: {  	_ =	shalt  }
0x78: {  	_ =	shalt  }
0x79: {  	_ =	shalt  }
0x7a: {  	_ =	shalt  }
0x7b: {  	_ =	shalt  }
0x7c: {  	_ =	shalt  }
0x7d: {  	_ =	shalt  }
0x7e: {  	_ =	shalt  }
0x7f: {  	_ =	shalt  }
0x80: {  	_ =	shalt  }
0x81: {  	_ =	shalt  }
0x82: {  	_ =	shalt  }
0x83: {  	_ =	shalt  }
0x84: {  	_ =	shalt  }
0x85: {  	_ =	shalt  }
0x86: {  	_ =	shalt  }
0x87: {  	_ =	shalt  }
.Lfunc_end0:
.L_simem_size_0:
called_computation_lowered:
.L_overlay_start_0:
0x88: {  	s2 =	sld [smem:$0x3FD9]  }
0x89: {  	s3 =	sld [smem:$0x3FFE];
	_ =	sdelay $0x1  }
0x8a: {  	s1 =	srdreg.scid  }
0x8b: {  	s0 =	sand.u32 $0x1, s1  }
0x8c: {  	s17 =	sshll.u32 s0, $0xA;
	s2 =	sadd.s32 s3, s2  }
0x8d: {  	s2 =	sadd.s32 s2, s17  }
0x8e: {  	[smem:$0x3FC4] =	sst s2  }
0x8f: {  	_ = 	snop  }
0x90: {  	s2 =	sld [smem:$0x3FC9]  }
0x91: {  	s18 =	sld [smem:$0x3FC8]  }
0x92: {  	s4 =	sld [smem:$0x3FC7];
	(tm) =	ssettm $0x1  }
0x93: {  	s5 =	sld [smem:$0x3FFB];
	_ =	sdelay $0x3  }
0x94: {  	_ =	strace s5  }
0x95: {  	s5 =	sld [smem:$0x3FFC];
	_ =	sdelay $0x3  }
0x96: {  	_ =	strace s5  }
0x97: {  	s5 =	sld [smem:$0x3FFD];
	_ =	sdelay $0x3  }
0x98: {  	_ =	strace s5  }
0x99: {  	_ =	strace $0x8FFFFFFF  }
0x9a: {  	s19 =	sld [smem:$0x3FDB];
	_ =	sdelay $0x1  }
0x9b: {  	s6 =	simm.s32 $_scs_section_size  }
0x9c: {  	s7 =	simm.s32 $_size__tile_overlayer_lowered;
	s8 =	simm.s32 $_tile_overlayer_lowered  }
0x9d: {  	s22 =	simm.s32 $0x1BFF;
	s21 =	sshll.u32 s8, $0x1;
	s5 =	sadd.s32 s6, s19  }
0x9e: {  	s9 =	simm.s32 $0x0;
	s20 =	sshll.u32 s7, $0x1;
	s7 =	sadd.s32 s21, s5  }
0x9f: {  	[timem:s9], [sflag:s22] =	dma.local [hbm:s7], s20  }
0xa0: {  	_ =	swait.ge [sflag:s22], s20  }
0xa1: {  	s6 =	ssub.s32 $0x0, s20;
	[sflag:s22] =	ssyncset.done $0x0  }
0xa2: {  	[sflag:s22] =	ssyncadd.s32 s6;
	_ =	sdelay $0x1  }
0xa3: {  	s23 =	simm.s32 $0x1B8B  }
0xa4: {  	_ =	swait.ge [sflag:s23], $0x1  }
0xa5: {  	[sflag:s23] =	ssyncset.done $0x0  }
0xa6: {  	s25 =	simm.s32 $0x1B8E;
	s24 =	sld [smem:$0x3FFE];
	[sflag:s23] =	ssyncadd.s32 $0xFFFFFFFF  }
0xa7: {  	s26 =	simm.s32 $execute0_lowered;
	[smem:$0x3FD2] =	sst s25  }
0xa8: {  	s7 =	sshll.u32 s26, $0x1;
	_ =	strace $0x80000046;
	[dreg:$0x1] =	wrdreg $0xFFFFFFFF  }
0xa9: {  	s28 =	simm.s32 $_size_execute0_lowered;
	s5 =	sadd.s32 s5, s7;
	[dreg:$0x0] =	wrdreg $0x0  }
0xaa: {  	s7 =	sshll.u32 s28, $0x1;
	[dreg:$0x2] =	wrdreg s5  }
0xab: {  	[dreg:$0x3] =	wrdreg s7  }
0xac: {  	[dreg:$0x4] =	wrdreg $0xC0  }
0xad: {  	_ =	task [dreg:s9], $0x5FFFF  }
0xae: {  	[dreg:$0x1] =	wrdreg $0xFFFFFFFF  }
0xaf: {  	[dreg:$0x0] =	wrdreg $0x60  }
0xb0: {  	[dreg:$0x2] =	wrdreg s2  }
0xb1: {  	[dreg:$0x3] =	wrdreg s18  }
0xb2: {  	[dreg:$0x4] =	wrdreg s4  }
0xb3: {  	[dreg:$0x5] =	wrdreg s24  }
0xb4: {  	[dreg:$0x6] =	wrdreg $0x9  }
0xb5: {  	_ =	task.clear_ibuf [dreg:s9], $0x7FFFF;
	_ =	strace $0x90000046  }
0xb6: {  	s29 =	simm.s32 $0x9;
	_ =	strace $0x80000048  }
0xb7: {  	_ =	swait.ge [sflag:s29], $0x1  }
0xb8: {  	[sflag:s29] =	ssyncadd.s32 $0xFFFFFFFF  }
0xb9: {  	_ =	strace $0x90000048  }
0xba: {  	_ =	sfence  }
0xbb: {  	s30 =	sld [smem:$0x0];
	_ =	sdelay $0x2  }
0xbc: {  	s31 =	sshll.u32 s1, $0xD;
	s1 =	sshrl.u32 s1, $0x2  }
0xbd: {  	s3 =	sand.u32 $0x4000, s31;
	s1 =	sadd.s32 s1, s30  }
0xbe: {  	s0 =	sor.u32 s3, s0;
	s1 =	sshll.u32 s1, $0x11  }
0xbf: {  	s0 =	sor.u32 s1, s0  }
0xc0: {  	s0 =	sadd.s32 $0x8F2B, s0  }
0xc1: {  	[sflag:s0] =	ssyncadd.remote.s32 $0x1  }
0xc2: {  	_ =	sfence.sel $0xFFFF  }
0xc3: {  	[dreg:$0x0] =	wrdreg $0xFFFFFFFF;
	(pc) =	sbr.abs _section_cstart, $3  }
0xc4: {  	[dreg:$0x1] =	wrdreg $0xFFFFFFFF  }
0xc5: {  	_ =	task.clear_ibuf [dreg:s9], $0x2FFFF;
	_ =	strace $0x9FFFFFFF  }
0xc6: {  	(tm) =	ssettm $0x7FFFFFFF  }
0xc7: {  	_ =	shalt  }
tec
execute0_lowered:
.L_overlay_start_1:
0x0: {  	(tag) =	ssettag $0x1  }
0x1: {  	s0 =	rddreg [dreg:$0x3];
	s4 =	simm.s32 $0x0  }
0x2: {  	s1 =	srdreg.scid;
	s5 =	stileid.u32;
	s10 =	simm.s32 $0x3  }
0x3: {  	s13 =	simm.s32 $0x80;
	s15 =	simm.s32 $0xE00;
	s17 =	simm.s32 $0x2E00  }
0x4: {  	s19 =	simm.s32 $0x4E00;
	s21 =	simm.s32 $0x6E00;
	s18 =	simm.s32 $0x4600  }
0x5: {  	s20 =	simm.s32 $0xB80;
	s22 =	simm.s32 $0x6600;
	s23 =	simm.s32 $0xD80  }
0x6: {  	s24 =	simm.s32 $0x8600;
	s25 =	simm.s32 $0x1;
	s28 =	simm.s32 $0x9000  }
0x7: {  	s29 =	simm.s32 $0x9200;
	s30 =	simm.s32 $0x9400;
	s31 =	simm.s32 $0x9600  }
0x8: {  	s9 =	simm.s32 $0x9C00;
	[smem:$0x7FF] =	sst s4;
	s1 =	sand.u32 $0x1, s1  }
0x9: {  	s6 =	sadd.s32 $0x2000600, s0;
	s7 =	sadd.s32 $0x600, s0;
	s2 =	ssub.s32 $0x2, s1  }
0xa: {  	_ =	strace $0x80000047;
	s1 =	sshll.u32 s1, $0x4;
	s3 =	sshrl.u32 s2, $0x1  }
0xb: {  	s1 =	sor.u32 s5, s1;
	s5 =	simm.s32 $0x9A00;
	s26 =	ssub.s32 s2, s3  }
0xc: {  	v0 =	vlaneseq.u32;
	s8 =	smul.u32 $0x7C00, s1;
	s3 =	simm.s32 $0x0;
	s0 =	smax.u32 s26, $0x1  }
0xd: {  	v0 =	vmul.u32 $0x10, v0;
	s26 =	simm.s32 $0x8E00;
	[dreg:$0x5] =	wrdreg s0;
	s0 =	simm.s32 $0x9800  }
.LBB2_1:
0xe: {  	[dreg:$0x6] =	wrdreg s3;
	s1 =	simm.s32 $0x0  }
.LBB2_2:
0xf: {  	s2 =	sshll.u32 s1, $0x9  }
0x10: {  	s2 =	sadd.s32 s8, s2  }
0x11: {  	s3 =	rddreg [dreg:$0x0];
	s2 =	sshrl.u32 s2, $0x3  }
0x12: {  	s3 =	sadd.s32 s3, s2  }
0x13: {  	[tilespmem:s4], [sflag:$0x3] =	stream.linear.gather [hbm4b:s3+s4], $0x200, $0x38;
	[tilespmem:$0x9E00] =	vst v63  }
0x14: {  	_ =	swait.ge [sflag:s10], $0x200  }
0x15: {  	[sflag:s10] =	ssyncset.done $0x0  }
0x16: {  	[sflag:s10] =	ssyncadd.s32 $0xFFFFFE00  }
0x17: {  	s12 =	rddreg [dreg:$0x1]  }
0x18: {  	s11 =	simm.s32 $0x200;
	s3 =	sadd.s32 s12, s2  }
0x19: {  	[tilespmem:s11], [sflag:$0x3] =	stream.linear.gather [hbm4b:s3+s4], $0x200, $0x38;
	[tilespmem:$0x9E00] =	vst v63  }
0x1a: {  	_ =	swait.ge [sflag:s10], $0x200  }
0x1b: {  	[sflag:s10] =	ssyncset.done $0x0  }
0x1c: {  	[sflag:s10] =	ssyncadd.s32 $0xFFFFFE00  }
0x1d: {  	s14 =	rddreg [dreg:$0x2]  }
0x1e: {  	s16 =	simm.s32 $0x400;
	s3 =	sadd.s32 s14, s2  }
0x1f: {  	[tilespmem:s16], [sflag:$0x3] =	stream.linear.gather [hbm4b:s3+s4], $0x200, $0x38;
	[tilespmem:$0x9E00] =	vst v63  }
0x20: {  	_ =	swait.ge [sflag:s10], $0x200  }
0x21: {  	[sflag:s10] =	ssyncset.done $0x0  }
0x22: {  	[sflag:s10] =	ssyncadd.s32 $0xFFFFFE00  }
0x23: {  	v1 =	vld [tilespmem:$0x0]  }
0x24: {  	v2 =	vld [tilespmem:$0x200]  }
0x25: {  	v3 =	vld [tilespmem:$0x400]  }
0x26: {  	v4 =	vld [tilespmem:$0x10]  }
0x27: {  	v5 =	vld [tilespmem:$0x210]  }
0x28: {  	v6 =	vld [tilespmem:$0x410]  }
0x29: {  	v7 =	vld [tilespmem:$0x20]  }
0x2a: {  	v8 =	vld [tilespmem:$0x220]  }
0x2b: {  	v11 =	vld [tilespmem:$0x230]  }
0x2c: {  	v12 =	vld [tilespmem:$0x30]  }
0x2d: {  	v14 =	vld [tilespmem:$0x40];
	v1 =	vadd.f32 $1.000000000e+00, v1;
	v2 =	vadd.f32 $1.000000000e+00, v2  }
0x2e: {  	v15 =	vld [tilespmem:$0x240];
	v3 =	vadd.f32 $1.000000000e+00, v3;
	v4 =	vadd.f32 $1.000000000e+00, v4  }
0x2f: {  	v18 =	vld [tilespmem:$0x50];
	v5 =	vadd.f32 $1.000000000e+00, v5;
	v6 =	vadd.f32 $1.000000000e+00, v6  }
0x30: {  	v61 =	vld [tilespmem:$0x250];
	v7 =	vadd.f32 $1.000000000e+00, v7;
	v8 =	vadd.f32 $1.000000000e+00, v8  }
0x31: {  	v21 =	vld [tilespmem:$0x450];
	v11 =	vadd.f32 $1.000000000e+00, v11;
	v12 =	vadd.f32 $1.000000000e+00, v12  }
0x32: {  	v39 =	vld [tilespmem:$0x70];
	v14 =	vadd.f32 $1.000000000e+00, v14;
	v1 =	vmul.f32 $5.000000000e-01, v1;
	v2 =	vmul.f32 $5.000000000e-01, v2  }
0x33: {  	v15 =	vadd.f32 $1.000000000e+00, v15;
	v3 =	vmul.f32 $5.000000000e-01, v3;
	v4 =	vmul.f32 $5.000000000e-01, v4  }
0x34: {  	v24 =	vadd.f32 $1.000000000e+00, v18;
	v5 =	vmul.f32 $5.000000000e-01, v5;
	v51 =	vmul.f32 $5.000000000e-01, v6  }
0x35: {  	v25 =	vadd.f32 $1.000000000e+00, v61;
	v7 =	vmul.f32 $5.000000000e-01, v7;
	v8 =	vmul.f32 $5.000000000e-01, v8  }
0x36: {  	v28 =	vadd.f32 $1.000000000e+00, v21;
	v11 =	vmul.f32 $5.000000000e-01, v11;
	v12 =	vmul.f32 $5.000000000e-01, v12  }
0x37: {  	v46 =	vadd.f32 $1.000000000e+00, v39;
	v14 =	vmul.f32 $5.000000000e-01, v14;
	v15 =	vmul.f32 $5.000000000e-01, v15  }
0x38: {  	v27 =	vmul.f32 $5.000000000e-01, v24;
	v29 =	vmul.f32 $5.000000000e-01, v25  }
0x39: {  	v32 =	vmul.f32 $5.000000000e-01, v28;
	v6 =	vmul.f32 $5.000000000e-01, v46  }
0x3a: {  	v57 =	vld [tilespmem:$0x440];
	v1 =	vmul.f32 $1.270000000e+02, v1;
	v2 =	vmul.f32 $1.270000000e+02, v2  }
0x3b: {  	v30 =	vld [tilespmem:$0x260];
	v3 =	vmul.f32 $1.270000000e+02, v3;
	v54 =	vmul.f32 $1.270000000e+02, v8  }
0x3c: {  	v56 =	vmul.f32 $1.270000000e+02, v11;
	v58 =	vmul.f32 $1.270000000e+02, v12  }
0x3d: {  	v43 =	vld [tilespmem:$0x470];
	v62 =	vmul.f32 $1.270000000e+02, v14;
	v63 =	vmul.f32 $1.270000000e+02, v15  }
0x3e: {  	v31 =	vmul.f32 $1.270000000e+02, v27;
	v36 =	vmul.f32 $1.270000000e+02, v32  }
0x3f: {  	v11 =	vadd.f32 $1.000000000e+00, v57;
	v6 =	vmul.f32 $1.270000000e+02, v6;
	v1 =	vtrunc.f32 v1  }
0x40: {  	v8 =	vadd.f32 $1.000000000e+00, v30;
	v2 =	vtrunc.f32 v2;
	v3 =	vtrunc.f32 v3  }
0x41: {  	v50 =	vld [tilespmem:$0x420];
	v60 =	vmul.f32 $5.000000000e-01, v11;
	v14 =	vtrunc.f32 v63  }
0x42: {  	v48 =	vadd.f32 $1.000000000e+00, v43;
	v8 =	vmul.f32 $5.000000000e-01, v8;
	v2 =	vcvt.f32.s32 v2  }
0x43: {  	v1 =	vcvt.f32.s32 v1;
	v3 =	vcvt.f32.s32 v3  }
0x44: {  	v26 =	vld [tilespmem:$0x60];
	v44 =	vmul.f32 $1.270000000e+02, v8;
	v8 =	vmul.f32 $5.000000000e-01, v48;
	v2 =	vshll.u32 v2, $0x7  }
0x45: {  	v23 =	vcvt.f32.s32 v14;
	v3 =	vshll.u32 v3, $0xE;
	v1 =	vadd.s32 v1, v2  }
0x46: {  	v2 =	vmul.f32 $1.270000000e+02, v4;
	v4 =	vadd.f32 $1.000000000e+00, v50;
	v8 =	vmul.f32 $1.270000000e+02, v8  }
0x47: {  	v1 =	vadd.s32 v3, v1;
	v3 =	vmul.f32 $1.270000000e+02, v5;
	v5 =	vmul.f32 $1.270000000e+02, v51  }
0x48: {  	v2 =	vtrunc.f32 v2;
	v4 =	vmul.f32 $5.000000000e-01, v4  }
0x49: {  	v37 =	vadd.f32 $1.000000000e+00, v26;
	v3 =	vtrunc.f32 v3;
	v2 =	vcvt.f32.s32 v2  }
0x4a: {  	v53 =	vld [tilespmem:$0x430];
	v52 =	vadd.s32 $0x80, v1;
	v5 =	vtrunc.f32 v5;
	v3 =	vcvt.f32.s32 v3  }
0x4b: {  	v33 =	vld [tilespmem:$0x460];
	v9 =	vadd.s32 $0x4000, v1;
	[tilespmem:$0x800] =	vst v52;
	v5 =	vcvt.f32.s32 v5;
	v4 =	vmul.f32 $1.270000000e+02, v4  }
0x4c: {  	[tilespmem:$0xA00] =	vst v9;
	v9 =	vmul.f32 $5.000000000e-01, v37;
	v52 =	vtrunc.f32 v8  }
0x4d: {  	v3 =	vshll.u32 v3, $0x7;
	v5 =	vshll.u32 v5, $0xE;
	v4 =	vtrunc.f32 v4  }
0x4e: {  	v2 =	vadd.s32 v2, v3;
	v3 =	vmul.f32 $1.270000000e+02, v7;
	v4 =	vcvt.f32.s32 v4  }
0x4f: {  	v7 =	vadd.f32 $1.000000000e+00, v53;
	v2 =	vadd.s32 v5, v2;
	v5 =	vtrunc.f32 v54  }
0x50: {  	v40 =	vadd.f32 $1.000000000e+00, v33;
	v3 =	vtrunc.f32 v3;
	v5 =	vcvt.f32.s32 v5  }
0x51: {  	v10 =	vadd.s32 $0x4080, v1;
	v7 =	vmul.f32 $5.000000000e-01, v7;
	v3 =	vcvt.f32.s32 v3  }
0x52: {  	v9 =	vmul.f32 $1.270000000e+02, v9;
	v4 =	vshll.u32 v4, $0xE;
	v5 =	vshll.u32 v5, $0x7  }
0x53: {  	[tilespmem:$0x600] =	vst v1;
	v7 =	vmul.f32 $1.270000000e+02, v7;
	v3 =	vadd.s32 v3, v5;
	v5 =	vtrunc.f32 v56  }
0x54: {  	[tilespmem:$0xC00] =	vst v10;
	v3 =	vadd.s32 v4, v3;
	v4 =	vtrunc.f32 v58;
	v5 =	vcvt.f32.s32 v5  }
0x55: {  	v55 =	vadd.s32 $0x80, v2;
	[tilespmem:$0x610] =	vst v2;
	v7 =	vtrunc.f32 v7;
	v4 =	vcvt.f32.s32 v4  }
0x56: {  	v13 =	vadd.s32 $0x4000, v2;
	[tilespmem:$0x810] =	vst v55;
	v7 =	vcvt.f32.s32 v7;
	v5 =	vshll.u32 v5, $0x7  }
0x57: {  	v16 =	vadd.s32 $0x4080, v2;
	[tilespmem:$0xA10] =	vst v13;
	v4 =	vadd.s32 v4, v5;
	v5 =	vmul.f32 $1.270000000e+02, v60  }
0x58: {  	v2 =	vshll.u32 v23, $0x7;
	[tilespmem:$0xC10] =	vst v16;
	v59 =	vadd.s32 $0x80, v3;
	v7 =	vshll.u32 v7, $0xE  }
0x59: {  	[tilespmem:$0x620] =	vst v3;
	v4 =	vadd.s32 v7, v4;
	v7 =	vtrunc.f32 v62;
	v5 =	vtrunc.f32 v5  }
0x5a: {  	v17 =	vadd.s32 $0x4000, v3;
	[tilespmem:$0x820] =	vst v59;
	v7 =	vcvt.f32.s32 v7;
	v5 =	vcvt.f32.s32 v5  }
0x5b: {  	v1 =	vadd.s32 $0x4080, v3;
	v3 =	vtrunc.f32 v31;
	[tilespmem:$0xA20] =	vst v17;
	v19 =	vadd.s32 $0x80, v4  }
0x5c: {  	v41 =	vld [tilespmem:$0x270];
	[tilespmem:$0xC20] =	vst v1;
	v2 =	vadd.s32 v7, v2;
	v7 =	vmul.f32 $1.270000000e+02, v29;
	v5 =	vshll.u32 v5, $0xE  }
0x5d: {  	v22 =	vadd.s32 $0x4000, v4;
	v34 =	vadd.s32 $0x4080, v4;
	[tilespmem:$0x630] =	vst v4;
	v2 =	vadd.s32 v5, v2  }
0x5e: {  	[tilespmem:$0x830] =	vst v19;
	v7 =	vtrunc.f32 v7;
	v5 =	vtrunc.f32 v36;
	v35 =	vadd.s32 $0x80, v2  }
0x5f: {  	[tilespmem:$0xA30] =	vst v22;
	v38 =	vadd.s32 $0x4000, v2;
	v1 =	vcvt.f32.s32 v7;
	v5 =	vcvt.f32.s32 v5  }
0x60: {  	v42 =	vadd.s32 $0x4080, v2;
	v7 =	vmul.f32 $5.000000000e-01, v40;
	[tilespmem:$0x640] =	vst v2;
	v2 =	vtrunc.f32 v44  }
0x61: {  	v47 =	vadd.f32 $1.000000000e+00, v41;
	v3 =	vcvt.f32.s32 v3;
	[tilespmem:$0xC30] =	vst v34;
	v2 =	vcvt.f32.s32 v2  }
0x62: {  	[tilespmem:$0x840] =	vst v35;
	v5 =	vshll.u32 v5, $0xE;
	v1 =	vshll.u32 v1, $0x7;
	v45 =	vmul.f32 $1.270000000e+02, v7  }
0x63: {  	[tilespmem:$0xA40] =	vst v38;
	v7 =	vmul.f32 $5.000000000e-01, v47;
	v1 =	vadd.s32 v3, v1;
	v3 =	vtrunc.f32 v9  }
0x64: {  	[tilespmem:$0xC40] =	vst v42;
	v1 =	vadd.s32 v5, v1;
	v3 =	vcvt.f32.s32 v3;
	v5 =	vtrunc.f32 v45  }
0x65: {  	v7 =	vmul.f32 $1.270000000e+02, v7;
	v49 =	vadd.s32 $0x80, v1;
	v5 =	vcvt.f32.s32 v5;
	[tilespmem:$0x650] =	vst v1  }
0x66: {  	v2 =	vshll.u32 v2, $0x7;
	v50 =	vadd.s32 $0x4000, v1;
	v1 =	vadd.s32 $0x4080, v1;
	[tilespmem:$0x850] =	vst v49  }
0x67: {  	[tilespmem:$0xA50] =	vst v50;
	v2 =	vadd.s32 v3, v2;
	v51 =	vtrunc.f32 v7;
	v5 =	vshll.u32 v5, $0xE  }
0x68: {  	v3 =	vtrunc.f32 v6;
	[tilespmem:$0xC50] =	vst v1;
	v1 =	vadd.s32 v5, v2;
	v2 =	vcvt.f32.s32 v51  }
0x69: {  	v4 =	vcvt.f32.s32 v52;
	v3 =	vcvt.f32.s32 v3;
	[tilespmem:$0x660] =	vst v1;
	v5 =	vadd.s32 $0x80, v1  }
0x6a: {  	v53 =	vadd.s32 $0x4000, v1;
	[tilespmem:$0x860] =	vst v5;
	v2 =	vshll.u32 v2, $0x7  }
0x6b: {  	v4 =	vshll.u32 v4, $0xE;
	v1 =	vadd.s32 $0x4080, v1;
	[tilespmem:$0xA60] =	vst v53;
	v2 =	vadd.s32 v3, v2  }
0x6c: {  	[tilespmem:$0xC60] =	vst v1;
	v1 =	vadd.s32 v4, v2  }
0x6d: {  	[tilespmem:$0x670] =	vst v1;
	v2 =	vadd.s32 $0x80, v1  }
0x6e: {  	[tilespmem:$0x870] =	vst v2;
	v2 =	vadd.s32 $0x4000, v1  }
0x6f: {  	v1 =	vadd.s32 $0x4080, v1;
	[tilespmem:$0xA70] =	vst v2  }
0x70: {  	s11 =	simm.s32 $0x600;
	[tilespmem:$0xC70] =	vst v1  }
0x71: {  	[tilespmem:s15], [sflag:$0x1] =	stream.indirect.gather [hbm4b:s6+s13], $0x10, s11, s13, $0xb8;
	[tilespmem:$0x9E00] =	vst v63  }
0x72: {  	s12 =	simm.s32 $0x800  }
0x73: {  	[tilespmem:s17], [sflag:$0x1] =	stream.indirect.gather [hbm4b:s6+s13], $0x10, s12, s13, $0xb8;
	[tilespmem:$0x9E00] =	vst v63  }
0x74: {  	s14 =	simm.s32 $0xA00  }
0x75: {  	[tilespmem:s19], [sflag:$0x1] =	stream.indirect.gather [hbm4b:s6+s13], $0x10, s14, s13, $0xb8;
	[tilespmem:$0x9E00] =	vst v63  }
0x76: {  	s16 =	simm.s32 $0xC00  }
0x77: {  	[tilespmem:s21], [sflag:$0x1] =	stream.indirect.gather [hbm4b:s6+s13], $0x10, s16, s13, $0xb8;
	[tilespmem:$0x9E00] =	vst v63  }
0x78: {  	v1 =	vld [tilespmem:$0x80]  }
0x79: {  	v2 =	vld [tilespmem:$0x280]  }
0x7a: {  	v3 =	vld [tilespmem:$0x480]  }
0x7b: {  	v54 =	vld [tilespmem:$0x90]  }
0x7c: {  	v55 =	vld [tilespmem:$0x290]  }
0x7d: {  	v56 =	vld [tilespmem:$0x490]  }
0x7e: {  	v57 =	vld [tilespmem:$0xA0]  }
0x7f: {  	v58 =	vld [tilespmem:$0x2A0]  }
0x80: {  	v21 =	vld [tilespmem:$0x2B0]  }
0x81: {  	v22 =	vld [tilespmem:$0xB0]  }
0x82: {  	v27 =	vld [tilespmem:$0xC0];
	v1 =	vadd.f32 $1.000000000e+00, v1;
	v2 =	vadd.f32 $1.000000000e+00, v2  }
0x83: {  	v28 =	vld [tilespmem:$0x2C0];
	v3 =	vadd.f32 $1.000000000e+00, v3;
	v4 =	vadd.f32 $1.000000000e+00, v54  }
0x84: {  	v35 =	vld [tilespmem:$0xD0];
	v5 =	vadd.f32 $1.000000000e+00, v55;
	v6 =	vadd.f32 $1.000000000e+00, v56  }
0x85: {  	v37 =	vld [tilespmem:$0x2D0];
	v7 =	vadd.f32 $1.000000000e+00, v57;
	v8 =	vadd.f32 $1.000000000e+00, v58  }
0x86: {  	v40 =	vld [tilespmem:$0x4D0];
	v11 =	vadd.f32 $1.000000000e+00, v21;
	v12 =	vadd.f32 $1.000000000e+00, v22  }
0x87: {  	v46 =	vld [tilespmem:$0xE0];
	v14 =	vadd.f32 $1.000000000e+00, v27;
	v1 =	vmul.f32 $5.000000000e-01, v1;
	v2 =	vmul.f32 $5.000000000e-01, v2  }
0x88: {  	v15 =	vadd.f32 $1.000000000e+00, v28;
	v3 =	vmul.f32 $5.000000000e-01, v3;
	v4 =	vmul.f32 $5.000000000e-01, v4  }
0x89: {  	v44 =	vadd.f32 $1.000000000e+00, v35;
	v5 =	vmul.f32 $5.000000000e-01, v5;
	v60 =	vmul.f32 $5.000000000e-01, v6  }
0x8a: {  	v45 =	vadd.f32 $1.000000000e+00, v37;
	v7 =	vmul.f32 $5.000000000e-01, v7;
	v8 =	vmul.f32 $5.000000000e-01, v8  }
0x8b: {  	v48 =	vadd.f32 $1.000000000e+00, v40;
	v11 =	vmul.f32 $5.000000000e-01, v11;
	v12 =	vmul.f32 $5.000000000e-01, v12  }
0x8c: {  	v57 =	vadd.f32 $1.000000000e+00, v46;
	v14 =	vmul.f32 $5.000000000e-01, v14;
	v15 =	vmul.f32 $5.000000000e-01, v15  }
0x8d: {  	v47 =	vmul.f32 $5.000000000e-01, v44;
	v49 =	vmul.f32 $5.000000000e-01, v45  }
0x8e: {  	v52 =	vmul.f32 $5.000000000e-01, v48;
	v9 =	vmul.f32 $5.000000000e-01, v57  }
0x8f: {  	v30 =	vld [tilespmem:$0x4C0];
	v1 =	vmul.f32 $1.270000000e+02, v1;
	v2 =	vmul.f32 $1.270000000e+02, v2  }
0x90: {  	v50 =	vld [tilespmem:$0x2E0];
	v3 =	vmul.f32 $1.270000000e+02, v3;
	v24 =	vmul.f32 $1.270000000e+02, v8  }
0x91: {  	v29 =	vmul.f32 $1.270000000e+02, v11;
	v32 =	vmul.f32 $1.270000000e+02, v12  }
0x92: {  	v38 =	vmul.f32 $1.270000000e+02, v14;
	v39 =	vmul.f32 $1.270000000e+02, v15  }
0x93: {  	v51 =	vmul.f32 $1.270000000e+02, v47;
	v56 =	vmul.f32 $1.270000000e+02, v52  }
0x94: {  	v11 =	vadd.f32 $1.000000000e+00, v30;
	v9 =	vmul.f32 $1.270000000e+02, v9;
	v1 =	vtrunc.f32 v1  }
0x95: {  	v8 =	vadd.f32 $1.000000000e+00, v50;
	v2 =	vtrunc.f32 v2;
	v3 =	vtrunc.f32 v3  }
0x96: {  	v59 =	vld [tilespmem:$0x4A0];
	v36 =	vmul.f32 $5.000000000e-01, v11;
	v14 =	vtrunc.f32 v39  }
0x97: {  	v8 =	vmul.f32 $5.000000000e-01, v8;
	v2 =	vcvt.f32.s32 v2  }
0x98: {  	v53 =	vld [tilespmem:$0x4E0];
	v1 =	vcvt.f32.s32 v1;
	v3 =	vcvt.f32.s32 v3  }
0x99: {  	v43 =	vcvt.f32.s32 v14;
	v17 =	vmul.f32 $1.270000000e+02, v8;
	v2 =	vshll.u32 v2, $0x7  }
0x9a: {  	v3 =	vshll.u32 v3, $0xE;
	v1 =	vadd.s32 v1, v2;
	v2 =	vmul.f32 $1.270000000e+02, v4  }
0x9b: {  	v4 =	vadd.f32 $1.000000000e+00, v59;
	v59 =	vld [tilespmem:$0xF0];
	v1 =	vadd.s32 v3, v1;
	v3 =	vmul.f32 $1.270000000e+02, v5  }
0x9c: {  	v5 =	vmul.f32 $1.270000000e+02, v60;
	v2 =	vtrunc.f32 v2  }
0x9d: {  	v60 =	vadd.f32 $1.000000000e+00, v53;
	v4 =	vmul.f32 $5.000000000e-01, v4;
	v3 =	vtrunc.f32 v3  }
0x9e: {  	v23 =	vld [tilespmem:$0x4B0];
	v63 =	vadd.s32 $0x4080, v1;
	v5 =	vtrunc.f32 v5;
	v3 =	vcvt.f32.s32 v3  }
0x9f: {  	v61 =	vadd.s32 $0x80, v1;
	[tilespmem:$0xC80] =	vst v63;
	v63 =	vld [tilespmem:$0x4F0];
	v5 =	vcvt.f32.s32 v5;
	v4 =	vmul.f32 $1.270000000e+02, v4  }
0xa0: {  	v62 =	vadd.s32 $0x4000, v1;
	v2 =	vcvt.f32.s32 v2;
	v19 =	vadd.f32 $1.000000000e+00, v59  }
0xa1: {  	v3 =	vshll.u32 v3, $0x7;
	v5 =	vshll.u32 v5, $0xE;
	v4 =	vtrunc.f32 v4  }
0xa2: {  	v2 =	vadd.s32 v2, v3;
	v3 =	vmul.f32 $1.270000000e+02, v7;
	v4 =	vcvt.f32.s32 v4  }
0xa3: {  	v7 =	vadd.f32 $1.000000000e+00, v23;
	v6 =	vmul.f32 $5.000000000e-01, v19;
	v2 =	vadd.s32 v5, v2  }
0xa4: {  	v5 =	vtrunc.f32 v24;
	v21 =	vadd.f32 $1.000000000e+00, v63;
	v25 =	vadd.s32 $0x80, v2  }
0xa5: {  	v26 =	vadd.s32 $0x4000, v2;
	v3 =	vtrunc.f32 v3;
	v5 =	vcvt.f32.s32 v5  }
0xa6: {  	v4 =	vshll.u32 v4, $0xE;
	v7 =	vmul.f32 $5.000000000e-01, v7;
	v3 =	vcvt.f32.s32 v3  }
0xa7: {  	[tilespmem:$0x680] =	vst v1;
	v31 =	vadd.s32 $0x4080, v2;
	v8 =	vmul.f32 $5.000000000e-01, v21;
	v5 =	vshll.u32 v5, $0x7  }
0xa8: {  	[tilespmem:$0x880] =	vst v61;
	v7 =	vmul.f32 $1.270000000e+02, v7;
	v3 =	vadd.s32 v3, v5;
	v5 =	vtrunc.f32 v29  }
0xa9: {  	[tilespmem:$0xA80] =	vst v62;
	v3 =	vadd.s32 v4, v3;
	v4 =	vtrunc.f32 v32;
	v5 =	vcvt.f32.s32 v5  }
0xaa: {  	[tilespmem:$0x690] =	vst v2;
	v2 =	vshll.u32 v43, $0x7;
	v7 =	vtrunc.f32 v7;
	v4 =	vcvt.f32.s32 v4  }
0xab: {  	v6 =	vmul.f32 $1.270000000e+02, v6;
	[tilespmem:$0x890] =	vst v25;
	v7 =	vcvt.f32.s32 v7;
	v5 =	vshll.u32 v5, $0x7  }
0xac: {  	[tilespmem:$0xA90] =	vst v26;
	v8 =	vmul.f32 $1.270000000e+02, v8;
	v4 =	vadd.s32 v4, v5;
	v5 =	vmul.f32 $1.270000000e+02, v36  }
0xad: {  	[tilespmem:$0xC90] =	vst v31;
	v33 =	vadd.s32 $0x80, v3;
	v34 =	vadd.s32 $0x4000, v3;
	v7 =	vshll.u32 v7, $0xE  }
0xae: {  	[tilespmem:$0x6A0] =	vst v3;
	v4 =	vadd.s32 v7, v4;
	v7 =	vtrunc.f32 v38;
	v5 =	vtrunc.f32 v5  }
0xaf: {  	v1 =	vadd.s32 $0x4080, v3;
	[tilespmem:$0x8A0] =	vst v33;
	v7 =	vcvt.f32.s32 v7;
	v5 =	vcvt.f32.s32 v5  }
0xb0: {  	v3 =	vtrunc.f32 v51;
	v25 =	vtrunc.f32 v8;
	[tilespmem:$0xAA0] =	vst v34;
	v41 =	vadd.s32 $0x80, v4  }
0xb1: {  	v61 =	vld [tilespmem:$0x2F0];
	[tilespmem:$0xCA0] =	vst v1;
	v2 =	vadd.s32 v7, v2;
	v7 =	vmul.f32 $1.270000000e+02, v49;
	v5 =	vshll.u32 v5, $0xE  }
0xb2: {  	v42 =	vadd.s32 $0x4000, v4;
	v54 =	vadd.s32 $0x4080, v4;
	[tilespmem:$0x6B0] =	vst v4;
	v2 =	vadd.s32 v5, v2  }
0xb3: {  	[tilespmem:$0x8B0] =	vst v41;
	v7 =	vtrunc.f32 v7;
	v5 =	vtrunc.f32 v56;
	v55 =	vadd.s32 $0x80, v2  }
0xb4: {  	[tilespmem:$0xAB0] =	vst v42;
	v58 =	vadd.s32 $0x4000, v2;
	v1 =	vcvt.f32.s32 v7;
	v5 =	vcvt.f32.s32 v5  }
0xb5: {  	v62 =	vadd.s32 $0x4080, v2;
	v7 =	vmul.f32 $5.000000000e-01, v60;
	[tilespmem:$0x6C0] =	vst v2;
	v2 =	vtrunc.f32 v17  }
0xb6: {  	v20 =	vadd.f32 $1.000000000e+00, v61;
	v3 =	vcvt.f32.s32 v3;
	[tilespmem:$0xCB0] =	vst v54;
	v2 =	vcvt.f32.s32 v2  }
0xb7: {  	[tilespmem:$0x8C0] =	vst v55;
	v5 =	vshll.u32 v5, $0xE;
	v1 =	vshll.u32 v1, $0x7;
	v18 =	vmul.f32 $1.270000000e+02, v7  }
0xb8: {  	[tilespmem:$0xAC0] =	vst v58;
	v7 =	vmul.f32 $5.000000000e-01, v20;
	v1 =	vadd.s32 v3, v1;
	v3 =	vtrunc.f32 v9  }
0xb9: {  	[tilespmem:$0xCC0] =	vst v62;
	v1 =	vadd.s32 v5, v1;
	v3 =	vcvt.f32.s32 v3;
	v5 =	vtrunc.f32 v18  }
0xba: {  	v7 =	vmul.f32 $1.270000000e+02, v7;
	v22 =	vadd.s32 $0x80, v1;
	v5 =	vcvt.f32.s32 v5;
	[tilespmem:$0x6D0] =	vst v1  }
0xbb: {  	v2 =	vshll.u32 v2, $0x7;
	v23 =	vadd.s32 $0x4000, v1;
	v1 =	vadd.s32 $0x4080, v1;
	[tilespmem:$0x8D0] =	vst v22  }
0xbc: {  	[tilespmem:$0xAD0] =	vst v23;
	v2 =	vadd.s32 v3, v2;
	v24 =	vtrunc.f32 v7;
	v5 =	vshll.u32 v5, $0xE  }
0xbd: {  	v3 =	vtrunc.f32 v6;
	[tilespmem:$0xCD0] =	vst v1;
	v1 =	vadd.s32 v5, v2;
	v2 =	vcvt.f32.s32 v24  }
0xbe: {  	v4 =	vcvt.f32.s32 v25;
	v3 =	vcvt.f32.s32 v3;
	[tilespmem:$0x6E0] =	vst v1;
	v5 =	vadd.s32 $0x80, v1  }
0xbf: {  	v26 =	vadd.s32 $0x4000, v1;
	[tilespmem:$0x8E0] =	vst v5;
	v2 =	vshll.u32 v2, $0x7  }
0xc0: {  	v4 =	vshll.u32 v4, $0xE;
	v1 =	vadd.s32 $0x4080, v1;
	[tilespmem:$0xAE0] =	vst v26;
	v2 =	vadd.s32 v3, v2  }
0xc1: {  	[tilespmem:$0xCE0] =	vst v1;
	v1 =	vadd.s32 v4, v2  }
0xc2: {  	[tilespmem:$0x6F0] =	vst v1;
	v2 =	vadd.s32 $0x80, v1  }
0xc3: {  	[tilespmem:$0x8F0] =	vst v2;
	v2 =	vadd.s32 $0x4000, v1  }
0xc4: {  	v1 =	vadd.s32 $0x4080, v1;
	[tilespmem:$0xAF0] =	vst v2  }
0xc5: {  	s11 =	simm.s32 $0x680;
	s12 =	simm.s32 $0x1600;
	[tilespmem:$0xCF0] =	vst v1  }
0xc6: {  	[tilespmem:s12], [sflag:$0x1] =	stream.indirect.gather [hbm4b:s6+s13], $0x10, s11, s13, $0xb8;
	[tilespmem:$0x9E00] =	vst v63  }
0xc7: {  	s14 =	simm.s32 $0x880;
	s16 =	simm.s32 $0x3600  }
0xc8: {  	[tilespmem:s16], [sflag:$0x1] =	stream.indirect.gather [hbm4b:s6+s13], $0x10, s14, s13, $0xb8;
	[tilespmem:$0x9E00] =	vst v63  }
0xc9: {  	s11 =	simm.s32 $0xA80;
	s12 =	simm.s32 $0x5600  }
0xca: {  	[tilespmem:s12], [sflag:$0x1] =	stream.indirect.gather [hbm4b:s6+s13], $0x10, s11, s13, $0xb8;
	[tilespmem:$0x9E00] =	vst v63  }
0xcb: {  	s14 =	simm.s32 $0xC80;
	s16 =	simm.s32 $0x7600  }
0xcc: {  	[tilespmem:s16], [sflag:$0x1] =	stream.indirect.gather [hbm4b:s6+s13], $0x10, s14, s13, $0xb8;
	[tilespmem:$0x9E00] =	vst v63  }
0xcd: {  	v1 =	vld [tilespmem:$0x100]  }
0xce: {  	v2 =	vld [tilespmem:$0x300]  }
0xcf: {  	v3 =	vld [tilespmem:$0x500]  }
0xd0: {  	v27 =	vld [tilespmem:$0x110]  }
0xd1: {  	v28 =	vld [tilespmem:$0x310]  }
0xd2: {  	v29 =	vld [tilespmem:$0x510]  }
0xd3: {  	v30 =	vld [tilespmem:$0x120]  }
0xd4: {  	v31 =	vld [tilespmem:$0x320]  }
0xd5: {  	v37 =	vld [tilespmem:$0x330]  }
0xd6: {  	v38 =	vld [tilespmem:$0x130]  }
0xd7: {  	v43 =	vld [tilespmem:$0x140];
	v1 =	vadd.f32 $1.000000000e+00, v1;
	v2 =	vadd.f32 $1.000000000e+00, v2  }
0xd8: {  	v44 =	vld [tilespmem:$0x340];
	v3 =	vadd.f32 $1.000000000e+00, v3;
	v4 =	vadd.f32 $1.000000000e+00, v27  }
0xd9: {  	v51 =	vld [tilespmem:$0x150];
	v5 =	vadd.f32 $1.000000000e+00, v28;
	v6 =	vadd.f32 $1.000000000e+00, v29  }
0xda: {  	v53 =	vld [tilespmem:$0x350];
	v7 =	vadd.f32 $1.000000000e+00, v30;
	v8 =	vadd.f32 $1.000000000e+00, v31  }
0xdb: {  	v56 =	vld [tilespmem:$0x550];
	v11 =	vadd.f32 $1.000000000e+00, v37;
	v12 =	vadd.f32 $1.000000000e+00, v38  }
0xdc: {  	v62 =	vld [tilespmem:$0x160];
	v14 =	vadd.f32 $1.000000000e+00, v43;
	v1 =	vmul.f32 $5.000000000e-01, v1;
	v2 =	vmul.f32 $5.000000000e-01, v2  }
0xdd: {  	v15 =	vadd.f32 $1.000000000e+00, v44;
	v3 =	vmul.f32 $5.000000000e-01, v3;
	v4 =	vmul.f32 $5.000000000e-01, v4  }
0xde: {  	v60 =	vadd.f32 $1.000000000e+00, v51;
	v5 =	vmul.f32 $5.000000000e-01, v5;
	v33 =	vmul.f32 $5.000000000e-01, v6  }
0xdf: {  	v61 =	vadd.f32 $1.000000000e+00, v53;
	v7 =	vmul.f32 $5.000000000e-01, v7;
	v8 =	vmul.f32 $5.000000000e-01, v8  }
0xe0: {  	v18 =	vadd.f32 $1.000000000e+00, v56;
	v11 =	vmul.f32 $5.000000000e-01, v11;
	v12 =	vmul.f32 $5.000000000e-01, v12  }
0xe1: {  	v28 =	vadd.f32 $1.000000000e+00, v62;
	v14 =	vmul.f32 $5.000000000e-01, v14;
	v15 =	vmul.f32 $5.000000000e-01, v15  }
0xe2: {  	v63 =	vmul.f32 $5.000000000e-01, v60;
	v20 =	vmul.f32 $5.000000000e-01, v61  }
0xe3: {  	v23 =	vmul.f32 $5.000000000e-01, v18;
	v9 =	vmul.f32 $5.000000000e-01, v28  }
0xe4: {  	v46 =	vld [tilespmem:$0x540];
	v1 =	vmul.f32 $1.270000000e+02, v1;
	v2 =	vmul.f32 $1.270000000e+02, v2  }
0xe5: {  	v21 =	vld [tilespmem:$0x360];
	v3 =	vmul.f32 $1.270000000e+02, v3;
	v40 =	vmul.f32 $1.270000000e+02, v8  }
0xe6: {  	v30 =	vld [tilespmem:$0x170];
	v45 =	vmul.f32 $1.270000000e+02, v11;
	v48 =	vmul.f32 $1.270000000e+02, v12  }
0xe7: {  	v54 =	vmul.f32 $1.270000000e+02, v14;
	v55 =	vmul.f32 $1.270000000e+02, v15  }
0xe8: {  	v22 =	vmul.f32 $1.270000000e+02, v63;
	v27 =	vmul.f32 $1.270000000e+02, v23  }
0xe9: {  	v11 =	vadd.f32 $1.000000000e+00, v46;
	v9 =	vmul.f32 $1.270000000e+02, v9;
	v1 =	vtrunc.f32 v1  }
0xea: {  	v8 =	vadd.f32 $1.000000000e+00, v21;
	v2 =	vtrunc.f32 v2;
	v3 =	vtrunc.f32 v3  }
0xeb: {  	v32 =	vld [tilespmem:$0x520];
	v37 =	vadd.f32 $1.000000000e+00, v30;
	v52 =	vmul.f32 $5.000000000e-01, v11;
	v14 =	vtrunc.f32 v55  }
0xec: {  	v8 =	vmul.f32 $5.000000000e-01, v8;
	v2 =	vcvt.f32.s32 v2  }
0xed: {  	v3 =	vcvt.f32.s32 v3;
	v6 =	vmul.f32 $5.000000000e-01, v37  }
0xee: {  	v1 =	vcvt.f32.s32 v1;
	v59 =	vcvt.f32.s32 v14  }
0xef: {  	v24 =	vld [tilespmem:$0x560];
	v2 =	vshll.u32 v2, $0x7;
	v3 =	vshll.u32 v3, $0xE;
	v6 =	vmul.f32 $1.270000000e+02, v6  }
0xf0: {  	v1 =	vadd.s32 v1, v2;
	v2 =	vmul.f32 $1.270000000e+02, v4;
	v4 =	vadd.f32 $1.000000000e+00, v32  }
0xf1: {  	v1 =	vadd.s32 v3, v1;
	v3 =	vmul.f32 $1.270000000e+02, v5;
	v5 =	vmul.f32 $1.270000000e+02, v33  }
0xf2: {  	v2 =	vtrunc.f32 v2;
	v4 =	vmul.f32 $5.000000000e-01, v4  }
0xf3: {  	v39 =	vld [tilespmem:$0x530];
	v34 =	vadd.s32 $0x80, v1;
	v3 =	vtrunc.f32 v3;
	v2 =	vcvt.f32.s32 v2  }
0xf4: {  	v31 =	vadd.f32 $1.000000000e+00, v24;
	v5 =	vtrunc.f32 v5;
	[tilespmem:$0x900] =	vst v34;
	v34 =	vld [tilespmem:$0x570];
	v3 =	vcvt.f32.s32 v3  }
0xf5: {  	v35 =	vadd.s32 $0x4000, v1;
	v5 =	vcvt.f32.s32 v5;
	v4 =	vmul.f32 $1.270000000e+02, v4  }
0xf6: {  	v36 =	vadd.s32 $0x4080, v1;
	[tilespmem:$0xB00] =	vst v35;
	v35 =	vmul.f32 $1.270000000e+02, v8;
	v3 =	vshll.u32 v3, $0x7  }
0xf7: {  	v5 =	vshll.u32 v5, $0xE;
	v4 =	vtrunc.f32 v4;
	v2 =	vadd.s32 v2, v3  }
0xf8: {  	v3 =	vmul.f32 $1.270000000e+02, v7;
	v4 =	vcvt.f32.s32 v4;
	v7 =	vadd.f32 $1.000000000e+00, v39  }
0xf9: {  	v2 =	vadd.s32 v5, v2;
	v5 =	vtrunc.f32 v40;
	v39 =	vadd.f32 $1.000000000e+00, v34  }
0xfa: {  	v41 =	vadd.s32 $0x80, v2;
	v3 =	vtrunc.f32 v3;
	v5 =	vcvt.f32.s32 v5  }
0xfb: {  	v42 =	vadd.s32 $0x4000, v2;
	v7 =	vmul.f32 $5.000000000e-01, v7;
	v3 =	vcvt.f32.s32 v3  }
0xfc: {  	v4 =	vshll.u32 v4, $0xE;
	v8 =	vmul.f32 $5.000000000e-01, v39;
	v5 =	vshll.u32 v5, $0x7  }
0xfd: {  	[tilespmem:$0x700] =	vst v1;
	v7 =	vmul.f32 $1.270000000e+02, v7;
	v3 =	vadd.s32 v3, v5;
	v5 =	vtrunc.f32 v45  }
0xfe: {  	[tilespmem:$0xD00] =	vst v36;
	v3 =	vadd.s32 v4, v3;
	v4 =	vtrunc.f32 v48;
	v5 =	vcvt.f32.s32 v5  }
0xff: {  	v47 =	vadd.s32 $0x4080, v2;
	[tilespmem:$0x710] =	vst v2;
	v7 =	vtrunc.f32 v7;
	v4 =	vcvt.f32.s32 v4  }
0x100: {  	v2 =	vshll.u32 v59, $0x7;
	[tilespmem:$0x910] =	vst v41;
	v7 =	vcvt.f32.s32 v7;
	v5 =	vshll.u32 v5, $0x7  }
0x101: {  	[tilespmem:$0xB10] =	vst v42;
	v8 =	vmul.f32 $1.270000000e+02, v8;
	v4 =	vadd.s32 v4, v5;
	v5 =	vmul.f32 $1.270000000e+02, v52  }
0x102: {  	[tilespmem:$0xD10] =	vst v47;
	v49 =	vadd.s32 $0x80, v3;
	v50 =	vadd.s32 $0x4000, v3;
	v7 =	vshll.u32 v7, $0xE  }
0x103: {  	[tilespmem:$0x720] =	vst v3;
	v4 =	vadd.s32 v7, v4;
	v7 =	vtrunc.f32 v54;
	v5 =	vtrunc.f32 v5  }
0x104: {  	v1 =	vadd.s32 $0x4080, v3;
	[tilespmem:$0x920] =	vst v49;
	v7 =	vcvt.f32.s32 v7;
	v5 =	vcvt.f32.s32 v5  }
0x105: {  	v3 =	vtrunc.f32 v22;
	v43 =	vtrunc.f32 v8;
	[tilespmem:$0xB20] =	vst v50;
	v57 =	vadd.s32 $0x80, v4  }
0x106: {  	v32 =	vld [tilespmem:$0x370];
	[tilespmem:$0xD20] =	vst v1;
	v2 =	vadd.s32 v7, v2;
	v7 =	vmul.f32 $1.270000000e+02, v20;
	v5 =	vshll.u32 v5, $0xE  }
0x107: {  	v58 =	vadd.s32 $0x4000, v4;
	v25 =	vadd.s32 $0x4080, v4;
	[tilespmem:$0x730] =	vst v4;
	v2 =	vadd.s32 v5, v2  }
0x108: {  	[tilespmem:$0x930] =	vst v57;
	v7 =	vtrunc.f32 v7;
	v5 =	vtrunc.f32 v27;
	v26 =	vadd.s32 $0x80, v2  }
0x109: {  	[tilespmem:$0xB30] =	vst v58;
	v29 =	vadd.s32 $0x4000, v2;
	v1 =	vcvt.f32.s32 v7;
	v5 =	vcvt.f32.s32 v5  }
0x10a: {  	v33 =	vadd.s32 $0x4080, v2;
	v7 =	vmul.f32 $5.000000000e-01, v31;
	[tilespmem:$0x740] =	vst v2;
	v2 =	vtrunc.f32 v35  }
0x10b: {  	v38 =	vadd.f32 $1.000000000e+00, v32;
	v3 =	vcvt.f32.s32 v3;
	[tilespmem:$0xD30] =	vst v25;
	v2 =	vcvt.f32.s32 v2  }
0x10c: {  	[tilespmem:$0x940] =	vst v26;
	v5 =	vshll.u32 v5, $0xE;
	v1 =	vshll.u32 v1, $0x7;
	v36 =	vmul.f32 $1.270000000e+02, v7  }
0x10d: {  	[tilespmem:$0xB40] =	vst v29;
	v7 =	vmul.f32 $5.000000000e-01, v38;
	v1 =	vadd.s32 v3, v1;
	v3 =	vtrunc.f32 v9  }
0x10e: {  	[tilespmem:$0xD40] =	vst v33;
	v1 =	vadd.s32 v5, v1;
	v3 =	vcvt.f32.s32 v3;
	v5 =	vtrunc.f32 v36  }
0x10f: {  	v7 =	vmul.f32 $1.270000000e+02, v7;
	v40 =	vadd.s32 $0x80, v1;
	v5 =	vcvt.f32.s32 v5;
	[tilespmem:$0x750] =	vst v1  }
0x110: {  	v2 =	vshll.u32 v2, $0x7;
	v41 =	vadd.s32 $0x4000, v1;
	v1 =	vadd.s32 $0x4080, v1;
	[tilespmem:$0x950] =	vst v40  }
0x111: {  	[tilespmem:$0xB50] =	vst v41;
	v2 =	vadd.s32 v3, v2;
	v42 =	vtrunc.f32 v7;
	v5 =	vshll.u32 v5, $0xE  }
0x112: {  	v3 =	vtrunc.f32 v6;
	[tilespmem:$0xD50] =	vst v1;
	v1 =	vadd.s32 v5, v2;
	v2 =	vcvt.f32.s32 v42  }
0x113: {  	v4 =	vcvt.f32.s32 v43;
	v3 =	vcvt.f32.s32 v3;
	[tilespmem:$0x760] =	vst v1;
	v5 =	vadd.s32 $0x80, v1  }
0x114: {  	v44 =	vadd.s32 $0x4000, v1;
	[tilespmem:$0x960] =	vst v5;
	v2 =	vshll.u32 v2, $0x7  }
0x115: {  	v4 =	vshll.u32 v4, $0xE;
	v1 =	vadd.s32 $0x4080, v1;
	[tilespmem:$0xB60] =	vst v44;
	v2 =	vadd.s32 v3, v2  }
0x116: {  	[tilespmem:$0xD60] =	vst v1;
	v1 =	vadd.s32 v4, v2  }
0x117: {  	[tilespmem:$0x770] =	vst v1;
	v2 =	vadd.s32 $0x80, v1  }
0x118: {  	[tilespmem:$0x970] =	vst v2;
	v2 =	vadd.s32 $0x4000, v1  }
0x119: {  	v1 =	vadd.s32 $0x4080, v1;
	[tilespmem:$0xB70] =	vst v2  }
0x11a: {  	s11 =	simm.s32 $0x700;
	s12 =	simm.s32 $0x1E00;
	[tilespmem:$0xD70] =	vst v1  }
0x11b: {  	[tilespmem:s12], [sflag:$0x1] =	stream.indirect.gather [hbm4b:s6+s13], $0x10, s11, s13, $0xb8;
	[tilespmem:$0x9E00] =	vst v63  }
0x11c: {  	s14 =	simm.s32 $0x900;
	s16 =	simm.s32 $0x3E00  }
0x11d: {  	[tilespmem:s16], [sflag:$0x1] =	stream.indirect.gather [hbm4b:s6+s13], $0x10, s14, s13, $0xb8;
	[tilespmem:$0x9E00] =	vst v63  }
0x11e: {  	s11 =	simm.s32 $0xB00;
	s12 =	simm.s32 $0x5E00  }
0x11f: {  	[tilespmem:s12], [sflag:$0x1] =	stream.indirect.gather [hbm4b:s6+s13], $0x10, s11, s13, $0xb8;
	[tilespmem:$0x9E00] =	vst v63  }
0x120: {  	s14 =	simm.s32 $0xD00;
	s16 =	simm.s32 $0x7E00  }
0x121: {  	[tilespmem:s16], [sflag:$0x1] =	stream.indirect.gather [hbm4b:s6+s13], $0x10, s14, s13, $0xb8;
	[tilespmem:$0x9E00] =	vst v63  }
0x122: {  	v1 =	vld [tilespmem:$0x180]  }
0x123: {  	v2 =	vld [tilespmem:$0x380]  }
0x124: {  	v3 =	vld [tilespmem:$0x580]  }
0x125: {  	v45 =	vld [tilespmem:$0x190]  }
0x126: {  	v47 =	vld [tilespmem:$0x590]  }
0x127: {  	v48 =	vld [tilespmem:$0x1A0]  }
0x128: {  	v52 =	vld [tilespmem:$0x5A0]  }
0x129: {  	v55 =	vld [tilespmem:$0x1B0]  }
0x12a: {  	v56 =	vld [tilespmem:$0x3B0]  }
0x12b: {  	v20 =	vld [tilespmem:$0x3C0];
	v1 =	vadd.f32 $1.000000000e+00, v1;
	v2 =	vadd.f32 $1.000000000e+00, v2  }
0x12c: {  	v28 =	vld [tilespmem:$0x3D0];
	v3 =	vadd.f32 $1.000000000e+00, v3;
	v4 =	vadd.f32 $1.000000000e+00, v45  }
0x12d: {  	v38 =	vld [tilespmem:$0x3E0];
	v6 =	vadd.f32 $1.000000000e+00, v47;
	v7 =	vadd.f32 $1.000000000e+00, v48  }
0x12e: {  	v8 =	vadd.f32 $1.000000000e+00, v52;
	v11 =	vadd.f32 $1.000000000e+00, v55;
	v1 =	vmul.f32 $5.000000000e-01, v1  }
0x12f: {  	v12 =	vadd.f32 $1.000000000e+00, v56;
	v2 =	vmul.f32 $5.000000000e-01, v2;
	v3 =	vmul.f32 $5.000000000e-01, v3  }
0x130: {  	v25 =	vadd.f32 $1.000000000e+00, v20;
	v4 =	vmul.f32 $5.000000000e-01, v4;
	v50 =	vmul.f32 $5.000000000e-01, v6  }
0x131: {  	v36 =	vadd.f32 $1.000000000e+00, v28;
	v7 =	vmul.f32 $5.000000000e-01, v7;
	v59 =	vmul.f32 $5.000000000e-01, v8  }
0x132: {  	v48 =	vadd.f32 $1.000000000e+00, v38;
	v11 =	vmul.f32 $5.000000000e-01, v11;
	v12 =	vmul.f32 $5.000000000e-01, v12  }
0x133: {  	v62 =	vld [tilespmem:$0x1C0];
	v14 =	vmul.f32 $5.000000000e-01, v25;
	v39 =	vmul.f32 $5.000000000e-01, v36  }
0x134: {  	v22 =	vld [tilespmem:$0x5C0];
	v8 =	vmul.f32 $5.000000000e-01, v48;
	v1 =	vmul.f32 $1.270000000e+02, v1  }
0x135: {  	v2 =	vmul.f32 $1.270000000e+02, v2;
	v3 =	vmul.f32 $1.270000000e+02, v3  }
0x136: {  	v11 =	vmul.f32 $1.270000000e+02, v11;
	v21 =	vmul.f32 $1.270000000e+02, v12  }
0x137: {  	v27 =	vld [tilespmem:$0x1D0];
	v14 =	vmul.f32 $1.270000000e+02, v14;
	v6 =	vmul.f32 $1.270000000e+02, v39  }
0x138: {  	v24 =	vadd.f32 $1.000000000e+00, v62;
	v52 =	vmul.f32 $1.270000000e+02, v8;
	v1 =	vtrunc.f32 v1  }
0x139: {  	v46 =	vld [tilespmem:$0x390];
	v12 =	vadd.f32 $1.000000000e+00, v22;
	v2 =	vtrunc.f32 v2;
	v3 =	vtrunc.f32 v3  }
0x13a: {  	v31 =	vld [tilespmem:$0x5D0];
	v23 =	vtrunc.f32 v11;
	v11 =	vmul.f32 $5.000000000e-01, v24  }
0x13b: {  	v12 =	vmul.f32 $5.000000000e-01, v12;
	v14 =	vtrunc.f32 v14  }
0x13c: {  	v49 =	vld [tilespmem:$0x3A0];
	v34 =	vadd.f32 $1.000000000e+00, v27;
	v2 =	vcvt.f32.s32 v2;
	v1 =	vcvt.f32.s32 v1  }
0x13d: {  	v3 =	vcvt.f32.s32 v3;
	v33 =	vcvt.f32.s32 v14  }
0x13e: {  	v40 =	vld [tilespmem:$0x1E0];
	v5 =	vadd.f32 $1.000000000e+00, v46;
	v14 =	vmul.f32 $5.000000000e-01, v34;
	v30 =	vmul.f32 $1.270000000e+02, v11  }
0x13f: {  	v12 =	vmul.f32 $1.270000000e+02, v12;
	v11 =	vadd.f32 $1.000000000e+00, v31;
	v2 =	vshll.u32 v2, $0x7  }
0x140: {  	v3 =	vshll.u32 v3, $0xE;
	v42 =	vmul.f32 $1.270000000e+02, v14;
	v1 =	vadd.s32 v1, v2  }
0x141: {  	v2 =	vmul.f32 $5.000000000e-01, v5;
	v5 =	vadd.f32 $1.000000000e+00, v49;
	v35 =	vtrunc.f32 v12  }
0x142: {  	v11 =	vmul.f32 $5.000000000e-01, v11;
	v1 =	vadd.s32 v3, v1;
	v3 =	vmul.f32 $1.270000000e+02, v4  }
0x143: {  	v12 =	vadd.f32 $1.000000000e+00, v40;
	v4 =	vmul.f32 $1.270000000e+02, v50;
	v9 =	vcvt.f32.s32 v35  }
0x144: {  	v43 =	vld [tilespmem:$0x5E0];
	v2 =	vmul.f32 $1.270000000e+02, v2;
	v5 =	vmul.f32 $5.000000000e-01, v5  }
0x145: {  	v44 =	vmul.f32 $1.270000000e+02, v11;
	v50 =	vmul.f32 $5.000000000e-01, v12  }
0x146: {  	v51 =	vadd.s32 $0x80, v1;
	v3 =	vtrunc.f32 v3;
	v4 =	vtrunc.f32 v4  }
0x147: {  	v57 =	vld [tilespmem:$0x5B0];
	v54 =	vadd.s32 $0x4080, v1;
	v3 =	vcvt.f32.s32 v3;
	v2 =	vtrunc.f32 v2  }
0x148: {  	[tilespmem:$0x980] =	vst v51;
	v41 =	vshll.u32 v9, $0xE;
	v51 =	vld [tilespmem:$0x3F0];
	v4 =	vcvt.f32.s32 v4;
	v58 =	vmul.f32 $1.270000000e+02, v5  }
0x149: {  	[tilespmem:$0xD80] =	vst v54;
	v9 =	vadd.f32 $1.000000000e+00, v43;
	v54 =	vld [tilespmem:$0x5F0];
	v5 =	vmul.f32 $1.270000000e+02, v59;
	v47 =	vtrunc.f32 v44  }
0x14a: {  	v49 =	vld [tilespmem:$0x1F0];
	v53 =	vadd.s32 $0x4000, v1;
	v55 =	vmul.f32 $1.270000000e+02, v50;
	v2 =	vcvt.f32.s32 v2  }
0x14b: {  	[tilespmem:$0xB80] =	vst v53;
	v53 =	vmul.f32 $5.000000000e-01, v9;
	v5 =	vtrunc.f32 v5  }
0x14c: {  	v4 =	vshll.u32 v4, $0xE;
	v2 =	vshll.u32 v2, $0x7;
	v5 =	vcvt.f32.s32 v5  }
0x14d: {  	v2 =	vadd.s32 v3, v2;
	v3 =	vmul.f32 $1.270000000e+02, v7;
	v7 =	vadd.f32 $1.000000000e+00, v57  }
0x14e: {  	v59 =	vadd.f32 $1.000000000e+00, v51;
	v8 =	vadd.f32 $1.000000000e+00, v54;
	v2 =	vadd.s32 v4, v2  }
0x14f: {  	v4 =	vtrunc.f32 v58;
	v5 =	vshll.u32 v5, $0xE;
	v58 =	vadd.f32 $1.000000000e+00, v49  }
0x150: {  	v60 =	vadd.s32 $0x80, v2;
	v61 =	vadd.s32 $0x4000, v2;
	v3 =	vtrunc.f32 v3  }
0x151: {  	v4 =	vcvt.f32.s32 v4;
	v63 =	vadd.s32 $0x4080, v2;
	v7 =	vmul.f32 $5.000000000e-01, v7;
	[tilespmem:$0x790] =	vst v2  }
0x152: {  	v2 =	vshll.u32 v33, $0x7;
	v3 =	vcvt.f32.s32 v3;
	[tilespmem:$0x990] =	vst v60;
	v60 =	vmul.f32 $5.000000000e-01, v58  }
0x153: {  	[tilespmem:$0xB90] =	vst v61;
	v61 =	vmul.f32 $5.000000000e-01, v59;
	v4 =	vshll.u32 v4, $0x7;
	v7 =	vmul.f32 $1.270000000e+02, v7  }
0x154: {  	[tilespmem:$0xD90] =	vst v63;
	v63 =	vmul.f32 $5.000000000e-01, v8;
	v3 =	vadd.s32 v3, v4;
	v4 =	vtrunc.f32 v21  }
0x155: {  	v3 =	vadd.s32 v5, v3;
	v4 =	vcvt.f32.s32 v4;
	v7 =	vtrunc.f32 v7  }
0x156: {  	[tilespmem:$0x780] =	vst v1;
	v5 =	vcvt.f32.s32 v23;
	v26 =	vadd.s32 $0x80, v3;
	v7 =	vcvt.f32.s32 v7  }
0x157: {  	v29 =	vadd.s32 $0x4000, v3;
	v32 =	vadd.s32 $0x4080, v3;
	[tilespmem:$0x7A0] =	vst v3;
	v4 =	vshll.u32 v4, $0x7  }
0x158: {  	[tilespmem:$0x9A0] =	vst v26;
	v4 =	vadd.s32 v5, v4;
	v7 =	vshll.u32 v7, $0xE;
	v5 =	vtrunc.f32 v30  }
0x159: {  	v3 =	vtrunc.f32 v6;
	[tilespmem:$0xBA0] =	vst v29;
	v4 =	vadd.s32 v7, v4;
	v5 =	vcvt.f32.s32 v5  }
0x15a: {  	v6 =	vcvt.f32.s32 v47;
	v3 =	vcvt.f32.s32 v3;
	[tilespmem:$0xDA0] =	vst v32;
	v1 =	vadd.s32 $0x80, v4  }
0x15b: {  	v37 =	vadd.s32 $0x4000, v4;
	[tilespmem:$0x7B0] =	vst v4;
	v2 =	vadd.s32 v5, v2;
	v5 =	vtrunc.f32 v42  }
0x15c: {  	v45 =	vadd.s32 $0x4080, v4;
	v4 =	vtrunc.f32 v52;
	[tilespmem:$0x9B0] =	vst v1;
	v5 =	vcvt.f32.s32 v5  }
0x15d: {  	v6 =	vshll.u32 v6, $0xE;
	v3 =	vshll.u32 v3, $0x7;
	[tilespmem:$0xBB0] =	vst v37;
	v4 =	vcvt.f32.s32 v4  }
0x15e: {  	[tilespmem:$0xDB0] =	vst v45;
	v2 =	vadd.s32 v41, v2;
	v3 =	vadd.s32 v5, v3;
	v5 =	vmul.f32 $1.270000000e+02, v53  }
0x15f: {  	v46 =	vadd.s32 $0x80, v2;
	v56 =	vadd.s32 $0x4080, v2;
	[tilespmem:$0x7C0] =	vst v2;
	v1 =	vadd.s32 v6, v3  }
0x160: {  	[tilespmem:$0x9C0] =	vst v46;
	v3 =	vadd.s32 $0x4000, v2;
	v6 =	vtrunc.f32 v55;
	v2 =	vtrunc.f32 v5  }
0x161: {  	[tilespmem:$0xDC0] =	vst v56;
	v6 =	vcvt.f32.s32 v6;
	v2 =	vcvt.f32.s32 v2  }
0x162: {  	v57 =	vadd.s32 $0x80, v1;
	[tilespmem:$0xBC0] =	vst v3;
	v3 =	vshll.u32 v4, $0x7;
	v4 =	vmul.f32 $1.270000000e+02, v60  }
0x163: {  	v5 =	vmul.f32 $1.270000000e+02, v61;
	[tilespmem:$0x7D0] =	vst v1;
	v3 =	vadd.s32 v6, v3;
	v2 =	vshll.u32 v2, $0xE  }
0x164: {  	v62 =	vadd.s32 $0x4000, v1;
	[tilespmem:$0x9D0] =	vst v57;
	v2 =	vadd.s32 v2, v3;
	v3 =	vmul.f32 $1.270000000e+02, v63  }
0x165: {  	v1 =	vadd.s32 $0x4080, v1;
	[tilespmem:$0xBD0] =	vst v62;
	v4 =	vtrunc.f32 v4;
	v5 =	vtrunc.f32 v5  }
0x166: {  	[tilespmem:$0xDD0] =	vst v1;
	v5 =	vcvt.f32.s32 v5;
	v1 =	vadd.s32 $0x80, v2;
	v3 =	vtrunc.f32 v3  }
0x167: {  	v4 =	vcvt.f32.s32 v4;
	[tilespmem:$0x9E0] =	vst v1;
	v1 =	vadd.s32 $0x4000, v2;
	v3 =	vcvt.f32.s32 v3  }
0x168: {  	[tilespmem:$0xBE0] =	vst v1;
	v1 =	vshll.u32 v5, $0x7  }
0x169: {  	[tilespmem:$0x7E0] =	vst v2;
	v2 =	vadd.s32 $0x4080, v2;
	v1 =	vadd.s32 v4, v1;
	v3 =	vshll.u32 v3, $0xE  }
0x16a: {  	[tilespmem:$0xDE0] =	vst v2;
	v1 =	vadd.s32 v3, v1  }
0x16b: {  	[tilespmem:$0x7F0] =	vst v1;
	v2 =	vadd.s32 $0x80, v1  }
0x16c: {  	[tilespmem:$0x9F0] =	vst v2;
	v2 =	vadd.s32 $0x4000, v1  }
0x16d: {  	v1 =	vadd.s32 $0x4080, v1;
	[tilespmem:$0xBF0] =	vst v2  }
0x16e: {  	s12 =	simm.s32 $0x780;
	s14 =	simm.s32 $0x2600;
	[tilespmem:$0xDF0] =	vst v1  }
0x16f: {  	[tilespmem:s14], [sflag:$0x1] =	stream.indirect.gather [hbm4b:s6+s13], $0x10, s12, s13, $0xb8;
	[tilespmem:$0x9E00] =	vst v63  }
0x170: {  	s16 =	simm.s32 $0x980  }
0x171: {  	[tilespmem:s18], [sflag:$0x1] =	stream.indirect.gather [hbm4b:s6+s13], $0x10, s16, s13, $0xb8;
	[tilespmem:$0x9E00] =	vst v63  }
0x172: {  	p0 =	seq.s32 s1, $0x0  }
0x173: {  	[tilespmem:s22], [sflag:$0x1] =	stream.indirect.gather [hbm4b:s6+s13], $0x10, s20, s13, $0xb8;
	[tilespmem:$0x9E00] =	vst v63  }
0x174: {  	s3 =	simm.s32 @!p0 $0x2  }
0x175: {  	[tilespmem:s24], [sflag:$0x1] =	stream.indirect.gather [hbm4b:s6+s13], $0x10, s23, s13, $0xb8;
	[tilespmem:$0x9E00] =	vst v63  }
0x176: {  	_ =	swait.ge @!p0 [sflag:s3], $0x200  }
0x177: {  	[sflag:s3] =	ssyncset.done @!p0 $0x0  }
0x178: {  	[sflag:s3] =	ssyncadd.s32 @!p0 $0xFFFFFE00  }
0x179: {  	_ =	swait.ge @!p0 [sflag:s3], $0x200  }
0x17a: {  	[sflag:s3] =	ssyncset.done @!p0 $0x0  }
0x17b: {  	[sflag:s3] =	ssyncadd.s32 @!p0 $0xFFFFFE00  }
0x17c: {  	_ =	swait.ge @!p0 [sflag:s3], $0x200  }
0x17d: {  	[sflag:s3] =	ssyncset.done @!p0 $0x0  }
0x17e: {  	[sflag:s3] =	ssyncadd.s32 @!p0 $0xFFFFFE00  }
0x17f: {  	_ =	swait.ge @!p0 [sflag:s3], $0x200  }
0x180: {  	[sflag:s3] =	ssyncset.done @!p0 $0x0  }
0x181: {  	[sflag:s3] =	ssyncadd.s32 @!p0 $0xFFFFFE00  }
0x182: {  	_ =	swait.ge @!p0 [sflag:s3], $0x200  }
0x183: {  	[sflag:s3] =	ssyncset.done @!p0 $0x0  }
0x184: {  	[sflag:s3] =	ssyncadd.s32 @!p0 $0xFFFFFE00  }
0x185: {  	_ =	swait.ge @!p0 [sflag:s3], $0x200  }
0x186: {  	[sflag:s3] =	ssyncset.done @!p0 $0x0  }
0x187: {  	[sflag:s3] =	ssyncadd.s32 @!p0 $0xFFFFFE00  }
0x188: {  	_ =	swait.ge @!p0 [sflag:s3], $0x200  }
0x189: {  	[sflag:s3] =	ssyncset.done @!p0 $0x0  }
0x18a: {  	[sflag:s3] =	ssyncadd.s32 @!p0 $0xFFFFFE00  }
0x18b: {  	_ =	swait.ge @!p0 [sflag:s3], $0x200  }
0x18c: {  	[sflag:s3] =	ssyncset.done @!p0 $0x0  }
0x18d: {  	[sflag:s3] =	ssyncadd.s32 @!p0 $0xFFFFFE00  }
0x18e: {  	_ =	swait.ge [sflag:s25], $0x800  }
0x18f: {  	[sflag:s25] =	ssyncset.done $0x0  }
0x190: {  	[sflag:s25] =	ssyncadd.s32 $0xFFFFF800  }
0x191: {  	_ =	swait.ge [sflag:s25], $0x800  }
0x192: {  	[sflag:s25] =	ssyncset.done $0x0  }
0x193: {  	[sflag:s25] =	ssyncadd.s32 $0xFFFFF800  }
0x194: {  	_ =	swait.ge [sflag:s25], $0x800  }
0x195: {  	[sflag:s25] =	ssyncset.done $0x0  }
0x196: {  	[sflag:s25] =	ssyncadd.s32 $0xFFFFF800  }
0x197: {  	_ =	swait.ge [sflag:s25], $0x800  }
0x198: {  	[sflag:s25] =	ssyncset.done $0x0  }
0x199: {  	[sflag:s25] =	ssyncadd.s32 $0xFFFFF800  }
0x19a: {  	_ =	swait.ge [sflag:s25], $0x800  }
0x19b: {  	[sflag:s25] =	ssyncset.done $0x0  }
0x19c: {  	[sflag:s25] =	ssyncadd.s32 $0xFFFFF800  }
0x19d: {  	_ =	swait.ge [sflag:s25], $0x800  }
0x19e: {  	[sflag:s25] =	ssyncset.done $0x0  }
0x19f: {  	[sflag:s25] =	ssyncadd.s32 $0xFFFFF800  }
0x1a0: {  	_ =	swait.ge [sflag:s25], $0x800  }
0x1a1: {  	[sflag:s25] =	ssyncset.done $0x0  }
0x1a2: {  	[sflag:s25] =	ssyncadd.s32 $0xFFFFF800  }
0x1a3: {  	_ =	swait.ge [sflag:s25], $0x800  }
0x1a4: {  	[sflag:s25] =	ssyncset.done $0x0  }
0x1a5: {  	[sflag:s25] =	ssyncadd.s32 $0xFFFFF800  }
0x1a6: {  	_ =	swait.ge [sflag:s25], $0x800  }
0x1a7: {  	[sflag:s25] =	ssyncset.done $0x0  }
0x1a8: {  	[sflag:s25] =	ssyncadd.s32 $0xFFFFF800  }
0x1a9: {  	_ =	swait.ge [sflag:s25], $0x800  }
0x1aa: {  	[sflag:s25] =	ssyncset.done $0x0  }
0x1ab: {  	[sflag:s25] =	ssyncadd.s32 $0xFFFFF800  }
0x1ac: {  	_ =	swait.ge [sflag:s25], $0x800  }
0x1ad: {  	[sflag:s25] =	ssyncset.done $0x0  }
0x1ae: {  	[sflag:s25] =	ssyncadd.s32 $0xFFFFF800  }
0x1af: {  	_ =	swait.ge [sflag:s25], $0x800  }
0x1b0: {  	[sflag:s25] =	ssyncset.done $0x0  }
0x1b1: {  	[sflag:s25] =	ssyncadd.s32 $0xFFFFF800  }
0x1b2: {  	_ =	swait.ge [sflag:s25], $0x800  }
0x1b3: {  	[sflag:s25] =	ssyncset.done $0x0  }
0x1b4: {  	[sflag:s25] =	ssyncadd.s32 $0xFFFFF800  }
0x1b5: {  	_ =	swait.ge [sflag:s25], $0x800  }
0x1b6: {  	[sflag:s25] =	ssyncset.done $0x0  }
0x1b7: {  	[sflag:s25] =	ssyncadd.s32 $0xFFFFF800  }
0x1b8: {  	_ =	swait.ge [sflag:s25], $0x800  }
0x1b9: {  	[sflag:s25] =	ssyncset.done $0x0  }
0x1ba: {  	[sflag:s25] =	ssyncadd.s32 $0xFFFFF800  }
0x1bb: {  	s11 =	simm.s32 $0x200;
	_ =	swait.ge [sflag:s25], $0x800  }
0x1bc: {  	s12 =	simm.s32 $0x400;
	s14 =	simm.s32 $0x9600;
	[sflag:s25] =	ssyncset.done $0x0  }
0x1bd: {  	s16 =	simm.s32 $0x0;
	s3 =	simm.s32 $0x0;
	[sflag:s25] =	ssyncadd.s32 $0xFFFFF800  }
.LBB2_3:
0x1be: {  	v1 =	vld [tilespmem:s11+$0x0]  }
0x1bf: {  	v2 =	vld [tilespmem:s12+$0x0];
	_ =	sdelay $0x4  }
0x1c0: {  	v1 =	vadd.f32 $1.000000000e+00, v1;
	v2 =	vadd.f32 $1.000000000e+00, v2  }
0x1c1: {  	v3 =	vld [tilespmem:s3+$0x0]  }
0x1c2: {  	v1 =	vmul.f32 $5.000000000e-01, v1;
	v2 =	vmul.f32 $5.000000000e-01, v2  }
0x1c3: {  	v4 =	vmov s16  }
0x1c4: {  	v5 =	vmul.f32 $1.270000000e+02, v1;
	v2 =	vmul.f32 $1.270000000e+02, v2;
	v1 =	vshll.u32 v4, $0x4  }
0x1c5: {  	v1 =	vor.u32 v0, v1  }
0x1c6: {  	v3 =	vadd.f32 $1.000000000e+00, v3;
	v32 =	vtrunc.f32 v5;
	v6 =	vtrunc.f32 v2  }
0x1c7: {  	v7 =	vor.u32 $0x8, v1;
	v4 =	vcvt.f32.s32 v32;
	v6 =	vcvt.f32.s32 v6  }
0x1c8: {  	v3 =	vmul.f32 $5.000000000e-01, v3  }
0x1c9: {  	v4 =	vcvt.s32.f32 v4;
	v6 =	vcvt.s32.f32 v6  }
0x1ca: {  	v8 =	vld.idx.msk [tilespmem:v1+s15+$0x0], $0xffff  }
0x1cb: {  	v10 =	vmul.f32 $1.270000000e+02, v3;
	v9 =	vld.idx.msk [tilespmem:v1+s17+$0x0], $0xffff;
	v5 =	vsub.f32 v5, v4;
	v6 =	vsub.f32 v2, v6  }
0x1cc: {  	v11 =	vld.idx.msk [tilespmem:v7+s15+$0x0], $0xffff  }
0x1cd: {  	v13 =	vtrunc.f32 v10;
	v12 =	vld.idx.msk [tilespmem:v7+s17+$0x0], $0xffff;
	v2 =	vsub.f32 $1.000000000e+00, v5;
	v33 =	vsub.f32 $1.000000000e+00, v6  }
0x1ce: {  	v13 =	vcvt.f32.s32 v13;
	v14 =	vld.idx.msk [tilespmem:v1+s19+$0x0], $0xffff  }
0x1cf: {  	v15 =	vld.idx.msk [tilespmem:v7+s19+$0x0], $0xffff;
	v3 =	vmul.f32 v33, v2;
	v4 =	vmul.f32 v33, v5  }
0x1d0: {  	v34 =	vcvt.s32.f32 v13;
	v16 =	vld.idx.msk [tilespmem:v1+s21+$0x0], $0xffff;
	v2 =	vmul.f32 v2, v6  }
0x1d1: {  	v7 =	vld.idx.msk [tilespmem:v7+s21+$0x0], $0xffff;
	v8 =	vmul.f32 v3, v8;
	v9 =	vmul.f32 v4, v9  }
0x1d2: {  	v11 =	vmul.f32 v3, v11;
	v12 =	vmul.f32 v4, v12  }
0x1d3: {  	v6 =	vmul.f32 v6, v5;
	v35 =	vmul.f32 v2, v14  }
0x1d4: {  	v36 =	vmul.f32 v2, v15;
	v8 =	vadd.f32 v9, v8;
	v11 =	vadd.f32 v12, v11  }
0x1d5: {  	v5 =	vsub.f32 v10, v34;
	v37 =	vmul.f32 v6, v16  }
0x1d6: {  	v39 =	vmul.f32 v7, v6;
	v8 =	vadd.f32 v8, v35;
	v38 =	vadd.f32 v11, v36  }
0x1d7: {  	v7 =	vsub.f32 $1.000000000e+00, v5  }
0x1d8: {  	v8 =	vadd.f32 v8, v37;
	v40 =	vadd.f32 v38, v39;
	_ =	sdelay $0x1  }
0x1d9: {  	v41 =	vor.u32 $0x1, v1;
	v8 =	vmul.f32 v8, v7;
	v9 =	vmul.f32 v40, v5;
	_ =	sdelay $0x1  }
0x1da: {  	v42 =	vor.u32 $0x9, v1;
	v8 =	vadd.f32 v9, v8;
	_ =	sdelay $0x1  }
0x1db: {  	[tilespmem:s14+$0xFFFFF800] =	vst v8  }
0x1dc: {  	v8 =	vld.idx.msk [tilespmem:v41+s15+$0x0], $0xffff  }
0x1dd: {  	v43 =	vld.idx.msk [tilespmem:v41+s17+$0x0], $0xffff  }
0x1de: {  	v44 =	vld.idx.msk [tilespmem:v42+s15+$0x0], $0xffff  }
0x1df: {  	v45 =	vld.idx.msk [tilespmem:v42+s17+$0x0], $0xffff  }
0x1e0: {  	v46 =	vld.idx.msk [tilespmem:v41+s19+$0x0], $0xffff  }
0x1e1: {  	v47 =	vld.idx.msk [tilespmem:v42+s19+$0x0], $0xffff  }
0x1e2: {  	v10 =	vld.idx.msk [tilespmem:v41+s21+$0x0], $0xffff  }
0x1e3: {  	v9 =	vld.idx.msk [tilespmem:v42+s21+$0x0], $0xffff;
	v8 =	vmul.f32 v8, v3;
	v11 =	vmul.f32 v43, v4  }
0x1e4: {  	v12 =	vmul.f32 v44, v3;
	v13 =	vmul.f32 v45, v4  }
0x1e5: {  	v48 =	vmul.f32 v46, v2  }
0x1e6: {  	v49 =	vmul.f32 v47, v2;
	v8 =	vadd.f32 v11, v8;
	v12 =	vadd.f32 v13, v12  }
0x1e7: {  	v10 =	vmul.f32 v10, v6  }
0x1e8: {  	v9 =	vmul.f32 v9, v6;
	v8 =	vadd.f32 v48, v8;
	v50 =	vadd.f32 v49, v12;
	_ =	sdelay $0x1  }
0x1e9: {  	v8 =	vadd.f32 v10, v8;
	v9 =	vadd.f32 v9, v50;
	_ =	sdelay $0x1  }
0x1ea: {  	v51 =	vor.u32 $0x2, v1;
	v8 =	vmul.f32 v8, v7;
	v9 =	vmul.f32 v9, v5;
	_ =	sdelay $0x1  }
0x1eb: {  	v52 =	vor.u32 $0xA, v1;
	v8 =	vadd.f32 v9, v8;
	_ =	sdelay $0x1  }
0x1ec: {  	[tilespmem:s14+$0xFFFFFA00] =	vst v8  }
0x1ed: {  	v8 =	vld.idx.msk [tilespmem:v51+s15+$0x0], $0xffff  }
0x1ee: {  	v53 =	vld.idx.msk [tilespmem:v51+s17+$0x0], $0xffff  }
0x1ef: {  	v54 =	vld.idx.msk [tilespmem:v52+s15+$0x0], $0xffff  }
0x1f0: {  	v55 =	vld.idx.msk [tilespmem:v52+s17+$0x0], $0xffff  }
0x1f1: {  	v56 =	vld.idx.msk [tilespmem:v51+s19+$0x0], $0xffff  }
0x1f2: {  	v57 =	vld.idx.msk [tilespmem:v52+s19+$0x0], $0xffff  }
0x1f3: {  	v10 =	vld.idx.msk [tilespmem:v51+s21+$0x0], $0xffff  }
0x1f4: {  	v9 =	vld.idx.msk [tilespmem:v52+s21+$0x0], $0xffff;
	v8 =	vmul.f32 v8, v3;
	v11 =	vmul.f32 v53, v4  }
0x1f5: {  	v12 =	vmul.f32 v54, v3;
	v13 =	vmul.f32 v55, v4  }
0x1f6: {  	v58 =	vmul.f32 v56, v2  }
0x1f7: {  	v59 =	vmul.f32 v57, v2;
	v8 =	vadd.f32 v11, v8;
	v12 =	vadd.f32 v13, v12  }
0x1f8: {  	v10 =	vmul.f32 v10, v6  }
0x1f9: {  	v9 =	vmul.f32 v9, v6;
	v8 =	vadd.f32 v58, v8;
	v60 =	vadd.f32 v59, v12;
	_ =	sdelay $0x1  }
0x1fa: {  	v8 =	vadd.f32 v10, v8;
	v9 =	vadd.f32 v9, v60;
	_ =	sdelay $0x1  }
0x1fb: {  	v61 =	vor.u32 $0x3, v1;
	v8 =	vmul.f32 v8, v7;
	v9 =	vmul.f32 v9, v5;
	_ =	sdelay $0x1  }
0x1fc: {  	v62 =	vor.u32 $0xB, v1;
	v8 =	vadd.f32 v9, v8;
	_ =	sdelay $0x1  }
0x1fd: {  	[tilespmem:s14+$0xFFFFFC00] =	vst v8  }
0x1fe: {  	v8 =	vld.idx.msk [tilespmem:v61+s15+$0x0], $0xffff  }
0x1ff: {  	v63 =	vld.idx.msk [tilespmem:v61+s17+$0x0], $0xffff  }
0x200: {  	v18 =	vld.idx.msk [tilespmem:v62+s15+$0x0], $0xffff  }
0x201: {  	v19 =	vld.idx.msk [tilespmem:v62+s17+$0x0], $0xffff  }
0x202: {  	v20 =	vld.idx.msk [tilespmem:v61+s19+$0x0], $0xffff  }
0x203: {  	v21 =	vld.idx.msk [tilespmem:v62+s19+$0x0], $0xffff  }
0x204: {  	v10 =	vld.idx.msk [tilespmem:v61+s21+$0x0], $0xffff  }
0x205: {  	v9 =	vld.idx.msk [tilespmem:v62+s21+$0x0], $0xffff;
	v8 =	vmul.f32 v8, v3;
	v11 =	vmul.f32 v63, v4  }
0x206: {  	v12 =	vmul.f32 v18, v3;
	v13 =	vmul.f32 v19, v4  }
0x207: {  	v22 =	vmul.f32 v20, v2  }
0x208: {  	v23 =	vmul.f32 v21, v2;
	v8 =	vadd.f32 v11, v8;
	v12 =	vadd.f32 v13, v12  }
0x209: {  	v10 =	vmul.f32 v10, v6  }
0x20a: {  	v9 =	vmul.f32 v9, v6;
	v8 =	vadd.f32 v22, v8;
	v24 =	vadd.f32 v23, v12;
	_ =	sdelay $0x1  }
0x20b: {  	v8 =	vadd.f32 v10, v8;
	v9 =	vadd.f32 v9, v24;
	_ =	sdelay $0x1  }
0x20c: {  	v25 =	vor.u32 $0x4, v1;
	v8 =	vmul.f32 v8, v7;
	v9 =	vmul.f32 v9, v5;
	_ =	sdelay $0x1  }
0x20d: {  	v26 =	vor.u32 $0xC, v1;
	v8 =	vadd.f32 v9, v8;
	_ =	sdelay $0x1  }
0x20e: {  	[tilespmem:s14+$0xFFFFFE00] =	vst v8  }
0x20f: {  	v8 =	vld.idx.msk [tilespmem:v25+s15+$0x0], $0xffff  }
0x210: {  	v27 =	vld.idx.msk [tilespmem:v25+s17+$0x0], $0xffff  }
0x211: {  	v28 =	vld.idx.msk [tilespmem:v26+s15+$0x0], $0xffff  }
0x212: {  	v29 =	vld.idx.msk [tilespmem:v26+s17+$0x0], $0xffff  }
0x213: {  	v30 =	vld.idx.msk [tilespmem:v25+s19+$0x0], $0xffff  }
0x214: {  	v31 =	vld.idx.msk [tilespmem:v26+s19+$0x0], $0xffff  }
0x215: {  	v10 =	vld.idx.msk [tilespmem:v25+s21+$0x0], $0xffff  }
0x216: {  	v9 =	vld.idx.msk [tilespmem:v26+s21+$0x0], $0xffff;
	v8 =	vmul.f32 v8, v3;
	v11 =	vmul.f32 v27, v4  }
0x217: {  	v12 =	vmul.f32 v28, v3;
	v13 =	vmul.f32 v29, v4  }
0x218: {  	v32 =	vmul.f32 v30, v2  }
0x219: {  	v33 =	vmul.f32 v31, v2;
	v8 =	vadd.f32 v11, v8;
	v12 =	vadd.f32 v13, v12  }
0x21a: {  	v10 =	vmul.f32 v10, v6  }
0x21b: {  	v9 =	vmul.f32 v9, v6;
	v8 =	vadd.f32 v32, v8;
	v34 =	vadd.f32 v33, v12;
	_ =	sdelay $0x1  }
0x21c: {  	v8 =	vadd.f32 v10, v8;
	v9 =	vadd.f32 v9, v34;
	_ =	sdelay $0x1  }
0x21d: {  	v35 =	vor.u32 $0x5, v1;
	v8 =	vmul.f32 v8, v7;
	v9 =	vmul.f32 v9, v5;
	_ =	sdelay $0x1  }
0x21e: {  	v36 =	vor.u32 $0xD, v1;
	v8 =	vadd.f32 v9, v8;
	_ =	sdelay $0x1  }
0x21f: {  	[tilespmem:s14+$0x0] =	vst v8  }
0x220: {  	v8 =	vld.idx.msk [tilespmem:v35+s15+$0x0], $0xffff  }
0x221: {  	v37 =	vld.idx.msk [tilespmem:v35+s17+$0x0], $0xffff  }
0x222: {  	v38 =	vld.idx.msk [tilespmem:v36+s15+$0x0], $0xffff  }
0x223: {  	v39 =	vld.idx.msk [tilespmem:v36+s17+$0x0], $0xffff  }
0x224: {  	v40 =	vld.idx.msk [tilespmem:v35+s19+$0x0], $0xffff  }
0x225: {  	v41 =	vld.idx.msk [tilespmem:v36+s19+$0x0], $0xffff  }
0x226: {  	v10 =	vld.idx.msk [tilespmem:v35+s21+$0x0], $0xffff  }
0x227: {  	v9 =	vld.idx.msk [tilespmem:v36+s21+$0x0], $0xffff;
	v8 =	vmul.f32 v8, v3;
	v11 =	vmul.f32 v37, v4  }
0x228: {  	v12 =	vmul.f32 v38, v3;
	v13 =	vmul.f32 v39, v4  }
0x229: {  	v42 =	vmul.f32 v40, v2  }
0x22a: {  	v43 =	vmul.f32 v41, v2;
	v8 =	vadd.f32 v11, v8;
	v12 =	vadd.f32 v13, v12  }
0x22b: {  	v10 =	vmul.f32 v10, v6  }
0x22c: {  	v9 =	vmul.f32 v9, v6;
	v8 =	vadd.f32 v42, v8;
	v44 =	vadd.f32 v43, v12;
	_ =	sdelay $0x1  }
0x22d: {  	v8 =	vadd.f32 v10, v8;
	v9 =	vadd.f32 v9, v44;
	_ =	sdelay $0x1  }
0x22e: {  	v45 =	vor.u32 $0x6, v1;
	v8 =	vmul.f32 v8, v7;
	v9 =	vmul.f32 v9, v5;
	_ =	sdelay $0x1  }
0x22f: {  	v46 =	vor.u32 $0xE, v1;
	v8 =	vadd.f32 v9, v8;
	_ =	sdelay $0x1  }
0x230: {  	[tilespmem:s14+$0x200] =	vst v8  }
0x231: {  	v8 =	vld.idx.msk [tilespmem:v45+s15+$0x0], $0xffff  }
0x232: {  	v47 =	vld.idx.msk [tilespmem:v45+s17+$0x0], $0xffff  }
0x233: {  	v48 =	vld.idx.msk [tilespmem:v46+s15+$0x0], $0xffff  }
0x234: {  	v49 =	vld.idx.msk [tilespmem:v46+s17+$0x0], $0xffff  }
0x235: {  	v50 =	vld.idx.msk [tilespmem:v45+s19+$0x0], $0xffff  }
0x236: {  	v51 =	vld.idx.msk [tilespmem:v46+s19+$0x0], $0xffff  }
0x237: {  	v10 =	vld.idx.msk [tilespmem:v45+s21+$0x0], $0xffff  }
0x238: {  	v9 =	vld.idx.msk [tilespmem:v46+s21+$0x0], $0xffff;
	v8 =	vmul.f32 v8, v3;
	v11 =	vmul.f32 v47, v4  }
0x239: {  	v12 =	vmul.f32 v48, v3;
	v13 =	vmul.f32 v49, v4  }
0x23a: {  	v52 =	vmul.f32 v50, v2  }
0x23b: {  	v53 =	vmul.f32 v51, v2;
	v8 =	vadd.f32 v11, v8;
	v12 =	vadd.f32 v13, v12  }
0x23c: {  	v10 =	vmul.f32 v10, v6  }
0x23d: {  	v9 =	vmul.f32 v9, v6;
	v8 =	vadd.f32 v52, v8;
	v54 =	vadd.f32 v53, v12;
	_ =	sdelay $0x1  }
0x23e: {  	v8 =	vadd.f32 v10, v8;
	v9 =	vadd.f32 v9, v54;
	_ =	sdelay $0x1  }
0x23f: {  	v55 =	vor.u32 $0x7, v1;
	v8 =	vmul.f32 v8, v7;
	v9 =	vmul.f32 v9, v5;
	_ =	sdelay $0x1  }
0x240: {  	v1 =	vor.u32 $0xF, v1;
	v8 =	vadd.f32 v9, v8;
	_ =	sdelay $0x1  }
0x241: {  	[tilespmem:s14+$0x400] =	vst v8  }
0x242: {  	v8 =	vld.idx.msk [tilespmem:v55+s15+$0x0], $0xffff  }
0x243: {  	v56 =	vld.idx.msk [tilespmem:v55+s17+$0x0], $0xffff  }
0x244: {  	v57 =	vld.idx.msk [tilespmem:v1+s15+$0x0], $0xffff  }
0x245: {  	v58 =	vld.idx.msk [tilespmem:v1+s17+$0x0], $0xffff  }
0x246: {  	v59 =	vld.idx.msk [tilespmem:v55+s19+$0x0], $0xffff  }
0x247: {  	v60 =	vld.idx.msk [tilespmem:v1+s19+$0x0], $0xffff  }
0x248: {  	v10 =	vld.idx.msk [tilespmem:v55+s21+$0x0], $0xffff  }
0x249: {  	v1 =	vld.idx.msk [tilespmem:v1+s21+$0x0], $0xffff;
	v8 =	vmul.f32 v8, v3;
	v9 =	vmul.f32 v56, v4  }
0x24a: {  	v3 =	vmul.f32 v57, v3;
	v4 =	vmul.f32 v58, v4  }
0x24b: {  	v61 =	vmul.f32 v59, v2  }
0x24c: {  	v2 =	vmul.f32 v60, v2;
	v8 =	vadd.f32 v9, v8;
	v3 =	vadd.f32 v4, v3  }
0x24d: {  	v63 =	vmul.f32 v10, v6  }
0x24e: {  	v1 =	vmul.f32 v1, v6;
	v62 =	vadd.f32 v61, v8;
	v2 =	vadd.f32 v2, v3;
	_ =	sdelay $0x1  }
0x24f: {  	v3 =	vadd.f32 v63, v62;
	v1 =	vadd.f32 v1, v2  }
0x250: {  	p0 =	sne.s32 s16, $0x70  }
.Ltmp0:
0x251: {  	v2 =	vmul.f32 v3, v7;
	v1 =	vmul.f32 v1, v5;
	(pc) =	sbr.rel @p0 .LBB2_3-.Ltmp0, $4  }
0x252: {  	_ = 	snop  }
0x253: {  	v1 =	vadd.f32 v1, v2  }
0x254: {  	s3 =	sadd.s32 $0x10, s3;
	s11 =	sadd.s32 $0x10, s11  }
0x255: {  	s12 =	sadd.s32 $0x10, s12;
	s16 =	sadd.s32 $0x10, s16;
	[tilespmem:s14+$0x600] =	vst v1;
	s14 =	sadd.s32 $0x10, s14  }
0x256: {  	s3 =	simm.s32 $0x80;
	s11 =	simm.s32 $0x9680  }
0x257: {  	s12 =	simm.s32 $0x480;
	s14 =	simm.s32 $0x280;
	s16 =	simm.s32 $0x80  }
.LBB2_5:
0x258: {  	v1 =	vld [tilespmem:s14+$0x0]  }
0x259: {  	v2 =	vld [tilespmem:s12+$0x0];
	_ =	sdelay $0x4  }
0x25a: {  	v1 =	vadd.f32 $1.000000000e+00, v1;
	v2 =	vadd.f32 $1.000000000e+00, v2  }
0x25b: {  	v3 =	vld [tilespmem:s3+$0x0]  }
0x25c: {  	v1 =	vmul.f32 $5.000000000e-01, v1;
	v2 =	vmul.f32 $5.000000000e-01, v2  }
0x25d: {  	v4 =	vmov s16  }
0x25e: {  	v5 =	vmul.f32 $1.270000000e+02, v1;
	v2 =	vmul.f32 $1.270000000e+02, v2;
	v1 =	vshll.u32 v4, $0x4  }
0x25f: {  	v1 =	vor.u32 v0, v1  }
0x260: {  	v3 =	vadd.f32 $1.000000000e+00, v3;
	v32 =	vtrunc.f32 v5;
	v6 =	vtrunc.f32 v2  }
0x261: {  	v7 =	vor.u32 $0x8, v1;
	v4 =	vcvt.f32.s32 v32;
	v6 =	vcvt.f32.s32 v6  }
0x262: {  	v3 =	vmul.f32 $5.000000000e-01, v3  }
0x263: {  	v4 =	vcvt.s32.f32 v4;
	v6 =	vcvt.s32.f32 v6  }
0x264: {  	v8 =	vld.idx.msk [tilespmem:v1+s15+$0x0], $0xffff  }
0x265: {  	v10 =	vmul.f32 $1.270000000e+02, v3;
	v9 =	vld.idx.msk [tilespmem:v1+s17+$0x0], $0xffff;
	v5 =	vsub.f32 v5, v4;
	v6 =	vsub.f32 v2, v6  }
0x266: {  	v11 =	vld.idx.msk [tilespmem:v7+s15+$0x0], $0xffff  }
0x267: {  	v13 =	vtrunc.f32 v10;
	v12 =	vld.idx.msk [tilespmem:v7+s17+$0x0], $0xffff;
	v2 =	vsub.f32 $1.000000000e+00, v5;
	v33 =	vsub.f32 $1.000000000e+00, v6  }
0x268: {  	v13 =	vcvt.f32.s32 v13;
	v14 =	vld.idx.msk [tilespmem:v1+s19+$0x0], $0xffff  }
0x269: {  	v15 =	vld.idx.msk [tilespmem:v7+s19+$0x0], $0xffff;
	v3 =	vmul.f32 v33, v2;
	v4 =	vmul.f32 v33, v5  }
0x26a: {  	v34 =	vcvt.s32.f32 v13;
	v16 =	vld.idx.msk [tilespmem:v1+s21+$0x0], $0xffff;
	v2 =	vmul.f32 v2, v6  }
0x26b: {  	v7 =	vld.idx.msk [tilespmem:v7+s21+$0x0], $0xffff;
	v8 =	vmul.f32 v3, v8;
	v9 =	vmul.f32 v4, v9  }
0x26c: {  	v11 =	vmul.f32 v3, v11;
	v12 =	vmul.f32 v4, v12  }
0x26d: {  	v6 =	vmul.f32 v6, v5;
	v35 =	vmul.f32 v2, v14  }
0x26e: {  	v36 =	vmul.f32 v2, v15;
	v8 =	vadd.f32 v9, v8;
	v11 =	vadd.f32 v12, v11  }
0x26f: {  	v5 =	vsub.f32 v10, v34;
	v37 =	vmul.f32 v6, v16  }
0x270: {  	v39 =	vmul.f32 v7, v6;
	v8 =	vadd.f32 v8, v35;
	v38 =	vadd.f32 v11, v36  }
0x271: {  	v7 =	vsub.f32 $1.000000000e+00, v5  }
0x272: {  	v8 =	vadd.f32 v8, v37;
	v40 =	vadd.f32 v38, v39;
	_ =	sdelay $0x1  }
0x273: {  	v41 =	vor.u32 $0x1, v1;
	v8 =	vmul.f32 v8, v7;
	v9 =	vmul.f32 v40, v5;
	_ =	sdelay $0x1  }
0x274: {  	v42 =	vor.u32 $0x9, v1;
	v8 =	vadd.f32 v9, v8;
	_ =	sdelay $0x1  }
0x275: {  	[tilespmem:s11+$0xFFFFF800] =	vst v8  }
0x276: {  	v8 =	vld.idx.msk [tilespmem:v41+s15+$0x0], $0xffff  }
0x277: {  	v43 =	vld.idx.msk [tilespmem:v41+s17+$0x0], $0xffff  }
0x278: {  	v44 =	vld.idx.msk [tilespmem:v42+s15+$0x0], $0xffff  }
0x279: {  	v45 =	vld.idx.msk [tilespmem:v42+s17+$0x0], $0xffff  }
0x27a: {  	v46 =	vld.idx.msk [tilespmem:v41+s19+$0x0], $0xffff  }
0x27b: {  	v47 =	vld.idx.msk [tilespmem:v42+s19+$0x0], $0xffff  }
0x27c: {  	v10 =	vld.idx.msk [tilespmem:v41+s21+$0x0], $0xffff  }
0x27d: {  	v9 =	vld.idx.msk [tilespmem:v42+s21+$0x0], $0xffff;
	v8 =	vmul.f32 v8, v3;
	v11 =	vmul.f32 v43, v4  }
0x27e: {  	v12 =	vmul.f32 v44, v3;
	v13 =	vmul.f32 v45, v4  }
0x27f: {  	v48 =	vmul.f32 v46, v2  }
0x280: {  	v49 =	vmul.f32 v47, v2;
	v8 =	vadd.f32 v11, v8;
	v12 =	vadd.f32 v13, v12  }
0x281: {  	v10 =	vmul.f32 v10, v6  }
0x282: {  	v9 =	vmul.f32 v9, v6;
	v8 =	vadd.f32 v48, v8;
	v50 =	vadd.f32 v49, v12;
	_ =	sdelay $0x1  }
0x283: {  	v8 =	vadd.f32 v10, v8;
	v9 =	vadd.f32 v9, v50;
	_ =	sdelay $0x1  }
0x284: {  	v51 =	vor.u32 $0x2, v1;
	v8 =	vmul.f32 v8, v7;
	v9 =	vmul.f32 v9, v5;
	_ =	sdelay $0x1  }
0x285: {  	v52 =	vor.u32 $0xA, v1;
	v8 =	vadd.f32 v9, v8;
	_ =	sdelay $0x1  }
0x286: {  	[tilespmem:s11+$0xFFFFFA00] =	vst v8  }
0x287: {  	v8 =	vld.idx.msk [tilespmem:v51+s15+$0x0], $0xffff  }
0x288: {  	v53 =	vld.idx.msk [tilespmem:v51+s17+$0x0], $0xffff  }
0x289: {  	v54 =	vld.idx.msk [tilespmem:v52+s15+$0x0], $0xffff  }
0x28a: {  	v55 =	vld.idx.msk [tilespmem:v52+s17+$0x0], $0xffff  }
0x28b: {  	v56 =	vld.idx.msk [tilespmem:v51+s19+$0x0], $0xffff  }
0x28c: {  	v57 =	vld.idx.msk [tilespmem:v52+s19+$0x0], $0xffff  }
0x28d: {  	v10 =	vld.idx.msk [tilespmem:v51+s21+$0x0], $0xffff  }
0x28e: {  	v9 =	vld.idx.msk [tilespmem:v52+s21+$0x0], $0xffff;
	v8 =	vmul.f32 v8, v3;
	v11 =	vmul.f32 v53, v4  }
0x28f: {  	v12 =	vmul.f32 v54, v3;
	v13 =	vmul.f32 v55, v4  }
0x290: {  	v58 =	vmul.f32 v56, v2  }
0x291: {  	v59 =	vmul.f32 v57, v2;
	v8 =	vadd.f32 v11, v8;
	v12 =	vadd.f32 v13, v12  }
0x292: {  	v10 =	vmul.f32 v10, v6  }
0x293: {  	v9 =	vmul.f32 v9, v6;
	v8 =	vadd.f32 v58, v8;
	v60 =	vadd.f32 v59, v12;
	_ =	sdelay $0x1  }
0x294: {  	v8 =	vadd.f32 v10, v8;
	v9 =	vadd.f32 v9, v60;
	_ =	sdelay $0x1  }
0x295: {  	v61 =	vor.u32 $0x3, v1;
	v8 =	vmul.f32 v8, v7;
	v9 =	vmul.f32 v9, v5;
	_ =	sdelay $0x1  }
0x296: {  	v62 =	vor.u32 $0xB, v1;
	v8 =	vadd.f32 v9, v8;
	_ =	sdelay $0x1  }
0x297: {  	[tilespmem:s11+$0xFFFFFC00] =	vst v8  }
0x298: {  	v8 =	vld.idx.msk [tilespmem:v61+s15+$0x0], $0xffff  }
0x299: {  	v63 =	vld.idx.msk [tilespmem:v61+s17+$0x0], $0xffff  }
0x29a: {  	v18 =	vld.idx.msk [tilespmem:v62+s15+$0x0], $0xffff  }
0x29b: {  	v19 =	vld.idx.msk [tilespmem:v62+s17+$0x0], $0xffff  }
0x29c: {  	v20 =	vld.idx.msk [tilespmem:v61+s19+$0x0], $0xffff  }
0x29d: {  	v21 =	vld.idx.msk [tilespmem:v62+s19+$0x0], $0xffff  }
0x29e: {  	v10 =	vld.idx.msk [tilespmem:v61+s21+$0x0], $0xffff  }
0x29f: {  	v9 =	vld.idx.msk [tilespmem:v62+s21+$0x0], $0xffff;
	v8 =	vmul.f32 v8, v3;
	v11 =	vmul.f32 v63, v4  }
0x2a0: {  	v12 =	vmul.f32 v18, v3;
	v13 =	vmul.f32 v19, v4  }
0x2a1: {  	v22 =	vmul.f32 v20, v2  }
0x2a2: {  	v23 =	vmul.f32 v21, v2;
	v8 =	vadd.f32 v11, v8;
	v12 =	vadd.f32 v13, v12  }
0x2a3: {  	v10 =	vmul.f32 v10, v6  }
0x2a4: {  	v9 =	vmul.f32 v9, v6;
	v8 =	vadd.f32 v22, v8;
	v24 =	vadd.f32 v23, v12;
	_ =	sdelay $0x1  }
0x2a5: {  	v8 =	vadd.f32 v10, v8;
	v9 =	vadd.f32 v9, v24;
	_ =	sdelay $0x1  }
0x2a6: {  	v25 =	vor.u32 $0x4, v1;
	v8 =	vmul.f32 v8, v7;
	v9 =	vmul.f32 v9, v5;
	_ =	sdelay $0x1  }
0x2a7: {  	v26 =	vor.u32 $0xC, v1;
	v8 =	vadd.f32 v9, v8;
	_ =	sdelay $0x1  }
0x2a8: {  	[tilespmem:s11+$0xFFFFFE00] =	vst v8  }
0x2a9: {  	v8 =	vld.idx.msk [tilespmem:v25+s15+$0x0], $0xffff  }
0x2aa: {  	v27 =	vld.idx.msk [tilespmem:v25+s17+$0x0], $0xffff  }
0x2ab: {  	v28 =	vld.idx.msk [tilespmem:v26+s15+$0x0], $0xffff  }
0x2ac: {  	v29 =	vld.idx.msk [tilespmem:v26+s17+$0x0], $0xffff  }
0x2ad: {  	v30 =	vld.idx.msk [tilespmem:v25+s19+$0x0], $0xffff  }
0x2ae: {  	v31 =	vld.idx.msk [tilespmem:v26+s19+$0x0], $0xffff  }
0x2af: {  	v10 =	vld.idx.msk [tilespmem:v25+s21+$0x0], $0xffff  }
0x2b0: {  	v9 =	vld.idx.msk [tilespmem:v26+s21+$0x0], $0xffff;
	v8 =	vmul.f32 v8, v3;
	v11 =	vmul.f32 v27, v4  }
0x2b1: {  	v12 =	vmul.f32 v28, v3;
	v13 =	vmul.f32 v29, v4  }
0x2b2: {  	v32 =	vmul.f32 v30, v2  }
0x2b3: {  	v33 =	vmul.f32 v31, v2;
	v8 =	vadd.f32 v11, v8;
	v12 =	vadd.f32 v13, v12  }
0x2b4: {  	v10 =	vmul.f32 v10, v6  }
0x2b5: {  	v9 =	vmul.f32 v9, v6;
	v8 =	vadd.f32 v32, v8;
	v34 =	vadd.f32 v33, v12;
	_ =	sdelay $0x1  }
0x2b6: {  	v8 =	vadd.f32 v10, v8;
	v9 =	vadd.f32 v9, v34;
	_ =	sdelay $0x1  }
0x2b7: {  	v35 =	vor.u32 $0x5, v1;
	v8 =	vmul.f32 v8, v7;
	v9 =	vmul.f32 v9, v5;
	_ =	sdelay $0x1  }
0x2b8: {  	v36 =	vor.u32 $0xD, v1;
	v8 =	vadd.f32 v9, v8;
	_ =	sdelay $0x1  }
0x2b9: {  	[tilespmem:s11+$0x0] =	vst v8  }
0x2ba: {  	v8 =	vld.idx.msk [tilespmem:v35+s15+$0x0], $0xffff  }
0x2bb: {  	v37 =	vld.idx.msk [tilespmem:v35+s17+$0x0], $0xffff  }
0x2bc: {  	v38 =	vld.idx.msk [tilespmem:v36+s15+$0x0], $0xffff  }
0x2bd: {  	v39 =	vld.idx.msk [tilespmem:v36+s17+$0x0], $0xffff  }
0x2be: {  	v40 =	vld.idx.msk [tilespmem:v35+s19+$0x0], $0xffff  }
0x2bf: {  	v41 =	vld.idx.msk [tilespmem:v36+s19+$0x0], $0xffff  }
0x2c0: {  	v10 =	vld.idx.msk [tilespmem:v35+s21+$0x0], $0xffff  }
0x2c1: {  	v9 =	vld.idx.msk [tilespmem:v36+s21+$0x0], $0xffff;
	v8 =	vmul.f32 v8, v3;
	v11 =	vmul.f32 v37, v4  }
0x2c2: {  	v12 =	vmul.f32 v38, v3;
	v13 =	vmul.f32 v39, v4  }
0x2c3: {  	v42 =	vmul.f32 v40, v2  }
0x2c4: {  	v43 =	vmul.f32 v41, v2;
	v8 =	vadd.f32 v11, v8;
	v12 =	vadd.f32 v13, v12  }
0x2c5: {  	v10 =	vmul.f32 v10, v6  }
0x2c6: {  	v9 =	vmul.f32 v9, v6;
	v8 =	vadd.f32 v42, v8;
	v44 =	vadd.f32 v43, v12;
	_ =	sdelay $0x1  }
0x2c7: {  	v8 =	vadd.f32 v10, v8;
	v9 =	vadd.f32 v9, v44;
	_ =	sdelay $0x1  }
0x2c8: {  	v45 =	vor.u32 $0x6, v1;
	v8 =	vmul.f32 v8, v7;
	v9 =	vmul.f32 v9, v5;
	_ =	sdelay $0x1  }
0x2c9: {  	v46 =	vor.u32 $0xE, v1;
	v8 =	vadd.f32 v9, v8;
	_ =	sdelay $0x1  }
0x2ca: {  	[tilespmem:s11+$0x200] =	vst v8  }
0x2cb: {  	v8 =	vld.idx.msk [tilespmem:v45+s15+$0x0], $0xffff  }
0x2cc: {  	v47 =	vld.idx.msk [tilespmem:v45+s17+$0x0], $0xffff  }
0x2cd: {  	v48 =	vld.idx.msk [tilespmem:v46+s15+$0x0], $0xffff  }
0x2ce: {  	v49 =	vld.idx.msk [tilespmem:v46+s17+$0x0], $0xffff  }
0x2cf: {  	v50 =	vld.idx.msk [tilespmem:v45+s19+$0x0], $0xffff  }
0x2d0: {  	v51 =	vld.idx.msk [tilespmem:v46+s19+$0x0], $0xffff  }
0x2d1: {  	v10 =	vld.idx.msk [tilespmem:v45+s21+$0x0], $0xffff  }
0x2d2: {  	v9 =	vld.idx.msk [tilespmem:v46+s21+$0x0], $0xffff;
	v8 =	vmul.f32 v8, v3;
	v11 =	vmul.f32 v47, v4  }
0x2d3: {  	v12 =	vmul.f32 v48, v3;
	v13 =	vmul.f32 v49, v4  }
0x2d4: {  	v52 =	vmul.f32 v50, v2  }
0x2d5: {  	v53 =	vmul.f32 v51, v2;
	v8 =	vadd.f32 v11, v8;
	v12 =	vadd.f32 v13, v12  }
0x2d6: {  	v10 =	vmul.f32 v10, v6  }
0x2d7: {  	v9 =	vmul.f32 v9, v6;
	v8 =	vadd.f32 v52, v8;
	v54 =	vadd.f32 v53, v12;
	_ =	sdelay $0x1  }
0x2d8: {  	v8 =	vadd.f32 v10, v8;
	v9 =	vadd.f32 v9, v54;
	_ =	sdelay $0x1  }
0x2d9: {  	v55 =	vor.u32 $0x7, v1;
	v8 =	vmul.f32 v8, v7;
	v9 =	vmul.f32 v9, v5;
	_ =	sdelay $0x1  }
0x2da: {  	v1 =	vor.u32 $0xF, v1;
	v8 =	vadd.f32 v9, v8;
	_ =	sdelay $0x1  }
0x2db: {  	[tilespmem:s11+$0x400] =	vst v8  }
0x2dc: {  	v8 =	vld.idx.msk [tilespmem:v55+s15+$0x0], $0xffff  }
0x2dd: {  	v56 =	vld.idx.msk [tilespmem:v55+s17+$0x0], $0xffff  }
0x2de: {  	v57 =	vld.idx.msk [tilespmem:v1+s15+$0x0], $0xffff  }
0x2df: {  	v58 =	vld.idx.msk [tilespmem:v1+s17+$0x0], $0xffff  }
0x2e0: {  	v59 =	vld.idx.msk [tilespmem:v55+s19+$0x0], $0xffff  }
0x2e1: {  	v60 =	vld.idx.msk [tilespmem:v1+s19+$0x0], $0xffff  }
0x2e2: {  	v10 =	vld.idx.msk [tilespmem:v55+s21+$0x0], $0xffff  }
0x2e3: {  	v1 =	vld.idx.msk [tilespmem:v1+s21+$0x0], $0xffff;
	v8 =	vmul.f32 v8, v3;
	v9 =	vmul.f32 v56, v4  }
0x2e4: {  	v3 =	vmul.f32 v57, v3;
	v4 =	vmul.f32 v58, v4  }
0x2e5: {  	v61 =	vmul.f32 v59, v2  }
0x2e6: {  	v2 =	vmul.f32 v60, v2;
	v8 =	vadd.f32 v9, v8;
	v3 =	vadd.f32 v4, v3  }
0x2e7: {  	v63 =	vmul.f32 v10, v6  }
0x2e8: {  	v1 =	vmul.f32 v1, v6;
	v62 =	vadd.f32 v61, v8;
	v2 =	vadd.f32 v2, v3;
	_ =	sdelay $0x1  }
0x2e9: {  	v3 =	vadd.f32 v63, v62;
	v1 =	vadd.f32 v1, v2  }
0x2ea: {  	p0 =	sne.s32 s16, $0xF0  }
.Ltmp1:
0x2eb: {  	v2 =	vmul.f32 v3, v7;
	v1 =	vmul.f32 v1, v5;
	(pc) =	sbr.rel @p0 .LBB2_5-.Ltmp1, $4  }
0x2ec: {  	_ = 	snop  }
0x2ed: {  	v1 =	vadd.f32 v1, v2  }
0x2ee: {  	s12 =	sadd.s32 $0x10, s12;
	s14 =	sadd.s32 $0x10, s14  }
0x2ef: {  	s3 =	sadd.s32 $0x10, s3;
	s16 =	sadd.s32 $0x10, s16;
	[tilespmem:s11+$0x600] =	vst v1;
	s11 =	sadd.s32 $0x10, s11  }
0x2f0: {  	s3 =	simm.s32 $0x100;
	s11 =	simm.s32 $0x9700  }
0x2f1: {  	s12 =	simm.s32 $0x500;
	s14 =	simm.s32 $0x300;
	s16 =	simm.s32 $0x100  }
.LBB2_7:
0x2f2: {  	v1 =	vld [tilespmem:s14+$0x0]  }
0x2f3: {  	v2 =	vld [tilespmem:s12+$0x0];
	_ =	sdelay $0x4  }
0x2f4: {  	v1 =	vadd.f32 $1.000000000e+00, v1;
	v2 =	vadd.f32 $1.000000000e+00, v2  }
0x2f5: {  	v3 =	vld [tilespmem:s3+$0x0]  }
0x2f6: {  	v1 =	vmul.f32 $5.000000000e-01, v1;
	v2 =	vmul.f32 $5.000000000e-01, v2  }
0x2f7: {  	v4 =	vmov s16  }
0x2f8: {  	v5 =	vmul.f32 $1.270000000e+02, v1;
	v2 =	vmul.f32 $1.270000000e+02, v2;
	v1 =	vshll.u32 v4, $0x4  }
0x2f9: {  	v1 =	vor.u32 v0, v1  }
0x2fa: {  	v3 =	vadd.f32 $1.000000000e+00, v3;
	v32 =	vtrunc.f32 v5;
	v6 =	vtrunc.f32 v2  }
0x2fb: {  	v7 =	vor.u32 $0x8, v1;
	v4 =	vcvt.f32.s32 v32;
	v6 =	vcvt.f32.s32 v6  }
0x2fc: {  	v3 =	vmul.f32 $5.000000000e-01, v3  }
0x2fd: {  	v4 =	vcvt.s32.f32 v4;
	v6 =	vcvt.s32.f32 v6  }
0x2fe: {  	v8 =	vld.idx.msk [tilespmem:v1+s15+$0x0], $0xffff  }
0x2ff: {  	v10 =	vmul.f32 $1.270000000e+02, v3;
	v9 =	vld.idx.msk [tilespmem:v1+s17+$0x0], $0xffff;
	v5 =	vsub.f32 v5, v4;
	v6 =	vsub.f32 v2, v6  }
0x300: {  	v11 =	vld.idx.msk [tilespmem:v7+s15+$0x0], $0xffff  }
0x301: {  	v13 =	vtrunc.f32 v10;
	v12 =	vld.idx.msk [tilespmem:v7+s17+$0x0], $0xffff;
	v2 =	vsub.f32 $1.000000000e+00, v5;
	v33 =	vsub.f32 $1.000000000e+00, v6  }
0x302: {  	v13 =	vcvt.f32.s32 v13;
	v14 =	vld.idx.msk [tilespmem:v1+s19+$0x0], $0xffff  }
0x303: {  	v15 =	vld.idx.msk [tilespmem:v7+s19+$0x0], $0xffff;
	v3 =	vmul.f32 v33, v2;
	v4 =	vmul.f32 v33, v5  }
0x304: {  	v34 =	vcvt.s32.f32 v13;
	v16 =	vld.idx.msk [tilespmem:v1+s21+$0x0], $0xffff;
	v2 =	vmul.f32 v2, v6  }
0x305: {  	v7 =	vld.idx.msk [tilespmem:v7+s21+$0x0], $0xffff;
	v8 =	vmul.f32 v3, v8;
	v9 =	vmul.f32 v4, v9  }
0x306: {  	v11 =	vmul.f32 v3, v11;
	v12 =	vmul.f32 v4, v12  }
0x307: {  	v6 =	vmul.f32 v6, v5;
	v35 =	vmul.f32 v2, v14  }
0x308: {  	v36 =	vmul.f32 v2, v15;
	v8 =	vadd.f32 v9, v8;
	v11 =	vadd.f32 v12, v11  }
0x309: {  	v5 =	vsub.f32 v10, v34;
	v37 =	vmul.f32 v6, v16  }
0x30a: {  	v39 =	vmul.f32 v7, v6;
	v8 =	vadd.f32 v8, v35;
	v38 =	vadd.f32 v11, v36  }
0x30b: {  	v7 =	vsub.f32 $1.000000000e+00, v5  }
0x30c: {  	v8 =	vadd.f32 v8, v37;
	v40 =	vadd.f32 v38, v39;
	_ =	sdelay $0x1  }
0x30d: {  	v41 =	vor.u32 $0x1, v1;
	v8 =	vmul.f32 v8, v7;
	v9 =	vmul.f32 v40, v5;
	_ =	sdelay $0x1  }
0x30e: {  	v42 =	vor.u32 $0x9, v1;
	v8 =	vadd.f32 v9, v8;
	_ =	sdelay $0x1  }
0x30f: {  	[tilespmem:s11+$0xFFFFF800] =	vst v8  }
0x310: {  	v8 =	vld.idx.msk [tilespmem:v41+s15+$0x0], $0xffff  }
0x311: {  	v43 =	vld.idx.msk [tilespmem:v41+s17+$0x0], $0xffff  }
0x312: {  	v44 =	vld.idx.msk [tilespmem:v42+s15+$0x0], $0xffff  }
0x313: {  	v45 =	vld.idx.msk [tilespmem:v42+s17+$0x0], $0xffff  }
0x314: {  	v46 =	vld.idx.msk [tilespmem:v41+s19+$0x0], $0xffff  }
0x315: {  	v47 =	vld.idx.msk [tilespmem:v42+s19+$0x0], $0xffff  }
0x316: {  	v10 =	vld.idx.msk [tilespmem:v41+s21+$0x0], $0xffff  }
0x317: {  	v9 =	vld.idx.msk [tilespmem:v42+s21+$0x0], $0xffff;
	v8 =	vmul.f32 v8, v3;
	v11 =	vmul.f32 v43, v4  }
0x318: {  	v12 =	vmul.f32 v44, v3;
	v13 =	vmul.f32 v45, v4  }
0x319: {  	v48 =	vmul.f32 v46, v2  }
0x31a: {  	v49 =	vmul.f32 v47, v2;
	v8 =	vadd.f32 v11, v8;
	v12 =	vadd.f32 v13, v12  }
0x31b: {  	v10 =	vmul.f32 v10, v6  }
0x31c: {  	v9 =	vmul.f32 v9, v6;
	v8 =	vadd.f32 v48, v8;
	v50 =	vadd.f32 v49, v12;
	_ =	sdelay $0x1  }
0x31d: {  	v8 =	vadd.f32 v10, v8;
	v9 =	vadd.f32 v9, v50;
	_ =	sdelay $0x1  }
0x31e: {  	v51 =	vor.u32 $0x2, v1;
	v8 =	vmul.f32 v8, v7;
	v9 =	vmul.f32 v9, v5;
	_ =	sdelay $0x1  }
0x31f: {  	v52 =	vor.u32 $0xA, v1;
	v8 =	vadd.f32 v9, v8;
	_ =	sdelay $0x1  }
0x320: {  	[tilespmem:s11+$0xFFFFFA00] =	vst v8  }
0x321: {  	v8 =	vld.idx.msk [tilespmem:v51+s15+$0x0], $0xffff  }
0x322: {  	v53 =	vld.idx.msk [tilespmem:v51+s17+$0x0], $0xffff  }
0x323: {  	v54 =	vld.idx.msk [tilespmem:v52+s15+$0x0], $0xffff  }
0x324: {  	v55 =	vld.idx.msk [tilespmem:v52+s17+$0x0], $0xffff  }
0x325: {  	v56 =	vld.idx.msk [tilespmem:v51+s19+$0x0], $0xffff  }
0x326: {  	v57 =	vld.idx.msk [tilespmem:v52+s19+$0x0], $0xffff  }
0x327: {  	v10 =	vld.idx.msk [tilespmem:v51+s21+$0x0], $0xffff  }
0x328: {  	v9 =	vld.idx.msk [tilespmem:v52+s21+$0x0], $0xffff;
	v8 =	vmul.f32 v8, v3;
	v11 =	vmul.f32 v53, v4  }
0x329: {  	v12 =	vmul.f32 v54, v3;
	v13 =	vmul.f32 v55, v4  }
0x32a: {  	v58 =	vmul.f32 v56, v2  }
0x32b: {  	v59 =	vmul.f32 v57, v2;
	v8 =	vadd.f32 v11, v8;
	v12 =	vadd.f32 v13, v12  }
0x32c: {  	v10 =	vmul.f32 v10, v6  }
0x32d: {  	v9 =	vmul.f32 v9, v6;
	v8 =	vadd.f32 v58, v8;
	v60 =	vadd.f32 v59, v12;
	_ =	sdelay $0x1  }
0x32e: {  	v8 =	vadd.f32 v10, v8;
	v9 =	vadd.f32 v9, v60;
	_ =	sdelay $0x1  }
0x32f: {  	v61 =	vor.u32 $0x3, v1;
	v8 =	vmul.f32 v8, v7;
	v9 =	vmul.f32 v9, v5;
	_ =	sdelay $0x1  }
0x330: {  	v62 =	vor.u32 $0xB, v1;
	v8 =	vadd.f32 v9, v8;
	_ =	sdelay $0x1  }
0x331: {  	[tilespmem:s11+$0xFFFFFC00] =	vst v8  }
0x332: {  	v8 =	vld.idx.msk [tilespmem:v61+s15+$0x0], $0xffff  }
0x333: {  	v63 =	vld.idx.msk [tilespmem:v61+s17+$0x0], $0xffff  }
0x334: {  	v18 =	vld.idx.msk [tilespmem:v62+s15+$0x0], $0xffff  }
0x335: {  	v19 =	vld.idx.msk [tilespmem:v62+s17+$0x0], $0xffff  }
0x336: {  	v20 =	vld.idx.msk [tilespmem:v61+s19+$0x0], $0xffff  }
0x337: {  	v21 =	vld.idx.msk [tilespmem:v62+s19+$0x0], $0xffff  }
0x338: {  	v10 =	vld.idx.msk [tilespmem:v61+s21+$0x0], $0xffff  }
0x339: {  	v9 =	vld.idx.msk [tilespmem:v62+s21+$0x0], $0xffff;
	v8 =	vmul.f32 v8, v3;
	v11 =	vmul.f32 v63, v4  }
0x33a: {  	v12 =	vmul.f32 v18, v3;
	v13 =	vmul.f32 v19, v4  }
0x33b: {  	v22 =	vmul.f32 v20, v2  }
0x33c: {  	v23 =	vmul.f32 v21, v2;
	v8 =	vadd.f32 v11, v8;
	v12 =	vadd.f32 v13, v12  }
0x33d: {  	v10 =	vmul.f32 v10, v6  }
0x33e: {  	v9 =	vmul.f32 v9, v6;
	v8 =	vadd.f32 v22, v8;
	v24 =	vadd.f32 v23, v12;
	_ =	sdelay $0x1  }
0x33f: {  	v8 =	vadd.f32 v10, v8;
	v9 =	vadd.f32 v9, v24;
	_ =	sdelay $0x1  }
0x340: {  	v25 =	vor.u32 $0x4, v1;
	v8 =	vmul.f32 v8, v7;
	v9 =	vmul.f32 v9, v5;
	_ =	sdelay $0x1  }
0x341: {  	v26 =	vor.u32 $0xC, v1;
	v8 =	vadd.f32 v9, v8;
	_ =	sdelay $0x1  }
0x342: {  	[tilespmem:s11+$0xFFFFFE00] =	vst v8  }
0x343: {  	v8 =	vld.idx.msk [tilespmem:v25+s15+$0x0], $0xffff  }
0x344: {  	v27 =	vld.idx.msk [tilespmem:v25+s17+$0x0], $0xffff  }
0x345: {  	v28 =	vld.idx.msk [tilespmem:v26+s15+$0x0], $0xffff  }
0x346: {  	v29 =	vld.idx.msk [tilespmem:v26+s17+$0x0], $0xffff  }
0x347: {  	v30 =	vld.idx.msk [tilespmem:v25+s19+$0x0], $0xffff  }
0x348: {  	v31 =	vld.idx.msk [tilespmem:v26+s19+$0x0], $0xffff  }
0x349: {  	v10 =	vld.idx.msk [tilespmem:v25+s21+$0x0], $0xffff  }
0x34a: {  	v9 =	vld.idx.msk [tilespmem:v26+s21+$0x0], $0xffff;
	v8 =	vmul.f32 v8, v3;
	v11 =	vmul.f32 v27, v4  }
0x34b: {  	v12 =	vmul.f32 v28, v3;
	v13 =	vmul.f32 v29, v4  }
0x34c: {  	v32 =	vmul.f32 v30, v2  }
0x34d: {  	v33 =	vmul.f32 v31, v2;
	v8 =	vadd.f32 v11, v8;
	v12 =	vadd.f32 v13, v12  }
0x34e: {  	v10 =	vmul.f32 v10, v6  }
0x34f: {  	v9 =	vmul.f32 v9, v6;
	v8 =	vadd.f32 v32, v8;
	v34 =	vadd.f32 v33, v12;
	_ =	sdelay $0x1  }
0x350: {  	v8 =	vadd.f32 v10, v8;
	v9 =	vadd.f32 v9, v34;
	_ =	sdelay $0x1  }
0x351: {  	v35 =	vor.u32 $0x5, v1;
	v8 =	vmul.f32 v8, v7;
	v9 =	vmul.f32 v9, v5;
	_ =	sdelay $0x1  }
0x352: {  	v36 =	vor.u32 $0xD, v1;
	v8 =	vadd.f32 v9, v8;
	_ =	sdelay $0x1  }
0x353: {  	[tilespmem:s11+$0x0] =	vst v8  }
0x354: {  	v8 =	vld.idx.msk [tilespmem:v35+s15+$0x0], $0xffff  }
0x355: {  	v37 =	vld.idx.msk [tilespmem:v35+s17+$0x0], $0xffff  }
0x356: {  	v38 =	vld.idx.msk [tilespmem:v36+s15+$0x0], $0xffff  }
0x357: {  	v39 =	vld.idx.msk [tilespmem:v36+s17+$0x0], $0xffff  }
0x358: {  	v40 =	vld.idx.msk [tilespmem:v35+s19+$0x0], $0xffff  }
0x359: {  	v41 =	vld.idx.msk [tilespmem:v36+s19+$0x0], $0xffff  }
0x35a: {  	v10 =	vld.idx.msk [tilespmem:v35+s21+$0x0], $0xffff  }
0x35b: {  	v9 =	vld.idx.msk [tilespmem:v36+s21+$0x0], $0xffff;
	v8 =	vmul.f32 v8, v3;
	v11 =	vmul.f32 v37, v4  }
0x35c: {  	v12 =	vmul.f32 v38, v3;
	v13 =	vmul.f32 v39, v4  }
0x35d: {  	v42 =	vmul.f32 v40, v2  }
0x35e: {  	v43 =	vmul.f32 v41, v2;
	v8 =	vadd.f32 v11, v8;
	v12 =	vadd.f32 v13, v12  }
0x35f: {  	v10 =	vmul.f32 v10, v6  }
0x360: {  	v9 =	vmul.f32 v9, v6;
	v8 =	vadd.f32 v42, v8;
	v44 =	vadd.f32 v43, v12;
	_ =	sdelay $0x1  }
0x361: {  	v8 =	vadd.f32 v10, v8;
	v9 =	vadd.f32 v9, v44;
	_ =	sdelay $0x1  }
0x362: {  	v45 =	vor.u32 $0x6, v1;
	v8 =	vmul.f32 v8, v7;
	v9 =	vmul.f32 v9, v5;
	_ =	sdelay $0x1  }
0x363: {  	v46 =	vor.u32 $0xE, v1;
	v8 =	vadd.f32 v9, v8;
	_ =	sdelay $0x1  }
0x364: {  	[tilespmem:s11+$0x200] =	vst v8  }
0x365: {  	v8 =	vld.idx.msk [tilespmem:v45+s15+$0x0], $0xffff  }
0x366: {  	v47 =	vld.idx.msk [tilespmem:v45+s17+$0x0], $0xffff  }
0x367: {  	v48 =	vld.idx.msk [tilespmem:v46+s15+$0x0], $0xffff  }
0x368: {  	v49 =	vld.idx.msk [tilespmem:v46+s17+$0x0], $0xffff  }
0x369: {  	v50 =	vld.idx.msk [tilespmem:v45+s19+$0x0], $0xffff  }
0x36a: {  	v51 =	vld.idx.msk [tilespmem:v46+s19+$0x0], $0xffff  }
0x36b: {  	v10 =	vld.idx.msk [tilespmem:v45+s21+$0x0], $0xffff  }
0x36c: {  	v9 =	vld.idx.msk [tilespmem:v46+s21+$0x0], $0xffff;
	v8 =	vmul.f32 v8, v3;
	v11 =	vmul.f32 v47, v4  }
0x36d: {  	v12 =	vmul.f32 v48, v3;
	v13 =	vmul.f32 v49, v4  }
0x36e: {  	v52 =	vmul.f32 v50, v2  }
0x36f: {  	v53 =	vmul.f32 v51, v2;
	v8 =	vadd.f32 v11, v8;
	v12 =	vadd.f32 v13, v12  }
0x370: {  	v10 =	vmul.f32 v10, v6  }
0x371: {  	v9 =	vmul.f32 v9, v6;
	v8 =	vadd.f32 v52, v8;
	v54 =	vadd.f32 v53, v12;
	_ =	sdelay $0x1  }
0x372: {  	v8 =	vadd.f32 v10, v8;
	v9 =	vadd.f32 v9, v54;
	_ =	sdelay $0x1  }
0x373: {  	v55 =	vor.u32 $0x7, v1;
	v8 =	vmul.f32 v8, v7;
	v9 =	vmul.f32 v9, v5;
	_ =	sdelay $0x1  }
0x374: {  	v1 =	vor.u32 $0xF, v1;
	v8 =	vadd.f32 v9, v8;
	_ =	sdelay $0x1  }
0x375: {  	[tilespmem:s11+$0x400] =	vst v8  }
0x376: {  	v8 =	vld.idx.msk [tilespmem:v55+s15+$0x0], $0xffff  }
0x377: {  	v56 =	vld.idx.msk [tilespmem:v55+s17+$0x0], $0xffff  }
0x378: {  	v57 =	vld.idx.msk [tilespmem:v1+s15+$0x0], $0xffff  }
0x379: {  	v58 =	vld.idx.msk [tilespmem:v1+s17+$0x0], $0xffff  }
0x37a: {  	v59 =	vld.idx.msk [tilespmem:v55+s19+$0x0], $0xffff  }
0x37b: {  	v60 =	vld.idx.msk [tilespmem:v1+s19+$0x0], $0xffff  }
0x37c: {  	v10 =	vld.idx.msk [tilespmem:v55+s21+$0x0], $0xffff  }
0x37d: {  	v1 =	vld.idx.msk [tilespmem:v1+s21+$0x0], $0xffff;
	v8 =	vmul.f32 v8, v3;
	v9 =	vmul.f32 v56, v4  }
0x37e: {  	v3 =	vmul.f32 v57, v3;
	v4 =	vmul.f32 v58, v4  }
0x37f: {  	v61 =	vmul.f32 v59, v2  }
0x380: {  	v2 =	vmul.f32 v60, v2;
	v8 =	vadd.f32 v9, v8;
	v3 =	vadd.f32 v4, v3  }
0x381: {  	v63 =	vmul.f32 v10, v6  }
0x382: {  	v1 =	vmul.f32 v1, v6;
	v62 =	vadd.f32 v61, v8;
	v2 =	vadd.f32 v2, v3;
	_ =	sdelay $0x1  }
0x383: {  	v3 =	vadd.f32 v63, v62;
	v1 =	vadd.f32 v1, v2  }
0x384: {  	p0 =	sne.s32 s16, $0x170  }
.Ltmp2:
0x385: {  	v2 =	vmul.f32 v3, v7;
	v1 =	vmul.f32 v1, v5;
	(pc) =	sbr.rel @p0 .LBB2_7-.Ltmp2, $4  }
0x386: {  	_ = 	snop  }
0x387: {  	v1 =	vadd.f32 v1, v2  }
0x388: {  	s12 =	sadd.s32 $0x10, s12;
	s14 =	sadd.s32 $0x10, s14  }
0x389: {  	s3 =	sadd.s32 $0x10, s3;
	s16 =	sadd.s32 $0x10, s16;
	[tilespmem:s11+$0x600] =	vst v1;
	s11 =	sadd.s32 $0x10, s11  }
0x38a: {  	s3 =	simm.s32 $0x180;
	s11 =	simm.s32 $0x9780  }
0x38b: {  	s12 =	simm.s32 $0x580;
	s14 =	simm.s32 $0x380;
	s16 =	simm.s32 $0x180  }
.LBB2_9:
0x38c: {  	v1 =	vld [tilespmem:s14+$0x0]  }
0x38d: {  	v2 =	vld [tilespmem:s12+$0x0];
	_ =	sdelay $0x4  }
0x38e: {  	v1 =	vadd.f32 $1.000000000e+00, v1;
	v2 =	vadd.f32 $1.000000000e+00, v2  }
0x38f: {  	v3 =	vld [tilespmem:s3+$0x0]  }
0x390: {  	v1 =	vmul.f32 $5.000000000e-01, v1;
	v2 =	vmul.f32 $5.000000000e-01, v2  }
0x391: {  	v4 =	vmov s16  }
0x392: {  	v5 =	vmul.f32 $1.270000000e+02, v1;
	v2 =	vmul.f32 $1.270000000e+02, v2;
	v1 =	vshll.u32 v4, $0x4  }
0x393: {  	v1 =	vor.u32 v0, v1  }
0x394: {  	v3 =	vadd.f32 $1.000000000e+00, v3;
	v32 =	vtrunc.f32 v5;
	v6 =	vtrunc.f32 v2  }
0x395: {  	v7 =	vor.u32 $0x8, v1;
	v4 =	vcvt.f32.s32 v32;
	v6 =	vcvt.f32.s32 v6  }
0x396: {  	v3 =	vmul.f32 $5.000000000e-01, v3  }
0x397: {  	v4 =	vcvt.s32.f32 v4;
	v6 =	vcvt.s32.f32 v6  }
0x398: {  	v8 =	vld.idx.msk [tilespmem:v1+s15+$0x0], $0xffff  }
0x399: {  	v10 =	vmul.f32 $1.270000000e+02, v3;
	v9 =	vld.idx.msk [tilespmem:v1+s17+$0x0], $0xffff;
	v5 =	vsub.f32 v5, v4;
	v6 =	vsub.f32 v2, v6  }
0x39a: {  	v11 =	vld.idx.msk [tilespmem:v7+s15+$0x0], $0xffff  }
0x39b: {  	v13 =	vtrunc.f32 v10;
	v12 =	vld.idx.msk [tilespmem:v7+s17+$0x0], $0xffff;
	v2 =	vsub.f32 $1.000000000e+00, v5;
	v33 =	vsub.f32 $1.000000000e+00, v6  }
0x39c: {  	v13 =	vcvt.f32.s32 v13;
	v14 =	vld.idx.msk [tilespmem:v1+s19+$0x0], $0xffff  }
0x39d: {  	v15 =	vld.idx.msk [tilespmem:v7+s19+$0x0], $0xffff;
	v3 =	vmul.f32 v33, v2;
	v4 =	vmul.f32 v33, v5  }
0x39e: {  	v34 =	vcvt.s32.f32 v13;
	v16 =	vld.idx.msk [tilespmem:v1+s21+$0x0], $0xffff;
	v2 =	vmul.f32 v2, v6  }
0x39f: {  	v7 =	vld.idx.msk [tilespmem:v7+s21+$0x0], $0xffff;
	v8 =	vmul.f32 v3, v8;
	v9 =	vmul.f32 v4, v9  }
0x3a0: {  	v11 =	vmul.f32 v3, v11;
	v12 =	vmul.f32 v4, v12  }
0x3a1: {  	v6 =	vmul.f32 v6, v5;
	v35 =	vmul.f32 v2, v14  }
0x3a2: {  	v36 =	vmul.f32 v2, v15;
	v8 =	vadd.f32 v9, v8;
	v11 =	vadd.f32 v12, v11  }
0x3a3: {  	v5 =	vsub.f32 v10, v34;
	v37 =	vmul.f32 v6, v16  }
0x3a4: {  	v39 =	vmul.f32 v7, v6;
	v8 =	vadd.f32 v8, v35;
	v38 =	vadd.f32 v11, v36  }
0x3a5: {  	v7 =	vsub.f32 $1.000000000e+00, v5  }
0x3a6: {  	v8 =	vadd.f32 v8, v37;
	v40 =	vadd.f32 v38, v39;
	_ =	sdelay $0x1  }
0x3a7: {  	v41 =	vor.u32 $0x1, v1;
	v8 =	vmul.f32 v8, v7;
	v9 =	vmul.f32 v40, v5;
	_ =	sdelay $0x1  }
0x3a8: {  	v42 =	vor.u32 $0x9, v1;
	v8 =	vadd.f32 v9, v8;
	_ =	sdelay $0x1  }
0x3a9: {  	[tilespmem:s11+$0xFFFFF800] =	vst v8  }
0x3aa: {  	v8 =	vld.idx.msk [tilespmem:v41+s15+$0x0], $0xffff  }
0x3ab: {  	v43 =	vld.idx.msk [tilespmem:v41+s17+$0x0], $0xffff  }
0x3ac: {  	v44 =	vld.idx.msk [tilespmem:v42+s15+$0x0], $0xffff  }
0x3ad: {  	v45 =	vld.idx.msk [tilespmem:v42+s17+$0x0], $0xffff  }
0x3ae: {  	v46 =	vld.idx.msk [tilespmem:v41+s19+$0x0], $0xffff  }
0x3af: {  	v47 =	vld.idx.msk [tilespmem:v42+s19+$0x0], $0xffff  }
0x3b0: {  	v10 =	vld.idx.msk [tilespmem:v41+s21+$0x0], $0xffff  }
0x3b1: {  	v9 =	vld.idx.msk [tilespmem:v42+s21+$0x0], $0xffff;
	v8 =	vmul.f32 v8, v3;
	v11 =	vmul.f32 v43, v4  }
0x3b2: {  	v12 =	vmul.f32 v44, v3;
	v13 =	vmul.f32 v45, v4  }
0x3b3: {  	v48 =	vmul.f32 v46, v2  }
0x3b4: {  	v49 =	vmul.f32 v47, v2;
	v8 =	vadd.f32 v11, v8;
	v12 =	vadd.f32 v13, v12  }
0x3b5: {  	v10 =	vmul.f32 v10, v6  }
0x3b6: {  	v9 =	vmul.f32 v9, v6;
	v8 =	vadd.f32 v48, v8;
	v50 =	vadd.f32 v49, v12;
	_ =	sdelay $0x1  }
0x3b7: {  	v8 =	vadd.f32 v10, v8;
	v9 =	vadd.f32 v9, v50;
	_ =	sdelay $0x1  }
0x3b8: {  	v51 =	vor.u32 $0x2, v1;
	v8 =	vmul.f32 v8, v7;
	v9 =	vmul.f32 v9, v5;
	_ =	sdelay $0x1  }
0x3b9: {  	v52 =	vor.u32 $0xA, v1;
	v8 =	vadd.f32 v9, v8;
	_ =	sdelay $0x1  }
0x3ba: {  	[tilespmem:s11+$0xFFFFFA00] =	vst v8  }
0x3bb: {  	v8 =	vld.idx.msk [tilespmem:v51+s15+$0x0], $0xffff  }
0x3bc: {  	v53 =	vld.idx.msk [tilespmem:v51+s17+$0x0], $0xffff  }
0x3bd: {  	v54 =	vld.idx.msk [tilespmem:v52+s15+$0x0], $0xffff  }
0x3be: {  	v55 =	vld.idx.msk [tilespmem:v52+s17+$0x0], $0xffff  }
0x3bf: {  	v56 =	vld.idx.msk [tilespmem:v51+s19+$0x0], $0xffff  }
0x3c0: {  	v57 =	vld.idx.msk [tilespmem:v52+s19+$0x0], $0xffff  }
0x3c1: {  	v10 =	vld.idx.msk [tilespmem:v51+s21+$0x0], $0xffff  }
0x3c2: {  	v9 =	vld.idx.msk [tilespmem:v52+s21+$0x0], $0xffff;
	v8 =	vmul.f32 v8, v3;
	v11 =	vmul.f32 v53, v4  }
0x3c3: {  	v12 =	vmul.f32 v54, v3;
	v13 =	vmul.f32 v55, v4  }
0x3c4: {  	v58 =	vmul.f32 v56, v2  }
0x3c5: {  	v59 =	vmul.f32 v57, v2;
	v8 =	vadd.f32 v11, v8;
	v12 =	vadd.f32 v13, v12  }
0x3c6: {  	v10 =	vmul.f32 v10, v6  }
0x3c7: {  	v9 =	vmul.f32 v9, v6;
	v8 =	vadd.f32 v58, v8;
	v60 =	vadd.f32 v59, v12;
	_ =	sdelay $0x1  }
0x3c8: {  	v8 =	vadd.f32 v10, v8;
	v9 =	vadd.f32 v9, v60;
	_ =	sdelay $0x1  }
0x3c9: {  	v61 =	vor.u32 $0x3, v1;
	v8 =	vmul.f32 v8, v7;
	v9 =	vmul.f32 v9, v5;
	_ =	sdelay $0x1  }
0x3ca: {  	v62 =	vor.u32 $0xB, v1;
	v8 =	vadd.f32 v9, v8;
	_ =	sdelay $0x1  }
0x3cb: {  	[tilespmem:s11+$0xFFFFFC00] =	vst v8  }
0x3cc: {  	v8 =	vld.idx.msk [tilespmem:v61+s15+$0x0], $0xffff  }
0x3cd: {  	v63 =	vld.idx.msk [tilespmem:v61+s17+$0x0], $0xffff  }
0x3ce: {  	v18 =	vld.idx.msk [tilespmem:v62+s15+$0x0], $0xffff  }
0x3cf: {  	v19 =	vld.idx.msk [tilespmem:v62+s17+$0x0], $0xffff  }
0x3d0: {  	v20 =	vld.idx.msk [tilespmem:v61+s19+$0x0], $0xffff  }
0x3d1: {  	v21 =	vld.idx.msk [tilespmem:v62+s19+$0x0], $0xffff  }
0x3d2: {  	v10 =	vld.idx.msk [tilespmem:v61+s21+$0x0], $0xffff  }
0x3d3: {  	v9 =	vld.idx.msk [tilespmem:v62+s21+$0x0], $0xffff;
	v8 =	vmul.f32 v8, v3;
	v11 =	vmul.f32 v63, v4  }
0x3d4: {  	v12 =	vmul.f32 v18, v3;
	v13 =	vmul.f32 v19, v4  }
0x3d5: {  	v22 =	vmul.f32 v20, v2  }
0x3d6: {  	v23 =	vmul.f32 v21, v2;
	v8 =	vadd.f32 v11, v8;
	v12 =	vadd.f32 v13, v12  }
0x3d7: {  	v10 =	vmul.f32 v10, v6  }
0x3d8: {  	v9 =	vmul.f32 v9, v6;
	v8 =	vadd.f32 v22, v8;
	v24 =	vadd.f32 v23, v12;
	_ =	sdelay $0x1  }
0x3d9: {  	v8 =	vadd.f32 v10, v8;
	v9 =	vadd.f32 v9, v24;
	_ =	sdelay $0x1  }
0x3da: {  	v25 =	vor.u32 $0x4, v1;
	v8 =	vmul.f32 v8, v7;
	v9 =	vmul.f32 v9, v5;
	_ =	sdelay $0x1  }
0x3db: {  	v26 =	vor.u32 $0xC, v1;
	v8 =	vadd.f32 v9, v8;
	_ =	sdelay $0x1  }
0x3dc: {  	[tilespmem:s11+$0xFFFFFE00] =	vst v8  }
0x3dd: {  	v8 =	vld.idx.msk [tilespmem:v25+s15+$0x0], $0xffff  }
0x3de: {  	v27 =	vld.idx.msk [tilespmem:v25+s17+$0x0], $0xffff  }
0x3df: {  	v28 =	vld.idx.msk [tilespmem:v26+s15+$0x0], $0xffff  }
0x3e0: {  	v29 =	vld.idx.msk [tilespmem:v26+s17+$0x0], $0xffff  }
0x3e1: {  	v30 =	vld.idx.msk [tilespmem:v25+s19+$0x0], $0xffff  }
0x3e2: {  	v31 =	vld.idx.msk [tilespmem:v26+s19+$0x0], $0xffff  }
0x3e3: {  	v10 =	vld.idx.msk [tilespmem:v25+s21+$0x0], $0xffff  }
0x3e4: {  	v9 =	vld.idx.msk [tilespmem:v26+s21+$0x0], $0xffff;
	v8 =	vmul.f32 v8, v3;
	v11 =	vmul.f32 v27, v4  }
0x3e5: {  	v12 =	vmul.f32 v28, v3;
	v13 =	vmul.f32 v29, v4  }
0x3e6: {  	v32 =	vmul.f32 v30, v2  }
0x3e7: {  	v33 =	vmul.f32 v31, v2;
	v8 =	vadd.f32 v11, v8;
	v12 =	vadd.f32 v13, v12  }
0x3e8: {  	v10 =	vmul.f32 v10, v6  }
0x3e9: {  	v9 =	vmul.f32 v9, v6;
	v8 =	vadd.f32 v32, v8;
	v34 =	vadd.f32 v33, v12;
	_ =	sdelay $0x1  }
0x3ea: {  	v8 =	vadd.f32 v10, v8;
	v9 =	vadd.f32 v9, v34;
	_ =	sdelay $0x1  }
0x3eb: {  	v35 =	vor.u32 $0x5, v1;
	v8 =	vmul.f32 v8, v7;
	v9 =	vmul.f32 v9, v5;
	_ =	sdelay $0x1  }
0x3ec: {  	v36 =	vor.u32 $0xD, v1;
	v8 =	vadd.f32 v9, v8;
	_ =	sdelay $0x1  }
0x3ed: {  	[tilespmem:s11+$0x0] =	vst v8  }
0x3ee: {  	v8 =	vld.idx.msk [tilespmem:v35+s15+$0x0], $0xffff  }
0x3ef: {  	v37 =	vld.idx.msk [tilespmem:v35+s17+$0x0], $0xffff  }
0x3f0: {  	v38 =	vld.idx.msk [tilespmem:v36+s15+$0x0], $0xffff  }
0x3f1: {  	v39 =	vld.idx.msk [tilespmem:v36+s17+$0x0], $0xffff  }
0x3f2: {  	v40 =	vld.idx.msk [tilespmem:v35+s19+$0x0], $0xffff  }
0x3f3: {  	v41 =	vld.idx.msk [tilespmem:v36+s19+$0x0], $0xffff  }
0x3f4: {  	v10 =	vld.idx.msk [tilespmem:v35+s21+$0x0], $0xffff  }
0x3f5: {  	v9 =	vld.idx.msk [tilespmem:v36+s21+$0x0], $0xffff;
	v8 =	vmul.f32 v8, v3;
	v11 =	vmul.f32 v37, v4  }
0x3f6: {  	v12 =	vmul.f32 v38, v3;
	v13 =	vmul.f32 v39, v4  }
0x3f7: {  	v42 =	vmul.f32 v40, v2  }
0x3f8: {  	v43 =	vmul.f32 v41, v2;
	v8 =	vadd.f32 v11, v8;
	v12 =	vadd.f32 v13, v12  }
0x3f9: {  	v10 =	vmul.f32 v10, v6  }
0x3fa: {  	v9 =	vmul.f32 v9, v6;
	v8 =	vadd.f32 v42, v8;
	v44 =	vadd.f32 v43, v12;
	_ =	sdelay $0x1  }
0x3fb: {  	v8 =	vadd.f32 v10, v8;
	v9 =	vadd.f32 v9, v44;
	_ =	sdelay $0x1  }
0x3fc: {  	v45 =	vor.u32 $0x6, v1;
	v8 =	vmul.f32 v8, v7;
	v9 =	vmul.f32 v9, v5;
	_ =	sdelay $0x1  }
0x3fd: {  	v46 =	vor.u32 $0xE, v1;
	v8 =	vadd.f32 v9, v8;
	_ =	sdelay $0x1  }
0x3fe: {  	[tilespmem:s11+$0x200] =	vst v8  }
0x3ff: {  	v8 =	vld.idx.msk [tilespmem:v45+s15+$0x0], $0xffff  }
0x400: {  	v47 =	vld.idx.msk [tilespmem:v45+s17+$0x0], $0xffff  }
0x401: {  	v48 =	vld.idx.msk [tilespmem:v46+s15+$0x0], $0xffff  }
0x402: {  	v49 =	vld.idx.msk [tilespmem:v46+s17+$0x0], $0xffff  }
0x403: {  	v50 =	vld.idx.msk [tilespmem:v45+s19+$0x0], $0xffff  }
0x404: {  	v51 =	vld.idx.msk [tilespmem:v46+s19+$0x0], $0xffff  }
0x405: {  	v10 =	vld.idx.msk [tilespmem:v45+s21+$0x0], $0xffff  }
0x406: {  	v9 =	vld.idx.msk [tilespmem:v46+s21+$0x0], $0xffff;
	v8 =	vmul.f32 v8, v3;
	v11 =	vmul.f32 v47, v4  }
0x407: {  	v12 =	vmul.f32 v48, v3;
	v13 =	vmul.f32 v49, v4  }
0x408: {  	v52 =	vmul.f32 v50, v2  }
0x409: {  	v53 =	vmul.f32 v51, v2;
	v8 =	vadd.f32 v11, v8;
	v12 =	vadd.f32 v13, v12  }
0x40a: {  	v10 =	vmul.f32 v10, v6  }
0x40b: {  	v9 =	vmul.f32 v9, v6;
	v8 =	vadd.f32 v52, v8;
	v54 =	vadd.f32 v53, v12;
	_ =	sdelay $0x1  }
0x40c: {  	v8 =	vadd.f32 v10, v8;
	v9 =	vadd.f32 v9, v54;
	_ =	sdelay $0x1  }
0x40d: {  	v55 =	vor.u32 $0x7, v1;
	v8 =	vmul.f32 v8, v7;
	v9 =	vmul.f32 v9, v5;
	_ =	sdelay $0x1  }
0x40e: {  	v1 =	vor.u32 $0xF, v1;
	v8 =	vadd.f32 v9, v8;
	_ =	sdelay $0x1  }
0x40f: {  	[tilespmem:s11+$0x400] =	vst v8  }
0x410: {  	v8 =	vld.idx.msk [tilespmem:v55+s15+$0x0], $0xffff  }
0x411: {  	v56 =	vld.idx.msk [tilespmem:v55+s17+$0x0], $0xffff  }
0x412: {  	v57 =	vld.idx.msk [tilespmem:v1+s15+$0x0], $0xffff  }
0x413: {  	v58 =	vld.idx.msk [tilespmem:v1+s17+$0x0], $0xffff  }
0x414: {  	v59 =	vld.idx.msk [tilespmem:v55+s19+$0x0], $0xffff  }
0x415: {  	v60 =	vld.idx.msk [tilespmem:v1+s19+$0x0], $0xffff  }
0x416: {  	v10 =	vld.idx.msk [tilespmem:v55+s21+$0x0], $0xffff  }
0x417: {  	v1 =	vld.idx.msk [tilespmem:v1+s21+$0x0], $0xffff;
	v8 =	vmul.f32 v8, v3;
	v9 =	vmul.f32 v56, v4  }
0x418: {  	v3 =	vmul.f32 v57, v3;
	v4 =	vmul.f32 v58, v4  }
0x419: {  	v61 =	vmul.f32 v59, v2  }
0x41a: {  	v2 =	vmul.f32 v60, v2;
	v8 =	vadd.f32 v9, v8;
	v3 =	vadd.f32 v4, v3  }
0x41b: {  	v63 =	vmul.f32 v10, v6  }
0x41c: {  	v1 =	vmul.f32 v1, v6;
	v62 =	vadd.f32 v61, v8;
	v2 =	vadd.f32 v2, v3;
	_ =	sdelay $0x1  }
0x41d: {  	v3 =	vadd.f32 v63, v62;
	v1 =	vadd.f32 v1, v2  }
0x41e: {  	p0 =	sne.s32 s16, $0x1F0  }
.Ltmp3:
0x41f: {  	v2 =	vmul.f32 v3, v7;
	v1 =	vmul.f32 v1, v5;
	(pc) =	sbr.rel @p0 .LBB2_9-.Ltmp3, $4  }
0x420: {  	_ = 	snop  }
0x421: {  	v1 =	vadd.f32 v1, v2  }
0x422: {  	s12 =	sadd.s32 $0x10, s12;
	s14 =	sadd.s32 $0x10, s14  }
0x423: {  	s3 =	sadd.s32 $0x10, s3;
	s16 =	sadd.s32 $0x10, s16;
	[tilespmem:s11+$0x600] =	vst v1;
	s11 =	sadd.s32 $0x10, s11  }
0x424: {  	s2 =	sadd.s32 s7, s2  }
0x425: {  	[hbm4b:s2+s4] =	stream.linear.scatter [tilespmem:s26], [sflag:$0x2], $0x200, $0x38;
	[tilespmem:$0x9E00] =	vst v63  }
0x426: {  	s3 =	sadd.s32 $0x1F000, s2  }
0x427: {  	[hbm4b:s3+s4] =	stream.linear.scatter [tilespmem:s28], [sflag:$0x2], $0x200, $0x38;
	[tilespmem:$0x9E00] =	vst v63  }
0x428: {  	s16 =	sadd.s32 $0x3E000, s2  }
0x429: {  	[hbm4b:s16+s4] =	stream.linear.scatter [tilespmem:s29], [sflag:$0x2], $0x200, $0x38;
	[tilespmem:$0x9E00] =	vst v63  }
0x42a: {  	s11 =	sadd.s32 $0x5D000, s2  }
0x42b: {  	[hbm4b:s11+s4] =	stream.linear.scatter [tilespmem:s30], [sflag:$0x2], $0x200, $0x38;
	[tilespmem:$0x9E00] =	vst v63  }
0x42c: {  	s1 =	sadd.s32 $0x1, s1;
	s12 =	sadd.s32 $0x7C000, s2  }
0x42d: {  	[hbm4b:s12+s4] =	stream.linear.scatter [tilespmem:s31], [sflag:$0x2], $0x200, $0x38;
	[tilespmem:$0x9E00] =	vst v63  }
0x42e: {  	s14 =	sadd.s32 $0x9B000, s2;
	p0 =	sne.s32 s1, $0x3E  }
0x42f: {  	[hbm4b:s14+s4] =	stream.linear.scatter [tilespmem:s0], [sflag:$0x2], $0x200, $0x38;
	[tilespmem:$0x9E00] =	vst v63  }
.Ltmp4:
0x430: {  	_ = 	snop;
	(pc) =	sbr.rel @p0 .LBB2_2-.Ltmp4, $4  }
0x431: {  	s16 =	sadd.s32 $0xBA000, s2  }
0x432: {  	[hbm4b:s16+s4] =	stream.linear.scatter [tilespmem:s5], [sflag:$0x2], $0x200, $0x38;
	[tilespmem:$0x9E00] =	vst v63  }
0x433: {  	s2 =	sadd.s32 $0xD9000, s2  }
0x434: {  	[hbm4b:s2+s4] =	stream.linear.scatter [tilespmem:s9], [sflag:$0x2], $0x200, $0x38;
	[tilespmem:$0x9E00] =	vst v63  }
0x435: {  	s2 =	simm.s32 $0x2  }
0x436: {  	_ =	swait.ge [sflag:s2], $0x200  }
0x437: {  	[sflag:s2] =	ssyncset.done $0x0  }
0x438: {  	[sflag:s2] =	ssyncadd.s32 $0xFFFFFE00  }
0x439: {  	_ =	swait.ge [sflag:s2], $0x200  }
0x43a: {  	[sflag:s2] =	ssyncset.done $0x0  }
0x43b: {  	[sflag:s2] =	ssyncadd.s32 $0xFFFFFE00  }
0x43c: {  	_ =	swait.ge [sflag:s2], $0x200  }
0x43d: {  	[sflag:s2] =	ssyncset.done $0x0  }
0x43e: {  	[sflag:s2] =	ssyncadd.s32 $0xFFFFFE00  }
0x43f: {  	_ =	swait.ge [sflag:s2], $0x200  }
0x440: {  	[sflag:s2] =	ssyncset.done $0x0  }
0x441: {  	[sflag:s2] =	ssyncadd.s32 $0xFFFFFE00  }
0x442: {  	_ =	swait.ge [sflag:s2], $0x200  }
0x443: {  	[sflag:s2] =	ssyncset.done $0x0  }
0x444: {  	[sflag:s2] =	ssyncadd.s32 $0xFFFFFE00  }
0x445: {  	_ =	swait.ge [sflag:s2], $0x200  }
0x446: {  	[sflag:s2] =	ssyncset.done $0x0  }
0x447: {  	[sflag:s2] =	ssyncadd.s32 $0xFFFFFE00  }
0x448: {  	_ =	swait.ge [sflag:s2], $0x200  }
0x449: {  	[sflag:s2] =	ssyncset.done $0x0  }
0x44a: {  	[sflag:s2] =	ssyncadd.s32 $0xFFFFFE00  }
0x44b: {  	_ =	swait.ge [sflag:s2], $0x200  }
0x44c: {  	s3 =	rddreg [dreg:$0x6]  }
0x44d: {  	s1 =	rddreg [dreg:$0x5];
	s3 =	sadd.s32 $0x1, s3  }
0x44e: {  	p0 =	sne.s32 s3, s1  }
.Ltmp5:
0x44f: {  	_ = 	snop;
	(pc) =	sbr.rel @p0 .LBB2_1-.Ltmp5, $3  }
0x450: {  	_ =	sdelay $0x1  }
0x451: {  	[sflag:s2] =	ssyncset.done $0x0  }
0x452: {  	[sflag:s2] =	ssyncadd.s32 $0xFFFFFE00  }
0x453: {  	_ =	sfence.sel $0x180000  }
0x454: {  	[bflag:$0x0] =	sbarrier.arrive $0xFFFF  }
0x455: {  	_ =	strace $0x90000047  }
0x456: {  	s0 =	stileid.u32;
	[bflag:$0x2] =	sbarrier.arrive $0xFFFF  }
0x457: {  	p0 =	sne.s32 s0, $0x0;
	s0 =	rddreg [dreg:$0x4]  }
0x458: {  	s0 =	sadd.s32 @!p0 $0x100000, s0  }
0x459: {  	[sflag:s0] =	ssyncadd.tile.s32 @!p0 $0x1;
	_ =	shalt  }
.Lfunc_end2:
_tile_overlayer_lowered:
.L_overlay_start_2:
0x45a: {  	(tag) =	ssettag $0x2  }
0x45b: {  	s0 =	rddreg [dreg:$0x0];
	s2 =	stileid.u32  }
0x45c: {  	s1 =	rddreg [dreg:$0x1];
	p0 =	sne.s32 s2, $0x0  }
0x45d: {  	s3 =	rddreg [dreg:$0x2];
	[bflag:$0x3] =	sbarrier.arrive $0xFFFF;
	s2 =	simm.s32 @!p0 $0x1C03  }
0x45e: {  	[timem:s3], [sflag:s2] =	dma.local @!p0 [hbm:s0], s1  }
0x45f: {  	s0 =	simm.s32 @!p0 $0x3  }
0x460: {  	_ =	swait.ge @!p0 [sflag:s0], s1  }
0x461: {  	s1 =	ssub.s32 @!p0 $0x0, s1;
	[sflag:s0] =	ssyncset.done @!p0 $0x0  }
0x462: {  	[sflag:s0] =	ssyncadd.s32 @!p0 s1  }
0x463: {  	[bflag:$0x3] =	sbarrier.arrive $0xFFFF  }
0x464: {  	_ =	shalt  }

</sc_bundles>
